<compile_context>
chip_gen: v7x
topology: tpu7x:2x2x1
jax: 0.10.2.dev20260603
libtpu: 0.0.44.dev20260713+nightly
codegen_flags: <defaults>
</compile_context>

<pallas_src>
import dataclasses
import functools

import jax
import jax.numpy as jnp
from jax import lax
from jax.experimental import pallas as pl
from jax.experimental.pallas import tpu as pltpu
from jax.experimental.pallas import tpu_sc as plsc

H = 20
TP = 4
K = 8
NUM_NODES = 100000
B = 512
D = 16
EPS = 0.05
C = H * K + 1

NC = 2
NS = 16
NW = NC * NS

G = B + 2 * B * D
G_PER_W = G // NW
G_CHUNK = 48
G_NCH = G_PER_W // G_CHUNK

LOC_ROWS = NUM_NODES * TP // 128
DEG_PAD = 100096
DEG_ROWS = DEG_PAD // 128

LANES = TP * B


def _worker_id():
    return lax.axis_index("s") * NC + lax.axis_index("c")


def _sc_gather_body(locp_hbm, degp_hbm, idx_hbm, locf_hbm, degf_hbm,
                    idx_v, lrow_v, drow_v, lrows_v, drows_v,
                    locf_v, degf_v, sem0, sem1):
    i32 = jnp.int32
    lane = lax.iota(i32, 16)
    base = _worker_id() * G_PER_W
    for j in range(G_NCH):
        off = base + j * G_CHUNK
        pltpu.sync_copy(idx_hbm.at[pl.ds(off, G_CHUNK)], idx_v)
        for i in range(G_CHUNK // 16):
            v = idx_v[pl.ds(i * 16, 16)]
            lrow_v[pl.ds(i * 16, 16)] = lax.shift_right_logical(v, i32(5))
            drow_v[pl.ds(i * 16, 16)] = lax.shift_right_logical(v, i32(7))
        cp0 = pltpu.async_copy(locp_hbm.at[lrow_v], lrows_v, sem0)
        cp1 = pltpu.async_copy(degp_hbm.at[drow_v], drows_v, sem1)
        cp0.wait()
        cp1.wait()
        for i in range(G_CHUNK * TP // 16):
            npos = i32(i * 4) + lax.shift_right_logical(lane, i32(2))
            nv = plsc.load_gather(idx_v, [npos])
            col = lax.shift_left(nv & i32(31), i32(2)) | (lane & i32(3))
            locf_v[pl.ds(i * 16, 16)] = plsc.load_gather(lrows_v, [npos, col])
        for i in range(G_CHUNK // 16):
            jpos = i32(i * 16) + lane
            nv = plsc.load_gather(idx_v, [jpos])
            degf_v[pl.ds(i * 16, 16)] = plsc.load_gather(
                drows_v, [jpos, nv & i32(127)])
        pltpu.sync_copy(locf_v, locf_hbm.at[pl.ds(off * TP, G_CHUNK * TP)])
        pltpu.sync_copy(degf_v, degf_hbm.at[pl.ds(off, G_CHUNK)])


def _sc_gather(loc_pack, deg_pack, all_ind):
    mesh = plsc.VectorSubcoreMesh(core_axis_name="c", subcore_axis_name="s")
    cp = pltpu.CompilerParams()
    if "needs_layout_passes" in pltpu.CompilerParams.__dataclass_fields__:
        cp = dataclasses.replace(cp, needs_layout_passes=False)
    fn = functools.partial(
        pl.kernel,
        compiler_params=cp,
        out_type=[
            jax.ShapeDtypeStruct((G * TP,), jnp.int32),
            jax.ShapeDtypeStruct((G,), jnp.float32),
        ],
        mesh=mesh,
        scratch_types=[
            pltpu.VMEM((G_CHUNK,), jnp.int32),
            pltpu.VMEM((G_CHUNK,), jnp.int32),
            pltpu.VMEM((G_CHUNK,), jnp.int32),
            pltpu.VMEM((G_CHUNK, 128), jnp.int32),
            pltpu.VMEM((G_CHUNK, 128), jnp.float32),
            pltpu.VMEM((G_CHUNK * TP,), jnp.int32),
            pltpu.VMEM((G_CHUNK,), jnp.float32),
            pltpu.SemaphoreType.DMA,
            pltpu.SemaphoreType.DMA,
        ],
    )(_sc_gather_body)
    return fn(loc_pack, deg_pack, all_ind)


LANE_PAD = 100096
LANE_CH = LANE_PAD // 128


def _tc_scatter_body(tab_ref, idx_ref, sel_ref, out_ref):
    i32 = jnp.int32
    out_ref[...] = tab_ref[...]
    lmask_iota = lax.broadcasted_iota(i32, (TP, 1, 128), 2)
    srow = lax.broadcasted_iota(i32, (TP, 1, 128), 0)

    def upd(u, carry):
        s = idx_ref[u]
        cidx = lax.shift_right_logical(s, i32(7))
        l = s & i32(127)
        row = out_ref[:, pl.ds(cidx, 1), :]
        val = jnp.where(srow == i32(0), sel_ref[u, i32(0)],
              jnp.where(srow == i32(1), sel_ref[u, i32(1)],
              jnp.where(srow == i32(2), sel_ref[u, i32(2)],
                        sel_ref[u, i32(3)])))
        out_ref[:, pl.ds(cidx, 1), :] = jnp.where(lmask_iota == l, val, row)
        return carry

    lax.fori_loop(i32(0), i32(B), upd, i32(0))


def _tc_scatter(loc_t, sta32, sel32):
    return pl.pallas_call(
        _tc_scatter_body,
        out_shape=jax.ShapeDtypeStruct((TP, LANE_CH, 128), jnp.int32),
        in_specs=[
            pl.BlockSpec(memory_space=pltpu.VMEM),
            pl.BlockSpec(memory_space=pltpu.SMEM),
            pl.BlockSpec(memory_space=pltpu.SMEM),
        ],
        out_specs=pl.BlockSpec(memory_space=pltpu.VMEM),
    )(loc_t, sta32, sel32)


def _bitlen(x):
    f = x.astype(jnp.float32)
    e = lax.shift_right_logical(lax.bitcast_convert_type(f, jnp.int32),
                                jnp.int32(23))
    return jnp.maximum(e - jnp.int32(126), jnp.int32(0))


def _tp_sum_bcast(x):
    s = x[:, 0:B] + x[:, B:2 * B] + x[:, 2 * B:3 * B] + x[:, 3 * B:4 * B]
    return jnp.concatenate([s, s, s, s], axis=1)


def _tc_body(sta_ref, pos_ref, neg_ref, dsta_ref, dpos_ref, dneg_ref, rand_ref,
             sel_ref, loss_ref):
    f32 = jnp.float32
    sta = sta_ref[...]
    pos = pos_ref[...]
    neg = neg_ref[...]

    xsp = lax.bitwise_xor(pos, sta)
    xsn = lax.bitwise_xor(neg, sta)
    dsp = _bitlen(xsp)
    dsn = _bitlen(xsn)
    base_p = _tp_sum_bcast(dsp) - dsp
    base_n = _tp_sum_bcast(dsn) - dsn

    inv_lp = 1.0 / jnp.log((dsta_ref[...] + 1.0) * (dpos_ref[...] + 1.0))
    inv_ln = 1.0 / jnp.log((dsta_ref[...] + 1.0) * (dneg_ref[...] + 1.0))
    inv_lg = f32(1.0 / D)

    def step(c, carry):
        bt, bp, bn, bc = carry
        cc = jnp.minimum(c, jnp.int32(C - 2))
        h = cc // jnp.int32(K)
        bit = lax.shift_left(jnp.int32(1), h)
        msk = bit - jnp.int32(1)
        r = rand_ref[cc]
        e = lax.bitwise_xor(lax.bitwise_and(r, msk), bit)
        e = jnp.where(c == jnp.int32(C - 1), jnp.int32(0), e)
        dp = (_bitlen(lax.bitwise_xor(xsp, e)) + base_p).astype(f32) * f32(0.25)
        dn = (_bitlen(lax.bitwise_xor(xsn, e)) + base_n).astype(f32) * f32(0.25)
        ap2 = (dp + f32(EPS)) * inv_lp
        ap2 = ap2 * ap2
        an2 = (dn + f32(EPS)) * inv_ln
        an2 = an2 * an2
        pterm = jnp.log(1.0 + ap2)
        nterm = jnp.log(1.0 + an2) - jnp.log(f32(EPS) + f32(1.0 + EPS) * an2)
        pls = jnp.sum(pterm, axis=0, keepdims=True) * inv_lg
        nls = jnp.sum(nterm, axis=0, keepdims=True) * inv_lg
        tot = pls + nls
        cnc = lax.bitwise_xor(sta, e)
        upd = tot < bt
        return (jnp.where(upd, tot, bt), jnp.where(upd, pls, bp),
                jnp.where(upd, nls, bn), jnp.where(upd, cnc, bc))

    zero = jnp.zeros((1, LANES), f32)
    init = (jnp.full((1, LANES), 1e30, f32), zero, zero,
            jnp.zeros((1, LANES), jnp.int32))
    bt, bp, bn, bc = lax.fori_loop(jnp.int32(0), jnp.int32(C), step, init)
    sel_ref[...] = bc
    loss_ref[0] = jnp.mean(bt)
    loss_ref[1] = jnp.mean(bp)
    loss_ref[2] = jnp.mean(bn)


def _tc_dense(sta_t, pos_t, neg_t, dsta_t, dpos_t, dneg_t, rand_t):
    return pl.pallas_call(
        _tc_body,
        out_shape=[
            jax.ShapeDtypeStruct((1, LANES), jnp.int32),
            jax.ShapeDtypeStruct((3,), jnp.float32),
        ],
        out_specs=[
            pl.BlockSpec(memory_space=pltpu.VMEM),
            pl.BlockSpec(memory_space=pltpu.SMEM),
        ],
    )(sta_t, pos_t, neg_t, dsta_t, dpos_t, dneg_t, rand_t)


def kernel(degree, sta_ind, pos_ind, neg_ind, rand_bits, locations):
    i32 = jnp.int32
    sta32 = sta_ind.astype(i32)
    all_ind = jnp.concatenate([
        sta32, pos_ind.reshape(-1).astype(i32), neg_ind.reshape(-1).astype(i32)
    ])
    loc32 = locations.astype(i32)
    loc_pack = loc32.reshape(LOC_ROWS, 128)
    deg_pack = jnp.pad(degree, (0, DEG_PAD - NUM_NODES)).reshape(DEG_ROWS, 128)

    locf, degf = _sc_gather(loc_pack, deg_pack, all_ind)
    locg32 = locf.reshape(G, TP)
    deg_g = degf.reshape(G, 1)

    sta_t = locg32[:B].T.reshape(1, LANES)
    pos_t = locg32[B:B + B * D].reshape(B, D, TP).transpose(1, 2, 0).reshape(D, LANES)
    neg_t = locg32[B + B * D:].reshape(B, D, TP).transpose(1, 2, 0).reshape(D, LANES)
    dsta_t = jnp.tile(deg_g[:B, 0][None, :], (1, TP))
    dpos_t = jnp.tile(deg_g[B:B + B * D, 0].reshape(B, D).T, (1, TP))
    dneg_t = jnp.tile(deg_g[B + B * D:, 0].reshape(B, D).T, (1, TP))
    rand_t = rand_bits.astype(i32).transpose(1, 2, 3, 0).reshape(H * K, 1, LANES)

    sel, losses = _tc_dense(sta_t, pos_t, neg_t, dsta_t, dpos_t, dneg_t, rand_t)

    sel32 = sel.reshape(TP, B).T
    loc_t = jnp.pad(loc32.T, ((0, 0), (0, LANE_PAD - NUM_NODES)))
    new_t = _tc_scatter(loc_t.reshape(TP, LANE_CH, 128), sta32, sel32)
    new_locations = (new_t.reshape(TP, LANE_PAD)[:, :NUM_NODES].T
                     .astype(locations.dtype))
    return losses, new_locations

# --- scband reference (transcript-rebuilt; emitter-appended) ---
"""Pipeline reference for scband-criti-graph-66391604462091 (READ-ONLY COPY).

The authoritative reference and input builder live on the scoring server;
editing this copy changes nothing except your own understanding.
"""

import jax, jax.numpy as jnp
import numpy as np

jax.config.update("jax_enable_x64", True)

H = 20
TP = 4
K = 8  # int(c*h) with c=0.4, h=20
N = 2 ** H
NUM_NODES = 100000
B = 512
D = 16
EPS = 0.05
GAMMA = 2.0
ALPHA = 1.0
POS_RATIO = 1.0
C = H * K + 1

# distance lookup table: 0 if xor==0 else floor(log2(xor)) + 1
_xr = np.arange(N, dtype=np.int64)
_TABLE = jnp.asarray(np.where(_xr == 0, 0, np.floor(np.log2(np.maximum(_xr, 1).astype(np.float64))) + 1).astype(np.int32))


def setup_inputs(seed: int = 0) -> dict:
    key = jax.random.key(seed)
    ks = jax.random.split(key, 6)
    sta_ind = jax.random.randint(ks[0], (B,), 0, NUM_NODES, dtype=jnp.int64)
    pos_ind = jax.random.randint(ks[1], (B, D), 0, NUM_NODES, dtype=jnp.int64)
    neg_ind = jax.random.randint(ks[2], (B, D), 0, NUM_NODES, dtype=jnp.int64)
    rand_bits = jax.random.randint(ks[3], (B, H, K, TP), 0, N, dtype=jnp.int64)
    locations = jax.random.randint(ks[4], (NUM_NODES, TP), 0, N, dtype=jnp.int64)
    degree = jax.random.uniform(ks[5], (NUM_NODES,), dtype=jnp.float32, minval=1.0, maxval=64.0)
    return {"degree": degree, "sta_ind": sta_ind, "pos_ind": pos_ind, "neg_ind": neg_ind,
            "rand_bits": rand_bits, "locations": locations}


def _dist(a, b):
    return _TABLE[jnp.bitwise_xor(a, b)]


def _p(degree, dis, ig1, ig2):
    deg1 = degree[ig1]  # [B,1]
    deg2 = degree[ig2]  # [B,D]
    ap = (deg1 + 1.0) * (deg2 + 1.0)  # [B,D]
    aa = (dis + EPS) / jnp.log(ap)[:, :, None, None]
    return 1.0 / (1.0 + aa ** GAMMA / ALPHA)


def _loom(degree, sta_ind, pos_ind, neg_ind, rand_bits, locations):
    sta_loc = locations[sta_ind]  # [B,TP] gather
    mask = pos_ind >= 0  # [B,D]
    lg = jnp.sum(mask, axis=1).astype(jnp.float32)  # [B]

    pos_loc = jnp.where(mask[:, :, None], locations[jnp.clip(pos_ind, 0, NUM_NODES - 1)], 0)  # [B,D,TP]
    neg_loc = jnp.where(mask[:, :, None], locations[jnp.clip(neg_ind, 0, NUM_NODES - 1)], 0)  # [B,D,TP]

    # connection(): flip each of h bits, then xor with k random low-bit masks per level
    flip_masks = (jnp.int64(1) << jnp.arange(H, dtype=jnp.int64))  # [H]
    flipped = sta_loc[:, None, :] ^ flip_masks[None, :, None]  # [B,H,TP]
    upper = jnp.int64(2) ** jnp.arange(H, dtype=jnp.int64)  # [H]
    masks = rand_bits % upper[None, :, None, None]  # [B,H,K,TP]
    result = (flipped[:, :, None, :] ^ masks).reshape(B, H * K, TP)
    cnc_loc = jnp.concatenate([result, sta_loc[:, None, :]], axis=1)  # [B,C,TP]

    mask1 = mask[:, :, None]
    mask2 = mask[:, :, None, None]

    dis_sta_pos = jnp.where(mask1, _dist(sta_loc[:, None, :], pos_loc), -1)  # [B,D,TP]
    dis_sta_posum = jnp.sum(dis_sta_pos, axis=-1)  # [B,D]
    dis_sta_neg = jnp.where(mask1, _dist(sta_loc[:, None, :], neg_loc), -1)
    dis_sta_negum = jnp.sum(dis_sta_neg, axis=-1)

    dis_pos_cnc = jnp.where(mask2, _dist(cnc_loc[:, None, :, :], pos_loc[:, :, None, :]), -1)  # [B,D,C,TP]
    dis_neg_cnc = jnp.where(mask2, _dist(cnc_loc[:, None, :, :], neg_loc[:, :, None, :]), -1)

    dis_new_pos = jnp.where(mask2, (dis_pos_cnc - dis_sta_pos[:, :, None, :] + dis_sta_posum[:, :, None, None]).astype(jnp.float32) / TP, 0.0)
    dis_new_neg = jnp.where(mask2, (dis_neg_cnc - dis_sta_neg[:, :, None, :] + dis_sta_negum[:, :, None, None]).astype(jnp.float32) / TP, 1000.0)

    pos_loss = -jnp.sum(jnp.log(_p(degree, dis_new_pos, sta_ind[:, None], pos_ind)), axis=1) / lg[:, None, None]  # [B,C,TP]
    neg_loss = -jnp.sum(jnp.log(1.0 + EPS - _p(degree, dis_new_neg, sta_ind[:, None], neg_ind)), axis=1) / lg[:, None, None]
    total_loss = POS_RATIO * pos_loss + neg_loss  # [B,C,TP]

    index = jnp.argmin(total_loss, axis=1)  # [B,TP]
    sel_loc = jnp.take_along_axis(cnc_loc, index[:, None, :], axis=1)[:, 0, :]  # [B,TP]
    new_locations = locations.at[sta_ind].set(sel_loc)  # scatter-overwrite into memory table

    tl = jnp.mean(jnp.take_along_axis(total_loss, index[:, None, :], axis=1))
    pl = jnp.mean(jnp.take_along_axis(pos_loss, index[:, None, :], axis=1))
    nl = jnp.mean(jnp.take_along_axis(neg_loss, index[:, None, :], axis=1))
    losses = jnp.stack([tl, pl, nl])
    return losses, new_locations


def reference(degree, sta_ind, pos_ind, neg_ind, rand_bits, locations):
    return _loom(degree, sta_ind, pos_ind, neg_ind, rand_bits, locations)

if __name__ == "__main__":
    import jax
    _d = setup_inputs()
    print(jax.jit(kernel)(*tuple(_d.values())))

</pallas_src>

<mosaic_0001>
#map = affine_map<(d0, d1) -> (0, 0)>
#map1 = affine_map<(d0, d1) -> (0)>
module attributes {stable_mosaic.version = 14 : i64} {
  func.func @_sc_gather_body(%arg0: i32, %arg1: i32, %arg2: memref<3125x128xi32, #tpu.memory_space<hbm>>, %arg3: memref<782x128xf32, #tpu.memory_space<hbm>>, %arg4: memref<16896xi32, #tpu.memory_space<hbm>>, %arg5: memref<67584xi32, #tpu.memory_space<hbm>>, %arg6: memref<16896xf32, #tpu.memory_space<hbm>>, %arg7: memref<48xi32, #tpu.memory_space<vmem>>, %arg8: memref<48xi32, #tpu.memory_space<vmem>>, %arg9: memref<48xi32, #tpu.memory_space<vmem>>, %arg10: memref<48x128xi32, #tpu.memory_space<vmem>>, %arg11: memref<48x128xf32, #tpu.memory_space<vmem>>, %arg12: memref<192xi32, #tpu.memory_space<vmem>>, %arg13: memref<48xf32, #tpu.memory_space<vmem>>, %arg14: memref<!tpu.dma_semaphore, #tpu.memory_space<semaphore_mem>>, %arg15: memref<!tpu.dma_semaphore, #tpu.memory_space<semaphore_mem>>) attributes {dimension_semantics = [#tpu.dimension_semantics<core_parallel>, #tpu.dimension_semantics<subcore_parallel>], iteration_bounds = array<i64: 2, 16>, scalar_prefetch = 0 : i64, scratch_operands = 9 : i64, tpu.core_type = #tpu.core_type<sc_vector_subcore>, window_params = [{transform_indices = #map}, {transform_indices = #map}, {transform_indices = #map1}, {transform_indices = #map1}, {transform_indices = #map1}]} {
    %iota3A = tpu.iota {dimensions = array<i32: 0>} : vector<16xi32>
    %mul3A = arith.constant 2 : i32
    %mul3A_0 = arith.muli %arg1, %mul3A : i32
    %add3A = arith.addi %mul3A_0, %arg0 : i32
    %mul3A_1 = arith.constant 528 : i32
    %mul3A_2 = arith.muli %add3A, %mul3A_1 : i32
    %add3A_3 = arith.constant 0 : i32
    %add3A_4 = arith.addi %mul3A_2, %add3A_3 : i32
    "tpu.region"() ({
      %run_scoped3A = tpu.sem_alloc : memref<!tpu.dma_semaphore, #tpu.memory_space<semaphore_mem>>
      %dma_start3A_3536 = tpu.memref_slice %arg4[%add3A_4] : memref<16896xi32, #tpu.memory_space<hbm>> -> memref<48xi32, #tpu.memory_space<hbm>>
      %dma_start3A_3537 = tpu.memref_slice %arg4[%add3A_4] : memref<16896xi32, #tpu.memory_space<hbm>> -> memref<48xi32, #tpu.memory_space<hbm>>
      tpu.enqueue_dma source(%dma_start3A_3537 : memref<48xi32, #tpu.memory_space<hbm>>) target(%arg7 : memref<48xi32, #tpu.memory_space<vmem>>) target_semaphore(%run_scoped3A : memref<!tpu.dma_semaphore, #tpu.memory_space<semaphore_mem>>)
      %dma_wait3A_3538 = tpu.memref_slice %arg4[%add3A_4] : memref<16896xi32, #tpu.memory_space<hbm>> -> memref<48xi32, #tpu.memory_space<hbm>>
      %dma_wait3A_3539 = tpu.memref_slice %arg4[%add3A_4] : memref<16896xi32, #tpu.memory_space<hbm>> -> memref<48xi32, #tpu.memory_space<hbm>>
      tpu.wait_dma2 semaphore(%run_scoped3A : memref<!tpu.dma_semaphore, #tpu.memory_space<semaphore_mem>>) src(%dma_wait3A_3539 : memref<48xi32, #tpu.memory_space<hbm>>) dst(%arg7 : memref<48xi32, #tpu.memory_space<vmem>>)
      tpu.yield
    }) : () -> ()
    %get3A = arith.constant 0 : index
    %get3A_5 = tpu.vector_load %arg7[%get3A] {strides = array<i32>} : memref<48xi32, #tpu.memory_space<vmem>>, vector<16xi32>,
    %shift_right_logical3A = arith.constant 5 : i32
    %shift_right_logical3A_6 = vector.broadcast %shift_right_logical3A : i32 to vector<16xi32>
    %shift_right_logical3A_7 = arith.shrui %get3A_5, %shift_right_logical3A_6 : vector<16xi32>
    %swap3A = arith.constant 0 : index
    %swap3A_8 = tpu.vector_load %arg8[%swap3A] {strides = array<i32>} : memref<48xi32, #tpu.memory_space<vmem>>, vector<16xi32>,
    tpu.vector_store %arg8[%swap3A], %shift_right_logical3A_7 {strides = array<i32>} : memref<48xi32, #tpu.memory_space<vmem>>, vector<16xi32>,
    %shift_right_logical3A_9 = arith.constant 7 : i32
    %shift_right_logical3A_10 = vector.broadcast %shift_right_logical3A_9 : i32 to vector<16xi32>
    %shift_right_logical3A_11 = arith.shrui %get3A_5, %shift_right_logical3A_10 : vector<16xi32>
    %swap3A_12 = arith.constant 0 : index
    %swap3A_13 = tpu.vector_load %arg9[%swap3A_12] {strides = array<i32>} : memref<48xi32, #tpu.memory_space<vmem>>, vector<16xi32>,
    tpu.vector_store %arg9[%swap3A_12], %shift_right_logical3A_11 {strides = array<i32>} : memref<48xi32, #tpu.memory_space<vmem>>, vector<16xi32>,
    %get3A_14 = arith.constant 16 : index
    %get3A_15 = tpu.vector_load %arg7[%get3A_14] {strides = array<i32>} : memref<48xi32, #tpu.memory_space<vmem>>, vector<16xi32>,
    %shift_right_logical3A_16 = arith.constant 5 : i32
    %shift_right_logical3A_17 = vector.broadcast %shift_right_logical3A_16 : i32 to vector<16xi32>
    %shift_right_logical3A_18 = arith.shrui %get3A_15, %shift_right_logical3A_17 : vector<16xi32>
    %swap3A_19 = arith.constant 16 : index
    %swap3A_20 = tpu.vector_load %arg8[%swap3A_19] {strides = array<i32>} : memref<48xi32, #tpu.memory_space<vmem>>, vector<16xi32>,
    tpu.vector_store %arg8[%swap3A_19], %shift_right_logical3A_18 {strides = array<i32>} : memref<48xi32, #tpu.memory_space<vmem>>, vector<16xi32>,
    %shift_right_logical3A_21 = arith.constant 7 : i32
    %shift_right_logical3A_22 = vector.broadcast %shift_right_logical3A_21 : i32 to vector<16xi32>
    %shift_right_logical3A_23 = arith.shrui %get3A_15, %shift_right_logical3A_22 : vector<16xi32>
    %swap3A_24 = arith.constant 16 : index
    %swap3A_25 = tpu.vector_load %arg9[%swap3A_24] {strides = array<i32>} : memref<48xi32, #tpu.memory_space<vmem>>, vector<16xi32>,
    tpu.vector_store %arg9[%swap3A_24], %shift_right_logical3A_23 {strides = array<i32>} : memref<48xi32, #tpu.memory_space<vmem>>, vector<16xi32>,
    %get3A_26 = arith.constant 32 : index
    %get3A_27 = tpu.vector_load %arg7[%get3A_26] {strides = array<i32>} : memref<48xi32, #tpu.memory_space<vmem>>, vector<16xi32>,
    %shift_right_logical3A_28 = arith.constant 5 : i32
    %shift_right_logical3A_29 = vector.broadcast %shift_right_logical3A_28 : i32 to vector<16xi32>
    %shift_right_logical3A_30 = arith.shrui %get3A_27, %shift_right_logical3A_29 : vector<16xi32>
    %swap3A_31 = arith.constant 32 : index
    %swap3A_32 = tpu.vector_load %arg8[%swap3A_31] {strides = array<i32>} : memref<48xi32, #tpu.memory_space<vmem>>, vector<16xi32>,
    tpu.vector_store %arg8[%swap3A_31], %shift_right_logical3A_30 {strides = array<i32>} : memref<48xi32, #tpu.memory_space<vmem>>, vector<16xi32>,
    %shift_right_logical3A_33 = arith.constant 7 : i32
    %shift_right_logical3A_34 = vector.broadcast %shift_right_logical3A_33 : i32 to vector<16xi32>
    %shift_right_logical3A_35 = arith.shrui %get3A_27, %shift_right_logical3A_34 : vector<16xi32>
    %swap3A_36 = arith.constant 32 : index
    %swap3A_37 = tpu.vector_load %arg9[%swap3A_36] {strides = array<i32>} : memref<48xi32, #tpu.memory_space<vmem>>, vector<16xi32>,
    tpu.vector_store %arg9[%swap3A_36], %shift_right_logical3A_35 {strides = array<i32>} : memref<48xi32, #tpu.memory_space<vmem>>, vector<16xi32>,
    %dma_start3A = arith.constant 0 : i32
    %dma_start3A_38 = arith.constant 0 : i32
    %dma_start3A_39 = tpu.memref_slice %arg2[%dma_start3A, %dma_start3A_38] : memref<3125x128xi32, #tpu.memory_space<hbm>> -> memref<3125x128xi32, #tpu.memory_space<hbm>>
    tpu.enqueue_indirect_dma source(%dma_start3A_39 : memref<3125x128xi32, #tpu.memory_space<hbm>>) target(%arg10 : memref<48x128xi32, #tpu.memory_space<vmem>>) offsets(%arg8 : memref<48xi32, #tpu.memory_space<vmem>>) semaphore(%arg14 : memref<!tpu.dma_semaphore, #tpu.memory_space<semaphore_mem>>)
    %dma_start3A_40 = arith.constant 0 : i32
    %dma_start3A_41 = arith.constant 0 : i32
    %dma_start3A_42 = tpu.memref_slice %arg3[%dma_start3A_40, %dma_start3A_41] : memref<782x128xf32, #tpu.memory_space<hbm>> -> memref<782x128xf32, #tpu.memory_space<hbm>>
    tpu.enqueue_indirect_dma source(%dma_start3A_42 : memref<782x128xf32, #tpu.memory_space<hbm>>) target(%arg11 : memref<48x128xf32, #tpu.memory_space<vmem>>) offsets(%arg9 : memref<48xi32, #tpu.memory_space<vmem>>) semaphore(%arg15 : memref<!tpu.dma_semaphore, #tpu.memory_space<semaphore_mem>>)
    %dma_wait3A = arith.constant 0 : i32
    %dma_wait3A_43 = arith.constant 0 : i32
    %dma_wait3A_44 = tpu.memref_slice %arg2[%dma_wait3A, %dma_wait3A_43] : memref<3125x128xi32, #tpu.memory_space<hbm>> -> memref<3125x128xi32, #tpu.memory_space<hbm>>
    tpu.wait_indirect_dma semaphore(%arg14 : memref<!tpu.dma_semaphore, #tpu.memory_space<semaphore_mem>>) src(%dma_wait3A_44 : memref<3125x128xi32, #tpu.memory_space<hbm>>) dst(%arg10 : memref<48x128xi32, #tpu.memory_space<vmem>>)
    %dma_wait3A_45 = arith.constant 0 : i32
    %dma_wait3A_46 = arith.constant 0 : i32
    %dma_wait3A_47 = tpu.memref_slice %arg3[%dma_wait3A_45, %dma_wait3A_46] : memref<782x128xf32, #tpu.memory_space<hbm>> -> memref<782x128xf32, #tpu.memory_space<hbm>>
    tpu.wait_indirect_dma semaphore(%arg15 : memref<!tpu.dma_semaphore, #tpu.memory_space<semaphore_mem>>) src(%dma_wait3A_47 : memref<782x128xf32, #tpu.memory_space<hbm>>) dst(%arg11 : memref<48x128xf32, #tpu.memory_space<vmem>>)
    %shift_right_logical3A_48 = arith.constant 2 : i32
    %shift_right_logical3A_49 = vector.broadcast %shift_right_logical3A_48 : i32 to vector<16xi32>
    %shift_right_logical3A_50 = arith.shrui %iota3A, %shift_right_logical3A_49 : vector<16xi32>
    %add3A_51 = arith.constant 0 : i32
    %add3A_52 = vector.broadcast %add3A_51 : i32 to vector<16xi32>
    %add3A_53 = arith.addi %add3A_52, %shift_right_logical3A_50 : vector<16xi32>
    %gather3A = tpu.vector_load_idx %arg7[%add3A_53] : memref<48xi32, #tpu.memory_space<vmem>>[vector<16xi32>], vector<16xi32>,
    %and3A = arith.constant 31 : i32
    %and3A_54 = vector.broadcast %and3A : i32 to vector<16xi32>
    %and3A_55 = arith.andi %gather3A, %and3A_54 : vector<16xi32>
    %shift_left3A = arith.constant 2 : i32
    %shift_left3A_56 = vector.broadcast %shift_left3A : i32 to vector<16xi32>
    %shift_left3A_57 = arith.shli %and3A_55, %shift_left3A_56 : vector<16xi32>
    %and3A_58 = arith.constant 3 : i32
    %and3A_59 = vector.broadcast %and3A_58 : i32 to vector<16xi32>
    %and3A_60 = arith.andi %iota3A, %and3A_59 : vector<16xi32>
    %or3A = arith.ori %shift_left3A_57, %and3A_60 : vector<16xi32>
    %gather3A_61 = tpu.vector_load_idx %arg10[%add3A_53, %or3A] : memref<48x128xi32, #tpu.memory_space<vmem>>[vector<16xi32>, vector<16xi32>], vector<16xi32>,
    %swap3A_62 = arith.constant 0 : index
    %swap3A_63 = tpu.vector_load %arg12[%swap3A_62] {strides = array<i32>} : memref<192xi32, #tpu.memory_space<vmem>>, vector<16xi32>,
    tpu.vector_store %arg12[%swap3A_62], %gather3A_61 {strides = array<i32>} : memref<192xi32, #tpu.memory_space<vmem>>, vector<16xi32>,
    %shift_right_logical3A_64 = arith.constant 2 : i32
    %shift_right_logical3A_65 = vector.broadcast %shift_right_logical3A_64 : i32 to vector<16xi32>
    %shift_right_logical3A_66 = arith.shrui %iota3A, %shift_right_logical3A_65 : vector<16xi32>
    %add3A_67 = arith.constant 4 : i32
    %add3A_68 = vector.broadcast %add3A_67 : i32 to vector<16xi32>
    %add3A_69 = arith.addi %add3A_68, %shift_right_logical3A_66 : vector<16xi32>
    %gather3A_70 = tpu.vector_load_idx %arg7[%add3A_69] : memref<48xi32, #tpu.memory_space<vmem>>[vector<16xi32>], vector<16xi32>,
    %and3A_71 = arith.constant 31 : i32
    %and3A_72 = vector.broadcast %and3A_71 : i32 to vector<16xi32>
    %and3A_73 = arith.andi %gather3A_70, %and3A_72 : vector<16xi32>
    %shift_left3A_74 = arith.constant 2 : i32
    %shift_left3A_75 = vector.broadcast %shift_left3A_74 : i32 to vector<16xi32>
    %shift_left3A_76 = arith.shli %and3A_73, %shift_left3A_75 : vector<16xi32>
    %and3A_77 = arith.constant 3 : i32
    %and3A_78 = vector.broadcast %and3A_77 : i32 to vector<16xi32>
    %and3A_79 = arith.andi %iota3A, %and3A_78 : vector<16xi32>
    %or3A_80 = arith.ori %shift_left3A_76, %and3A_79 : vector<16xi32>
    %gather3A_81 = tpu.vector_load_idx %arg10[%add3A_69, %or3A_80] : memref<48x128xi32, #tpu.memory_space<vmem>>[vector<16xi32>, vector<16xi32>], vector<16xi32>,
    %swap3A_82 = arith.constant 16 : index
    %swap3A_83 = tpu.vector_load %arg12[%swap3A_82] {strides = array<i32>} : memref<192xi32, #tpu.memory_space<vmem>>, vector<16xi32>,
    tpu.vector_store %arg12[%swap3A_82], %gather3A_81 {strides = array<i32>} : memref<192xi32, #tpu.memory_space<vmem>>, vector<16xi32>,
    %shift_right_logical3A_84 = arith.constant 2 : i32
    %shift_right_logical3A_85 = vector.broadcast %shift_right_logical3A_84 : i32 to vector<16xi32>
    %shift_right_logical3A_86 = arith.shrui %iota3A, %shift_right_logical3A_85 : vector<16xi32>
    %add3A_87 = arith.constant 8 : i32
    %add3A_88 = vector.broadcast %add3A_87 : i32 to vector<16xi32>
    %add3A_89 = arith.addi %add3A_88, %shift_right_logical3A_86 : vector<16xi32>
    %gather3A_90 = tpu.vector_load_idx %arg7[%add3A_89] : memref<48xi32, #tpu.memory_space<vmem>>[vector<16xi32>], vector<16xi32>,
    %and3A_91 = arith.constant 31 : i32
    %and3A_92 = vector.broadcast %and3A_91 : i32 to vector<16xi32>
    %and3A_93 = arith.andi %gather3A_90, %and3A_92 : vector<16xi32>
    %shift_left3A_94 = arith.constant 2 : i32
    %shift_left3A_95 = vector.broadcast %shift_left3A_94 : i32 to vector<16xi32>
    %shift_left3A_96 = arith.shli %and3A_93, %shift_left3A_95 : vector<16xi32>
    %and3A_97 = arith.constant 3 : i32
    %and3A_98 = vector.broadcast %and3A_97 : i32 to vector<16xi32>
    %and3A_99 = arith.andi %iota3A, %and3A_98 : vector<16xi32>
    %or3A_100 = arith.ori %shift_left3A_96, %and3A_99 : vector<16xi32>
    %gather3A_101 = tpu.vector_load_idx %arg10[%add3A_89, %or3A_100] : memref<48x128xi32, #tpu.memory_space<vmem>>[vector<16xi32>, vector<16xi32>], vector<16xi32>,
    %swap3A_102 = arith.constant 32 : index
    %swap3A_103 = tpu.vector_load %arg12[%swap3A_102] {strides = array<i32>} : memref<192xi32, #tpu.memory_space<vmem>>, vector<16xi32>,
    tpu.vector_store %arg12[%swap3A_102], %gather3A_101 {strides = array<i32>} : memref<192xi32, #tpu.memory_space<vmem>>, vector<16xi32>,
    %shift_right_logical3A_104 = arith.constant 2 : i32
    %shift_right_logical3A_105 = vector.broadcast %shift_right_logical3A_104 : i32 to vector<16xi32>
    %shift_right_logical3A_106 = arith.shrui %iota3A, %shift_right_logical3A_105 : vector<16xi32>
    %add3A_107 = arith.constant 12 : i32
    %add3A_108 = vector.broadcast %add3A_107 : i32 to vector<16xi32>
    %add3A_109 = arith.addi %add3A_108, %shift_right_logical3A_106 : vector<16xi32>
    %gather3A_110 = tpu.vector_load_idx %arg7[%add3A_109] : memref<48xi32, #tpu.memory_space<vmem>>[vector<16xi32>], vector<16xi32>,
    %and3A_111 = arith.constant 31 : i32
    %and3A_112 = vector.broadcast %and3A_111 : i32 to vector<16xi32>
    %and3A_113 = arith.andi %gather3A_110, %and3A_112 : vector<16xi32>
    %shift_left3A_114 = arith.constant 2 : i32
    %shift_left3A_115 = vector.broadcast %shift_left3A_114 : i32 to vector<16xi32>
    %shift_left3A_116 = arith.shli %and3A_113, %shift_left3A_115 : vector<16xi32>
    %and3A_117 = arith.constant 3 : i32
    %and3A_118 = vector.broadcast %and3A_117 : i32 to vector<16xi32>
    %and3A_119 = arith.andi %iota3A, %and3A_118 : vector<16xi32>
    %or3A_120 = arith.ori %shift_left3A_116, %and3A_119 : vector<16xi32>
    %gather3A_121 = tpu.vector_load_idx %arg10[%add3A_109, %or3A_120] : memref<48x128xi32, #tpu.memory_space<vmem>>[vector<16xi32>, vector<16xi32>], vector<16xi32>,
    %swap3A_122 = arith.constant 48 : index
    %swap3A_123 = tpu.vector_load %arg12[%swap3A_122] {strides = array<i32>} : memref<192xi32, #tpu.memory_space<vmem>>, vector<16xi32>,
    tpu.vector_store %arg12[%swap3A_122], %gather3A_121 {strides = array<i32>} : memref<192xi32, #tpu.memory_space<vmem>>, vector<16xi32>,
    %shift_right_logical3A_124 = arith.constant 2 : i32
    %shift_right_logical3A_125 = vector.broadcast %shift_right_logical3A_124 : i32 to vector<16xi32>
    %shift_right_logical3A_126 = arith.shrui %iota3A, %shift_right_logical3A_125 : vector<16xi32>
    %add3A_127 = arith.constant 16 : i32
    %add3A_128 = vector.broadcast %add3A_127 : i32 to vector<16xi32>
    %add3A_129 = arith.addi %add3A_128, %shift_right_logical3A_126 : vector<16xi32>
    %gather3A_130 = tpu.vector_load_idx %arg7[%add3A_129] : memref<48xi32, #tpu.memory_space<vmem>>[vector<16xi32>], vector<16xi32>,
    %and3A_131 = arith.constant 31 : i32
    %and3A_132 = vector.broadcast %and3A_131 : i32 to vector<16xi32>
    %and3A_133 = arith.andi %gather3A_130, %and3A_132 : vector<16xi32>
    %shift_left3A_134 = arith.constant 2 : i32
    %shift_left3A_135 = vector.broadcast %shift_left3A_134 : i32 to vector<16xi32>
    %shift_left3A_136 = arith.shli %and3A_133, %shift_left3A_135 : vector<16xi32>
    %and3A_137 = arith.constant 3 : i32
    %and3A_138 = vector.broadcast %and3A_137 : i32 to vector<16xi32>
    %and3A_139 = arith.andi %iota3A, %and3A_138 : vector<16xi32>
    %or3A_140 = arith.ori %shift_left3A_136, %and3A_139 : vector<16xi32>
    %gather3A_141 = tpu.vector_load_idx %arg10[%add3A_129, %or3A_140] : memref<48x128xi32, #tpu.memory_space<vmem>>[vector<16xi32>, vector<16xi32>], vector<16xi32>,
    %swap3A_142 = arith.constant 64 : index
    %swap3A_143 = tpu.vector_load %arg12[%swap3A_142] {strides = array<i32>} : memref<192xi32, #tpu.memory_space<vmem>>, vector<16xi32>,
    tpu.vector_store %arg12[%swap3A_142], %gather3A_141 {strides = array<i32>} : memref<192xi32, #tpu.memory_space<vmem>>, vector<16xi32>,
    %shift_right_logical3A_144 = arith.constant 2 : i32
    %shift_right_logical3A_145 = vector.broadcast %shift_right_logical3A_144 : i32 to vector<16xi32>
    %shift_right_logical3A_146 = arith.shrui %iota3A, %shift_right_logical3A_145 : vector<16xi32>
    %add3A_147 = arith.constant 20 : i32
    %add3A_148 = vector.broadcast %add3A_147 : i32 to vector<16xi32>
    %add3A_149 = arith.addi %add3A_148, %shift_right_logical3A_146 : vector<16xi32>
    %gather3A_150 = tpu.vector_load_idx %arg7[%add3A_149] : memref<48xi32, #tpu.memory_space<vmem>>[vector<16xi32>], vector<16xi32>,
    %and3A_151 = arith.constant 31 : i32
    %and3A_152 = vector.broadcast %and3A_151 : i32 to vector<16xi32>
    %and3A_153 = arith.andi %gather3A_150, %and3A_152 : vector<16xi32>
    %shift_left3A_154 = arith.constant 2 : i32
    %shift_left3A_155 = vector.broadcast %shift_left3A_154 : i32 to vector<16xi32>
    %shift_left3A_156 = arith.shli %and3A_153, %shift_left3A_155 : vector<16xi32>
    %and3A_157 = arith.constant 3 : i32
    %and3A_158 = vector.broadcast %and3A_157 : i32 to vector<16xi32>
    %and3A_159 = arith.andi %iota3A, %and3A_158 : vector<16xi32>
    %or3A_160 = arith.ori %shift_left3A_156, %and3A_159 : vector<16xi32>
    %gather3A_161 = tpu.vector_load_idx %arg10[%add3A_149, %or3A_160] : memref<48x128xi32, #tpu.memory_space<vmem>>[vector<16xi32>, vector<16xi32>], vector<16xi32>,
    %swap3A_162 = arith.constant 80 : index
    %swap3A_163 = tpu.vector_load %arg12[%swap3A_162] {strides = array<i32>} : memref<192xi32, #tpu.memory_space<vmem>>, vector<16xi32>,
    tpu.vector_store %arg12[%swap3A_162], %gather3A_161 {strides = array<i32>} : memref<192xi32, #tpu.memory_space<vmem>>, vector<16xi32>,
    %shift_right_logical3A_164 = arith.constant 2 : i32
    %shift_right_logical3A_165 = vector.broadcast %shift_right_logical3A_164 : i32 to vector<16xi32>
    %shift_right_logical3A_166 = arith.shrui %iota3A, %shift_right_logical3A_165 : vector<16xi32>
    %add3A_167 = arith.constant 24 : i32
    %add3A_168 = vector.broadcast %add3A_167 : i32 to vector<16xi32>
    %add3A_169 = arith.addi %add3A_168, %shift_right_logical3A_166 : vector<16xi32>
    %gather3A_170 = tpu.vector_load_idx %arg7[%add3A_169] : memref<48xi32, #tpu.memory_space<vmem>>[vector<16xi32>], vector<16xi32>,
    %and3A_171 = arith.constant 31 : i32
    %and3A_172 = vector.broadcast %and3A_171 : i32 to vector<16xi32>
    %and3A_173 = arith.andi %gather3A_170, %and3A_172 : vector<16xi32>
    %shift_left3A_174 = arith.constant 2 : i32
    %shift_left3A_175 = vector.broadcast %shift_left3A_174 : i32 to vector<16xi32>
    %shift_left3A_176 = arith.shli %and3A_173, %shift_left3A_175 : vector<16xi32>
    %and3A_177 = arith.constant 3 : i32
    %and3A_178 = vector.broadcast %and3A_177 : i32 to vector<16xi32>
    %and3A_179 = arith.andi %iota3A, %and3A_178 : vector<16xi32>
    %or3A_180 = arith.ori %shift_left3A_176, %and3A_179 : vector<16xi32>
    %gather3A_181 = tpu.vector_load_idx %arg10[%add3A_169, %or3A_180] : memref<48x128xi32, #tpu.memory_space<vmem>>[vector<16xi32>, vector<16xi32>], vector<16xi32>,
    %swap3A_182 = arith.constant 96 : index
    %swap3A_183 = tpu.vector_load %arg12[%swap3A_182] {strides = array<i32>} : memref<192xi32, #tpu.memory_space<vmem>>, vector<16xi32>,
    tpu.vector_store %arg12[%swap3A_182], %gather3A_181 {strides = array<i32>} : memref<192xi32, #tpu.memory_space<vmem>>, vector<16xi32>,
    %shift_right_logical3A_184 = arith.constant 2 : i32
    %shift_right_logical3A_185 = vector.broadcast %shift_right_logical3A_184 : i32 to vector<16xi32>
    %shift_right_logical3A_186 = arith.shrui %iota3A, %shift_right_logical3A_185 : vector<16xi32>
    %add3A_187 = arith.constant 28 : i32
    %add3A_188 = vector.broadcast %add3A_187 : i32 to vector<16xi32>
    %add3A_189 = arith.addi %add3A_188, %shift_right_logical3A_186 : vector<16xi32>
    %gather3A_190 = tpu.vector_load_idx %arg7[%add3A_189] : memref<48xi32, #tpu.memory_space<vmem>>[vector<16xi32>], vector<16xi32>,
    %and3A_191 = arith.constant 31 : i32
    %and3A_192 = vector.broadcast %and3A_191 : i32 to vector<16xi32>
    %and3A_193 = arith.andi %gather3A_190, %and3A_192 : vector<16xi32>
    %shift_left3A_194 = arith.constant 2 : i32
    %shift_left3A_195 = vector.broadcast %shift_left3A_194 : i32 to vector<16xi32>
    %shift_left3A_196 = arith.shli %and3A_193, %shift_left3A_195 : vector<16xi32>
    %and3A_197 = arith.constant 3 : i32
    %and3A_198 = vector.broadcast %and3A_197 : i32 to vector<16xi32>
    %and3A_199 = arith.andi %iota3A, %and3A_198 : vector<16xi32>
    %or3A_200 = arith.ori %shift_left3A_196, %and3A_199 : vector<16xi32>
    %gather3A_201 = tpu.vector_load_idx %arg10[%add3A_189, %or3A_200] : memref<48x128xi32, #tpu.memory_space<vmem>>[vector<16xi32>, vector<16xi32>], vector<16xi32>,
    %swap3A_202 = arith.constant 112 : index
    %swap3A_203 = tpu.vector_load %arg12[%swap3A_202] {strides = array<i32>} : memref<192xi32, #tpu.memory_space<vmem>>, vector<16xi32>,
    tpu.vector_store %arg12[%swap3A_202], %gather3A_201 {strides = array<i32>} : memref<192xi32, #tpu.memory_space<vmem>>, vector<16xi32>,
    %shift_right_logical3A_204 = arith.constant 2 : i32
    %shift_right_logical3A_205 = vector.broadcast %shift_right_logical3A_204 : i32 to vector<16xi32>
    %shift_right_logical3A_206 = arith.shrui %iota3A, %shift_right_logical3A_205 : vector<16xi32>
    %add3A_207 = arith.constant 32 : i32
    %add3A_208 = vector.broadcast %add3A_207 : i32 to vector<16xi32>
    %add3A_209 = arith.addi %add3A_208, %shift_right_logical3A_206 : vector<16xi32>
    %gather3A_210 = tpu.vector_load_idx %arg7[%add3A_209] : memref<48xi32, #tpu.memory_space<vmem>>[vector<16xi32>], vector<16xi32>,
    %and3A_211 = arith.constant 31 : i32
    %and3A_212 = vector.broadcast %and3A_211 : i32 to vector<16xi32>
    %and3A_213 = arith.andi %gather3A_210, %and3A_212 : vector<16xi32>
    %shift_left3A_214 = arith.constant 2 : i32
    %shift_left3A_215 = vector.broadcast %shift_left3A_214 : i32 to vector<16xi32>
    %shift_left3A_216 = arith.shli %and3A_213, %shift_left3A_215 : vector<16xi32>
    %and3A_217 = arith.constant 3 : i32
    %and3A_218 = vector.broadcast %and3A_217 : i32 to vector<16xi32>
    %and3A_219 = arith.andi %iota3A, %and3A_218 : vector<16xi32>
    %or3A_220 = arith.ori %shift_left3A_216, %and3A_219 : vector<16xi32>
    %gather3A_221 = tpu.vector_load_idx %arg10[%add3A_209, %or3A_220] : memref<48x128xi32, #tpu.memory_space<vmem>>[vector<16xi32>, vector<16xi32>], vector<16xi32>,
    %swap3A_222 = arith.constant 128 : index
    %swap3A_223 = tpu.vector_load %arg12[%swap3A_222] {strides = array<i32>} : memref<192xi32, #tpu.memory_space<vmem>>, vector<16xi32>,
    tpu.vector_store %arg12[%swap3A_222], %gather3A_221 {strides = array<i32>} : memref<192xi32, #tpu.memory_space<vmem>>, vector<16xi32>,
    %shift_right_logical3A_224 = arith.constant 2 : i32
    %shift_right_logical3A_225 = vector.broadcast %shift_right_logical3A_224 : i32 to vector<16xi32>
    %shift_right_logical3A_226 = arith.shrui %iota3A, %shift_right_logical3A_225 : vector<16xi32>
    %add3A_227 = arith.constant 36 : i32
    %add3A_228 = vector.broadcast %add3A_227 : i32 to vector<16xi32>
    %add3A_229 = arith.addi %add3A_228, %shift_right_logical3A_226 : vector<16xi32>
    %gather3A_230 = tpu.vector_load_idx %arg7[%add3A_229] : memref<48xi32, #tpu.memory_space<vmem>>[vector<16xi32>], vector<16xi32>,
    %and3A_231 = arith.constant 31 : i32
    %and3A_232 = vector.broadcast %and3A_231 : i32 to vector<16xi32>
    %and3A_233 = arith.andi %gather3A_230, %and3A_232 : vector<16xi32>
    %shift_left3A_234 = arith.constant 2 : i32
    %shift_left3A_235 = vector.broadcast %shift_left3A_234 : i32 to vector<16xi32>
    %shift_left3A_236 = arith.shli %and3A_233, %shift_left3A_235 : vector<16xi32>
    %and3A_237 = arith.constant 3 : i32
    %and3A_238 = vector.broadcast %and3A_237 : i32 to vector<16xi32>
    %and3A_239 = arith.andi %iota3A, %and3A_238 : vector<16xi32>
    %or3A_240 = arith.ori %shift_left3A_236, %and3A_239 : vector<16xi32>
    %gather3A_241 = tpu.vector_load_idx %arg10[%add3A_229, %or3A_240] : memref<48x128xi32, #tpu.memory_space<vmem>>[vector<16xi32>, vector<16xi32>], vector<16xi32>,
    %swap3A_242 = arith.constant 144 : index
    %swap3A_243 = tpu.vector_load %arg12[%swap3A_242] {strides = array<i32>} : memref<192xi32, #tpu.memory_space<vmem>>, vector<16xi32>,
    tpu.vector_store %arg12[%swap3A_242], %gather3A_241 {strides = array<i32>} : memref<192xi32, #tpu.memory_space<vmem>>, vector<16xi32>,
    %shift_right_logical3A_244 = arith.constant 2 : i32
    %shift_right_logical3A_245 = vector.broadcast %shift_right_logical3A_244 : i32 to vector<16xi32>
    %shift_right_logical3A_246 = arith.shrui %iota3A, %shift_right_logical3A_245 : vector<16xi32>
    %add3A_247 = arith.constant 40 : i32
    %add3A_248 = vector.broadcast %add3A_247 : i32 to vector<16xi32>
    %add3A_249 = arith.addi %add3A_248, %shift_right_logical3A_246 : vector<16xi32>
    %gather3A_250 = tpu.vector_load_idx %arg7[%add3A_249] : memref<48xi32, #tpu.memory_space<vmem>>[vector<16xi32>], vector<16xi32>,
    %and3A_251 = arith.constant 31 : i32
    %and3A_252 = vector.broadcast %and3A_251 : i32 to vector<16xi32>
    %and3A_253 = arith.andi %gather3A_250, %and3A_252 : vector<16xi32>
    %shift_left3A_254 = arith.constant 2 : i32
    %shift_left3A_255 = vector.broadcast %shift_left3A_254 : i32 to vector<16xi32>
    %shift_left3A_256 = arith.shli %and3A_253, %shift_left3A_255 : vector<16xi32>
    %and3A_257 = arith.constant 3 : i32
    %and3A_258 = vector.broadcast %and3A_257 : i32 to vector<16xi32>
    %and3A_259 = arith.andi %iota3A, %and3A_258 : vector<16xi32>
    %or3A_260 = arith.ori %shift_left3A_256, %and3A_259 : vector<16xi32>
    %gather3A_261 = tpu.vector_load_idx %arg10[%add3A_249, %or3A_260] : memref<48x128xi32, #tpu.memory_space<vmem>>[vector<16xi32>, vector<16xi32>], vector<16xi32>,
    %swap3A_262 = arith.constant 160 : index
    %swap3A_263 = tpu.vector_load %arg12[%swap3A_262] {strides = array<i32>} : memref<192xi32, #tpu.memory_space<vmem>>, vector<16xi32>,
    tpu.vector_store %arg12[%swap3A_262], %gather3A_261 {strides = array<i32>} : memref<192xi32, #tpu.memory_space<vmem>>, vector<16xi32>,
    %shift_right_logical3A_264 = arith.constant 2 : i32
    %shift_right_logical3A_265 = vector.broadcast %shift_right_logical3A_264 : i32 to vector<16xi32>
    %shift_right_logical3A_266 = arith.shrui %iota3A, %shift_right_logical3A_265 : vector<16xi32>
    %add3A_267 = arith.constant 44 : i32
    %add3A_268 = vector.broadcast %add3A_267 : i32 to vector<16xi32>
    %add3A_269 = arith.addi %add3A_268, %shift_right_logical3A_266 : vector<16xi32>
    %gather3A_270 = tpu.vector_load_idx %arg7[%add3A_269] : memref<48xi32, #tpu.memory_space<vmem>>[vector<16xi32>], vector<16xi32>,
    %and3A_271 = arith.constant 31 : i32
    %and3A_272 = vector.broadcast %and3A_271 : i32 to vector<16xi32>
    %and3A_273 = arith.andi %gather3A_270, %and3A_272 : vector<16xi32>
    %shift_left3A_274 = arith.constant 2 : i32
    %shift_left3A_275 = vector.broadcast %shift_left3A_274 : i32 to vector<16xi32>
    %shift_left3A_276 = arith.shli %and3A_273, %shift_left3A_275 : vector<16xi32>
    %and3A_277 = arith.constant 3 : i32
    %and3A_278 = vector.broadcast %and3A_277 : i32 to vector<16xi32>
    %and3A_279 = arith.andi %iota3A, %and3A_278 : vector<16xi32>
    %or3A_280 = arith.ori %shift_left3A_276, %and3A_279 : vector<16xi32>
    %gather3A_281 = tpu.vector_load_idx %arg10[%add3A_269, %or3A_280] : memref<48x128xi32, #tpu.memory_space<vmem>>[vector<16xi32>, vector<16xi32>], vector<16xi32>,
    %swap3A_282 = arith.constant 176 : index
    %swap3A_283 = tpu.vector_load %arg12[%swap3A_282] {strides = array<i32>} : memref<192xi32, #tpu.memory_space<vmem>>, vector<16xi32>,
    tpu.vector_store %arg12[%swap3A_282], %gather3A_281 {strides = array<i32>} : memref<192xi32, #tpu.memory_space<vmem>>, vector<16xi32>,
    %add3A_284 = arith.constant 0 : i32
    %add3A_285 = vector.broadcast %add3A_284 : i32 to vector<16xi32>
    %add3A_286 = arith.addi %add3A_285, %iota3A : vector<16xi32>
    %gather3A_287 = tpu.vector_load_idx %arg7[%add3A_286] : memref<48xi32, #tpu.memory_space<vmem>>[vector<16xi32>], vector<16xi32>,
    %and3A_288 = arith.constant 127 : i32
    %and3A_289 = vector.broadcast %and3A_288 : i32 to vector<16xi32>
    %and3A_290 = arith.andi %gather3A_287, %and3A_289 : vector<16xi32>
    %gather3A_291 = tpu.vector_load_idx %arg11[%add3A_286, %and3A_290] : memref<48x128xf32, #tpu.memory_space<vmem>>[vector<16xi32>, vector<16xi32>], vector<16xf32>,
    %swap3A_292 = arith.constant 0 : index
    %swap3A_293 = tpu.vector_load %arg13[%swap3A_292] {strides = array<i32>} : memref<48xf32, #tpu.memory_space<vmem>>, vector<16xf32>,
    tpu.vector_store %arg13[%swap3A_292], %gather3A_291 {strides = array<i32>} : memref<48xf32, #tpu.memory_space<vmem>>, vector<16xf32>,
    %add3A_294 = arith.constant 16 : i32
    %add3A_295 = vector.broadcast %add3A_294 : i32 to vector<16xi32>
    %add3A_296 = arith.addi %add3A_295, %iota3A : vector<16xi32>
    %gather3A_297 = tpu.vector_load_idx %arg7[%add3A_296] : memref<48xi32, #tpu.memory_space<vmem>>[vector<16xi32>], vector<16xi32>,
    %and3A_298 = arith.constant 127 : i32
    %and3A_299 = vector.broadcast %and3A_298 : i32 to vector<16xi32>
    %and3A_300 = arith.andi %gather3A_297, %and3A_299 : vector<16xi32>
    %gather3A_301 = tpu.vector_load_idx %arg11[%add3A_296, %and3A_300] : memref<48x128xf32, #tpu.memory_space<vmem>>[vector<16xi32>, vector<16xi32>], vector<16xf32>,
    %swap3A_302 = arith.constant 16 : index
    %swap3A_303 = tpu.vector_load %arg13[%swap3A_302] {strides = array<i32>} : memref<48xf32, #tpu.memory_space<vmem>>, vector<16xf32>,
    tpu.vector_store %arg13[%swap3A_302], %gather3A_301 {strides = array<i32>} : memref<48xf32, #tpu.memory_space<vmem>>, vector<16xf32>,
    %add3A_304 = arith.constant 32 : i32
    %add3A_305 = vector.broadcast %add3A_304 : i32 to vector<16xi32>
    %add3A_306 = arith.addi %add3A_305, %iota3A : vector<16xi32>
    %gather3A_307 = tpu.vector_load_idx %arg7[%add3A_306] : memref<48xi32, #tpu.memory_space<vmem>>[vector<16xi32>], vector<16xi32>,
    %and3A_308 = arith.constant 127 : i32
    %and3A_309 = vector.broadcast %and3A_308 : i32 to vector<16xi32>
    %and3A_310 = arith.andi %gather3A_307, %and3A_309 : vector<16xi32>
    %gather3A_311 = tpu.vector_load_idx %arg11[%add3A_306, %and3A_310] : memref<48x128xf32, #tpu.memory_space<vmem>>[vector<16xi32>, vector<16xi32>], vector<16xf32>,
    %swap3A_312 = arith.constant 32 : index
    %swap3A_313 = tpu.vector_load %arg13[%swap3A_312] {strides = array<i32>} : memref<48xf32, #tpu.memory_space<vmem>>, vector<16xf32>,
    tpu.vector_store %arg13[%swap3A_312], %gather3A_311 {strides = array<i32>} : memref<48xf32, #tpu.memory_space<vmem>>, vector<16xf32>,
    %mul3A_314 = arith.constant 4 : i32
    %mul3A_315 = arith.muli %add3A_4, %mul3A_314 : i32
    "tpu.region"() ({
      %run_scoped3A = tpu.sem_alloc : memref<!tpu.dma_semaphore, #tpu.memory_space<semaphore_mem>>
      %dma_start3A_3536 = tpu.memref_slice %arg5[%mul3A_315] : memref<67584xi32, #tpu.memory_space<hbm>> -> memref<192xi32, #tpu.memory_space<hbm>>
      %dma_start3A_3537 = tpu.memref_slice %arg5[%mul3A_315] : memref<67584xi32, #tpu.memory_space<hbm>> -> memref<192xi32, #tpu.memory_space<hbm>>
      tpu.enqueue_dma source(%arg12 : memref<192xi32, #tpu.memory_space<vmem>>) target(%dma_start3A_3537 : memref<192xi32, #tpu.memory_space<hbm>>) target_semaphore(%run_scoped3A : memref<!tpu.dma_semaphore, #tpu.memory_space<semaphore_mem>>)
      %dma_wait3A_3538 = tpu.memref_slice %arg5[%mul3A_315] : memref<67584xi32, #tpu.memory_space<hbm>> -> memref<192xi32, #tpu.memory_space<hbm>>
      %dma_wait3A_3539 = tpu.memref_slice %arg5[%mul3A_315] : memref<67584xi32, #tpu.memory_space<hbm>> -> memref<192xi32, #tpu.memory_space<hbm>>
      tpu.wait_dma2 semaphore(%run_scoped3A : memref<!tpu.dma_semaphore, #tpu.memory_space<semaphore_mem>>) src(%arg12 : memref<192xi32, #tpu.memory_space<vmem>>) dst(%dma_wait3A_3539 : memref<192xi32, #tpu.memory_space<hbm>>)
      tpu.yield
    }) : () -> ()
    "tpu.region"() ({
      %run_scoped3A = tpu.sem_alloc : memref<!tpu.dma_semaphore, #tpu.memory_space<semaphore_mem>>
      %dma_start3A_3536 = tpu.memref_slice %arg6[%add3A_4] : memref<16896xf32, #tpu.memory_space<hbm>> -> memref<48xf32, #tpu.memory_space<hbm>>
      %dma_start3A_3537 = tpu.memref_slice %arg6[%add3A_4] : memref<16896xf32, #tpu.memory_space<hbm>> -> memref<48xf32, #tpu.memory_space<hbm>>
      tpu.enqueue_dma source(%arg13 : memref<48xf32, #tpu.memory_space<vmem>>) target(%dma_start3A_3537 : memref<48xf32, #tpu.memory_space<hbm>>) target_semaphore(%run_scoped3A : memref<!tpu.dma_semaphore, #tpu.memory_space<semaphore_mem>>)
      %dma_wait3A_3538 = tpu.memref_slice %arg6[%add3A_4] : memref<16896xf32, #tpu.memory_space<hbm>> -> memref<48xf32, #tpu.memory_space<hbm>>
      %dma_wait3A_3539 = tpu.memref_slice %arg6[%add3A_4] : memref<16896xf32, #tpu.memory_space<hbm>> -> memref<48xf32, #tpu.memory_space<hbm>>
      tpu.wait_dma2 semaphore(%run_scoped3A : memref<!tpu.dma_semaphore, #tpu.memory_space<semaphore_mem>>) src(%arg13 : memref<48xf32, #tpu.memory_space<vmem>>) dst(%dma_wait3A_3539 : memref<48xf32, #tpu.memory_space<hbm>>)
      tpu.yield
    }) : () -> ()
    %add3A_316 = arith.constant 48 : i32
    %add3A_317 = arith.addi %mul3A_2, %add3A_316 : i32
    "tpu.region"() ({
      %run_scoped3A = tpu.sem_alloc : memref<!tpu.dma_semaphore, #tpu.memory_space<semaphore_mem>>
      %dma_start3A_3536 = tpu.memref_slice %arg4[%add3A_317] : memref<16896xi32, #tpu.memory_space<hbm>> -> memref<48xi32, #tpu.memory_space<hbm>>
      %dma_start3A_3537 = tpu.memref_slice %arg4[%add3A_317] : memref<16896xi32, #tpu.memory_space<hbm>> -> memref<48xi32, #tpu.memory_space<hbm>>
      tpu.enqueue_dma source(%dma_start3A_3537 : memref<48xi32, #tpu.memory_space<hbm>>) target(%arg7 : memref<48xi32, #tpu.memory_space<vmem>>) target_semaphore(%run_scoped3A : memref<!tpu.dma_semaphore, #tpu.memory_space<semaphore_mem>>)
      %dma_wait3A_3538 = tpu.memref_slice %arg4[%add3A_317] : memref<16896xi32, #tpu.memory_space<hbm>> -> memref<48xi32, #tpu.memory_space<hbm>>
      %dma_wait3A_3539 = tpu.memref_slice %arg4[%add3A_317] : memref<16896xi32, #tpu.memory_space<hbm>> -> memref<48xi32, #tpu.memory_space<hbm>>
      tpu.wait_dma2 semaphore(%run_scoped3A : memref<!tpu.dma_semaphore, #tpu.memory_space<semaphore_mem>>) src(%dma_wait3A_3539 : memref<48xi32, #tpu.memory_space<hbm>>) dst(%arg7 : memref<48xi32, #tpu.memory_space<vmem>>)
      tpu.yield
    }) : () -> ()
    %get3A_318 = arith.constant 0 : index
    %get3A_319 = tpu.vector_load %arg7[%get3A_318] {strides = array<i32>} : memref<48xi32, #tpu.memory_space<vmem>>, vector<16xi32>,
    %shift_right_logical3A_320 = arith.constant 5 : i32
    %shift_right_logical3A_321 = vector.broadcast %shift_right_logical3A_320 : i32 to vector<16xi32>
    %shift_right_logical3A_322 = arith.shrui %get3A_319, %shift_right_logical3A_321 : vector<16xi32>
    %swap3A_323 = arith.constant 0 : index
    %swap3A_324 = tpu.vector_load %arg8[%swap3A_323] {strides = array<i32>} : memref<48xi32, #tpu.memory_space<vmem>>, vector<16xi32>,
    tpu.vector_store %arg8[%swap3A_323], %shift_right_logical3A_322 {strides = array<i32>} : memref<48xi32, #tpu.memory_space<vmem>>, vector<16xi32>,
    %shift_right_logical3A_325 = arith.constant 7 : i32
    %shift_right_logical3A_326 = vector.broadcast %shift_right_logical3A_325 : i32 to vector<16xi32>
    %shift_right_logical3A_327 = arith.shrui %get3A_319, %shift_right_logical3A_326 : vector<16xi32>
    %swap3A_328 = arith.constant 0 : index
    %swap3A_329 = tpu.vector_load %arg9[%swap3A_328] {strides = array<i32>} : memref<48xi32, #tpu.memory_space<vmem>>, vector<16xi32>,
    tpu.vector_store %arg9[%swap3A_328], %shift_right_logical3A_327 {strides = array<i32>} : memref<48xi32, #tpu.memory_space<vmem>>, vector<16xi32>,
    %get3A_330 = arith.constant 16 : index
    %get3A_331 = tpu.vector_load %arg7[%get3A_330] {strides = array<i32>} : memref<48xi32, #tpu.memory_space<vmem>>, vector<16xi32>,
    %shift_right_logical3A_332 = arith.constant 5 : i32
    %shift_right_logical3A_333 = vector.broadcast %shift_right_logical3A_332 : i32 to vector<16xi32>
    %shift_right_logical3A_334 = arith.shrui %get3A_331, %shift_right_logical3A_333 : vector<16xi32>
    %swap3A_335 = arith.constant 16 : index
    %swap3A_336 = tpu.vector_load %arg8[%swap3A_335] {strides = array<i32>} : memref<48xi32, #tpu.memory_space<vmem>>, vector<16xi32>,
    tpu.vector_store %arg8[%swap3A_335], %shift_right_logical3A_334 {strides = array<i32>} : memref<48xi32, #tpu.memory_space<vmem>>, vector<16xi32>,
    %shift_right_logical3A_337 = arith.constant 7 : i32
    %shift_right_logical3A_338 = vector.broadcast %shift_right_logical3A_337 : i32 to vector<16xi32>
    %shift_right_logical3A_339 = arith.shrui %get3A_331, %shift_right_logical3A_338 : vector<16xi32>
    %swap3A_340 = arith.constant 16 : index
    %swap3A_341 = tpu.vector_load %arg9[%swap3A_340] {strides = array<i32>} : memref<48xi32, #tpu.memory_space<vmem>>, vector<16xi32>,
    tpu.vector_store %arg9[%swap3A_340], %shift_right_logical3A_339 {strides = array<i32>} : memref<48xi32, #tpu.memory_space<vmem>>, vector<16xi32>,
    %get3A_342 = arith.constant 32 : index
    %get3A_343 = tpu.vector_load %arg7[%get3A_342] {strides = array<i32>} : memref<48xi32, #tpu.memory_space<vmem>>, vector<16xi32>,
    %shift_right_logical3A_344 = arith.constant 5 : i32
    %shift_right_logical3A_345 = vector.broadcast %shift_right_logical3A_344 : i32 to vector<16xi32>
    %shift_right_logical3A_346 = arith.shrui %get3A_343, %shift_right_logical3A_345 : vector<16xi32>
    %swap3A_347 = arith.constant 32 : index
    %swap3A_348 = tpu.vector_load %arg8[%swap3A_347] {strides = array<i32>} : memref<48xi32, #tpu.memory_space<vmem>>, vector<16xi32>,
    tpu.vector_store %arg8[%swap3A_347], %shift_right_logical3A_346 {strides = array<i32>} : memref<48xi32, #tpu.memory_space<vmem>>, vector<16xi32>,
    %shift_right_logical3A_349 = arith.constant 7 : i32
    %shift_right_logical3A_350 = vector.broadcast %shift_right_logical3A_349 : i32 to vector<16xi32>
    %shift_right_logical3A_351 = arith.shrui %get3A_343, %shift_right_logical3A_350 : vector<16xi32>
    %swap3A_352 = arith.constant 32 : index
    %swap3A_353 = tpu.vector_load %arg9[%swap3A_352] {strides = array<i32>} : memref<48xi32, #tpu.memory_space<vmem>>, vector<16xi32>,
    tpu.vector_store %arg9[%swap3A_352], %shift_right_logical3A_351 {strides = array<i32>} : memref<48xi32, #tpu.memory_space<vmem>>, vector<16xi32>,
    %dma_start3A_354 = arith.constant 0 : i32
    %dma_start3A_355 = arith.constant 0 : i32
    %dma_start3A_356 = tpu.memref_slice %arg2[%dma_start3A_354, %dma_start3A_355] : memref<3125x128xi32, #tpu.memory_space<hbm>> -> memref<3125x128xi32, #tpu.memory_space<hbm>>
    tpu.enqueue_indirect_dma source(%dma_start3A_356 : memref<3125x128xi32, #tpu.memory_space<hbm>>) target(%arg10 : memref<48x128xi32, #tpu.memory_space<vmem>>) offsets(%arg8 : memref<48xi32, #tpu.memory_space<vmem>>) semaphore(%arg14 : memref<!tpu.dma_semaphore, #tpu.memory_space<semaphore_mem>>)
    %dma_start3A_357 = arith.constant 0 : i32
    %dma_start3A_358 = arith.constant 0 : i32
    %dma_start3A_359 = tpu.memref_slice %arg3[%dma_start3A_357, %dma_start3A_358] : memref<782x128xf32, #tpu.memory_space<hbm>> -> memref<782x128xf32, #tpu.memory_space<hbm>>
    tpu.enqueue_indirect_dma source(%dma_start3A_359 : memref<782x128xf32, #tpu.memory_space<hbm>>) target(%arg11 : memref<48x128xf32, #tpu.memory_space<vmem>>) offsets(%arg9 : memref<48xi32, #tpu.memory_space<vmem>>) semaphore(%arg15 : memref<!tpu.dma_semaphore, #tpu.memory_space<semaphore_mem>>)
    %dma_wait3A_360 = arith.constant 0 : i32
    %dma_wait3A_361 = arith.constant 0 : i32
    %dma_wait3A_362 = tpu.memref_slice %arg2[%dma_wait3A_360, %dma_wait3A_361] : memref<3125x128xi32, #tpu.memory_space<hbm>> -> memref<3125x128xi32, #tpu.memory_space<hbm>>
    tpu.wait_indirect_dma semaphore(%arg14 : memref<!tpu.dma_semaphore, #tpu.memory_space<semaphore_mem>>) src(%dma_wait3A_362 : memref<3125x128xi32, #tpu.memory_space<hbm>>) dst(%arg10 : memref<48x128xi32, #tpu.memory_space<vmem>>)
    %dma_wait3A_363 = arith.constant 0 : i32
    %dma_wait3A_364 = arith.constant 0 : i32
    %dma_wait3A_365 = tpu.memref_slice %arg3[%dma_wait3A_363, %dma_wait3A_364] : memref<782x128xf32, #tpu.memory_space<hbm>> -> memref<782x128xf32, #tpu.memory_space<hbm>>
    tpu.wait_indirect_dma semaphore(%arg15 : memref<!tpu.dma_semaphore, #tpu.memory_space<semaphore_mem>>) src(%dma_wait3A_365 : memref<782x128xf32, #tpu.memory_space<hbm>>) dst(%arg11 : memref<48x128xf32, #tpu.memory_space<vmem>>)
    %shift_right_logical3A_366 = arith.constant 2 : i32
    %shift_right_logical3A_367 = vector.broadcast %shift_right_logical3A_366 : i32 to vector<16xi32>
    %shift_right_logical3A_368 = arith.shrui %iota3A, %shift_right_logical3A_367 : vector<16xi32>
    %add3A_369 = arith.constant 0 : i32
    %add3A_370 = vector.broadcast %add3A_369 : i32 to vector<16xi32>
    %add3A_371 = arith.addi %add3A_370, %shift_right_logical3A_368 : vector<16xi32>
    %gather3A_372 = tpu.vector_load_idx %arg7[%add3A_371] : memref<48xi32, #tpu.memory_space<vmem>>[vector<16xi32>], vector<16xi32>,
    %and3A_373 = arith.constant 31 : i32
    %and3A_374 = vector.broadcast %and3A_373 : i32 to vector<16xi32>
    %and3A_375 = arith.andi %gather3A_372, %and3A_374 : vector<16xi32>
    %shift_left3A_376 = arith.constant 2 : i32
    %shift_left3A_377 = vector.broadcast %shift_left3A_376 : i32 to vector<16xi32>
    %shift_left3A_378 = arith.shli %and3A_375, %shift_left3A_377 : vector<16xi32>
    %and3A_379 = arith.constant 3 : i32
    %and3A_380 = vector.broadcast %and3A_379 : i32 to vector<16xi32>
    %and3A_381 = arith.andi %iota3A, %and3A_380 : vector<16xi32>
    %or3A_382 = arith.ori %shift_left3A_378, %and3A_381 : vector<16xi32>
    %gather3A_383 = tpu.vector_load_idx %arg10[%add3A_371, %or3A_382] : memref<48x128xi32, #tpu.memory_space<vmem>>[vector<16xi32>, vector<16xi32>], vector<16xi32>,
    %swap3A_384 = arith.constant 0 : index
    %swap3A_385 = tpu.vector_load %arg12[%swap3A_384] {strides = array<i32>} : memref<192xi32, #tpu.memory_space<vmem>>, vector<16xi32>,
    tpu.vector_store %arg12[%swap3A_384], %gather3A_383 {strides = array<i32>} : memref<192xi32, #tpu.memory_space<vmem>>, vector<16xi32>,
    %shift_right_logical3A_386 = arith.constant 2 : i32
    %shift_right_logical3A_387 = vector.broadcast %shift_right_logical3A_386 : i32 to vector<16xi32>
    %shift_right_logical3A_388 = arith.shrui %iota3A, %shift_right_logical3A_387 : vector<16xi32>
    %add3A_389 = arith.constant 4 : i32
    %add3A_390 = vector.broadcast %add3A_389 : i32 to vector<16xi32>
    %add3A_391 = arith.addi %add3A_390, %shift_right_logical3A_388 : vector<16xi32>
    %gather3A_392 = tpu.vector_load_idx %arg7[%add3A_391] : memref<48xi32, #tpu.memory_space<vmem>>[vector<16xi32>], vector<16xi32>,
    %and3A_393 = arith.constant 31 : i32
    %and3A_394 = vector.broadcast %and3A_393 : i32 to vector<16xi32>
    %and3A_395 = arith.andi %gather3A_392, %and3A_394 : vector<16xi32>
    %shift_left3A_396 = arith.constant 2 : i32
    %shift_left3A_397 = vector.broadcast %shift_left3A_396 : i32 to vector<16xi32>
    %shift_left3A_398 = arith.shli %and3A_395, %shift_left3A_397 : vector<16xi32>
    %and3A_399 = arith.constant 3 : i32
    %and3A_400 = vector.broadcast %and3A_399 : i32 to vector<16xi32>
    %and3A_401 = arith.andi %iota3A, %and3A_400 : vector<16xi32>
    %or3A_402 = arith.ori %shift_left3A_398, %and3A_401 : vector<16xi32>
    %gather3A_403 = tpu.vector_load_idx %arg10[%add3A_391, %or3A_402] : memref<48x128xi32, #tpu.memory_space<vmem>>[vector<16xi32>, vector<16xi32>], vector<16xi32>,
    %swap3A_404 = arith.constant 16 : index
    %swap3A_405 = tpu.vector_load %arg12[%swap3A_404] {strides = array<i32>} : memref<192xi32, #tpu.memory_space<vmem>>, vector<16xi32>,
    tpu.vector_store %arg12[%swap3A_404], %gather3A_403 {strides = array<i32>} : memref<192xi32, #tpu.memory_space<vmem>>, vector<16xi32>,
    %shift_right_logical3A_406 = arith.constant 2 : i32
    %shift_right_logical3A_407 = vector.broadcast %shift_right_logical3A_406 : i32 to vector<16xi32>
    %shift_right_logical3A_408 = arith.shrui %iota3A, %shift_right_logical3A_407 : vector<16xi32>
    %add3A_409 = arith.constant 8 : i32
    %add3A_410 = vector.broadcast %add3A_409 : i32 to vector<16xi32>
    %add3A_411 = arith.addi %add3A_410, %shift_right_logical3A_408 : vector<16xi32>
    %gather3A_412 = tpu.vector_load_idx %arg7[%add3A_411] : memref<48xi32, #tpu.memory_space<vmem>>[vector<16xi32>], vector<16xi32>,
    %and3A_413 = arith.constant 31 : i32
    %and3A_414 = vector.broadcast %and3A_413 : i32 to vector<16xi32>
    %and3A_415 = arith.andi %gather3A_412, %and3A_414 : vector<16xi32>
    %shift_left3A_416 = arith.constant 2 : i32
    %shift_left3A_417 = vector.broadcast %shift_left3A_416 : i32 to vector<16xi32>
    %shift_left3A_418 = arith.shli %and3A_415, %shift_left3A_417 : vector<16xi32>
    %and3A_419 = arith.constant 3 : i32
    %and3A_420 = vector.broadcast %and3A_419 : i32 to vector<16xi32>
    %and3A_421 = arith.andi %iota3A, %and3A_420 : vector<16xi32>
    %or3A_422 = arith.ori %shift_left3A_418, %and3A_421 : vector<16xi32>
    %gather3A_423 = tpu.vector_load_idx %arg10[%add3A_411, %or3A_422] : memref<48x128xi32, #tpu.memory_space<vmem>>[vector<16xi32>, vector<16xi32>], vector<16xi32>,
    %swap3A_424 = arith.constant 32 : index
    %swap3A_425 = tpu.vector_load %arg12[%swap3A_424] {strides = array<i32>} : memref<192xi32, #tpu.memory_space<vmem>>, vector<16xi32>,
    tpu.vector_store %arg12[%swap3A_424], %gather3A_423 {strides = array<i32>} : memref<192xi32, #tpu.memory_space<vmem>>, vector<16xi32>,
    %shift_right_logical3A_426 = arith.constant 2 : i32
    %shift_right_logical3A_427 = vector.broadcast %shift_right_logical3A_426 : i32 to vector<16xi32>
    %shift_right_logical3A_428 = arith.shrui %iota3A, %shift_right_logical3A_427 : vector<16xi32>
    %add3A_429 = arith.constant 12 : i32
    %add3A_430 = vector.broadcast %add3A_429 : i32 to vector<16xi32>
    %add3A_431 = arith.addi %add3A_430, %shift_right_logical3A_428 : vector<16xi32>
    %gather3A_432 = tpu.vector_load_idx %arg7[%add3A_431] : memref<48xi32, #tpu.memory_space<vmem>>[vector<16xi32>], vector<16xi32>,
    %and3A_433 = arith.constant 31 : i32
    %and3A_434 = vector.broadcast %and3A_433 : i32 to vector<16xi32>
    %and3A_435 = arith.andi %gather3A_432, %and3A_434 : vector<16xi32>
    %shift_left3A_436 = arith.constant 2 : i32
    %shift_left3A_437 = vector.broadcast %shift_left3A_436 : i32 to vector<16xi32>
    %shift_left3A_438 = arith.shli %and3A_435, %shift_left3A_437 : vector<16xi32>
    %and3A_439 = arith.constant 3 : i32
    %and3A_440 = vector.broadcast %and3A_439 : i32 to vector<16xi32>
    %and3A_441 = arith.andi %iota3A, %and3A_440 : vector<16xi32>
    %or3A_442 = arith.ori %shift_left3A_438, %and3A_441 : vector<16xi32>
    %gather3A_443 = tpu.vector_load_idx %arg10[%add3A_431, %or3A_442] : memref<48x128xi32, #tpu.memory_space<vmem>>[vector<16xi32>, vector<16xi32>], vector<16xi32>,
    %swap3A_444 = arith.constant 48 : index
    %swap3A_445 = tpu.vector_load %arg12[%swap3A_444] {strides = array<i32>} : memref<192xi32, #tpu.memory_space<vmem>>, vector<16xi32>,
    tpu.vector_store %arg12[%swap3A_444], %gather3A_443 {strides = array<i32>} : memref<192xi32, #tpu.memory_space<vmem>>, vector<16xi32>,
    %shift_right_logical3A_446 = arith.constant 2 : i32
    %shift_right_logical3A_447 = vector.broadcast %shift_right_logical3A_446 : i32 to vector<16xi32>
    %shift_right_logical3A_448 = arith.shrui %iota3A, %shift_right_logical3A_447 : vector<16xi32>
    %add3A_449 = arith.constant 16 : i32
    %add3A_450 = vector.broadcast %add3A_449 : i32 to vector<16xi32>
    %add3A_451 = arith.addi %add3A_450, %shift_right_logical3A_448 : vector<16xi32>
    %gather3A_452 = tpu.vector_load_idx %arg7[%add3A_451] : memref<48xi32, #tpu.memory_space<vmem>>[vector<16xi32>], vector<16xi32>,
    %and3A_453 = arith.constant 31 : i32
    %and3A_454 = vector.broadcast %and3A_453 : i32 to vector<16xi32>
    %and3A_455 = arith.andi %gather3A_452, %and3A_454 : vector<16xi32>
    %shift_left3A_456 = arith.constant 2 : i32
    %shift_left3A_457 = vector.broadcast %shift_left3A_456 : i32 to vector<16xi32>
    %shift_left3A_458 = arith.shli %and3A_455, %shift_left3A_457 : vector<16xi32>
    %and3A_459 = arith.constant 3 : i32
    %and3A_460 = vector.broadcast %and3A_459 : i32 to vector<16xi32>
    %and3A_461 = arith.andi %iota3A, %and3A_460 : vector<16xi32>
    %or3A_462 = arith.ori %shift_left3A_458, %and3A_461 : vector<16xi32>
    %gather3A_463 = tpu.vector_load_idx %arg10[%add3A_451, %or3A_462] : memref<48x128xi32, #tpu.memory_space<vmem>>[vector<16xi32>, vector<16xi32>], vector<16xi32>,
    %swap3A_464 = arith.constant 64 : index
    %swap3A_465 = tpu.vector_load %arg12[%swap3A_464] {strides = array<i32>} : memref<192xi32, #tpu.memory_space<vmem>>, vector<16xi32>,
    tpu.vector_store %arg12[%swap3A_464], %gather3A_463 {strides = array<i32>} : memref<192xi32, #tpu.memory_space<vmem>>, vector<16xi32>,
    %shift_right_logical3A_466 = arith.constant 2 : i32
    %shift_right_logical3A_467 = vector.broadcast %shift_right_logical3A_466 : i32 to vector<16xi32>
    %shift_right_logical3A_468 = arith.shrui %iota3A, %shift_right_logical3A_467 : vector<16xi32>
    %add3A_469 = arith.constant 20 : i32
    %add3A_470 = vector.broadcast %add3A_469 : i32 to vector<16xi32>
    %add3A_471 = arith.addi %add3A_470, %shift_right_logical3A_468 : vector<16xi32>
    %gather3A_472 = tpu.vector_load_idx %arg7[%add3A_471] : memref<48xi32, #tpu.memory_space<vmem>>[vector<16xi32>], vector<16xi32>,
    %and3A_473 = arith.constant 31 : i32
    %and3A_474 = vector.broadcast %and3A_473 : i32 to vector<16xi32>
    %and3A_475 = arith.andi %gather3A_472, %and3A_474 : vector<16xi32>
    %shift_left3A_476 = arith.constant 2 : i32
    %shift_left3A_477 = vector.broadcast %shift_left3A_476 : i32 to vector<16xi32>
    %shift_left3A_478 = arith.shli %and3A_475, %shift_left3A_477 : vector<16xi32>
    %and3A_479 = arith.constant 3 : i32
    %and3A_480 = vector.broadcast %and3A_479 : i32 to vector<16xi32>
    %and3A_481 = arith.andi %iota3A, %and3A_480 : vector<16xi32>
    %or3A_482 = arith.ori %shift_left3A_478, %and3A_481 : vector<16xi32>
    %gather3A_483 = tpu.vector_load_idx %arg10[%add3A_471, %or3A_482] : memref<48x128xi32, #tpu.memory_space<vmem>>[vector<16xi32>, vector<16xi32>], vector<16xi32>,
    %swap3A_484 = arith.constant 80 : index
    %swap3A_485 = tpu.vector_load %arg12[%swap3A_484] {strides = array<i32>} : memref<192xi32, #tpu.memory_space<vmem>>, vector<16xi32>,
    tpu.vector_store %arg12[%swap3A_484], %gather3A_483 {strides = array<i32>} : memref<192xi32, #tpu.memory_space<vmem>>, vector<16xi32>,
    %shift_right_logical3A_486 = arith.constant 2 : i32
    %shift_right_logical3A_487 = vector.broadcast %shift_right_logical3A_486 : i32 to vector<16xi32>
    %shift_right_logical3A_488 = arith.shrui %iota3A, %shift_right_logical3A_487 : vector<16xi32>
    %add3A_489 = arith.constant 24 : i32
    %add3A_490 = vector.broadcast %add3A_489 : i32 to vector<16xi32>
    %add3A_491 = arith.addi %add3A_490, %shift_right_logical3A_488 : vector<16xi32>
    %gather3A_492 = tpu.vector_load_idx %arg7[%add3A_491] : memref<48xi32, #tpu.memory_space<vmem>>[vector<16xi32>], vector<16xi32>,
    %and3A_493 = arith.constant 31 : i32
    %and3A_494 = vector.broadcast %and3A_493 : i32 to vector<16xi32>
    %and3A_495 = arith.andi %gather3A_492, %and3A_494 : vector<16xi32>
    %shift_left3A_496 = arith.constant 2 : i32
    %shift_left3A_497 = vector.broadcast %shift_left3A_496 : i32 to vector<16xi32>
    %shift_left3A_498 = arith.shli %and3A_495, %shift_left3A_497 : vector<16xi32>
    %and3A_499 = arith.constant 3 : i32
    %and3A_500 = vector.broadcast %and3A_499 : i32 to vector<16xi32>
    %and3A_501 = arith.andi %iota3A, %and3A_500 : vector<16xi32>
    %or3A_502 = arith.ori %shift_left3A_498, %and3A_501 : vector<16xi32>
    %gather3A_503 = tpu.vector_load_idx %arg10[%add3A_491, %or3A_502] : memref<48x128xi32, #tpu.memory_space<vmem>>[vector<16xi32>, vector<16xi32>], vector<16xi32>,
    %swap3A_504 = arith.constant 96 : index
    %swap3A_505 = tpu.vector_load %arg12[%swap3A_504] {strides = array<i32>} : memref<192xi32, #tpu.memory_space<vmem>>, vector<16xi32>,
    tpu.vector_store %arg12[%swap3A_504], %gather3A_503 {strides = array<i32>} : memref<192xi32, #tpu.memory_space<vmem>>, vector<16xi32>,
    %shift_right_logical3A_506 = arith.constant 2 : i32
    %shift_right_logical3A_507 = vector.broadcast %shift_right_logical3A_506 : i32 to vector<16xi32>
    %shift_right_logical3A_508 = arith.shrui %iota3A, %shift_right_logical3A_507 : vector<16xi32>
    %add3A_509 = arith.constant 28 : i32
    %add3A_510 = vector.broadcast %add3A_509 : i32 to vector<16xi32>
    %add3A_511 = arith.addi %add3A_510, %shift_right_logical3A_508 : vector<16xi32>
    %gather3A_512 = tpu.vector_load_idx %arg7[%add3A_511] : memref<48xi32, #tpu.memory_space<vmem>>[vector<16xi32>], vector<16xi32>,
    %and3A_513 = arith.constant 31 : i32
    %and3A_514 = vector.broadcast %and3A_513 : i32 to vector<16xi32>
    %and3A_515 = arith.andi %gather3A_512, %and3A_514 : vector<16xi32>
    %shift_left3A_516 = arith.constant 2 : i32
    %shift_left3A_517 = vector.broadcast %shift_left3A_516 : i32 to vector<16xi32>
    %shift_left3A_518 = arith.shli %and3A_515, %shift_left3A_517 : vector<16xi32>
    %and3A_519 = arith.constant 3 : i32
    %and3A_520 = vector.broadcast %and3A_519 : i32 to vector<16xi32>
    %and3A_521 = arith.andi %iota3A, %and3A_520 : vector<16xi32>
    %or3A_522 = arith.ori %shift_left3A_518, %and3A_521 : vector<16xi32>
    %gather3A_523 = tpu.vector_load_idx %arg10[%add3A_511, %or3A_522] : memref<48x128xi32, #tpu.memory_space<vmem>>[vector<16xi32>, vector<16xi32>], vector<16xi32>,
    %swap3A_524 = arith.constant 112 : index
    %swap3A_525 = tpu.vector_load %arg12[%swap3A_524] {strides = array<i32>} : memref<192xi32, #tpu.memory_space<vmem>>, vector<16xi32>,
    tpu.vector_store %arg12[%swap3A_524], %gather3A_523 {strides = array<i32>} : memref<192xi32, #tpu.memory_space<vmem>>, vector<16xi32>,
    %shift_right_logical3A_526 = arith.constant 2 : i32
    %shift_right_logical3A_527 = vector.broadcast %shift_right_logical3A_526 : i32 to vector<16xi32>
    %shift_right_logical3A_528 = arith.shrui %iota3A, %shift_right_logical3A_527 : vector<16xi32>
    %add3A_529 = arith.constant 32 : i32
    %add3A_530 = vector.broadcast %add3A_529 : i32 to vector<16xi32>
    %add3A_531 = arith.addi %add3A_530, %shift_right_logical3A_528 : vector<16xi32>
    %gather3A_532 = tpu.vector_load_idx %arg7[%add3A_531] : memref<48xi32, #tpu.memory_space<vmem>>[vector<16xi32>], vector<16xi32>,
    %and3A_533 = arith.constant 31 : i32
    %and3A_534 = vector.broadcast %and3A_533 : i32 to vector<16xi32>
    %and3A_535 = arith.andi %gather3A_532, %and3A_534 : vector<16xi32>
    %shift_left3A_536 = arith.constant 2 : i32
    %shift_left3A_537 = vector.broadcast %shift_left3A_536 : i32 to vector<16xi32>
    %shift_left3A_538 = arith.shli %and3A_535, %shift_left3A_537 : vector<16xi32>
    %and3A_539 = arith.constant 3 : i32
    %and3A_540 = vector.broadcast %and3A_539 : i32 to vector<16xi32>
    %and3A_541 = arith.andi %iota3A, %and3A_540 : vector<16xi32>
    %or3A_542 = arith.ori %shift_left3A_538, %and3A_541 : vector<16xi32>
    %gather3A_543 = tpu.vector_load_idx %arg10[%add3A_531, %or3A_542] : memref<48x128xi32, #tpu.memory_space<vmem>>[vector<16xi32>, vector<16xi32>], vector<16xi32>,
    %swap3A_544 = arith.constant 128 : index
    %swap3A_545 = tpu.vector_load %arg12[%swap3A_544] {strides = array<i32>} : memref<192xi32, #tpu.memory_space<vmem>>, vector<16xi32>,
    tpu.vector_store %arg12[%swap3A_544], %gather3A_543 {strides = array<i32>} : memref<192xi32, #tpu.memory_space<vmem>>, vector<16xi32>,
    %shift_right_logical3A_546 = arith.constant 2 : i32
    %shift_right_logical3A_547 = vector.broadcast %shift_right_logical3A_546 : i32 to vector<16xi32>
    %shift_right_logical3A_548 = arith.shrui %iota3A, %shift_right_logical3A_547 : vector<16xi32>
    %add3A_549 = arith.constant 36 : i32
    %add3A_550 = vector.broadcast %add3A_549 : i32 to vector<16xi32>
    %add3A_551 = arith.addi %add3A_550, %shift_right_logical3A_548 : vector<16xi32>
    %gather3A_552 = tpu.vector_load_idx %arg7[%add3A_551] : memref<48xi32, #tpu.memory_space<vmem>>[vector<16xi32>], vector<16xi32>,
    %and3A_553 = arith.constant 31 : i32
    %and3A_554 = vector.broadcast %and3A_553 : i32 to vector<16xi32>
    %and3A_555 = arith.andi %gather3A_552, %and3A_554 : vector<16xi32>
    %shift_left3A_556 = arith.constant 2 : i32
    %shift_left3A_557 = vector.broadcast %shift_left3A_556 : i32 to vector<16xi32>
    %shift_left3A_558 = arith.shli %and3A_555, %shift_left3A_557 : vector<16xi32>
    %and3A_559 = arith.constant 3 : i32
    %and3A_560 = vector.broadcast %and3A_559 : i32 to vector<16xi32>
    %and3A_561 = arith.andi %iota3A, %and3A_560 : vector<16xi32>
    %or3A_562 = arith.ori %shift_left3A_558, %and3A_561 : vector<16xi32>
    %gather3A_563 = tpu.vector_load_idx %arg10[%add3A_551, %or3A_562] : memref<48x128xi32, #tpu.memory_space<vmem>>[vector<16xi32>, vector<16xi32>], vector<16xi32>,
    %swap3A_564 = arith.constant 144 : index
    %swap3A_565 = tpu.vector_load %arg12[%swap3A_564] {strides = array<i32>} : memref<192xi32, #tpu.memory_space<vmem>>, vector<16xi32>,
    tpu.vector_store %arg12[%swap3A_564], %gather3A_563 {strides = array<i32>} : memref<192xi32, #tpu.memory_space<vmem>>, vector<16xi32>,
    %shift_right_logical3A_566 = arith.constant 2 : i32
    %shift_right_logical3A_567 = vector.broadcast %shift_right_logical3A_566 : i32 to vector<16xi32>
    %shift_right_logical3A_568 = arith.shrui %iota3A, %shift_right_logical3A_567 : vector<16xi32>
    %add3A_569 = arith.constant 40 : i32
    %add3A_570 = vector.broadcast %add3A_569 : i32 to vector<16xi32>
    %add3A_571 = arith.addi %add3A_570, %shift_right_logical3A_568 : vector<16xi32>
    %gather3A_572 = tpu.vector_load_idx %arg7[%add3A_571] : memref<48xi32, #tpu.memory_space<vmem>>[vector<16xi32>], vector<16xi32>,
    %and3A_573 = arith.constant 31 : i32
    %and3A_574 = vector.broadcast %and3A_573 : i32 to vector<16xi32>
    %and3A_575 = arith.andi %gather3A_572, %and3A_574 : vector<16xi32>
    %shift_left3A_576 = arith.constant 2 : i32
    %shift_left3A_577 = vector.broadcast %shift_left3A_576 : i32 to vector<16xi32>
    %shift_left3A_578 = arith.shli %and3A_575, %shift_left3A_577 : vector<16xi32>
    %and3A_579 = arith.constant 3 : i32
    %and3A_580 = vector.broadcast %and3A_579 : i32 to vector<16xi32>
    %and3A_581 = arith.andi %iota3A, %and3A_580 : vector<16xi32>
    %or3A_582 = arith.ori %shift_left3A_578, %and3A_581 : vector<16xi32>
    %gather3A_583 = tpu.vector_load_idx %arg10[%add3A_571, %or3A_582] : memref<48x128xi32, #tpu.memory_space<vmem>>[vector<16xi32>, vector<16xi32>], vector<16xi32>,
    %swap3A_584 = arith.constant 160 : index
    %swap3A_585 = tpu.vector_load %arg12[%swap3A_584] {strides = array<i32>} : memref<192xi32, #tpu.memory_space<vmem>>, vector<16xi32>,
    tpu.vector_store %arg12[%swap3A_584], %gather3A_583 {strides = array<i32>} : memref<192xi32, #tpu.memory_space<vmem>>, vector<16xi32>,
    %shift_right_logical3A_586 = arith.constant 2 : i32
    %shift_right_logical3A_587 = vector.broadcast %shift_right_logical3A_586 : i32 to vector<16xi32>
    %shift_right_logical3A_588 = arith.shrui %iota3A, %shift_right_logical3A_587 : vector<16xi32>
    %add3A_589 = arith.constant 44 : i32
    %add3A_590 = vector.broadcast %add3A_589 : i32 to vector<16xi32>
    %add3A_591 = arith.addi %add3A_590, %shift_right_logical3A_588 : vector<16xi32>
    %gather3A_592 = tpu.vector_load_idx %arg7[%add3A_591] : memref<48xi32, #tpu.memory_space<vmem>>[vector<16xi32>], vector<16xi32>,
    %and3A_593 = arith.constant 31 : i32
    %and3A_594 = vector.broadcast %and3A_593 : i32 to vector<16xi32>
    %and3A_595 = arith.andi %gather3A_592, %and3A_594 : vector<16xi32>
    %shift_left3A_596 = arith.constant 2 : i32
    %shift_left3A_597 = vector.broadcast %shift_left3A_596 : i32 to vector<16xi32>
    %shift_left3A_598 = arith.shli %and3A_595, %shift_left3A_597 : vector<16xi32>
    %and3A_599 = arith.constant 3 : i32
    %and3A_600 = vector.broadcast %and3A_599 : i32 to vector<16xi32>
    %and3A_601 = arith.andi %iota3A, %and3A_600 : vector<16xi32>
    %or3A_602 = arith.ori %shift_left3A_598, %and3A_601 : vector<16xi32>
    %gather3A_603 = tpu.vector_load_idx %arg10[%add3A_591, %or3A_602] : memref<48x128xi32, #tpu.memory_space<vmem>>[vector<16xi32>, vector<16xi32>], vector<16xi32>,
    %swap3A_604 = arith.constant 176 : index
    %swap3A_605 = tpu.vector_load %arg12[%swap3A_604] {strides = array<i32>} : memref<192xi32, #tpu.memory_space<vmem>>, vector<16xi32>,
    tpu.vector_store %arg12[%swap3A_604], %gather3A_603 {strides = array<i32>} : memref<192xi32, #tpu.memory_space<vmem>>, vector<16xi32>,
    %add3A_606 = arith.constant 0 : i32
    %add3A_607 = vector.broadcast %add3A_606 : i32 to vector<16xi32>
    %add3A_608 = arith.addi %add3A_607, %iota3A : vector<16xi32>
    %gather3A_609 = tpu.vector_load_idx %arg7[%add3A_608] : memref<48xi32, #tpu.memory_space<vmem>>[vector<16xi32>], vector<16xi32>,
    %and3A_610 = arith.constant 127 : i32
    %and3A_611 = vector.broadcast %and3A_610 : i32 to vector<16xi32>
    %and3A_612 = arith.andi %gather3A_609, %and3A_611 : vector<16xi32>
    %gather3A_613 = tpu.vector_load_idx %arg11[%add3A_608, %and3A_612] : memref<48x128xf32, #tpu.memory_space<vmem>>[vector<16xi32>, vector<16xi32>], vector<16xf32>,
    %swap3A_614 = arith.constant 0 : index
    %swap3A_615 = tpu.vector_load %arg13[%swap3A_614] {strides = array<i32>} : memref<48xf32, #tpu.memory_space<vmem>>, vector<16xf32>,
    tpu.vector_store %arg13[%swap3A_614], %gather3A_613 {strides = array<i32>} : memref<48xf32, #tpu.memory_space<vmem>>, vector<16xf32>,
    %add3A_616 = arith.constant 16 : i32
    %add3A_617 = vector.broadcast %add3A_616 : i32 to vector<16xi32>
    %add3A_618 = arith.addi %add3A_617, %iota3A : vector<16xi32>
    %gather3A_619 = tpu.vector_load_idx %arg7[%add3A_618] : memref<48xi32, #tpu.memory_space<vmem>>[vector<16xi32>], vector<16xi32>,
    %and3A_620 = arith.constant 127 : i32
    %and3A_621 = vector.broadcast %and3A_620 : i32 to vector<16xi32>
    %and3A_622 = arith.andi %gather3A_619, %and3A_621 : vector<16xi32>
    %gather3A_623 = tpu.vector_load_idx %arg11[%add3A_618, %and3A_622] : memref<48x128xf32, #tpu.memory_space<vmem>>[vector<16xi32>, vector<16xi32>], vector<16xf32>,
    %swap3A_624 = arith.constant 16 : index
    %swap3A_625 = tpu.vector_load %arg13[%swap3A_624] {strides = array<i32>} : memref<48xf32, #tpu.memory_space<vmem>>, vector<16xf32>,
    tpu.vector_store %arg13[%swap3A_624], %gather3A_623 {strides = array<i32>} : memref<48xf32, #tpu.memory_space<vmem>>, vector<16xf32>,
    %add3A_626 = arith.constant 32 : i32
    %add3A_627 = vector.broadcast %add3A_626 : i32 to vector<16xi32>
    %add3A_628 = arith.addi %add3A_627, %iota3A : vector<16xi32>
    %gather3A_629 = tpu.vector_load_idx %arg7[%add3A_628] : memref<48xi32, #tpu.memory_space<vmem>>[vector<16xi32>], vector<16xi32>,
    %and3A_630 = arith.constant 127 : i32
    %and3A_631 = vector.broadcast %and3A_630 : i32 to vector<16xi32>
    %and3A_632 = arith.andi %gather3A_629, %and3A_631 : vector<16xi32>
    %gather3A_633 = tpu.vector_load_idx %arg11[%add3A_628, %and3A_632] : memref<48x128xf32, #tpu.memory_space<vmem>>[vector<16xi32>, vector<16xi32>], vector<16xf32>,
    %swap3A_634 = arith.constant 32 : index
    %swap3A_635 = tpu.vector_load %arg13[%swap3A_634] {strides = array<i32>} : memref<48xf32, #tpu.memory_space<vmem>>, vector<16xf32>,
    tpu.vector_store %arg13[%swap3A_634], %gather3A_633 {strides = array<i32>} : memref<48xf32, #tpu.memory_space<vmem>>, vector<16xf32>,
    %mul3A_636 = arith.constant 4 : i32
    %mul3A_637 = arith.muli %add3A_317, %mul3A_636 : i32
    "tpu.region"() ({
      %run_scoped3A = tpu.sem_alloc : memref<!tpu.dma_semaphore, #tpu.memory_space<semaphore_mem>>
      %dma_start3A_3536 = tpu.memref_slice %arg5[%mul3A_637] : memref<67584xi32, #tpu.memory_space<hbm>> -> memref<192xi32, #tpu.memory_space<hbm>>
      %dma_start3A_3537 = tpu.memref_slice %arg5[%mul3A_637] : memref<67584xi32, #tpu.memory_space<hbm>> -> memref<192xi32, #tpu.memory_space<hbm>>
      tpu.enqueue_dma source(%arg12 : memref<192xi32, #tpu.memory_space<vmem>>) target(%dma_start3A_3537 : memref<192xi32, #tpu.memory_space<hbm>>) target_semaphore(%run_scoped3A : memref<!tpu.dma_semaphore, #tpu.memory_space<semaphore_mem>>)
      %dma_wait3A_3538 = tpu.memref_slice %arg5[%mul3A_637] : memref<67584xi32, #tpu.memory_space<hbm>> -> memref<192xi32, #tpu.memory_space<hbm>>
      %dma_wait3A_3539 = tpu.memref_slice %arg5[%mul3A_637] : memref<67584xi32, #tpu.memory_space<hbm>> -> memref<192xi32, #tpu.memory_space<hbm>>
      tpu.wait_dma2 semaphore(%run_scoped3A : memref<!tpu.dma_semaphore, #tpu.memory_space<semaphore_mem>>) src(%arg12 : memref<192xi32, #tpu.memory_space<vmem>>) dst(%dma_wait3A_3539 : memref<192xi32, #tpu.memory_space<hbm>>)
      tpu.yield
    }) : () -> ()
    "tpu.region"() ({
      %run_scoped3A = tpu.sem_alloc : memref<!tpu.dma_semaphore, #tpu.memory_space<semaphore_mem>>
      %dma_start3A_3536 = tpu.memref_slice %arg6[%add3A_317] : memref<16896xf32, #tpu.memory_space<hbm>> -> memref<48xf32, #tpu.memory_space<hbm>>
      %dma_start3A_3537 = tpu.memref_slice %arg6[%add3A_317] : memref<16896xf32, #tpu.memory_space<hbm>> -> memref<48xf32, #tpu.memory_space<hbm>>
      tpu.enqueue_dma source(%arg13 : memref<48xf32, #tpu.memory_space<vmem>>) target(%dma_start3A_3537 : memref<48xf32, #tpu.memory_space<hbm>>) target_semaphore(%run_scoped3A : memref<!tpu.dma_semaphore, #tpu.memory_space<semaphore_mem>>)
      %dma_wait3A_3538 = tpu.memref_slice %arg6[%add3A_317] : memref<16896xf32, #tpu.memory_space<hbm>> -> memref<48xf32, #tpu.memory_space<hbm>>
      %dma_wait3A_3539 = tpu.memref_slice %arg6[%add3A_317] : memref<16896xf32, #tpu.memory_space<hbm>> -> memref<48xf32, #tpu.memory_space<hbm>>
      tpu.wait_dma2 semaphore(%run_scoped3A : memref<!tpu.dma_semaphore, #tpu.memory_space<semaphore_mem>>) src(%arg13 : memref<48xf32, #tpu.memory_space<vmem>>) dst(%dma_wait3A_3539 : memref<48xf32, #tpu.memory_space<hbm>>)
      tpu.yield
    }) : () -> ()
    %add3A_638 = arith.constant 96 : i32
    %add3A_639 = arith.addi %mul3A_2, %add3A_638 : i32
    "tpu.region"() ({
      %run_scoped3A = tpu.sem_alloc : memref<!tpu.dma_semaphore, #tpu.memory_space<semaphore_mem>>
      %dma_start3A_3536 = tpu.memref_slice %arg4[%add3A_639] : memref<16896xi32, #tpu.memory_space<hbm>> -> memref<48xi32, #tpu.memory_space<hbm>>
      %dma_start3A_3537 = tpu.memref_slice %arg4[%add3A_639] : memref<16896xi32, #tpu.memory_space<hbm>> -> memref<48xi32, #tpu.memory_space<hbm>>
      tpu.enqueue_dma source(%dma_start3A_3537 : memref<48xi32, #tpu.memory_space<hbm>>) target(%arg7 : memref<48xi32, #tpu.memory_space<vmem>>) target_semaphore(%run_scoped3A : memref<!tpu.dma_semaphore, #tpu.memory_space<semaphore_mem>>)
      %dma_wait3A_3538 = tpu.memref_slice %arg4[%add3A_639] : memref<16896xi32, #tpu.memory_space<hbm>> -> memref<48xi32, #tpu.memory_space<hbm>>
      %dma_wait3A_3539 = tpu.memref_slice %arg4[%add3A_639] : memref<16896xi32, #tpu.memory_space<hbm>> -> memref<48xi32, #tpu.memory_space<hbm>>
      tpu.wait_dma2 semaphore(%run_scoped3A : memref<!tpu.dma_semaphore, #tpu.memory_space<semaphore_mem>>) src(%dma_wait3A_3539 : memref<48xi32, #tpu.memory_space<hbm>>) dst(%arg7 : memref<48xi32, #tpu.memory_space<vmem>>)
      tpu.yield
    }) : () -> ()
    %get3A_640 = arith.constant 0 : index
    %get3A_641 = tpu.vector_load %arg7[%get3A_640] {strides = array<i32>} : memref<48xi32, #tpu.memory_space<vmem>>, vector<16xi32>,
    %shift_right_logical3A_642 = arith.constant 5 : i32
    %shift_right_logical3A_643 = vector.broadcast %shift_right_logical3A_642 : i32 to vector<16xi32>
    %shift_right_logical3A_644 = arith.shrui %get3A_641, %shift_right_logical3A_643 : vector<16xi32>
    %swap3A_645 = arith.constant 0 : index
    %swap3A_646 = tpu.vector_load %arg8[%swap3A_645] {strides = array<i32>} : memref<48xi32, #tpu.memory_space<vmem>>, vector<16xi32>,
    tpu.vector_store %arg8[%swap3A_645], %shift_right_logical3A_644 {strides = array<i32>} : memref<48xi32, #tpu.memory_space<vmem>>, vector<16xi32>,
    %shift_right_logical3A_647 = arith.constant 7 : i32
    %shift_right_logical3A_648 = vector.broadcast %shift_right_logical3A_647 : i32 to vector<16xi32>
    %shift_right_logical3A_649 = arith.shrui %get3A_641, %shift_right_logical3A_648 : vector<16xi32>
    %swap3A_650 = arith.constant 0 : index
    %swap3A_651 = tpu.vector_load %arg9[%swap3A_650] {strides = array<i32>} : memref<48xi32, #tpu.memory_space<vmem>>, vector<16xi32>,
    tpu.vector_store %arg9[%swap3A_650], %shift_right_logical3A_649 {strides = array<i32>} : memref<48xi32, #tpu.memory_space<vmem>>, vector<16xi32>,
    %get3A_652 = arith.constant 16 : index
    %get3A_653 = tpu.vector_load %arg7[%get3A_652] {strides = array<i32>} : memref<48xi32, #tpu.memory_space<vmem>>, vector<16xi32>,
    %shift_right_logical3A_654 = arith.constant 5 : i32
    %shift_right_logical3A_655 = vector.broadcast %shift_right_logical3A_654 : i32 to vector<16xi32>
    %shift_right_logical3A_656 = arith.shrui %get3A_653, %shift_right_logical3A_655 : vector<16xi32>
    %swap3A_657 = arith.constant 16 : index
    %swap3A_658 = tpu.vector_load %arg8[%swap3A_657] {strides = array<i32>} : memref<48xi32, #tpu.memory_space<vmem>>, vector<16xi32>,
    tpu.vector_store %arg8[%swap3A_657], %shift_right_logical3A_656 {strides = array<i32>} : memref<48xi32, #tpu.memory_space<vmem>>, vector<16xi32>,
    %shift_right_logical3A_659 = arith.constant 7 : i32
    %shift_right_logical3A_660 = vector.broadcast %shift_right_logical3A_659 : i32 to vector<16xi32>
    %shift_right_logical3A_661 = arith.shrui %get3A_653, %shift_right_logical3A_660 : vector<16xi32>
    %swap3A_662 = arith.constant 16 : index
    %swap3A_663 = tpu.vector_load %arg9[%swap3A_662] {strides = array<i32>} : memref<48xi32, #tpu.memory_space<vmem>>, vector<16xi32>,
    tpu.vector_store %arg9[%swap3A_662], %shift_right_logical3A_661 {strides = array<i32>} : memref<48xi32, #tpu.memory_space<vmem>>, vector<16xi32>,
    %get3A_664 = arith.constant 32 : index
    %get3A_665 = tpu.vector_load %arg7[%get3A_664] {strides = array<i32>} : memref<48xi32, #tpu.memory_space<vmem>>, vector<16xi32>,
    %shift_right_logical3A_666 = arith.constant 5 : i32
    %shift_right_logical3A_667 = vector.broadcast %shift_right_logical3A_666 : i32 to vector<16xi32>
    %shift_right_logical3A_668 = arith.shrui %get3A_665, %shift_right_logical3A_667 : vector<16xi32>
    %swap3A_669 = arith.constant 32 : index
    %swap3A_670 = tpu.vector_load %arg8[%swap3A_669] {strides = array<i32>} : memref<48xi32, #tpu.memory_space<vmem>>, vector<16xi32>,
    tpu.vector_store %arg8[%swap3A_669], %shift_right_logical3A_668 {strides = array<i32>} : memref<48xi32, #tpu.memory_space<vmem>>, vector<16xi32>,
    %shift_right_logical3A_671 = arith.constant 7 : i32
    %shift_right_logical3A_672 = vector.broadcast %shift_right_logical3A_671 : i32 to vector<16xi32>
    %shift_right_logical3A_673 = arith.shrui %get3A_665, %shift_right_logical3A_672 : vector<16xi32>
    %swap3A_674 = arith.constant 32 : index
    %swap3A_675 = tpu.vector_load %arg9[%swap3A_674] {strides = array<i32>} : memref<48xi32, #tpu.memory_space<vmem>>, vector<16xi32>,
    tpu.vector_store %arg9[%swap3A_674], %shift_right_logical3A_673 {strides = array<i32>} : memref<48xi32, #tpu.memory_space<vmem>>, vector<16xi32>,
    %dma_start3A_676 = arith.constant 0 : i32
    %dma_start3A_677 = arith.constant 0 : i32
    %dma_start3A_678 = tpu.memref_slice %arg2[%dma_start3A_676, %dma_start3A_677] : memref<3125x128xi32, #tpu.memory_space<hbm>> -> memref<3125x128xi32, #tpu.memory_space<hbm>>
    tpu.enqueue_indirect_dma source(%dma_start3A_678 : memref<3125x128xi32, #tpu.memory_space<hbm>>) target(%arg10 : memref<48x128xi32, #tpu.memory_space<vmem>>) offsets(%arg8 : memref<48xi32, #tpu.memory_space<vmem>>) semaphore(%arg14 : memref<!tpu.dma_semaphore, #tpu.memory_space<semaphore_mem>>)
    %dma_start3A_679 = arith.constant 0 : i32
    %dma_start3A_680 = arith.constant 0 : i32
    %dma_start3A_681 = tpu.memref_slice %arg3[%dma_start3A_679, %dma_start3A_680] : memref<782x128xf32, #tpu.memory_space<hbm>> -> memref<782x128xf32, #tpu.memory_space<hbm>>
    tpu.enqueue_indirect_dma source(%dma_start3A_681 : memref<782x128xf32, #tpu.memory_space<hbm>>) target(%arg11 : memref<48x128xf32, #tpu.memory_space<vmem>>) offsets(%arg9 : memref<48xi32, #tpu.memory_space<vmem>>) semaphore(%arg15 : memref<!tpu.dma_semaphore, #tpu.memory_space<semaphore_mem>>)
    %dma_wait3A_682 = arith.constant 0 : i32
    %dma_wait3A_683 = arith.constant 0 : i32
    %dma_wait3A_684 = tpu.memref_slice %arg2[%dma_wait3A_682, %dma_wait3A_683] : memref<3125x128xi32, #tpu.memory_space<hbm>> -> memref<3125x128xi32, #tpu.memory_space<hbm>>
    tpu.wait_indirect_dma semaphore(%arg14 : memref<!tpu.dma_semaphore, #tpu.memory_space<semaphore_mem>>) src(%dma_wait3A_684 : memref<3125x128xi32, #tpu.memory_space<hbm>>) dst(%arg10 : memref<48x128xi32, #tpu.memory_space<vmem>>)
    %dma_wait3A_685 = arith.constant 0 : i32
    %dma_wait3A_686 = arith.constant 0 : i32
    %dma_wait3A_687 = tpu.memref_slice %arg3[%dma_wait3A_685, %dma_wait3A_686] : memref<782x128xf32, #tpu.memory_space<hbm>> -> memref<782x128xf32, #tpu.memory_space<hbm>>
    tpu.wait_indirect_dma semaphore(%arg15 : memref<!tpu.dma_semaphore, #tpu.memory_space<semaphore_mem>>) src(%dma_wait3A_687 : memref<782x128xf32, #tpu.memory_space<hbm>>) dst(%arg11 : memref<48x128xf32, #tpu.memory_space<vmem>>)
    %shift_right_logical3A_688 = arith.constant 2 : i32
    %shift_right_logical3A_689 = vector.broadcast %shift_right_logical3A_688 : i32 to vector<16xi32>
    %shift_right_logical3A_690 = arith.shrui %iota3A, %shift_right_logical3A_689 : vector<16xi32>
    %add3A_691 = arith.constant 0 : i32
    %add3A_692 = vector.broadcast %add3A_691 : i32 to vector<16xi32>
    %add3A_693 = arith.addi %add3A_692, %shift_right_logical3A_690 : vector<16xi32>
    %gather3A_694 = tpu.vector_load_idx %arg7[%add3A_693] : memref<48xi32, #tpu.memory_space<vmem>>[vector<16xi32>], vector<16xi32>,
    %and3A_695 = arith.constant 31 : i32
    %and3A_696 = vector.broadcast %and3A_695 : i32 to vector<16xi32>
    %and3A_697 = arith.andi %gather3A_694, %and3A_696 : vector<16xi32>
    %shift_left3A_698 = arith.constant 2 : i32
    %shift_left3A_699 = vector.broadcast %shift_left3A_698 : i32 to vector<16xi32>
    %shift_left3A_700 = arith.shli %and3A_697, %shift_left3A_699 : vector<16xi32>
    %and3A_701 = arith.constant 3 : i32
    %and3A_702 = vector.broadcast %and3A_701 : i32 to vector<16xi32>
    %and3A_703 = arith.andi %iota3A, %and3A_702 : vector<16xi32>
    %or3A_704 = arith.ori %shift_left3A_700, %and3A_703 : vector<16xi32>
    %gather3A_705 = tpu.vector_load_idx %arg10[%add3A_693, %or3A_704] : memref<48x128xi32, #tpu.memory_space<vmem>>[vector<16xi32>, vector<16xi32>], vector<16xi32>,
    %swap3A_706 = arith.constant 0 : index
    %swap3A_707 = tpu.vector_load %arg12[%swap3A_706] {strides = array<i32>} : memref<192xi32, #tpu.memory_space<vmem>>, vector<16xi32>,
    tpu.vector_store %arg12[%swap3A_706], %gather3A_705 {strides = array<i32>} : memref<192xi32, #tpu.memory_space<vmem>>, vector<16xi32>,
    %shift_right_logical3A_708 = arith.constant 2 : i32
    %shift_right_logical3A_709 = vector.broadcast %shift_right_logical3A_708 : i32 to vector<16xi32>
    %shift_right_logical3A_710 = arith.shrui %iota3A, %shift_right_logical3A_709 : vector<16xi32>
    %add3A_711 = arith.constant 4 : i32
    %add3A_712 = vector.broadcast %add3A_711 : i32 to vector<16xi32>
    %add3A_713 = arith.addi %add3A_712, %shift_right_logical3A_710 : vector<16xi32>
    %gather3A_714 = tpu.vector_load_idx %arg7[%add3A_713] : memref<48xi32, #tpu.memory_space<vmem>>[vector<16xi32>], vector<16xi32>,
    %and3A_715 = arith.constant 31 : i32
    %and3A_716 = vector.broadcast %and3A_715 : i32 to vector<16xi32>
    %and3A_717 = arith.andi %gather3A_714, %and3A_716 : vector<16xi32>
    %shift_left3A_718 = arith.constant 2 : i32
    %shift_left3A_719 = vector.broadcast %shift_left3A_718 : i32 to vector<16xi32>
    %shift_left3A_720 = arith.shli %and3A_717, %shift_left3A_719 : vector<16xi32>
    %and3A_721 = arith.constant 3 : i32
    %and3A_722 = vector.broadcast %and3A_721 : i32 to vector<16xi32>
    %and3A_723 = arith.andi %iota3A, %and3A_722 : vector<16xi32>
    %or3A_724 = arith.ori %shift_left3A_720, %and3A_723 : vector<16xi32>
    %gather3A_725 = tpu.vector_load_idx %arg10[%add3A_713, %or3A_724] : memref<48x128xi32, #tpu.memory_space<vmem>>[vector<16xi32>, vector<16xi32>], vector<16xi32>,
    %swap3A_726 = arith.constant 16 : index
    %swap3A_727 = tpu.vector_load %arg12[%swap3A_726] {strides = array<i32>} : memref<192xi32, #tpu.memory_space<vmem>>, vector<16xi32>,
    tpu.vector_store %arg12[%swap3A_726], %gather3A_725 {strides = array<i32>} : memref<192xi32, #tpu.memory_space<vmem>>, vector<16xi32>,
    %shift_right_logical3A_728 = arith.constant 2 : i32
    %shift_right_logical3A_729 = vector.broadcast %shift_right_logical3A_728 : i32 to vector<16xi32>
    %shift_right_logical3A_730 = arith.shrui %iota3A, %shift_right_logical3A_729 : vector<16xi32>
    %add3A_731 = arith.constant 8 : i32
    %add3A_732 = vector.broadcast %add3A_731 : i32 to vector<16xi32>
    %add3A_733 = arith.addi %add3A_732, %shift_right_logical3A_730 : vector<16xi32>
    %gather3A_734 = tpu.vector_load_idx %arg7[%add3A_733] : memref<48xi32, #tpu.memory_space<vmem>>[vector<16xi32>], vector<16xi32>,
    %and3A_735 = arith.constant 31 : i32
    %and3A_736 = vector.broadcast %and3A_735 : i32 to vector<16xi32>
    %and3A_737 = arith.andi %gather3A_734, %and3A_736 : vector<16xi32>
    %shift_left3A_738 = arith.constant 2 : i32
    %shift_left3A_739 = vector.broadcast %shift_left3A_738 : i32 to vector<16xi32>
    %shift_left3A_740 = arith.shli %and3A_737, %shift_left3A_739 : vector<16xi32>
    %and3A_741 = arith.constant 3 : i32
    %and3A_742 = vector.broadcast %and3A_741 : i32 to vector<16xi32>
    %and3A_743 = arith.andi %iota3A, %and3A_742 : vector<16xi32>
    %or3A_744 = arith.ori %shift_left3A_740, %and3A_743 : vector<16xi32>
    %gather3A_745 = tpu.vector_load_idx %arg10[%add3A_733, %or3A_744] : memref<48x128xi32, #tpu.memory_space<vmem>>[vector<16xi32>, vector<16xi32>], vector<16xi32>,
    %swap3A_746 = arith.constant 32 : index
    %swap3A_747 = tpu.vector_load %arg12[%swap3A_746] {strides = array<i32>} : memref<192xi32, #tpu.memory_space<vmem>>, vector<16xi32>,
    tpu.vector_store %arg12[%swap3A_746], %gather3A_745 {strides = array<i32>} : memref<192xi32, #tpu.memory_space<vmem>>, vector<16xi32>,
    %shift_right_logical3A_748 = arith.constant 2 : i32
    %shift_right_logical3A_749 = vector.broadcast %shift_right_logical3A_748 : i32 to vector<16xi32>
    %shift_right_logical3A_750 = arith.shrui %iota3A, %shift_right_logical3A_749 : vector<16xi32>
    %add3A_751 = arith.constant 12 : i32
    %add3A_752 = vector.broadcast %add3A_751 : i32 to vector<16xi32>
    %add3A_753 = arith.addi %add3A_752, %shift_right_logical3A_750 : vector<16xi32>
    %gather3A_754 = tpu.vector_load_idx %arg7[%add3A_753] : memref<48xi32, #tpu.memory_space<vmem>>[vector<16xi32>], vector<16xi32>,
    %and3A_755 = arith.constant 31 : i32
    %and3A_756 = vector.broadcast %and3A_755 : i32 to vector<16xi32>
    %and3A_757 = arith.andi %gather3A_754, %and3A_756 : vector<16xi32>
    %shift_left3A_758 = arith.constant 2 : i32
    %shift_left3A_759 = vector.broadcast %shift_left3A_758 : i32 to vector<16xi32>
    %shift_left3A_760 = arith.shli %and3A_757, %shift_left3A_759 : vector<16xi32>
    %and3A_761 = arith.constant 3 : i32
    %and3A_762 = vector.broadcast %and3A_761 : i32 to vector<16xi32>
    %and3A_763 = arith.andi %iota3A, %and3A_762 : vector<16xi32>
    %or3A_764 = arith.ori %shift_left3A_760, %and3A_763 : vector<16xi32>
    %gather3A_765 = tpu.vector_load_idx %arg10[%add3A_753, %or3A_764] : memref<48x128xi32, #tpu.memory_space<vmem>>[vector<16xi32>, vector<16xi32>], vector<16xi32>,
    %swap3A_766 = arith.constant 48 : index
    %swap3A_767 = tpu.vector_load %arg12[%swap3A_766] {strides = array<i32>} : memref<192xi32, #tpu.memory_space<vmem>>, vector<16xi32>,
    tpu.vector_store %arg12[%swap3A_766], %gather3A_765 {strides = array<i32>} : memref<192xi32, #tpu.memory_space<vmem>>, vector<16xi32>,
    %shift_right_logical3A_768 = arith.constant 2 : i32
    %shift_right_logical3A_769 = vector.broadcast %shift_right_logical3A_768 : i32 to vector<16xi32>
    %shift_right_logical3A_770 = arith.shrui %iota3A, %shift_right_logical3A_769 : vector<16xi32>
    %add3A_771 = arith.constant 16 : i32
    %add3A_772 = vector.broadcast %add3A_771 : i32 to vector<16xi32>
    %add3A_773 = arith.addi %add3A_772, %shift_right_logical3A_770 : vector<16xi32>
    %gather3A_774 = tpu.vector_load_idx %arg7[%add3A_773] : memref<48xi32, #tpu.memory_space<vmem>>[vector<16xi32>], vector<16xi32>,
    %and3A_775 = arith.constant 31 : i32
    %and3A_776 = vector.broadcast %and3A_775 : i32 to vector<16xi32>
    %and3A_777 = arith.andi %gather3A_774, %and3A_776 : vector<16xi32>
    %shift_left3A_778 = arith.constant 2 : i32
    %shift_left3A_779 = vector.broadcast %shift_left3A_778 : i32 to vector<16xi32>
    %shift_left3A_780 = arith.shli %and3A_777, %shift_left3A_779 : vector<16xi32>
    %and3A_781 = arith.constant 3 : i32
    %and3A_782 = vector.broadcast %and3A_781 : i32 to vector<16xi32>
    %and3A_783 = arith.andi %iota3A, %and3A_782 : vector<16xi32>
    %or3A_784 = arith.ori %shift_left3A_780, %and3A_783 : vector<16xi32>
    %gather3A_785 = tpu.vector_load_idx %arg10[%add3A_773, %or3A_784] : memref<48x128xi32, #tpu.memory_space<vmem>>[vector<16xi32>, vector<16xi32>], vector<16xi32>,
    %swap3A_786 = arith.constant 64 : index
    %swap3A_787 = tpu.vector_load %arg12[%swap3A_786] {strides = array<i32>} : memref<192xi32, #tpu.memory_space<vmem>>, vector<16xi32>,
    tpu.vector_store %arg12[%swap3A_786], %gather3A_785 {strides = array<i32>} : memref<192xi32, #tpu.memory_space<vmem>>, vector<16xi32>,
    %shift_right_logical3A_788 = arith.constant 2 : i32
    %shift_right_logical3A_789 = vector.broadcast %shift_right_logical3A_788 : i32 to vector<16xi32>
    %shift_right_logical3A_790 = arith.shrui %iota3A, %shift_right_logical3A_789 : vector<16xi32>
    %add3A_791 = arith.constant 20 : i32
    %add3A_792 = vector.broadcast %add3A_791 : i32 to vector<16xi32>
    %add3A_793 = arith.addi %add3A_792, %shift_right_logical3A_790 : vector<16xi32>
    %gather3A_794 = tpu.vector_load_idx %arg7[%add3A_793] : memref<48xi32, #tpu.memory_space<vmem>>[vector<16xi32>], vector<16xi32>,
    %and3A_795 = arith.constant 31 : i32
    %and3A_796 = vector.broadcast %and3A_795 : i32 to vector<16xi32>
    %and3A_797 = arith.andi %gather3A_794, %and3A_796 : vector<16xi32>
    %shift_left3A_798 = arith.constant 2 : i32
    %shift_left3A_799 = vector.broadcast %shift_left3A_798 : i32 to vector<16xi32>
    %shift_left3A_800 = arith.shli %and3A_797, %shift_left3A_799 : vector<16xi32>
    %and3A_801 = arith.constant 3 : i32
    %and3A_802 = vector.broadcast %and3A_801 : i32 to vector<16xi32>
    %and3A_803 = arith.andi %iota3A, %and3A_802 : vector<16xi32>
    %or3A_804 = arith.ori %shift_left3A_800, %and3A_803 : vector<16xi32>
    %gather3A_805 = tpu.vector_load_idx %arg10[%add3A_793, %or3A_804] : memref<48x128xi32, #tpu.memory_space<vmem>>[vector<16xi32>, vector<16xi32>], vector<16xi32>,
    %swap3A_806 = arith.constant 80 : index
    %swap3A_807 = tpu.vector_load %arg12[%swap3A_806] {strides = array<i32>} : memref<192xi32, #tpu.memory_space<vmem>>, vector<16xi32>,
    tpu.vector_store %arg12[%swap3A_806], %gather3A_805 {strides = array<i32>} : memref<192xi32, #tpu.memory_space<vmem>>, vector<16xi32>,
    %shift_right_logical3A_808 = arith.constant 2 : i32
    %shift_right_logical3A_809 = vector.broadcast %shift_right_logical3A_808 : i32 to vector<16xi32>
    %shift_right_logical3A_810 = arith.shrui %iota3A, %shift_right_logical3A_809 : vector<16xi32>
    %add3A_811 = arith.constant 24 : i32
    %add3A_812 = vector.broadcast %add3A_811 : i32 to vector<16xi32>
    %add3A_813 = arith.addi %add3A_812, %shift_right_logical3A_810 : vector<16xi32>
    %gather3A_814 = tpu.vector_load_idx %arg7[%add3A_813] : memref<48xi32, #tpu.memory_space<vmem>>[vector<16xi32>], vector<16xi32>,
    %and3A_815 = arith.constant 31 : i32
    %and3A_816 = vector.broadcast %and3A_815 : i32 to vector<16xi32>
    %and3A_817 = arith.andi %gather3A_814, %and3A_816 : vector<16xi32>
    %shift_left3A_818 = arith.constant 2 : i32
    %shift_left3A_819 = vector.broadcast %shift_left3A_818 : i32 to vector<16xi32>
    %shift_left3A_820 = arith.shli %and3A_817, %shift_left3A_819 : vector<16xi32>
    %and3A_821 = arith.constant 3 : i32
    %and3A_822 = vector.broadcast %and3A_821 : i32 to vector<16xi32>
    %and3A_823 = arith.andi %iota3A, %and3A_822 : vector<16xi32>
    %or3A_824 = arith.ori %shift_left3A_820, %and3A_823 : vector<16xi32>
    %gather3A_825 = tpu.vector_load_idx %arg10[%add3A_813, %or3A_824] : memref<48x128xi32, #tpu.memory_space<vmem>>[vector<16xi32>, vector<16xi32>], vector<16xi32>,
    %swap3A_826 = arith.constant 96 : index
    %swap3A_827 = tpu.vector_load %arg12[%swap3A_826] {strides = array<i32>} : memref<192xi32, #tpu.memory_space<vmem>>, vector<16xi32>,
    tpu.vector_store %arg12[%swap3A_826], %gather3A_825 {strides = array<i32>} : memref<192xi32, #tpu.memory_space<vmem>>, vector<16xi32>,
    %shift_right_logical3A_828 = arith.constant 2 : i32
    %shift_right_logical3A_829 = vector.broadcast %shift_right_logical3A_828 : i32 to vector<16xi32>
    %shift_right_logical3A_830 = arith.shrui %iota3A, %shift_right_logical3A_829 : vector<16xi32>
    %add3A_831 = arith.constant 28 : i32
    %add3A_832 = vector.broadcast %add3A_831 : i32 to vector<16xi32>
    %add3A_833 = arith.addi %add3A_832, %shift_right_logical3A_830 : vector<16xi32>
    %gather3A_834 = tpu.vector_load_idx %arg7[%add3A_833] : memref<48xi32, #tpu.memory_space<vmem>>[vector<16xi32>], vector<16xi32>,
    %and3A_835 = arith.constant 31 : i32
    %and3A_836 = vector.broadcast %and3A_835 : i32 to vector<16xi32>
    %and3A_837 = arith.andi %gather3A_834, %and3A_836 : vector<16xi32>
    %shift_left3A_838 = arith.constant 2 : i32
    %shift_left3A_839 = vector.broadcast %shift_left3A_838 : i32 to vector<16xi32>
    %shift_left3A_840 = arith.shli %and3A_837, %shift_left3A_839 : vector<16xi32>
    %and3A_841 = arith.constant 3 : i32
    %and3A_842 = vector.broadcast %and3A_841 : i32 to vector<16xi32>
    %and3A_843 = arith.andi %iota3A, %and3A_842 : vector<16xi32>
    %or3A_844 = arith.ori %shift_left3A_840, %and3A_843 : vector<16xi32>
    %gather3A_845 = tpu.vector_load_idx %arg10[%add3A_833, %or3A_844] : memref<48x128xi32, #tpu.memory_space<vmem>>[vector<16xi32>, vector<16xi32>], vector<16xi32>,
    %swap3A_846 = arith.constant 112 : index
    %swap3A_847 = tpu.vector_load %arg12[%swap3A_846] {strides = array<i32>} : memref<192xi32, #tpu.memory_space<vmem>>, vector<16xi32>,
    tpu.vector_store %arg12[%swap3A_846], %gather3A_845 {strides = array<i32>} : memref<192xi32, #tpu.memory_space<vmem>>, vector<16xi32>,
    %shift_right_logical3A_848 = arith.constant 2 : i32
    %shift_right_logical3A_849 = vector.broadcast %shift_right_logical3A_848 : i32 to vector<16xi32>
    %shift_right_logical3A_850 = arith.shrui %iota3A, %shift_right_logical3A_849 : vector<16xi32>
    %add3A_851 = arith.constant 32 : i32
    %add3A_852 = vector.broadcast %add3A_851 : i32 to vector<16xi32>
    %add3A_853 = arith.addi %add3A_852, %shift_right_logical3A_850 : vector<16xi32>
    %gather3A_854 = tpu.vector_load_idx %arg7[%add3A_853] : memref<48xi32, #tpu.memory_space<vmem>>[vector<16xi32>], vector<16xi32>,
    %and3A_855 = arith.constant 31 : i32
    %and3A_856 = vector.broadcast %and3A_855 : i32 to vector<16xi32>
    %and3A_857 = arith.andi %gather3A_854, %and3A_856 : vector<16xi32>
    %shift_left3A_858 = arith.constant 2 : i32
    %shift_left3A_859 = vector.broadcast %shift_left3A_858 : i32 to vector<16xi32>
    %shift_left3A_860 = arith.shli %and3A_857, %shift_left3A_859 : vector<16xi32>
    %and3A_861 = arith.constant 3 : i32
    %and3A_862 = vector.broadcast %and3A_861 : i32 to vector<16xi32>
    %and3A_863 = arith.andi %iota3A, %and3A_862 : vector<16xi32>
    %or3A_864 = arith.ori %shift_left3A_860, %and3A_863 : vector<16xi32>
    %gather3A_865 = tpu.vector_load_idx %arg10[%add3A_853, %or3A_864] : memref<48x128xi32, #tpu.memory_space<vmem>>[vector<16xi32>, vector<16xi32>], vector<16xi32>,
    %swap3A_866 = arith.constant 128 : index
    %swap3A_867 = tpu.vector_load %arg12[%swap3A_866] {strides = array<i32>} : memref<192xi32, #tpu.memory_space<vmem>>, vector<16xi32>,
    tpu.vector_store %arg12[%swap3A_866], %gather3A_865 {strides = array<i32>} : memref<192xi32, #tpu.memory_space<vmem>>, vector<16xi32>,
    %shift_right_logical3A_868 = arith.constant 2 : i32
    %shift_right_logical3A_869 = vector.broadcast %shift_right_logical3A_868 : i32 to vector<16xi32>
    %shift_right_logical3A_870 = arith.shrui %iota3A, %shift_right_logical3A_869 : vector<16xi32>
    %add3A_871 = arith.constant 36 : i32
    %add3A_872 = vector.broadcast %add3A_871 : i32 to vector<16xi32>
    %add3A_873 = arith.addi %add3A_872, %shift_right_logical3A_870 : vector<16xi32>
    %gather3A_874 = tpu.vector_load_idx %arg7[%add3A_873] : memref<48xi32, #tpu.memory_space<vmem>>[vector<16xi32>], vector<16xi32>,
    %and3A_875 = arith.constant 31 : i32
    %and3A_876 = vector.broadcast %and3A_875 : i32 to vector<16xi32>
    %and3A_877 = arith.andi %gather3A_874, %and3A_876 : vector<16xi32>
    %shift_left3A_878 = arith.constant 2 : i32
    %shift_left3A_879 = vector.broadcast %shift_left3A_878 : i32 to vector<16xi32>
    %shift_left3A_880 = arith.shli %and3A_877, %shift_left3A_879 : vector<16xi32>
    %and3A_881 = arith.constant 3 : i32
    %and3A_882 = vector.broadcast %and3A_881 : i32 to vector<16xi32>
    %and3A_883 = arith.andi %iota3A, %and3A_882 : vector<16xi32>
    %or3A_884 = arith.ori %shift_left3A_880, %and3A_883 : vector<16xi32>
    %gather3A_885 = tpu.vector_load_idx %arg10[%add3A_873, %or3A_884] : memref<48x128xi32, #tpu.memory_space<vmem>>[vector<16xi32>, vector<16xi32>], vector<16xi32>,
    %swap3A_886 = arith.constant 144 : index
    %swap3A_887 = tpu.vector_load %arg12[%swap3A_886] {strides = array<i32>} : memref<192xi32, #tpu.memory_space<vmem>>, vector<16xi32>,
    tpu.vector_store %arg12[%swap3A_886], %gather3A_885 {strides = array<i32>} : memref<192xi32, #tpu.memory_space<vmem>>, vector<16xi32>,
    %shift_right_logical3A_888 = arith.constant 2 : i32
    %shift_right_logical3A_889 = vector.broadcast %shift_right_logical3A_888 : i32 to vector<16xi32>
    %shift_right_logical3A_890 = arith.shrui %iota3A, %shift_right_logical3A_889 : vector<16xi32>
    %add3A_891 = arith.constant 40 : i32
    %add3A_892 = vector.broadcast %add3A_891 : i32 to vector<16xi32>
    %add3A_893 = arith.addi %add3A_892, %shift_right_logical3A_890 : vector<16xi32>
    %gather3A_894 = tpu.vector_load_idx %arg7[%add3A_893] : memref<48xi32, #tpu.memory_space<vmem>>[vector<16xi32>], vector<16xi32>,
    %and3A_895 = arith.constant 31 : i32
    %and3A_896 = vector.broadcast %and3A_895 : i32 to vector<16xi32>
    %and3A_897 = arith.andi %gather3A_894, %and3A_896 : vector<16xi32>
    %shift_left3A_898 = arith.constant 2 : i32
    %shift_left3A_899 = vector.broadcast %shift_left3A_898 : i32 to vector<16xi32>
    %shift_left3A_900 = arith.shli %and3A_897, %shift_left3A_899 : vector<16xi32>
    %and3A_901 = arith.constant 3 : i32
    %and3A_902 = vector.broadcast %and3A_901 : i32 to vector<16xi32>
    %and3A_903 = arith.andi %iota3A, %and3A_902 : vector<16xi32>
    %or3A_904 = arith.ori %shift_left3A_900, %and3A_903 : vector<16xi32>
    %gather3A_905 = tpu.vector_load_idx %arg10[%add3A_893, %or3A_904] : memref<48x128xi32, #tpu.memory_space<vmem>>[vector<16xi32>, vector<16xi32>], vector<16xi32>,
    %swap3A_906 = arith.constant 160 : index
    %swap3A_907 = tpu.vector_load %arg12[%swap3A_906] {strides = array<i32>} : memref<192xi32, #tpu.memory_space<vmem>>, vector<16xi32>,
    tpu.vector_store %arg12[%swap3A_906], %gather3A_905 {strides = array<i32>} : memref<192xi32, #tpu.memory_space<vmem>>, vector<16xi32>,
    %shift_right_logical3A_908 = arith.constant 2 : i32
    %shift_right_logical3A_909 = vector.broadcast %shift_right_logical3A_908 : i32 to vector<16xi32>
    %shift_right_logical3A_910 = arith.shrui %iota3A, %shift_right_logical3A_909 : vector<16xi32>
    %add3A_911 = arith.constant 44 : i32
    %add3A_912 = vector.broadcast %add3A_911 : i32 to vector<16xi32>
    %add3A_913 = arith.addi %add3A_912, %shift_right_logical3A_910 : vector<16xi32>
    %gather3A_914 = tpu.vector_load_idx %arg7[%add3A_913] : memref<48xi32, #tpu.memory_space<vmem>>[vector<16xi32>], vector<16xi32>,
    %and3A_915 = arith.constant 31 : i32
    %and3A_916 = vector.broadcast %and3A_915 : i32 to vector<16xi32>
    %and3A_917 = arith.andi %gather3A_914, %and3A_916 : vector<16xi32>
    %shift_left3A_918 = arith.constant 2 : i32
    %shift_left3A_919 = vector.broadcast %shift_left3A_918 : i32 to vector<16xi32>
    %shift_left3A_920 = arith.shli %and3A_917, %shift_left3A_919 : vector<16xi32>
    %and3A_921 = arith.constant 3 : i32
    %and3A_922 = vector.broadcast %and3A_921 : i32 to vector<16xi32>
    %and3A_923 = arith.andi %iota3A, %and3A_922 : vector<16xi32>
    %or3A_924 = arith.ori %shift_left3A_920, %and3A_923 : vector<16xi32>
    %gather3A_925 = tpu.vector_load_idx %arg10[%add3A_913, %or3A_924] : memref<48x128xi32, #tpu.memory_space<vmem>>[vector<16xi32>, vector<16xi32>], vector<16xi32>,
    %swap3A_926 = arith.constant 176 : index
    %swap3A_927 = tpu.vector_load %arg12[%swap3A_926] {strides = array<i32>} : memref<192xi32, #tpu.memory_space<vmem>>, vector<16xi32>,
    tpu.vector_store %arg12[%swap3A_926], %gather3A_925 {strides = array<i32>} : memref<192xi32, #tpu.memory_space<vmem>>, vector<16xi32>,
    %add3A_928 = arith.constant 0 : i32
    %add3A_929 = vector.broadcast %add3A_928 : i32 to vector<16xi32>
    %add3A_930 = arith.addi %add3A_929, %iota3A : vector<16xi32>
    %gather3A_931 = tpu.vector_load_idx %arg7[%add3A_930] : memref<48xi32, #tpu.memory_space<vmem>>[vector<16xi32>], vector<16xi32>,
    %and3A_932 = arith.constant 127 : i32
    %and3A_933 = vector.broadcast %and3A_932 : i32 to vector<16xi32>
    %and3A_934 = arith.andi %gather3A_931, %and3A_933 : vector<16xi32>
    %gather3A_935 = tpu.vector_load_idx %arg11[%add3A_930, %and3A_934] : memref<48x128xf32, #tpu.memory_space<vmem>>[vector<16xi32>, vector<16xi32>], vector<16xf32>,
    %swap3A_936 = arith.constant 0 : index
    %swap3A_937 = tpu.vector_load %arg13[%swap3A_936] {strides = array<i32>} : memref<48xf32, #tpu.memory_space<vmem>>, vector<16xf32>,
    tpu.vector_store %arg13[%swap3A_936], %gather3A_935 {strides = array<i32>} : memref<48xf32, #tpu.memory_space<vmem>>, vector<16xf32>,
    %add3A_938 = arith.constant 16 : i32
    %add3A_939 = vector.broadcast %add3A_938 : i32 to vector<16xi32>
    %add3A_940 = arith.addi %add3A_939, %iota3A : vector<16xi32>
    %gather3A_941 = tpu.vector_load_idx %arg7[%add3A_940] : memref<48xi32, #tpu.memory_space<vmem>>[vector<16xi32>], vector<16xi32>,
    %and3A_942 = arith.constant 127 : i32
    %and3A_943 = vector.broadcast %and3A_942 : i32 to vector<16xi32>
    %and3A_944 = arith.andi %gather3A_941, %and3A_943 : vector<16xi32>
    %gather3A_945 = tpu.vector_load_idx %arg11[%add3A_940, %and3A_944] : memref<48x128xf32, #tpu.memory_space<vmem>>[vector<16xi32>, vector<16xi32>], vector<16xf32>,
    %swap3A_946 = arith.constant 16 : index
    %swap3A_947 = tpu.vector_load %arg13[%swap3A_946] {strides = array<i32>} : memref<48xf32, #tpu.memory_space<vmem>>, vector<16xf32>,
    tpu.vector_store %arg13[%swap3A_946], %gather3A_945 {strides = array<i32>} : memref<48xf32, #tpu.memory_space<vmem>>, vector<16xf32>,
    %add3A_948 = arith.constant 32 : i32
    %add3A_949 = vector.broadcast %add3A_948 : i32 to vector<16xi32>
    %add3A_950 = arith.addi %add3A_949, %iota3A : vector<16xi32>
    %gather3A_951 = tpu.vector_load_idx %arg7[%add3A_950] : memref<48xi32, #tpu.memory_space<vmem>>[vector<16xi32>], vector<16xi32>,
    %and3A_952 = arith.constant 127 : i32
    %and3A_953 = vector.broadcast %and3A_952 : i32 to vector<16xi32>
    %and3A_954 = arith.andi %gather3A_951, %and3A_953 : vector<16xi32>
    %gather3A_955 = tpu.vector_load_idx %arg11[%add3A_950, %and3A_954] : memref<48x128xf32, #tpu.memory_space<vmem>>[vector<16xi32>, vector<16xi32>], vector<16xf32>,
    %swap3A_956 = arith.constant 32 : index
    %swap3A_957 = tpu.vector_load %arg13[%swap3A_956] {strides = array<i32>} : memref<48xf32, #tpu.memory_space<vmem>>, vector<16xf32>,
    tpu.vector_store %arg13[%swap3A_956], %gather3A_955 {strides = array<i32>} : memref<48xf32, #tpu.memory_space<vmem>>, vector<16xf32>,
    %mul3A_958 = arith.constant 4 : i32
    %mul3A_959 = arith.muli %add3A_639, %mul3A_958 : i32
    "tpu.region"() ({
      %run_scoped3A = tpu.sem_alloc : memref<!tpu.dma_semaphore, #tpu.memory_space<semaphore_mem>>
      %dma_start3A_3536 = tpu.memref_slice %arg5[%mul3A_959] : memref<67584xi32, #tpu.memory_space<hbm>> -> memref<192xi32, #tpu.memory_space<hbm>>
      %dma_start3A_3537 = tpu.memref_slice %arg5[%mul3A_959] : memref<67584xi32, #tpu.memory_space<hbm>> -> memref<192xi32, #tpu.memory_space<hbm>>
      tpu.enqueue_dma source(%arg12 : memref<192xi32, #tpu.memory_space<vmem>>) target(%dma_start3A_3537 : memref<192xi32, #tpu.memory_space<hbm>>) target_semaphore(%run_scoped3A : memref<!tpu.dma_semaphore, #tpu.memory_space<semaphore_mem>>)
      %dma_wait3A_3538 = tpu.memref_slice %arg5[%mul3A_959] : memref<67584xi32, #tpu.memory_space<hbm>> -> memref<192xi32, #tpu.memory_space<hbm>>
      %dma_wait3A_3539 = tpu.memref_slice %arg5[%mul3A_959] : memref<67584xi32, #tpu.memory_space<hbm>> -> memref<192xi32, #tpu.memory_space<hbm>>
      tpu.wait_dma2 semaphore(%run_scoped3A : memref<!tpu.dma_semaphore, #tpu.memory_space<semaphore_mem>>) src(%arg12 : memref<192xi32, #tpu.memory_space<vmem>>) dst(%dma_wait3A_3539 : memref<192xi32, #tpu.memory_space<hbm>>)
      tpu.yield
    }) : () -> ()
    "tpu.region"() ({
      %run_scoped3A = tpu.sem_alloc : memref<!tpu.dma_semaphore, #tpu.memory_space<semaphore_mem>>
      %dma_start3A_3536 = tpu.memref_slice %arg6[%add3A_639] : memref<16896xf32, #tpu.memory_space<hbm>> -> memref<48xf32, #tpu.memory_space<hbm>>
      %dma_start3A_3537 = tpu.memref_slice %arg6[%add3A_639] : memref<16896xf32, #tpu.memory_space<hbm>> -> memref<48xf32, #tpu.memory_space<hbm>>
      tpu.enqueue_dma source(%arg13 : memref<48xf32, #tpu.memory_space<vmem>>) target(%dma_start3A_3537 : memref<48xf32, #tpu.memory_space<hbm>>) target_semaphore(%run_scoped3A : memref<!tpu.dma_semaphore, #tpu.memory_space<semaphore_mem>>)
      %dma_wait3A_3538 = tpu.memref_slice %arg6[%add3A_639] : memref<16896xf32, #tpu.memory_space<hbm>> -> memref<48xf32, #tpu.memory_space<hbm>>
      %dma_wait3A_3539 = tpu.memref_slice %arg6[%add3A_639] : memref<16896xf32, #tpu.memory_space<hbm>> -> memref<48xf32, #tpu.memory_space<hbm>>
      tpu.wait_dma2 semaphore(%run_scoped3A : memref<!tpu.dma_semaphore, #tpu.memory_space<semaphore_mem>>) src(%arg13 : memref<48xf32, #tpu.memory_space<vmem>>) dst(%dma_wait3A_3539 : memref<48xf32, #tpu.memory_space<hbm>>)
      tpu.yield
    }) : () -> ()
    %add3A_960 = arith.constant 144 : i32
    %add3A_961 = arith.addi %mul3A_2, %add3A_960 : i32
    "tpu.region"() ({
      %run_scoped3A = tpu.sem_alloc : memref<!tpu.dma_semaphore, #tpu.memory_space<semaphore_mem>>
      %dma_start3A_3536 = tpu.memref_slice %arg4[%add3A_961] : memref<16896xi32, #tpu.memory_space<hbm>> -> memref<48xi32, #tpu.memory_space<hbm>>
      %dma_start3A_3537 = tpu.memref_slice %arg4[%add3A_961] : memref<16896xi32, #tpu.memory_space<hbm>> -> memref<48xi32, #tpu.memory_space<hbm>>
      tpu.enqueue_dma source(%dma_start3A_3537 : memref<48xi32, #tpu.memory_space<hbm>>) target(%arg7 : memref<48xi32, #tpu.memory_space<vmem>>) target_semaphore(%run_scoped3A : memref<!tpu.dma_semaphore, #tpu.memory_space<semaphore_mem>>)
      %dma_wait3A_3538 = tpu.memref_slice %arg4[%add3A_961] : memref<16896xi32, #tpu.memory_space<hbm>> -> memref<48xi32, #tpu.memory_space<hbm>>
      %dma_wait3A_3539 = tpu.memref_slice %arg4[%add3A_961] : memref<16896xi32, #tpu.memory_space<hbm>> -> memref<48xi32, #tpu.memory_space<hbm>>
      tpu.wait_dma2 semaphore(%run_scoped3A : memref<!tpu.dma_semaphore, #tpu.memory_space<semaphore_mem>>) src(%dma_wait3A_3539 : memref<48xi32, #tpu.memory_space<hbm>>) dst(%arg7 : memref<48xi32, #tpu.memory_space<vmem>>)
      tpu.yield
    }) : () -> ()
    %get3A_962 = arith.constant 0 : index
    %get3A_963 = tpu.vector_load %arg7[%get3A_962] {strides = array<i32>} : memref<48xi32, #tpu.memory_space<vmem>>, vector<16xi32>,
    %shift_right_logical3A_964 = arith.constant 5 : i32
    %shift_right_logical3A_965 = vector.broadcast %shift_right_logical3A_964 : i32 to vector<16xi32>
    %shift_right_logical3A_966 = arith.shrui %get3A_963, %shift_right_logical3A_965 : vector<16xi32>
    %swap3A_967 = arith.constant 0 : index
    %swap3A_968 = tpu.vector_load %arg8[%swap3A_967] {strides = array<i32>} : memref<48xi32, #tpu.memory_space<vmem>>, vector<16xi32>,
    tpu.vector_store %arg8[%swap3A_967], %shift_right_logical3A_966 {strides = array<i32>} : memref<48xi32, #tpu.memory_space<vmem>>, vector<16xi32>,
    %shift_right_logical3A_969 = arith.constant 7 : i32
    %shift_right_logical3A_970 = vector.broadcast %shift_right_logical3A_969 : i32 to vector<16xi32>
    %shift_right_logical3A_971 = arith.shrui %get3A_963, %shift_right_logical3A_970 : vector<16xi32>
    %swap3A_972 = arith.constant 0 : index
    %swap3A_973 = tpu.vector_load %arg9[%swap3A_972] {strides = array<i32>} : memref<48xi32, #tpu.memory_space<vmem>>, vector<16xi32>,
    tpu.vector_store %arg9[%swap3A_972], %shift_right_logical3A_971 {strides = array<i32>} : memref<48xi32, #tpu.memory_space<vmem>>, vector<16xi32>,
    %get3A_974 = arith.constant 16 : index
    %get3A_975 = tpu.vector_load %arg7[%get3A_974] {strides = array<i32>} : memref<48xi32, #tpu.memory_space<vmem>>, vector<16xi32>,
    %shift_right_logical3A_976 = arith.constant 5 : i32
    %shift_right_logical3A_977 = vector.broadcast %shift_right_logical3A_976 : i32 to vector<16xi32>
    %shift_right_logical3A_978 = arith.shrui %get3A_975, %shift_right_logical3A_977 : vector<16xi32>
    %swap3A_979 = arith.constant 16 : index
    %swap3A_980 = tpu.vector_load %arg8[%swap3A_979] {strides = array<i32>} : memref<48xi32, #tpu.memory_space<vmem>>, vector<16xi32>,
    tpu.vector_store %arg8[%swap3A_979], %shift_right_logical3A_978 {strides = array<i32>} : memref<48xi32, #tpu.memory_space<vmem>>, vector<16xi32>,
    %shift_right_logical3A_981 = arith.constant 7 : i32
    %shift_right_logical3A_982 = vector.broadcast %shift_right_logical3A_981 : i32 to vector<16xi32>
    %shift_right_logical3A_983 = arith.shrui %get3A_975, %shift_right_logical3A_982 : vector<16xi32>
    %swap3A_984 = arith.constant 16 : index
    %swap3A_985 = tpu.vector_load %arg9[%swap3A_984] {strides = array<i32>} : memref<48xi32, #tpu.memory_space<vmem>>, vector<16xi32>,
    tpu.vector_store %arg9[%swap3A_984], %shift_right_logical3A_983 {strides = array<i32>} : memref<48xi32, #tpu.memory_space<vmem>>, vector<16xi32>,
    %get3A_986 = arith.constant 32 : index
    %get3A_987 = tpu.vector_load %arg7[%get3A_986] {strides = array<i32>} : memref<48xi32, #tpu.memory_space<vmem>>, vector<16xi32>,
    %shift_right_logical3A_988 = arith.constant 5 : i32
    %shift_right_logical3A_989 = vector.broadcast %shift_right_logical3A_988 : i32 to vector<16xi32>
    %shift_right_logical3A_990 = arith.shrui %get3A_987, %shift_right_logical3A_989 : vector<16xi32>
    %swap3A_991 = arith.constant 32 : index
    %swap3A_992 = tpu.vector_load %arg8[%swap3A_991] {strides = array<i32>} : memref<48xi32, #tpu.memory_space<vmem>>, vector<16xi32>,
    tpu.vector_store %arg8[%swap3A_991], %shift_right_logical3A_990 {strides = array<i32>} : memref<48xi32, #tpu.memory_space<vmem>>, vector<16xi32>,
    %shift_right_logical3A_993 = arith.constant 7 : i32
    %shift_right_logical3A_994 = vector.broadcast %shift_right_logical3A_993 : i32 to vector<16xi32>
    %shift_right_logical3A_995 = arith.shrui %get3A_987, %shift_right_logical3A_994 : vector<16xi32>
    %swap3A_996 = arith.constant 32 : index
    %swap3A_997 = tpu.vector_load %arg9[%swap3A_996] {strides = array<i32>} : memref<48xi32, #tpu.memory_space<vmem>>, vector<16xi32>,
    tpu.vector_store %arg9[%swap3A_996], %shift_right_logical3A_995 {strides = array<i32>} : memref<48xi32, #tpu.memory_space<vmem>>, vector<16xi32>,
    %dma_start3A_998 = arith.constant 0 : i32
    %dma_start3A_999 = arith.constant 0 : i32
    %dma_start3A_1000 = tpu.memref_slice %arg2[%dma_start3A_998, %dma_start3A_999] : memref<3125x128xi32, #tpu.memory_space<hbm>> -> memref<3125x128xi32, #tpu.memory_space<hbm>>
    tpu.enqueue_indirect_dma source(%dma_start3A_1000 : memref<3125x128xi32, #tpu.memory_space<hbm>>) target(%arg10 : memref<48x128xi32, #tpu.memory_space<vmem>>) offsets(%arg8 : memref<48xi32, #tpu.memory_space<vmem>>) semaphore(%arg14 : memref<!tpu.dma_semaphore, #tpu.memory_space<semaphore_mem>>)
    %dma_start3A_1001 = arith.constant 0 : i32
    %dma_start3A_1002 = arith.constant 0 : i32
    %dma_start3A_1003 = tpu.memref_slice %arg3[%dma_start3A_1001, %dma_start3A_1002] : memref<782x128xf32, #tpu.memory_space<hbm>> -> memref<782x128xf32, #tpu.memory_space<hbm>>
    tpu.enqueue_indirect_dma source(%dma_start3A_1003 : memref<782x128xf32, #tpu.memory_space<hbm>>) target(%arg11 : memref<48x128xf32, #tpu.memory_space<vmem>>) offsets(%arg9 : memref<48xi32, #tpu.memory_space<vmem>>) semaphore(%arg15 : memref<!tpu.dma_semaphore, #tpu.memory_space<semaphore_mem>>)
    %dma_wait3A_1004 = arith.constant 0 : i32
    %dma_wait3A_1005 = arith.constant 0 : i32
    %dma_wait3A_1006 = tpu.memref_slice %arg2[%dma_wait3A_1004, %dma_wait3A_1005] : memref<3125x128xi32, #tpu.memory_space<hbm>> -> memref<3125x128xi32, #tpu.memory_space<hbm>>
    tpu.wait_indirect_dma semaphore(%arg14 : memref<!tpu.dma_semaphore, #tpu.memory_space<semaphore_mem>>) src(%dma_wait3A_1006 : memref<3125x128xi32, #tpu.memory_space<hbm>>) dst(%arg10 : memref<48x128xi32, #tpu.memory_space<vmem>>)
    %dma_wait3A_1007 = arith.constant 0 : i32
    %dma_wait3A_1008 = arith.constant 0 : i32
    %dma_wait3A_1009 = tpu.memref_slice %arg3[%dma_wait3A_1007, %dma_wait3A_1008] : memref<782x128xf32, #tpu.memory_space<hbm>> -> memref<782x128xf32, #tpu.memory_space<hbm>>
    tpu.wait_indirect_dma semaphore(%arg15 : memref<!tpu.dma_semaphore, #tpu.memory_space<semaphore_mem>>) src(%dma_wait3A_1009 : memref<782x128xf32, #tpu.memory_space<hbm>>) dst(%arg11 : memref<48x128xf32, #tpu.memory_space<vmem>>)
    %shift_right_logical3A_1010 = arith.constant 2 : i32
    %shift_right_logical3A_1011 = vector.broadcast %shift_right_logical3A_1010 : i32 to vector<16xi32>
    %shift_right_logical3A_1012 = arith.shrui %iota3A, %shift_right_logical3A_1011 : vector<16xi32>
    %add3A_1013 = arith.constant 0 : i32
    %add3A_1014 = vector.broadcast %add3A_1013 : i32 to vector<16xi32>
    %add3A_1015 = arith.addi %add3A_1014, %shift_right_logical3A_1012 : vector<16xi32>
    %gather3A_1016 = tpu.vector_load_idx %arg7[%add3A_1015] : memref<48xi32, #tpu.memory_space<vmem>>[vector<16xi32>], vector<16xi32>,
    %and3A_1017 = arith.constant 31 : i32
    %and3A_1018 = vector.broadcast %and3A_1017 : i32 to vector<16xi32>
    %and3A_1019 = arith.andi %gather3A_1016, %and3A_1018 : vector<16xi32>
    %shift_left3A_1020 = arith.constant 2 : i32
    %shift_left3A_1021 = vector.broadcast %shift_left3A_1020 : i32 to vector<16xi32>
    %shift_left3A_1022 = arith.shli %and3A_1019, %shift_left3A_1021 : vector<16xi32>
    %and3A_1023 = arith.constant 3 : i32
    %and3A_1024 = vector.broadcast %and3A_1023 : i32 to vector<16xi32>
    %and3A_1025 = arith.andi %iota3A, %and3A_1024 : vector<16xi32>
    %or3A_1026 = arith.ori %shift_left3A_1022, %and3A_1025 : vector<16xi32>
    %gather3A_1027 = tpu.vector_load_idx %arg10[%add3A_1015, %or3A_1026] : memref<48x128xi32, #tpu.memory_space<vmem>>[vector<16xi32>, vector<16xi32>], vector<16xi32>,
    %swap3A_1028 = arith.constant 0 : index
    %swap3A_1029 = tpu.vector_load %arg12[%swap3A_1028] {strides = array<i32>} : memref<192xi32, #tpu.memory_space<vmem>>, vector<16xi32>,
    tpu.vector_store %arg12[%swap3A_1028], %gather3A_1027 {strides = array<i32>} : memref<192xi32, #tpu.memory_space<vmem>>, vector<16xi32>,
    %shift_right_logical3A_1030 = arith.constant 2 : i32
    %shift_right_logical3A_1031 = vector.broadcast %shift_right_logical3A_1030 : i32 to vector<16xi32>
    %shift_right_logical3A_1032 = arith.shrui %iota3A, %shift_right_logical3A_1031 : vector<16xi32>
    %add3A_1033 = arith.constant 4 : i32
    %add3A_1034 = vector.broadcast %add3A_1033 : i32 to vector<16xi32>
    %add3A_1035 = arith.addi %add3A_1034, %shift_right_logical3A_1032 : vector<16xi32>
    %gather3A_1036 = tpu.vector_load_idx %arg7[%add3A_1035] : memref<48xi32, #tpu.memory_space<vmem>>[vector<16xi32>], vector<16xi32>,
    %and3A_1037 = arith.constant 31 : i32
    %and3A_1038 = vector.broadcast %and3A_1037 : i32 to vector<16xi32>
    %and3A_1039 = arith.andi %gather3A_1036, %and3A_1038 : vector<16xi32>
    %shift_left3A_1040 = arith.constant 2 : i32
    %shift_left3A_1041 = vector.broadcast %shift_left3A_1040 : i32 to vector<16xi32>
    %shift_left3A_1042 = arith.shli %and3A_1039, %shift_left3A_1041 : vector<16xi32>
    %and3A_1043 = arith.constant 3 : i32
    %and3A_1044 = vector.broadcast %and3A_1043 : i32 to vector<16xi32>
    %and3A_1045 = arith.andi %iota3A, %and3A_1044 : vector<16xi32>
    %or3A_1046 = arith.ori %shift_left3A_1042, %and3A_1045 : vector<16xi32>
    %gather3A_1047 = tpu.vector_load_idx %arg10[%add3A_1035, %or3A_1046] : memref<48x128xi32, #tpu.memory_space<vmem>>[vector<16xi32>, vector<16xi32>], vector<16xi32>,
    %swap3A_1048 = arith.constant 16 : index
    %swap3A_1049 = tpu.vector_load %arg12[%swap3A_1048] {strides = array<i32>} : memref<192xi32, #tpu.memory_space<vmem>>, vector<16xi32>,
    tpu.vector_store %arg12[%swap3A_1048], %gather3A_1047 {strides = array<i32>} : memref<192xi32, #tpu.memory_space<vmem>>, vector<16xi32>,
    %shift_right_logical3A_1050 = arith.constant 2 : i32
    %shift_right_logical3A_1051 = vector.broadcast %shift_right_logical3A_1050 : i32 to vector<16xi32>
    %shift_right_logical3A_1052 = arith.shrui %iota3A, %shift_right_logical3A_1051 : vector<16xi32>
    %add3A_1053 = arith.constant 8 : i32
    %add3A_1054 = vector.broadcast %add3A_1053 : i32 to vector<16xi32>
    %add3A_1055 = arith.addi %add3A_1054, %shift_right_logical3A_1052 : vector<16xi32>
    %gather3A_1056 = tpu.vector_load_idx %arg7[%add3A_1055] : memref<48xi32, #tpu.memory_space<vmem>>[vector<16xi32>], vector<16xi32>,
    %and3A_1057 = arith.constant 31 : i32
    %and3A_1058 = vector.broadcast %and3A_1057 : i32 to vector<16xi32>
    %and3A_1059 = arith.andi %gather3A_1056, %and3A_1058 : vector<16xi32>
    %shift_left3A_1060 = arith.constant 2 : i32
    %shift_left3A_1061 = vector.broadcast %shift_left3A_1060 : i32 to vector<16xi32>
    %shift_left3A_1062 = arith.shli %and3A_1059, %shift_left3A_1061 : vector<16xi32>
    %and3A_1063 = arith.constant 3 : i32
    %and3A_1064 = vector.broadcast %and3A_1063 : i32 to vector<16xi32>
    %and3A_1065 = arith.andi %iota3A, %and3A_1064 : vector<16xi32>
    %or3A_1066 = arith.ori %shift_left3A_1062, %and3A_1065 : vector<16xi32>
    %gather3A_1067 = tpu.vector_load_idx %arg10[%add3A_1055, %or3A_1066] : memref<48x128xi32, #tpu.memory_space<vmem>>[vector<16xi32>, vector<16xi32>], vector<16xi32>,
    %swap3A_1068 = arith.constant 32 : index
    %swap3A_1069 = tpu.vector_load %arg12[%swap3A_1068] {strides = array<i32>} : memref<192xi32, #tpu.memory_space<vmem>>, vector<16xi32>,
    tpu.vector_store %arg12[%swap3A_1068], %gather3A_1067 {strides = array<i32>} : memref<192xi32, #tpu.memory_space<vmem>>, vector<16xi32>,
    %shift_right_logical3A_1070 = arith.constant 2 : i32
    %shift_right_logical3A_1071 = vector.broadcast %shift_right_logical3A_1070 : i32 to vector<16xi32>
    %shift_right_logical3A_1072 = arith.shrui %iota3A, %shift_right_logical3A_1071 : vector<16xi32>
    %add3A_1073 = arith.constant 12 : i32
    %add3A_1074 = vector.broadcast %add3A_1073 : i32 to vector<16xi32>
    %add3A_1075 = arith.addi %add3A_1074, %shift_right_logical3A_1072 : vector<16xi32>
    %gather3A_1076 = tpu.vector_load_idx %arg7[%add3A_1075] : memref<48xi32, #tpu.memory_space<vmem>>[vector<16xi32>], vector<16xi32>,
    %and3A_1077 = arith.constant 31 : i32
    %and3A_1078 = vector.broadcast %and3A_1077 : i32 to vector<16xi32>
    %and3A_1079 = arith.andi %gather3A_1076, %and3A_1078 : vector<16xi32>
    %shift_left3A_1080 = arith.constant 2 : i32
    %shift_left3A_1081 = vector.broadcast %shift_left3A_1080 : i32 to vector<16xi32>
    %shift_left3A_1082 = arith.shli %and3A_1079, %shift_left3A_1081 : vector<16xi32>
    %and3A_1083 = arith.constant 3 : i32
    %and3A_1084 = vector.broadcast %and3A_1083 : i32 to vector<16xi32>
    %and3A_1085 = arith.andi %iota3A, %and3A_1084 : vector<16xi32>
    %or3A_1086 = arith.ori %shift_left3A_1082, %and3A_1085 : vector<16xi32>
    %gather3A_1087 = tpu.vector_load_idx %arg10[%add3A_1075, %or3A_1086] : memref<48x128xi32, #tpu.memory_space<vmem>>[vector<16xi32>, vector<16xi32>], vector<16xi32>,
    %swap3A_1088 = arith.constant 48 : index
    %swap3A_1089 = tpu.vector_load %arg12[%swap3A_1088] {strides = array<i32>} : memref<192xi32, #tpu.memory_space<vmem>>, vector<16xi32>,
    tpu.vector_store %arg12[%swap3A_1088], %gather3A_1087 {strides = array<i32>} : memref<192xi32, #tpu.memory_space<vmem>>, vector<16xi32>,
    %shift_right_logical3A_1090 = arith.constant 2 : i32
    %shift_right_logical3A_1091 = vector.broadcast %shift_right_logical3A_1090 : i32 to vector<16xi32>
    %shift_right_logical3A_1092 = arith.shrui %iota3A, %shift_right_logical3A_1091 : vector<16xi32>
    %add3A_1093 = arith.constant 16 : i32
    %add3A_1094 = vector.broadcast %add3A_1093 : i32 to vector<16xi32>
    %add3A_1095 = arith.addi %add3A_1094, %shift_right_logical3A_1092 : vector<16xi32>
    %gather3A_1096 = tpu.vector_load_idx %arg7[%add3A_1095] : memref<48xi32, #tpu.memory_space<vmem>>[vector<16xi32>], vector<16xi32>,
    %and3A_1097 = arith.constant 31 : i32
    %and3A_1098 = vector.broadcast %and3A_1097 : i32 to vector<16xi32>
    %and3A_1099 = arith.andi %gather3A_1096, %and3A_1098 : vector<16xi32>
    %shift_left3A_1100 = arith.constant 2 : i32
    %shift_left3A_1101 = vector.broadcast %shift_left3A_1100 : i32 to vector<16xi32>
    %shift_left3A_1102 = arith.shli %and3A_1099, %shift_left3A_1101 : vector<16xi32>
    %and3A_1103 = arith.constant 3 : i32
    %and3A_1104 = vector.broadcast %and3A_1103 : i32 to vector<16xi32>
    %and3A_1105 = arith.andi %iota3A, %and3A_1104 : vector<16xi32>
    %or3A_1106 = arith.ori %shift_left3A_1102, %and3A_1105 : vector<16xi32>
    %gather3A_1107 = tpu.vector_load_idx %arg10[%add3A_1095, %or3A_1106] : memref<48x128xi32, #tpu.memory_space<vmem>>[vector<16xi32>, vector<16xi32>], vector<16xi32>,
    %swap3A_1108 = arith.constant 64 : index
    %swap3A_1109 = tpu.vector_load %arg12[%swap3A_1108] {strides = array<i32>} : memref<192xi32, #tpu.memory_space<vmem>>, vector<16xi32>,
    tpu.vector_store %arg12[%swap3A_1108], %gather3A_1107 {strides = array<i32>} : memref<192xi32, #tpu.memory_space<vmem>>, vector<16xi32>,
    %shift_right_logical3A_1110 = arith.constant 2 : i32
    %shift_right_logical3A_1111 = vector.broadcast %shift_right_logical3A_1110 : i32 to vector<16xi32>
    %shift_right_logical3A_1112 = arith.shrui %iota3A, %shift_right_logical3A_1111 : vector<16xi32>
    %add3A_1113 = arith.constant 20 : i32
    %add3A_1114 = vector.broadcast %add3A_1113 : i32 to vector<16xi32>
    %add3A_1115 = arith.addi %add3A_1114, %shift_right_logical3A_1112 : vector<16xi32>
    %gather3A_1116 = tpu.vector_load_idx %arg7[%add3A_1115] : memref<48xi32, #tpu.memory_space<vmem>>[vector<16xi32>], vector<16xi32>,
    %and3A_1117 = arith.constant 31 : i32
    %and3A_1118 = vector.broadcast %and3A_1117 : i32 to vector<16xi32>
    %and3A_1119 = arith.andi %gather3A_1116, %and3A_1118 : vector<16xi32>
    %shift_left3A_1120 = arith.constant 2 : i32
    %shift_left3A_1121 = vector.broadcast %shift_left3A_1120 : i32 to vector<16xi32>
    %shift_left3A_1122 = arith.shli %and3A_1119, %shift_left3A_1121 : vector<16xi32>
    %and3A_1123 = arith.constant 3 : i32
    %and3A_1124 = vector.broadcast %and3A_1123 : i32 to vector<16xi32>
    %and3A_1125 = arith.andi %iota3A, %and3A_1124 : vector<16xi32>
    %or3A_1126 = arith.ori %shift_left3A_1122, %and3A_1125 : vector<16xi32>
    %gather3A_1127 = tpu.vector_load_idx %arg10[%add3A_1115, %or3A_1126] : memref<48x128xi32, #tpu.memory_space<vmem>>[vector<16xi32>, vector<16xi32>], vector<16xi32>,
    %swap3A_1128 = arith.constant 80 : index
    %swap3A_1129 = tpu.vector_load %arg12[%swap3A_1128] {strides = array<i32>} : memref<192xi32, #tpu.memory_space<vmem>>, vector<16xi32>,
    tpu.vector_store %arg12[%swap3A_1128], %gather3A_1127 {strides = array<i32>} : memref<192xi32, #tpu.memory_space<vmem>>, vector<16xi32>,
    %shift_right_logical3A_1130 = arith.constant 2 : i32
    %shift_right_logical3A_1131 = vector.broadcast %shift_right_logical3A_1130 : i32 to vector<16xi32>
    %shift_right_logical3A_1132 = arith.shrui %iota3A, %shift_right_logical3A_1131 : vector<16xi32>
    %add3A_1133 = arith.constant 24 : i32
    %add3A_1134 = vector.broadcast %add3A_1133 : i32 to vector<16xi32>
    %add3A_1135 = arith.addi %add3A_1134, %shift_right_logical3A_1132 : vector<16xi32>
    %gather3A_1136 = tpu.vector_load_idx %arg7[%add3A_1135] : memref<48xi32, #tpu.memory_space<vmem>>[vector<16xi32>], vector<16xi32>,
    %and3A_1137 = arith.constant 31 : i32
    %and3A_1138 = vector.broadcast %and3A_1137 : i32 to vector<16xi32>
    %and3A_1139 = arith.andi %gather3A_1136, %and3A_1138 : vector<16xi32>
    %shift_left3A_1140 = arith.constant 2 : i32
    %shift_left3A_1141 = vector.broadcast %shift_left3A_1140 : i32 to vector<16xi32>
    %shift_left3A_1142 = arith.shli %and3A_1139, %shift_left3A_1141 : vector<16xi32>
    %and3A_1143 = arith.constant 3 : i32
    %and3A_1144 = vector.broadcast %and3A_1143 : i32 to vector<16xi32>
    %and3A_1145 = arith.andi %iota3A, %and3A_1144 : vector<16xi32>
    %or3A_1146 = arith.ori %shift_left3A_1142, %and3A_1145 : vector<16xi32>
    %gather3A_1147 = tpu.vector_load_idx %arg10[%add3A_1135, %or3A_1146] : memref<48x128xi32, #tpu.memory_space<vmem>>[vector<16xi32>, vector<16xi32>], vector<16xi32>,
    %swap3A_1148 = arith.constant 96 : index
    %swap3A_1149 = tpu.vector_load %arg12[%swap3A_1148] {strides = array<i32>} : memref<192xi32, #tpu.memory_space<vmem>>, vector<16xi32>,
    tpu.vector_store %arg12[%swap3A_1148], %gather3A_1147 {strides = array<i32>} : memref<192xi32, #tpu.memory_space<vmem>>, vector<16xi32>,
    %shift_right_logical3A_1150 = arith.constant 2 : i32
    %shift_right_logical3A_1151 = vector.broadcast %shift_right_logical3A_1150 : i32 to vector<16xi32>
    %shift_right_logical3A_1152 = arith.shrui %iota3A, %shift_right_logical3A_1151 : vector<16xi32>
    %add3A_1153 = arith.constant 28 : i32
    %add3A_1154 = vector.broadcast %add3A_1153 : i32 to vector<16xi32>
    %add3A_1155 = arith.addi %add3A_1154, %shift_right_logical3A_1152 : vector<16xi32>
    %gather3A_1156 = tpu.vector_load_idx %arg7[%add3A_1155] : memref<48xi32, #tpu.memory_space<vmem>>[vector<16xi32>], vector<16xi32>,
    %and3A_1157 = arith.constant 31 : i32
    %and3A_1158 = vector.broadcast %and3A_1157 : i32 to vector<16xi32>
    %and3A_1159 = arith.andi %gather3A_1156, %and3A_1158 : vector<16xi32>
    %shift_left3A_1160 = arith.constant 2 : i32
    %shift_left3A_1161 = vector.broadcast %shift_left3A_1160 : i32 to vector<16xi32>
    %shift_left3A_1162 = arith.shli %and3A_1159, %shift_left3A_1161 : vector<16xi32>
    %and3A_1163 = arith.constant 3 : i32
    %and3A_1164 = vector.broadcast %and3A_1163 : i32 to vector<16xi32>
    %and3A_1165 = arith.andi %iota3A, %and3A_1164 : vector<16xi32>
    %or3A_1166 = arith.ori %shift_left3A_1162, %and3A_1165 : vector<16xi32>
    %gather3A_1167 = tpu.vector_load_idx %arg10[%add3A_1155, %or3A_1166] : memref<48x128xi32, #tpu.memory_space<vmem>>[vector<16xi32>, vector<16xi32>], vector<16xi32>,
    %swap3A_1168 = arith.constant 112 : index
    %swap3A_1169 = tpu.vector_load %arg12[%swap3A_1168] {strides = array<i32>} : memref<192xi32, #tpu.memory_space<vmem>>, vector<16xi32>,
    tpu.vector_store %arg12[%swap3A_1168], %gather3A_1167 {strides = array<i32>} : memref<192xi32, #tpu.memory_space<vmem>>, vector<16xi32>,
    %shift_right_logical3A_1170 = arith.constant 2 : i32
    %shift_right_logical3A_1171 = vector.broadcast %shift_right_logical3A_1170 : i32 to vector<16xi32>
    %shift_right_logical3A_1172 = arith.shrui %iota3A, %shift_right_logical3A_1171 : vector<16xi32>
    %add3A_1173 = arith.constant 32 : i32
    %add3A_1174 = vector.broadcast %add3A_1173 : i32 to vector<16xi32>
    %add3A_1175 = arith.addi %add3A_1174, %shift_right_logical3A_1172 : vector<16xi32>
    %gather3A_1176 = tpu.vector_load_idx %arg7[%add3A_1175] : memref<48xi32, #tpu.memory_space<vmem>>[vector<16xi32>], vector<16xi32>,
    %and3A_1177 = arith.constant 31 : i32
    %and3A_1178 = vector.broadcast %and3A_1177 : i32 to vector<16xi32>
    %and3A_1179 = arith.andi %gather3A_1176, %and3A_1178 : vector<16xi32>
    %shift_left3A_1180 = arith.constant 2 : i32
    %shift_left3A_1181 = vector.broadcast %shift_left3A_1180 : i32 to vector<16xi32>
    %shift_left3A_1182 = arith.shli %and3A_1179, %shift_left3A_1181 : vector<16xi32>
    %and3A_1183 = arith.constant 3 : i32
    %and3A_1184 = vector.broadcast %and3A_1183 : i32 to vector<16xi32>
    %and3A_1185 = arith.andi %iota3A, %and3A_1184 : vector<16xi32>
    %or3A_1186 = arith.ori %shift_left3A_1182, %and3A_1185 : vector<16xi32>
    %gather3A_1187 = tpu.vector_load_idx %arg10[%add3A_1175, %or3A_1186] : memref<48x128xi32, #tpu.memory_space<vmem>>[vector<16xi32>, vector<16xi32>], vector<16xi32>,
    %swap3A_1188 = arith.constant 128 : index
    %swap3A_1189 = tpu.vector_load %arg12[%swap3A_1188] {strides = array<i32>} : memref<192xi32, #tpu.memory_space<vmem>>, vector<16xi32>,
    tpu.vector_store %arg12[%swap3A_1188], %gather3A_1187 {strides = array<i32>} : memref<192xi32, #tpu.memory_space<vmem>>, vector<16xi32>,
    %shift_right_logical3A_1190 = arith.constant 2 : i32
    %shift_right_logical3A_1191 = vector.broadcast %shift_right_logical3A_1190 : i32 to vector<16xi32>
    %shift_right_logical3A_1192 = arith.shrui %iota3A, %shift_right_logical3A_1191 : vector<16xi32>
    %add3A_1193 = arith.constant 36 : i32
    %add3A_1194 = vector.broadcast %add3A_1193 : i32 to vector<16xi32>
    %add3A_1195 = arith.addi %add3A_1194, %shift_right_logical3A_1192 : vector<16xi32>
    %gather3A_1196 = tpu.vector_load_idx %arg7[%add3A_1195] : memref<48xi32, #tpu.memory_space<vmem>>[vector<16xi32>], vector<16xi32>,
    %and3A_1197 = arith.constant 31 : i32
    %and3A_1198 = vector.broadcast %and3A_1197 : i32 to vector<16xi32>
    %and3A_1199 = arith.andi %gather3A_1196, %and3A_1198 : vector<16xi32>
    %shift_left3A_1200 = arith.constant 2 : i32
    %shift_left3A_1201 = vector.broadcast %shift_left3A_1200 : i32 to vector<16xi32>
    %shift_left3A_1202 = arith.shli %and3A_1199, %shift_left3A_1201 : vector<16xi32>
    %and3A_1203 = arith.constant 3 : i32
    %and3A_1204 = vector.broadcast %and3A_1203 : i32 to vector<16xi32>
    %and3A_1205 = arith.andi %iota3A, %and3A_1204 : vector<16xi32>
    %or3A_1206 = arith.ori %shift_left3A_1202, %and3A_1205 : vector<16xi32>
    %gather3A_1207 = tpu.vector_load_idx %arg10[%add3A_1195, %or3A_1206] : memref<48x128xi32, #tpu.memory_space<vmem>>[vector<16xi32>, vector<16xi32>], vector<16xi32>,
    %swap3A_1208 = arith.constant 144 : index
    %swap3A_1209 = tpu.vector_load %arg12[%swap3A_1208] {strides = array<i32>} : memref<192xi32, #tpu.memory_space<vmem>>, vector<16xi32>,
    tpu.vector_store %arg12[%swap3A_1208], %gather3A_1207 {strides = array<i32>} : memref<192xi32, #tpu.memory_space<vmem>>, vector<16xi32>,
    %shift_right_logical3A_1210 = arith.constant 2 : i32
    %shift_right_logical3A_1211 = vector.broadcast %shift_right_logical3A_1210 : i32 to vector<16xi32>
    %shift_right_logical3A_1212 = arith.shrui %iota3A, %shift_right_logical3A_1211 : vector<16xi32>
    %add3A_1213 = arith.constant 40 : i32
    %add3A_1214 = vector.broadcast %add3A_1213 : i32 to vector<16xi32>
    %add3A_1215 = arith.addi %add3A_1214, %shift_right_logical3A_1212 : vector<16xi32>
    %gather3A_1216 = tpu.vector_load_idx %arg7[%add3A_1215] : memref<48xi32, #tpu.memory_space<vmem>>[vector<16xi32>], vector<16xi32>,
    %and3A_1217 = arith.constant 31 : i32
    %and3A_1218 = vector.broadcast %and3A_1217 : i32 to vector<16xi32>
    %and3A_1219 = arith.andi %gather3A_1216, %and3A_1218 : vector<16xi32>
    %shift_left3A_1220 = arith.constant 2 : i32
    %shift_left3A_1221 = vector.broadcast %shift_left3A_1220 : i32 to vector<16xi32>
    %shift_left3A_1222 = arith.shli %and3A_1219, %shift_left3A_1221 : vector<16xi32>
    %and3A_1223 = arith.constant 3 : i32
    %and3A_1224 = vector.broadcast %and3A_1223 : i32 to vector<16xi32>
    %and3A_1225 = arith.andi %iota3A, %and3A_1224 : vector<16xi32>
    %or3A_1226 = arith.ori %shift_left3A_1222, %and3A_1225 : vector<16xi32>
    %gather3A_1227 = tpu.vector_load_idx %arg10[%add3A_1215, %or3A_1226] : memref<48x128xi32, #tpu.memory_space<vmem>>[vector<16xi32>, vector<16xi32>], vector<16xi32>,
    %swap3A_1228 = arith.constant 160 : index
    %swap3A_1229 = tpu.vector_load %arg12[%swap3A_1228] {strides = array<i32>} : memref<192xi32, #tpu.memory_space<vmem>>, vector<16xi32>,
    tpu.vector_store %arg12[%swap3A_1228], %gather3A_1227 {strides = array<i32>} : memref<192xi32, #tpu.memory_space<vmem>>, vector<16xi32>,
    %shift_right_logical3A_1230 = arith.constant 2 : i32
    %shift_right_logical3A_1231 = vector.broadcast %shift_right_logical3A_1230 : i32 to vector<16xi32>
    %shift_right_logical3A_1232 = arith.shrui %iota3A, %shift_right_logical3A_1231 : vector<16xi32>
    %add3A_1233 = arith.constant 44 : i32
    %add3A_1234 = vector.broadcast %add3A_1233 : i32 to vector<16xi32>
    %add3A_1235 = arith.addi %add3A_1234, %shift_right_logical3A_1232 : vector<16xi32>
    %gather3A_1236 = tpu.vector_load_idx %arg7[%add3A_1235] : memref<48xi32, #tpu.memory_space<vmem>>[vector<16xi32>], vector<16xi32>,
    %and3A_1237 = arith.constant 31 : i32
    %and3A_1238 = vector.broadcast %and3A_1237 : i32 to vector<16xi32>
    %and3A_1239 = arith.andi %gather3A_1236, %and3A_1238 : vector<16xi32>
    %shift_left3A_1240 = arith.constant 2 : i32
    %shift_left3A_1241 = vector.broadcast %shift_left3A_1240 : i32 to vector<16xi32>
    %shift_left3A_1242 = arith.shli %and3A_1239, %shift_left3A_1241 : vector<16xi32>
    %and3A_1243 = arith.constant 3 : i32
    %and3A_1244 = vector.broadcast %and3A_1243 : i32 to vector<16xi32>
    %and3A_1245 = arith.andi %iota3A, %and3A_1244 : vector<16xi32>
    %or3A_1246 = arith.ori %shift_left3A_1242, %and3A_1245 : vector<16xi32>
    %gather3A_1247 = tpu.vector_load_idx %arg10[%add3A_1235, %or3A_1246] : memref<48x128xi32, #tpu.memory_space<vmem>>[vector<16xi32>, vector<16xi32>], vector<16xi32>,
    %swap3A_1248 = arith.constant 176 : index
    %swap3A_1249 = tpu.vector_load %arg12[%swap3A_1248] {strides = array<i32>} : memref<192xi32, #tpu.memory_space<vmem>>, vector<16xi32>,
    tpu.vector_store %arg12[%swap3A_1248], %gather3A_1247 {strides = array<i32>} : memref<192xi32, #tpu.memory_space<vmem>>, vector<16xi32>,
    %add3A_1250 = arith.constant 0 : i32
    %add3A_1251 = vector.broadcast %add3A_1250 : i32 to vector<16xi32>
    %add3A_1252 = arith.addi %add3A_1251, %iota3A : vector<16xi32>
    %gather3A_1253 = tpu.vector_load_idx %arg7[%add3A_1252] : memref<48xi32, #tpu.memory_space<vmem>>[vector<16xi32>], vector<16xi32>,
    %and3A_1254 = arith.constant 127 : i32
    %and3A_1255 = vector.broadcast %and3A_1254 : i32 to vector<16xi32>
    %and3A_1256 = arith.andi %gather3A_1253, %and3A_1255 : vector<16xi32>
    %gather3A_1257 = tpu.vector_load_idx %arg11[%add3A_1252, %and3A_1256] : memref<48x128xf32, #tpu.memory_space<vmem>>[vector<16xi32>, vector<16xi32>], vector<16xf32>,
    %swap3A_1258 = arith.constant 0 : index
    %swap3A_1259 = tpu.vector_load %arg13[%swap3A_1258] {strides = array<i32>} : memref<48xf32, #tpu.memory_space<vmem>>, vector<16xf32>,
    tpu.vector_store %arg13[%swap3A_1258], %gather3A_1257 {strides = array<i32>} : memref<48xf32, #tpu.memory_space<vmem>>, vector<16xf32>,
    %add3A_1260 = arith.constant 16 : i32
    %add3A_1261 = vector.broadcast %add3A_1260 : i32 to vector<16xi32>
    %add3A_1262 = arith.addi %add3A_1261, %iota3A : vector<16xi32>
    %gather3A_1263 = tpu.vector_load_idx %arg7[%add3A_1262] : memref<48xi32, #tpu.memory_space<vmem>>[vector<16xi32>], vector<16xi32>,
    %and3A_1264 = arith.constant 127 : i32
    %and3A_1265 = vector.broadcast %and3A_1264 : i32 to vector<16xi32>
    %and3A_1266 = arith.andi %gather3A_1263, %and3A_1265 : vector<16xi32>
    %gather3A_1267 = tpu.vector_load_idx %arg11[%add3A_1262, %and3A_1266] : memref<48x128xf32, #tpu.memory_space<vmem>>[vector<16xi32>, vector<16xi32>], vector<16xf32>,
    %swap3A_1268 = arith.constant 16 : index
    %swap3A_1269 = tpu.vector_load %arg13[%swap3A_1268] {strides = array<i32>} : memref<48xf32, #tpu.memory_space<vmem>>, vector<16xf32>,
    tpu.vector_store %arg13[%swap3A_1268], %gather3A_1267 {strides = array<i32>} : memref<48xf32, #tpu.memory_space<vmem>>, vector<16xf32>,
    %add3A_1270 = arith.constant 32 : i32
    %add3A_1271 = vector.broadcast %add3A_1270 : i32 to vector<16xi32>
    %add3A_1272 = arith.addi %add3A_1271, %iota3A : vector<16xi32>
    %gather3A_1273 = tpu.vector_load_idx %arg7[%add3A_1272] : memref<48xi32, #tpu.memory_space<vmem>>[vector<16xi32>], vector<16xi32>,
    %and3A_1274 = arith.constant 127 : i32
    %and3A_1275 = vector.broadcast %and3A_1274 : i32 to vector<16xi32>
    %and3A_1276 = arith.andi %gather3A_1273, %and3A_1275 : vector<16xi32>
    %gather3A_1277 = tpu.vector_load_idx %arg11[%add3A_1272, %and3A_1276] : memref<48x128xf32, #tpu.memory_space<vmem>>[vector<16xi32>, vector<16xi32>], vector<16xf32>,
    %swap3A_1278 = arith.constant 32 : index
    %swap3A_1279 = tpu.vector_load %arg13[%swap3A_1278] {strides = array<i32>} : memref<48xf32, #tpu.memory_space<vmem>>, vector<16xf32>,
    tpu.vector_store %arg13[%swap3A_1278], %gather3A_1277 {strides = array<i32>} : memref<48xf32, #tpu.memory_space<vmem>>, vector<16xf32>,
    %mul3A_1280 = arith.constant 4 : i32
    %mul3A_1281 = arith.muli %add3A_961, %mul3A_1280 : i32
    "tpu.region"() ({
      %run_scoped3A = tpu.sem_alloc : memref<!tpu.dma_semaphore, #tpu.memory_space<semaphore_mem>>
      %dma_start3A_3536 = tpu.memref_slice %arg5[%mul3A_1281] : memref<67584xi32, #tpu.memory_space<hbm>> -> memref<192xi32, #tpu.memory_space<hbm>>
      %dma_start3A_3537 = tpu.memref_slice %arg5[%mul3A_1281] : memref<67584xi32, #tpu.memory_space<hbm>> -> memref<192xi32, #tpu.memory_space<hbm>>
      tpu.enqueue_dma source(%arg12 : memref<192xi32, #tpu.memory_space<vmem>>) target(%dma_start3A_3537 : memref<192xi32, #tpu.memory_space<hbm>>) target_semaphore(%run_scoped3A : memref<!tpu.dma_semaphore, #tpu.memory_space<semaphore_mem>>)
      %dma_wait3A_3538 = tpu.memref_slice %arg5[%mul3A_1281] : memref<67584xi32, #tpu.memory_space<hbm>> -> memref<192xi32, #tpu.memory_space<hbm>>
      %dma_wait3A_3539 = tpu.memref_slice %arg5[%mul3A_1281] : memref<67584xi32, #tpu.memory_space<hbm>> -> memref<192xi32, #tpu.memory_space<hbm>>
      tpu.wait_dma2 semaphore(%run_scoped3A : memref<!tpu.dma_semaphore, #tpu.memory_space<semaphore_mem>>) src(%arg12 : memref<192xi32, #tpu.memory_space<vmem>>) dst(%dma_wait3A_3539 : memref<192xi32, #tpu.memory_space<hbm>>)
      tpu.yield
    }) : () -> ()
    "tpu.region"() ({
      %run_scoped3A = tpu.sem_alloc : memref<!tpu.dma_semaphore, #tpu.memory_space<semaphore_mem>>
      %dma_start3A_3536 = tpu.memref_slice %arg6[%add3A_961] : memref<16896xf32, #tpu.memory_space<hbm>> -> memref<48xf32, #tpu.memory_space<hbm>>
      %dma_start3A_3537 = tpu.memref_slice %arg6[%add3A_961] : memref<16896xf32, #tpu.memory_space<hbm>> -> memref<48xf32, #tpu.memory_space<hbm>>
      tpu.enqueue_dma source(%arg13 : memref<48xf32, #tpu.memory_space<vmem>>) target(%dma_start3A_3537 : memref<48xf32, #tpu.memory_space<hbm>>) target_semaphore(%run_scoped3A : memref<!tpu.dma_semaphore, #tpu.memory_space<semaphore_mem>>)
      %dma_wait3A_3538 = tpu.memref_slice %arg6[%add3A_961] : memref<16896xf32, #tpu.memory_space<hbm>> -> memref<48xf32, #tpu.memory_space<hbm>>
      %dma_wait3A_3539 = tpu.memref_slice %arg6[%add3A_961] : memref<16896xf32, #tpu.memory_space<hbm>> -> memref<48xf32, #tpu.memory_space<hbm>>
      tpu.wait_dma2 semaphore(%run_scoped3A : memref<!tpu.dma_semaphore, #tpu.memory_space<semaphore_mem>>) src(%arg13 : memref<48xf32, #tpu.memory_space<vmem>>) dst(%dma_wait3A_3539 : memref<48xf32, #tpu.memory_space<hbm>>)
      tpu.yield
    }) : () -> ()
    %add3A_1282 = arith.constant 192 : i32
    %add3A_1283 = arith.addi %mul3A_2, %add3A_1282 : i32
    "tpu.region"() ({
      %run_scoped3A = tpu.sem_alloc : memref<!tpu.dma_semaphore, #tpu.memory_space<semaphore_mem>>
      %dma_start3A_3536 = tpu.memref_slice %arg4[%add3A_1283] : memref<16896xi32, #tpu.memory_space<hbm>> -> memref<48xi32, #tpu.memory_space<hbm>>
      %dma_start3A_3537 = tpu.memref_slice %arg4[%add3A_1283] : memref<16896xi32, #tpu.memory_space<hbm>> -> memref<48xi32, #tpu.memory_space<hbm>>
      tpu.enqueue_dma source(%dma_start3A_3537 : memref<48xi32, #tpu.memory_space<hbm>>) target(%arg7 : memref<48xi32, #tpu.memory_space<vmem>>) target_semaphore(%run_scoped3A : memref<!tpu.dma_semaphore, #tpu.memory_space<semaphore_mem>>)
      %dma_wait3A_3538 = tpu.memref_slice %arg4[%add3A_1283] : memref<16896xi32, #tpu.memory_space<hbm>> -> memref<48xi32, #tpu.memory_space<hbm>>
      %dma_wait3A_3539 = tpu.memref_slice %arg4[%add3A_1283] : memref<16896xi32, #tpu.memory_space<hbm>> -> memref<48xi32, #tpu.memory_space<hbm>>
      tpu.wait_dma2 semaphore(%run_scoped3A : memref<!tpu.dma_semaphore, #tpu.memory_space<semaphore_mem>>) src(%dma_wait3A_3539 : memref<48xi32, #tpu.memory_space<hbm>>) dst(%arg7 : memref<48xi32, #tpu.memory_space<vmem>>)
      tpu.yield
    }) : () -> ()
    %get3A_1284 = arith.constant 0 : index
    %get3A_1285 = tpu.vector_load %arg7[%get3A_1284] {strides = array<i32>} : memref<48xi32, #tpu.memory_space<vmem>>, vector<16xi32>,
    %shift_right_logical3A_1286 = arith.constant 5 : i32
    %shift_right_logical3A_1287 = vector.broadcast %shift_right_logical3A_1286 : i32 to vector<16xi32>
    %shift_right_logical3A_1288 = arith.shrui %get3A_1285, %shift_right_logical3A_1287 : vector<16xi32>
    %swap3A_1289 = arith.constant 0 : index
    %swap3A_1290 = tpu.vector_load %arg8[%swap3A_1289] {strides = array<i32>} : memref<48xi32, #tpu.memory_space<vmem>>, vector<16xi32>,
    tpu.vector_store %arg8[%swap3A_1289], %shift_right_logical3A_1288 {strides = array<i32>} : memref<48xi32, #tpu.memory_space<vmem>>, vector<16xi32>,
    %shift_right_logical3A_1291 = arith.constant 7 : i32
    %shift_right_logical3A_1292 = vector.broadcast %shift_right_logical3A_1291 : i32 to vector<16xi32>
    %shift_right_logical3A_1293 = arith.shrui %get3A_1285, %shift_right_logical3A_1292 : vector<16xi32>
    %swap3A_1294 = arith.constant 0 : index
    %swap3A_1295 = tpu.vector_load %arg9[%swap3A_1294] {strides = array<i32>} : memref<48xi32, #tpu.memory_space<vmem>>, vector<16xi32>,
    tpu.vector_store %arg9[%swap3A_1294], %shift_right_logical3A_1293 {strides = array<i32>} : memref<48xi32, #tpu.memory_space<vmem>>, vector<16xi32>,
    %get3A_1296 = arith.constant 16 : index
    %get3A_1297 = tpu.vector_load %arg7[%get3A_1296] {strides = array<i32>} : memref<48xi32, #tpu.memory_space<vmem>>, vector<16xi32>,
    %shift_right_logical3A_1298 = arith.constant 5 : i32
    %shift_right_logical3A_1299 = vector.broadcast %shift_right_logical3A_1298 : i32 to vector<16xi32>
    %shift_right_logical3A_1300 = arith.shrui %get3A_1297, %shift_right_logical3A_1299 : vector<16xi32>
    %swap3A_1301 = arith.constant 16 : index
    %swap3A_1302 = tpu.vector_load %arg8[%swap3A_1301] {strides = array<i32>} : memref<48xi32, #tpu.memory_space<vmem>>, vector<16xi32>,
    tpu.vector_store %arg8[%swap3A_1301], %shift_right_logical3A_1300 {strides = array<i32>} : memref<48xi32, #tpu.memory_space<vmem>>, vector<16xi32>,
    %shift_right_logical3A_1303 = arith.constant 7 : i32
    %shift_right_logical3A_1304 = vector.broadcast %shift_right_logical3A_1303 : i32 to vector<16xi32>
    %shift_right_logical3A_1305 = arith.shrui %get3A_1297, %shift_right_logical3A_1304 : vector<16xi32>
    %swap3A_1306 = arith.constant 16 : index
    %swap3A_1307 = tpu.vector_load %arg9[%swap3A_1306] {strides = array<i32>} : memref<48xi32, #tpu.memory_space<vmem>>, vector<16xi32>,
    tpu.vector_store %arg9[%swap3A_1306], %shift_right_logical3A_1305 {strides = array<i32>} : memref<48xi32, #tpu.memory_space<vmem>>, vector<16xi32>,
    %get3A_1308 = arith.constant 32 : index
    %get3A_1309 = tpu.vector_load %arg7[%get3A_1308] {strides = array<i32>} : memref<48xi32, #tpu.memory_space<vmem>>, vector<16xi32>,
    %shift_right_logical3A_1310 = arith.constant 5 : i32
    %shift_right_logical3A_1311 = vector.broadcast %shift_right_logical3A_1310 : i32 to vector<16xi32>
    %shift_right_logical3A_1312 = arith.shrui %get3A_1309, %shift_right_logical3A_1311 : vector<16xi32>
    %swap3A_1313 = arith.constant 32 : index
    %swap3A_1314 = tpu.vector_load %arg8[%swap3A_1313] {strides = array<i32>} : memref<48xi32, #tpu.memory_space<vmem>>, vector<16xi32>,
    tpu.vector_store %arg8[%swap3A_1313], %shift_right_logical3A_1312 {strides = array<i32>} : memref<48xi32, #tpu.memory_space<vmem>>, vector<16xi32>,
    %shift_right_logical3A_1315 = arith.constant 7 : i32
    %shift_right_logical3A_1316 = vector.broadcast %shift_right_logical3A_1315 : i32 to vector<16xi32>
    %shift_right_logical3A_1317 = arith.shrui %get3A_1309, %shift_right_logical3A_1316 : vector<16xi32>
    %swap3A_1318 = arith.constant 32 : index
    %swap3A_1319 = tpu.vector_load %arg9[%swap3A_1318] {strides = array<i32>} : memref<48xi32, #tpu.memory_space<vmem>>, vector<16xi32>,
    tpu.vector_store %arg9[%swap3A_1318], %shift_right_logical3A_1317 {strides = array<i32>} : memref<48xi32, #tpu.memory_space<vmem>>, vector<16xi32>,
    %dma_start3A_1320 = arith.constant 0 : i32
    %dma_start3A_1321 = arith.constant 0 : i32
    %dma_start3A_1322 = tpu.memref_slice %arg2[%dma_start3A_1320, %dma_start3A_1321] : memref<3125x128xi32, #tpu.memory_space<hbm>> -> memref<3125x128xi32, #tpu.memory_space<hbm>>
    tpu.enqueue_indirect_dma source(%dma_start3A_1322 : memref<3125x128xi32, #tpu.memory_space<hbm>>) target(%arg10 : memref<48x128xi32, #tpu.memory_space<vmem>>) offsets(%arg8 : memref<48xi32, #tpu.memory_space<vmem>>) semaphore(%arg14 : memref<!tpu.dma_semaphore, #tpu.memory_space<semaphore_mem>>)
    %dma_start3A_1323 = arith.constant 0 : i32
    %dma_start3A_1324 = arith.constant 0 : i32
    %dma_start3A_1325 = tpu.memref_slice %arg3[%dma_start3A_1323, %dma_start3A_1324] : memref<782x128xf32, #tpu.memory_space<hbm>> -> memref<782x128xf32, #tpu.memory_space<hbm>>
    tpu.enqueue_indirect_dma source(%dma_start3A_1325 : memref<782x128xf32, #tpu.memory_space<hbm>>) target(%arg11 : memref<48x128xf32, #tpu.memory_space<vmem>>) offsets(%arg9 : memref<48xi32, #tpu.memory_space<vmem>>) semaphore(%arg15 : memref<!tpu.dma_semaphore, #tpu.memory_space<semaphore_mem>>)
    %dma_wait3A_1326 = arith.constant 0 : i32
    %dma_wait3A_1327 = arith.constant 0 : i32
    %dma_wait3A_1328 = tpu.memref_slice %arg2[%dma_wait3A_1326, %dma_wait3A_1327] : memref<3125x128xi32, #tpu.memory_space<hbm>> -> memref<3125x128xi32, #tpu.memory_space<hbm>>
    tpu.wait_indirect_dma semaphore(%arg14 : memref<!tpu.dma_semaphore, #tpu.memory_space<semaphore_mem>>) src(%dma_wait3A_1328 : memref<3125x128xi32, #tpu.memory_space<hbm>>) dst(%arg10 : memref<48x128xi32, #tpu.memory_space<vmem>>)
    %dma_wait3A_1329 = arith.constant 0 : i32
    %dma_wait3A_1330 = arith.constant 0 : i32
    %dma_wait3A_1331 = tpu.memref_slice %arg3[%dma_wait3A_1329, %dma_wait3A_1330] : memref<782x128xf32, #tpu.memory_space<hbm>> -> memref<782x128xf32, #tpu.memory_space<hbm>>
    tpu.wait_indirect_dma semaphore(%arg15 : memref<!tpu.dma_semaphore, #tpu.memory_space<semaphore_mem>>) src(%dma_wait3A_1331 : memref<782x128xf32, #tpu.memory_space<hbm>>) dst(%arg11 : memref<48x128xf32, #tpu.memory_space<vmem>>)
    %shift_right_logical3A_1332 = arith.constant 2 : i32
    %shift_right_logical3A_1333 = vector.broadcast %shift_right_logical3A_1332 : i32 to vector<16xi32>
    %shift_right_logical3A_1334 = arith.shrui %iota3A, %shift_right_logical3A_1333 : vector<16xi32>
    %add3A_1335 = arith.constant 0 : i32
    %add3A_1336 = vector.broadcast %add3A_1335 : i32 to vector<16xi32>
    %add3A_1337 = arith.addi %add3A_1336, %shift_right_logical3A_1334 : vector<16xi32>
    %gather3A_1338 = tpu.vector_load_idx %arg7[%add3A_1337] : memref<48xi32, #tpu.memory_space<vmem>>[vector<16xi32>], vector<16xi32>,
    %and3A_1339 = arith.constant 31 : i32
    %and3A_1340 = vector.broadcast %and3A_1339 : i32 to vector<16xi32>
    %and3A_1341 = arith.andi %gather3A_1338, %and3A_1340 : vector<16xi32>
    %shift_left3A_1342 = arith.constant 2 : i32
    %shift_left3A_1343 = vector.broadcast %shift_left3A_1342 : i32 to vector<16xi32>
    %shift_left3A_1344 = arith.shli %and3A_1341, %shift_left3A_1343 : vector<16xi32>
    %and3A_1345 = arith.constant 3 : i32
    %and3A_1346 = vector.broadcast %and3A_1345 : i32 to vector<16xi32>
    %and3A_1347 = arith.andi %iota3A, %and3A_1346 : vector<16xi32>
    %or3A_1348 = arith.ori %shift_left3A_1344, %and3A_1347 : vector<16xi32>
    %gather3A_1349 = tpu.vector_load_idx %arg10[%add3A_1337, %or3A_1348] : memref<48x128xi32, #tpu.memory_space<vmem>>[vector<16xi32>, vector<16xi32>], vector<16xi32>,
    %swap3A_1350 = arith.constant 0 : index
    %swap3A_1351 = tpu.vector_load %arg12[%swap3A_1350] {strides = array<i32>} : memref<192xi32, #tpu.memory_space<vmem>>, vector<16xi32>,
    tpu.vector_store %arg12[%swap3A_1350], %gather3A_1349 {strides = array<i32>} : memref<192xi32, #tpu.memory_space<vmem>>, vector<16xi32>,
    %shift_right_logical3A_1352 = arith.constant 2 : i32
    %shift_right_logical3A_1353 = vector.broadcast %shift_right_logical3A_1352 : i32 to vector<16xi32>
    %shift_right_logical3A_1354 = arith.shrui %iota3A, %shift_right_logical3A_1353 : vector<16xi32>
    %add3A_1355 = arith.constant 4 : i32
    %add3A_1356 = vector.broadcast %add3A_1355 : i32 to vector<16xi32>
    %add3A_1357 = arith.addi %add3A_1356, %shift_right_logical3A_1354 : vector<16xi32>
    %gather3A_1358 = tpu.vector_load_idx %arg7[%add3A_1357] : memref<48xi32, #tpu.memory_space<vmem>>[vector<16xi32>], vector<16xi32>,
    %and3A_1359 = arith.constant 31 : i32
    %and3A_1360 = vector.broadcast %and3A_1359 : i32 to vector<16xi32>
    %and3A_1361 = arith.andi %gather3A_1358, %and3A_1360 : vector<16xi32>
    %shift_left3A_1362 = arith.constant 2 : i32
    %shift_left3A_1363 = vector.broadcast %shift_left3A_1362 : i32 to vector<16xi32>
    %shift_left3A_1364 = arith.shli %and3A_1361, %shift_left3A_1363 : vector<16xi32>
    %and3A_1365 = arith.constant 3 : i32
    %and3A_1366 = vector.broadcast %and3A_1365 : i32 to vector<16xi32>
    %and3A_1367 = arith.andi %iota3A, %and3A_1366 : vector<16xi32>
    %or3A_1368 = arith.ori %shift_left3A_1364, %and3A_1367 : vector<16xi32>
    %gather3A_1369 = tpu.vector_load_idx %arg10[%add3A_1357, %or3A_1368] : memref<48x128xi32, #tpu.memory_space<vmem>>[vector<16xi32>, vector<16xi32>], vector<16xi32>,
    %swap3A_1370 = arith.constant 16 : index
    %swap3A_1371 = tpu.vector_load %arg12[%swap3A_1370] {strides = array<i32>} : memref<192xi32, #tpu.memory_space<vmem>>, vector<16xi32>,
    tpu.vector_store %arg12[%swap3A_1370], %gather3A_1369 {strides = array<i32>} : memref<192xi32, #tpu.memory_space<vmem>>, vector<16xi32>,
    %shift_right_logical3A_1372 = arith.constant 2 : i32
    %shift_right_logical3A_1373 = vector.broadcast %shift_right_logical3A_1372 : i32 to vector<16xi32>
    %shift_right_logical3A_1374 = arith.shrui %iota3A, %shift_right_logical3A_1373 : vector<16xi32>
    %add3A_1375 = arith.constant 8 : i32
    %add3A_1376 = vector.broadcast %add3A_1375 : i32 to vector<16xi32>
    %add3A_1377 = arith.addi %add3A_1376, %shift_right_logical3A_1374 : vector<16xi32>
    %gather3A_1378 = tpu.vector_load_idx %arg7[%add3A_1377] : memref<48xi32, #tpu.memory_space<vmem>>[vector<16xi32>], vector<16xi32>,
    %and3A_1379 = arith.constant 31 : i32
    %and3A_1380 = vector.broadcast %and3A_1379 : i32 to vector<16xi32>
    %and3A_1381 = arith.andi %gather3A_1378, %and3A_1380 : vector<16xi32>
    %shift_left3A_1382 = arith.constant 2 : i32
    %shift_left3A_1383 = vector.broadcast %shift_left3A_1382 : i32 to vector<16xi32>
    %shift_left3A_1384 = arith.shli %and3A_1381, %shift_left3A_1383 : vector<16xi32>
    %and3A_1385 = arith.constant 3 : i32
    %and3A_1386 = vector.broadcast %and3A_1385 : i32 to vector<16xi32>
    %and3A_1387 = arith.andi %iota3A, %and3A_1386 : vector<16xi32>
    %or3A_1388 = arith.ori %shift_left3A_1384, %and3A_1387 : vector<16xi32>
    %gather3A_1389 = tpu.vector_load_idx %arg10[%add3A_1377, %or3A_1388] : memref<48x128xi32, #tpu.memory_space<vmem>>[vector<16xi32>, vector<16xi32>], vector<16xi32>,
    %swap3A_1390 = arith.constant 32 : index
    %swap3A_1391 = tpu.vector_load %arg12[%swap3A_1390] {strides = array<i32>} : memref<192xi32, #tpu.memory_space<vmem>>, vector<16xi32>,
    tpu.vector_store %arg12[%swap3A_1390], %gather3A_1389 {strides = array<i32>} : memref<192xi32, #tpu.memory_space<vmem>>, vector<16xi32>,
    %shift_right_logical3A_1392 = arith.constant 2 : i32
    %shift_right_logical3A_1393 = vector.broadcast %shift_right_logical3A_1392 : i32 to vector<16xi32>
    %shift_right_logical3A_1394 = arith.shrui %iota3A, %shift_right_logical3A_1393 : vector<16xi32>
    %add3A_1395 = arith.constant 12 : i32
    %add3A_1396 = vector.broadcast %add3A_1395 : i32 to vector<16xi32>
    %add3A_1397 = arith.addi %add3A_1396, %shift_right_logical3A_1394 : vector<16xi32>
    %gather3A_1398 = tpu.vector_load_idx %arg7[%add3A_1397] : memref<48xi32, #tpu.memory_space<vmem>>[vector<16xi32>], vector<16xi32>,
    %and3A_1399 = arith.constant 31 : i32
    %and3A_1400 = vector.broadcast %and3A_1399 : i32 to vector<16xi32>
    %and3A_1401 = arith.andi %gather3A_1398, %and3A_1400 : vector<16xi32>
    %shift_left3A_1402 = arith.constant 2 : i32
    %shift_left3A_1403 = vector.broadcast %shift_left3A_1402 : i32 to vector<16xi32>
    %shift_left3A_1404 = arith.shli %and3A_1401, %shift_left3A_1403 : vector<16xi32>
    %and3A_1405 = arith.constant 3 : i32
    %and3A_1406 = vector.broadcast %and3A_1405 : i32 to vector<16xi32>
    %and3A_1407 = arith.andi %iota3A, %and3A_1406 : vector<16xi32>
    %or3A_1408 = arith.ori %shift_left3A_1404, %and3A_1407 : vector<16xi32>
    %gather3A_1409 = tpu.vector_load_idx %arg10[%add3A_1397, %or3A_1408] : memref<48x128xi32, #tpu.memory_space<vmem>>[vector<16xi32>, vector<16xi32>], vector<16xi32>,
    %swap3A_1410 = arith.constant 48 : index
    %swap3A_1411 = tpu.vector_load %arg12[%swap3A_1410] {strides = array<i32>} : memref<192xi32, #tpu.memory_space<vmem>>, vector<16xi32>,
    tpu.vector_store %arg12[%swap3A_1410], %gather3A_1409 {strides = array<i32>} : memref<192xi32, #tpu.memory_space<vmem>>, vector<16xi32>,
    %shift_right_logical3A_1412 = arith.constant 2 : i32
    %shift_right_logical3A_1413 = vector.broadcast %shift_right_logical3A_1412 : i32 to vector<16xi32>
    %shift_right_logical3A_1414 = arith.shrui %iota3A, %shift_right_logical3A_1413 : vector<16xi32>
    %add3A_1415 = arith.constant 16 : i32
    %add3A_1416 = vector.broadcast %add3A_1415 : i32 to vector<16xi32>
    %add3A_1417 = arith.addi %add3A_1416, %shift_right_logical3A_1414 : vector<16xi32>
    %gather3A_1418 = tpu.vector_load_idx %arg7[%add3A_1417] : memref<48xi32, #tpu.memory_space<vmem>>[vector<16xi32>], vector<16xi32>,
    %and3A_1419 = arith.constant 31 : i32
    %and3A_1420 = vector.broadcast %and3A_1419 : i32 to vector<16xi32>
    %and3A_1421 = arith.andi %gather3A_1418, %and3A_1420 : vector<16xi32>
    %shift_left3A_1422 = arith.constant 2 : i32
    %shift_left3A_1423 = vector.broadcast %shift_left3A_1422 : i32 to vector<16xi32>
    %shift_left3A_1424 = arith.shli %and3A_1421, %shift_left3A_1423 : vector<16xi32>
    %and3A_1425 = arith.constant 3 : i32
    %and3A_1426 = vector.broadcast %and3A_1425 : i32 to vector<16xi32>
    %and3A_1427 = arith.andi %iota3A, %and3A_1426 : vector<16xi32>
    %or3A_1428 = arith.ori %shift_left3A_1424, %and3A_1427 : vector<16xi32>
    %gather3A_1429 = tpu.vector_load_idx %arg10[%add3A_1417, %or3A_1428] : memref<48x128xi32, #tpu.memory_space<vmem>>[vector<16xi32>, vector<16xi32>], vector<16xi32>,
    %swap3A_1430 = arith.constant 64 : index
    %swap3A_1431 = tpu.vector_load %arg12[%swap3A_1430] {strides = array<i32>} : memref<192xi32, #tpu.memory_space<vmem>>, vector<16xi32>,
    tpu.vector_store %arg12[%swap3A_1430], %gather3A_1429 {strides = array<i32>} : memref<192xi32, #tpu.memory_space<vmem>>, vector<16xi32>,
    %shift_right_logical3A_1432 = arith.constant 2 : i32
    %shift_right_logical3A_1433 = vector.broadcast %shift_right_logical3A_1432 : i32 to vector<16xi32>
    %shift_right_logical3A_1434 = arith.shrui %iota3A, %shift_right_logical3A_1433 : vector<16xi32>
    %add3A_1435 = arith.constant 20 : i32
    %add3A_1436 = vector.broadcast %add3A_1435 : i32 to vector<16xi32>
    %add3A_1437 = arith.addi %add3A_1436, %shift_right_logical3A_1434 : vector<16xi32>
    %gather3A_1438 = tpu.vector_load_idx %arg7[%add3A_1437] : memref<48xi32, #tpu.memory_space<vmem>>[vector<16xi32>], vector<16xi32>,
    %and3A_1439 = arith.constant 31 : i32
    %and3A_1440 = vector.broadcast %and3A_1439 : i32 to vector<16xi32>
    %and3A_1441 = arith.andi %gather3A_1438, %and3A_1440 : vector<16xi32>
    %shift_left3A_1442 = arith.constant 2 : i32
    %shift_left3A_1443 = vector.broadcast %shift_left3A_1442 : i32 to vector<16xi32>
    %shift_left3A_1444 = arith.shli %and3A_1441, %shift_left3A_1443 : vector<16xi32>
    %and3A_1445 = arith.constant 3 : i32
    %and3A_1446 = vector.broadcast %and3A_1445 : i32 to vector<16xi32>
    %and3A_1447 = arith.andi %iota3A, %and3A_1446 : vector<16xi32>
    %or3A_1448 = arith.ori %shift_left3A_1444, %and3A_1447 : vector<16xi32>
    %gather3A_1449 = tpu.vector_load_idx %arg10[%add3A_1437, %or3A_1448] : memref<48x128xi32, #tpu.memory_space<vmem>>[vector<16xi32>, vector<16xi32>], vector<16xi32>,
    %swap3A_1450 = arith.constant 80 : index
    %swap3A_1451 = tpu.vector_load %arg12[%swap3A_1450] {strides = array<i32>} : memref<192xi32, #tpu.memory_space<vmem>>, vector<16xi32>,
    tpu.vector_store %arg12[%swap3A_1450], %gather3A_1449 {strides = array<i32>} : memref<192xi32, #tpu.memory_space<vmem>>, vector<16xi32>,
    %shift_right_logical3A_1452 = arith.constant 2 : i32
    %shift_right_logical3A_1453 = vector.broadcast %shift_right_logical3A_1452 : i32 to vector<16xi32>
    %shift_right_logical3A_1454 = arith.shrui %iota3A, %shift_right_logical3A_1453 : vector<16xi32>
    %add3A_1455 = arith.constant 24 : i32
    %add3A_1456 = vector.broadcast %add3A_1455 : i32 to vector<16xi32>
    %add3A_1457 = arith.addi %add3A_1456, %shift_right_logical3A_1454 : vector<16xi32>
    %gather3A_1458 = tpu.vector_load_idx %arg7[%add3A_1457] : memref<48xi32, #tpu.memory_space<vmem>>[vector<16xi32>], vector<16xi32>,
    %and3A_1459 = arith.constant 31 : i32
    %and3A_1460 = vector.broadcast %and3A_1459 : i32 to vector<16xi32>
    %and3A_1461 = arith.andi %gather3A_1458, %and3A_1460 : vector<16xi32>
    %shift_left3A_1462 = arith.constant 2 : i32
    %shift_left3A_1463 = vector.broadcast %shift_left3A_1462 : i32 to vector<16xi32>
    %shift_left3A_1464 = arith.shli %and3A_1461, %shift_left3A_1463 : vector<16xi32>
    %and3A_1465 = arith.constant 3 : i32
    %and3A_1466 = vector.broadcast %and3A_1465 : i32 to vector<16xi32>
    %and3A_1467 = arith.andi %iota3A, %and3A_1466 : vector<16xi32>
    %or3A_1468 = arith.ori %shift_left3A_1464, %and3A_1467 : vector<16xi32>
    %gather3A_1469 = tpu.vector_load_idx %arg10[%add3A_1457, %or3A_1468] : memref<48x128xi32, #tpu.memory_space<vmem>>[vector<16xi32>, vector<16xi32>], vector<16xi32>,
    %swap3A_1470 = arith.constant 96 : index
    %swap3A_1471 = tpu.vector_load %arg12[%swap3A_1470] {strides = array<i32>} : memref<192xi32, #tpu.memory_space<vmem>>, vector<16xi32>,
    tpu.vector_store %arg12[%swap3A_1470], %gather3A_1469 {strides = array<i32>} : memref<192xi32, #tpu.memory_space<vmem>>, vector<16xi32>,
    %shift_right_logical3A_1472 = arith.constant 2 : i32
    %shift_right_logical3A_1473 = vector.broadcast %shift_right_logical3A_1472 : i32 to vector<16xi32>
    %shift_right_logical3A_1474 = arith.shrui %iota3A, %shift_right_logical3A_1473 : vector<16xi32>
    %add3A_1475 = arith.constant 28 : i32
    %add3A_1476 = vector.broadcast %add3A_1475 : i32 to vector<16xi32>
    %add3A_1477 = arith.addi %add3A_1476, %shift_right_logical3A_1474 : vector<16xi32>
    %gather3A_1478 = tpu.vector_load_idx %arg7[%add3A_1477] : memref<48xi32, #tpu.memory_space<vmem>>[vector<16xi32>], vector<16xi32>,
    %and3A_1479 = arith.constant 31 : i32
    %and3A_1480 = vector.broadcast %and3A_1479 : i32 to vector<16xi32>
    %and3A_1481 = arith.andi %gather3A_1478, %and3A_1480 : vector<16xi32>
    %shift_left3A_1482 = arith.constant 2 : i32
    %shift_left3A_1483 = vector.broadcast %shift_left3A_1482 : i32 to vector<16xi32>
    %shift_left3A_1484 = arith.shli %and3A_1481, %shift_left3A_1483 : vector<16xi32>
    %and3A_1485 = arith.constant 3 : i32
    %and3A_1486 = vector.broadcast %and3A_1485 : i32 to vector<16xi32>
    %and3A_1487 = arith.andi %iota3A, %and3A_1486 : vector<16xi32>
    %or3A_1488 = arith.ori %shift_left3A_1484, %and3A_1487 : vector<16xi32>
    %gather3A_1489 = tpu.vector_load_idx %arg10[%add3A_1477, %or3A_1488] : memref<48x128xi32, #tpu.memory_space<vmem>>[vector<16xi32>, vector<16xi32>], vector<16xi32>,
    %swap3A_1490 = arith.constant 112 : index
    %swap3A_1491 = tpu.vector_load %arg12[%swap3A_1490] {strides = array<i32>} : memref<192xi32, #tpu.memory_space<vmem>>, vector<16xi32>,
    tpu.vector_store %arg12[%swap3A_1490], %gather3A_1489 {strides = array<i32>} : memref<192xi32, #tpu.memory_space<vmem>>, vector<16xi32>,
    %shift_right_logical3A_1492 = arith.constant 2 : i32
    %shift_right_logical3A_1493 = vector.broadcast %shift_right_logical3A_1492 : i32 to vector<16xi32>
    %shift_right_logical3A_1494 = arith.shrui %iota3A, %shift_right_logical3A_1493 : vector<16xi32>
    %add3A_1495 = arith.constant 32 : i32
    %add3A_1496 = vector.broadcast %add3A_1495 : i32 to vector<16xi32>
    %add3A_1497 = arith.addi %add3A_1496, %shift_right_logical3A_1494 : vector<16xi32>
    %gather3A_1498 = tpu.vector_load_idx %arg7[%add3A_1497] : memref<48xi32, #tpu.memory_space<vmem>>[vector<16xi32>], vector<16xi32>,
    %and3A_1499 = arith.constant 31 : i32
    %and3A_1500 = vector.broadcast %and3A_1499 : i32 to vector<16xi32>
    %and3A_1501 = arith.andi %gather3A_1498, %and3A_1500 : vector<16xi32>
    %shift_left3A_1502 = arith.constant 2 : i32
    %shift_left3A_1503 = vector.broadcast %shift_left3A_1502 : i32 to vector<16xi32>
    %shift_left3A_1504 = arith.shli %and3A_1501, %shift_left3A_1503 : vector<16xi32>
    %and3A_1505 = arith.constant 3 : i32
    %and3A_1506 = vector.broadcast %and3A_1505 : i32 to vector<16xi32>
    %and3A_1507 = arith.andi %iota3A, %and3A_1506 : vector<16xi32>
    %or3A_1508 = arith.ori %shift_left3A_1504, %and3A_1507 : vector<16xi32>
    %gather3A_1509 = tpu.vector_load_idx %arg10[%add3A_1497, %or3A_1508] : memref<48x128xi32, #tpu.memory_space<vmem>>[vector<16xi32>, vector<16xi32>], vector<16xi32>,
    %swap3A_1510 = arith.constant 128 : index
    %swap3A_1511 = tpu.vector_load %arg12[%swap3A_1510] {strides = array<i32>} : memref<192xi32, #tpu.memory_space<vmem>>, vector<16xi32>,
    tpu.vector_store %arg12[%swap3A_1510], %gather3A_1509 {strides = array<i32>} : memref<192xi32, #tpu.memory_space<vmem>>, vector<16xi32>,
    %shift_right_logical3A_1512 = arith.constant 2 : i32
    %shift_right_logical3A_1513 = vector.broadcast %shift_right_logical3A_1512 : i32 to vector<16xi32>
    %shift_right_logical3A_1514 = arith.shrui %iota3A, %shift_right_logical3A_1513 : vector<16xi32>
    %add3A_1515 = arith.constant 36 : i32
    %add3A_1516 = vector.broadcast %add3A_1515 : i32 to vector<16xi32>
    %add3A_1517 = arith.addi %add3A_1516, %shift_right_logical3A_1514 : vector<16xi32>
    %gather3A_1518 = tpu.vector_load_idx %arg7[%add3A_1517] : memref<48xi32, #tpu.memory_space<vmem>>[vector<16xi32>], vector<16xi32>,
    %and3A_1519 = arith.constant 31 : i32
    %and3A_1520 = vector.broadcast %and3A_1519 : i32 to vector<16xi32>
    %and3A_1521 = arith.andi %gather3A_1518, %and3A_1520 : vector<16xi32>
    %shift_left3A_1522 = arith.constant 2 : i32
    %shift_left3A_1523 = vector.broadcast %shift_left3A_1522 : i32 to vector<16xi32>
    %shift_left3A_1524 = arith.shli %and3A_1521, %shift_left3A_1523 : vector<16xi32>
    %and3A_1525 = arith.constant 3 : i32
    %and3A_1526 = vector.broadcast %and3A_1525 : i32 to vector<16xi32>
    %and3A_1527 = arith.andi %iota3A, %and3A_1526 : vector<16xi32>
    %or3A_1528 = arith.ori %shift_left3A_1524, %and3A_1527 : vector<16xi32>
    %gather3A_1529 = tpu.vector_load_idx %arg10[%add3A_1517, %or3A_1528] : memref<48x128xi32, #tpu.memory_space<vmem>>[vector<16xi32>, vector<16xi32>], vector<16xi32>,
    %swap3A_1530 = arith.constant 144 : index
    %swap3A_1531 = tpu.vector_load %arg12[%swap3A_1530] {strides = array<i32>} : memref<192xi32, #tpu.memory_space<vmem>>, vector<16xi32>,
    tpu.vector_store %arg12[%swap3A_1530], %gather3A_1529 {strides = array<i32>} : memref<192xi32, #tpu.memory_space<vmem>>, vector<16xi32>,
    %shift_right_logical3A_1532 = arith.constant 2 : i32
    %shift_right_logical3A_1533 = vector.broadcast %shift_right_logical3A_1532 : i32 to vector<16xi32>
    %shift_right_logical3A_1534 = arith.shrui %iota3A, %shift_right_logical3A_1533 : vector<16xi32>
    %add3A_1535 = arith.constant 40 : i32
    %add3A_1536 = vector.broadcast %add3A_1535 : i32 to vector<16xi32>
    %add3A_1537 = arith.addi %add3A_1536, %shift_right_logical3A_1534 : vector<16xi32>
    %gather3A_1538 = tpu.vector_load_idx %arg7[%add3A_1537] : memref<48xi32, #tpu.memory_space<vmem>>[vector<16xi32>], vector<16xi32>,
    %and3A_1539 = arith.constant 31 : i32
    %and3A_1540 = vector.broadcast %and3A_1539 : i32 to vector<16xi32>
    %and3A_1541 = arith.andi %gather3A_1538, %and3A_1540 : vector<16xi32>
    %shift_left3A_1542 = arith.constant 2 : i32
    %shift_left3A_1543 = vector.broadcast %shift_left3A_1542 : i32 to vector<16xi32>
    %shift_left3A_1544 = arith.shli %and3A_1541, %shift_left3A_1543 : vector<16xi32>
    %and3A_1545 = arith.constant 3 : i32
    %and3A_1546 = vector.broadcast %and3A_1545 : i32 to vector<16xi32>
    %and3A_1547 = arith.andi %iota3A, %and3A_1546 : vector<16xi32>
    %or3A_1548 = arith.ori %shift_left3A_1544, %and3A_1547 : vector<16xi32>
    %gather3A_1549 = tpu.vector_load_idx %arg10[%add3A_1537, %or3A_1548] : memref<48x128xi32, #tpu.memory_space<vmem>>[vector<16xi32>, vector<16xi32>], vector<16xi32>,
    %swap3A_1550 = arith.constant 160 : index
    %swap3A_1551 = tpu.vector_load %arg12[%swap3A_1550] {strides = array<i32>} : memref<192xi32, #tpu.memory_space<vmem>>, vector<16xi32>,
    tpu.vector_store %arg12[%swap3A_1550], %gather3A_1549 {strides = array<i32>} : memref<192xi32, #tpu.memory_space<vmem>>, vector<16xi32>,
    %shift_right_logical3A_1552 = arith.constant 2 : i32
    %shift_right_logical3A_1553 = vector.broadcast %shift_right_logical3A_1552 : i32 to vector<16xi32>
    %shift_right_logical3A_1554 = arith.shrui %iota3A, %shift_right_logical3A_1553 : vector<16xi32>
    %add3A_1555 = arith.constant 44 : i32
    %add3A_1556 = vector.broadcast %add3A_1555 : i32 to vector<16xi32>
    %add3A_1557 = arith.addi %add3A_1556, %shift_right_logical3A_1554 : vector<16xi32>
    %gather3A_1558 = tpu.vector_load_idx %arg7[%add3A_1557] : memref<48xi32, #tpu.memory_space<vmem>>[vector<16xi32>], vector<16xi32>,
    %and3A_1559 = arith.constant 31 : i32
    %and3A_1560 = vector.broadcast %and3A_1559 : i32 to vector<16xi32>
    %and3A_1561 = arith.andi %gather3A_1558, %and3A_1560 : vector<16xi32>
    %shift_left3A_1562 = arith.constant 2 : i32
    %shift_left3A_1563 = vector.broadcast %shift_left3A_1562 : i32 to vector<16xi32>
    %shift_left3A_1564 = arith.shli %and3A_1561, %shift_left3A_1563 : vector<16xi32>
    %and3A_1565 = arith.constant 3 : i32
    %and3A_1566 = vector.broadcast %and3A_1565 : i32 to vector<16xi32>
    %and3A_1567 = arith.andi %iota3A, %and3A_1566 : vector<16xi32>
    %or3A_1568 = arith.ori %shift_left3A_1564, %and3A_1567 : vector<16xi32>
    %gather3A_1569 = tpu.vector_load_idx %arg10[%add3A_1557, %or3A_1568] : memref<48x128xi32, #tpu.memory_space<vmem>>[vector<16xi32>, vector<16xi32>], vector<16xi32>,
    %swap3A_1570 = arith.constant 176 : index
    %swap3A_1571 = tpu.vector_load %arg12[%swap3A_1570] {strides = array<i32>} : memref<192xi32, #tpu.memory_space<vmem>>, vector<16xi32>,
    tpu.vector_store %arg12[%swap3A_1570], %gather3A_1569 {strides = array<i32>} : memref<192xi32, #tpu.memory_space<vmem>>, vector<16xi32>,
    %add3A_1572 = arith.constant 0 : i32
    %add3A_1573 = vector.broadcast %add3A_1572 : i32 to vector<16xi32>
    %add3A_1574 = arith.addi %add3A_1573, %iota3A : vector<16xi32>
    %gather3A_1575 = tpu.vector_load_idx %arg7[%add3A_1574] : memref<48xi32, #tpu.memory_space<vmem>>[vector<16xi32>], vector<16xi32>,
    %and3A_1576 = arith.constant 127 : i32
    %and3A_1577 = vector.broadcast %and3A_1576 : i32 to vector<16xi32>
    %and3A_1578 = arith.andi %gather3A_1575, %and3A_1577 : vector<16xi32>
    %gather3A_1579 = tpu.vector_load_idx %arg11[%add3A_1574, %and3A_1578] : memref<48x128xf32, #tpu.memory_space<vmem>>[vector<16xi32>, vector<16xi32>], vector<16xf32>,
    %swap3A_1580 = arith.constant 0 : index
    %swap3A_1581 = tpu.vector_load %arg13[%swap3A_1580] {strides = array<i32>} : memref<48xf32, #tpu.memory_space<vmem>>, vector<16xf32>,
    tpu.vector_store %arg13[%swap3A_1580], %gather3A_1579 {strides = array<i32>} : memref<48xf32, #tpu.memory_space<vmem>>, vector<16xf32>,
    %add3A_1582 = arith.constant 16 : i32
    %add3A_1583 = vector.broadcast %add3A_1582 : i32 to vector<16xi32>
    %add3A_1584 = arith.addi %add3A_1583, %iota3A : vector<16xi32>
    %gather3A_1585 = tpu.vector_load_idx %arg7[%add3A_1584] : memref<48xi32, #tpu.memory_space<vmem>>[vector<16xi32>], vector<16xi32>,
    %and3A_1586 = arith.constant 127 : i32
    %and3A_1587 = vector.broadcast %and3A_1586 : i32 to vector<16xi32>
    %and3A_1588 = arith.andi %gather3A_1585, %and3A_1587 : vector<16xi32>
    %gather3A_1589 = tpu.vector_load_idx %arg11[%add3A_1584, %and3A_1588] : memref<48x128xf32, #tpu.memory_space<vmem>>[vector<16xi32>, vector<16xi32>], vector<16xf32>,
    %swap3A_1590 = arith.constant 16 : index
    %swap3A_1591 = tpu.vector_load %arg13[%swap3A_1590] {strides = array<i32>} : memref<48xf32, #tpu.memory_space<vmem>>, vector<16xf32>,
    tpu.vector_store %arg13[%swap3A_1590], %gather3A_1589 {strides = array<i32>} : memref<48xf32, #tpu.memory_space<vmem>>, vector<16xf32>,
    %add3A_1592 = arith.constant 32 : i32
    %add3A_1593 = vector.broadcast %add3A_1592 : i32 to vector<16xi32>
    %add3A_1594 = arith.addi %add3A_1593, %iota3A : vector<16xi32>
    %gather3A_1595 = tpu.vector_load_idx %arg7[%add3A_1594] : memref<48xi32, #tpu.memory_space<vmem>>[vector<16xi32>], vector<16xi32>,
    %and3A_1596 = arith.constant 127 : i32
    %and3A_1597 = vector.broadcast %and3A_1596 : i32 to vector<16xi32>
    %and3A_1598 = arith.andi %gather3A_1595, %and3A_1597 : vector<16xi32>
    %gather3A_1599 = tpu.vector_load_idx %arg11[%add3A_1594, %and3A_1598] : memref<48x128xf32, #tpu.memory_space<vmem>>[vector<16xi32>, vector<16xi32>], vector<16xf32>,
    %swap3A_1600 = arith.constant 32 : index
    %swap3A_1601 = tpu.vector_load %arg13[%swap3A_1600] {strides = array<i32>} : memref<48xf32, #tpu.memory_space<vmem>>, vector<16xf32>,
    tpu.vector_store %arg13[%swap3A_1600], %gather3A_1599 {strides = array<i32>} : memref<48xf32, #tpu.memory_space<vmem>>, vector<16xf32>,
    %mul3A_1602 = arith.constant 4 : i32
    %mul3A_1603 = arith.muli %add3A_1283, %mul3A_1602 : i32
    "tpu.region"() ({
      %run_scoped3A = tpu.sem_alloc : memref<!tpu.dma_semaphore, #tpu.memory_space<semaphore_mem>>
      %dma_start3A_3536 = tpu.memref_slice %arg5[%mul3A_1603] : memref<67584xi32, #tpu.memory_space<hbm>> -> memref<192xi32, #tpu.memory_space<hbm>>
      %dma_start3A_3537 = tpu.memref_slice %arg5[%mul3A_1603] : memref<67584xi32, #tpu.memory_space<hbm>> -> memref<192xi32, #tpu.memory_space<hbm>>
      tpu.enqueue_dma source(%arg12 : memref<192xi32, #tpu.memory_space<vmem>>) target(%dma_start3A_3537 : memref<192xi32, #tpu.memory_space<hbm>>) target_semaphore(%run_scoped3A : memref<!tpu.dma_semaphore, #tpu.memory_space<semaphore_mem>>)
      %dma_wait3A_3538 = tpu.memref_slice %arg5[%mul3A_1603] : memref<67584xi32, #tpu.memory_space<hbm>> -> memref<192xi32, #tpu.memory_space<hbm>>
      %dma_wait3A_3539 = tpu.memref_slice %arg5[%mul3A_1603] : memref<67584xi32, #tpu.memory_space<hbm>> -> memref<192xi32, #tpu.memory_space<hbm>>
      tpu.wait_dma2 semaphore(%run_scoped3A : memref<!tpu.dma_semaphore, #tpu.memory_space<semaphore_mem>>) src(%arg12 : memref<192xi32, #tpu.memory_space<vmem>>) dst(%dma_wait3A_3539 : memref<192xi32, #tpu.memory_space<hbm>>)
      tpu.yield
    }) : () -> ()
    "tpu.region"() ({
      %run_scoped3A = tpu.sem_alloc : memref<!tpu.dma_semaphore, #tpu.memory_space<semaphore_mem>>
      %dma_start3A_3536 = tpu.memref_slice %arg6[%add3A_1283] : memref<16896xf32, #tpu.memory_space<hbm>> -> memref<48xf32, #tpu.memory_space<hbm>>
      %dma_start3A_3537 = tpu.memref_slice %arg6[%add3A_1283] : memref<16896xf32, #tpu.memory_space<hbm>> -> memref<48xf32, #tpu.memory_space<hbm>>
      tpu.enqueue_dma source(%arg13 : memref<48xf32, #tpu.memory_space<vmem>>) target(%dma_start3A_3537 : memref<48xf32, #tpu.memory_space<hbm>>) target_semaphore(%run_scoped3A : memref<!tpu.dma_semaphore, #tpu.memory_space<semaphore_mem>>)
      %dma_wait3A_3538 = tpu.memref_slice %arg6[%add3A_1283] : memref<16896xf32, #tpu.memory_space<hbm>> -> memref<48xf32, #tpu.memory_space<hbm>>
      %dma_wait3A_3539 = tpu.memref_slice %arg6[%add3A_1283] : memref<16896xf32, #tpu.memory_space<hbm>> -> memref<48xf32, #tpu.memory_space<hbm>>
      tpu.wait_dma2 semaphore(%run_scoped3A : memref<!tpu.dma_semaphore, #tpu.memory_space<semaphore_mem>>) src(%arg13 : memref<48xf32, #tpu.memory_space<vmem>>) dst(%dma_wait3A_3539 : memref<48xf32, #tpu.memory_space<hbm>>)
      tpu.yield
    }) : () -> ()
    %add3A_1604 = arith.constant 240 : i32
    %add3A_1605 = arith.addi %mul3A_2, %add3A_1604 : i32
    "tpu.region"() ({
      %run_scoped3A = tpu.sem_alloc : memref<!tpu.dma_semaphore, #tpu.memory_space<semaphore_mem>>
      %dma_start3A_3536 = tpu.memref_slice %arg4[%add3A_1605] : memref<16896xi32, #tpu.memory_space<hbm>> -> memref<48xi32, #tpu.memory_space<hbm>>
      %dma_start3A_3537 = tpu.memref_slice %arg4[%add3A_1605] : memref<16896xi32, #tpu.memory_space<hbm>> -> memref<48xi32, #tpu.memory_space<hbm>>
      tpu.enqueue_dma source(%dma_start3A_3537 : memref<48xi32, #tpu.memory_space<hbm>>) target(%arg7 : memref<48xi32, #tpu.memory_space<vmem>>) target_semaphore(%run_scoped3A : memref<!tpu.dma_semaphore, #tpu.memory_space<semaphore_mem>>)
      %dma_wait3A_3538 = tpu.memref_slice %arg4[%add3A_1605] : memref<16896xi32, #tpu.memory_space<hbm>> -> memref<48xi32, #tpu.memory_space<hbm>>
      %dma_wait3A_3539 = tpu.memref_slice %arg4[%add3A_1605] : memref<16896xi32, #tpu.memory_space<hbm>> -> memref<48xi32, #tpu.memory_space<hbm>>
      tpu.wait_dma2 semaphore(%run_scoped3A : memref<!tpu.dma_semaphore, #tpu.memory_space<semaphore_mem>>) src(%dma_wait3A_3539 : memref<48xi32, #tpu.memory_space<hbm>>) dst(%arg7 : memref<48xi32, #tpu.memory_space<vmem>>)
      tpu.yield
    }) : () -> ()
    %get3A_1606 = arith.constant 0 : index
    %get3A_1607 = tpu.vector_load %arg7[%get3A_1606] {strides = array<i32>} : memref<48xi32, #tpu.memory_space<vmem>>, vector<16xi32>,
    %shift_right_logical3A_1608 = arith.constant 5 : i32
    %shift_right_logical3A_1609 = vector.broadcast %shift_right_logical3A_1608 : i32 to vector<16xi32>
    %shift_right_logical3A_1610 = arith.shrui %get3A_1607, %shift_right_logical3A_1609 : vector<16xi32>
    %swap3A_1611 = arith.constant 0 : index
    %swap3A_1612 = tpu.vector_load %arg8[%swap3A_1611] {strides = array<i32>} : memref<48xi32, #tpu.memory_space<vmem>>, vector<16xi32>,
    tpu.vector_store %arg8[%swap3A_1611], %shift_right_logical3A_1610 {strides = array<i32>} : memref<48xi32, #tpu.memory_space<vmem>>, vector<16xi32>,
    %shift_right_logical3A_1613 = arith.constant 7 : i32
    %shift_right_logical3A_1614 = vector.broadcast %shift_right_logical3A_1613 : i32 to vector<16xi32>
    %shift_right_logical3A_1615 = arith.shrui %get3A_1607, %shift_right_logical3A_1614 : vector<16xi32>
    %swap3A_1616 = arith.constant 0 : index
    %swap3A_1617 = tpu.vector_load %arg9[%swap3A_1616] {strides = array<i32>} : memref<48xi32, #tpu.memory_space<vmem>>, vector<16xi32>,
    tpu.vector_store %arg9[%swap3A_1616], %shift_right_logical3A_1615 {strides = array<i32>} : memref<48xi32, #tpu.memory_space<vmem>>, vector<16xi32>,
    %get3A_1618 = arith.constant 16 : index
    %get3A_1619 = tpu.vector_load %arg7[%get3A_1618] {strides = array<i32>} : memref<48xi32, #tpu.memory_space<vmem>>, vector<16xi32>,
    %shift_right_logical3A_1620 = arith.constant 5 : i32
    %shift_right_logical3A_1621 = vector.broadcast %shift_right_logical3A_1620 : i32 to vector<16xi32>
    %shift_right_logical3A_1622 = arith.shrui %get3A_1619, %shift_right_logical3A_1621 : vector<16xi32>
    %swap3A_1623 = arith.constant 16 : index
    %swap3A_1624 = tpu.vector_load %arg8[%swap3A_1623] {strides = array<i32>} : memref<48xi32, #tpu.memory_space<vmem>>, vector<16xi32>,
    tpu.vector_store %arg8[%swap3A_1623], %shift_right_logical3A_1622 {strides = array<i32>} : memref<48xi32, #tpu.memory_space<vmem>>, vector<16xi32>,
    %shift_right_logical3A_1625 = arith.constant 7 : i32
    %shift_right_logical3A_1626 = vector.broadcast %shift_right_logical3A_1625 : i32 to vector<16xi32>
    %shift_right_logical3A_1627 = arith.shrui %get3A_1619, %shift_right_logical3A_1626 : vector<16xi32>
    %swap3A_1628 = arith.constant 16 : index
    %swap3A_1629 = tpu.vector_load %arg9[%swap3A_1628] {strides = array<i32>} : memref<48xi32, #tpu.memory_space<vmem>>, vector<16xi32>,
    tpu.vector_store %arg9[%swap3A_1628], %shift_right_logical3A_1627 {strides = array<i32>} : memref<48xi32, #tpu.memory_space<vmem>>, vector<16xi32>,
    %get3A_1630 = arith.constant 32 : index
    %get3A_1631 = tpu.vector_load %arg7[%get3A_1630] {strides = array<i32>} : memref<48xi32, #tpu.memory_space<vmem>>, vector<16xi32>,
    %shift_right_logical3A_1632 = arith.constant 5 : i32
    %shift_right_logical3A_1633 = vector.broadcast %shift_right_logical3A_1632 : i32 to vector<16xi32>
    %shift_right_logical3A_1634 = arith.shrui %get3A_1631, %shift_right_logical3A_1633 : vector<16xi32>
    %swap3A_1635 = arith.constant 32 : index
    %swap3A_1636 = tpu.vector_load %arg8[%swap3A_1635] {strides = array<i32>} : memref<48xi32, #tpu.memory_space<vmem>>, vector<16xi32>,
    tpu.vector_store %arg8[%swap3A_1635], %shift_right_logical3A_1634 {strides = array<i32>} : memref<48xi32, #tpu.memory_space<vmem>>, vector<16xi32>,
    %shift_right_logical3A_1637 = arith.constant 7 : i32
    %shift_right_logical3A_1638 = vector.broadcast %shift_right_logical3A_1637 : i32 to vector<16xi32>
    %shift_right_logical3A_1639 = arith.shrui %get3A_1631, %shift_right_logical3A_1638 : vector<16xi32>
    %swap3A_1640 = arith.constant 32 : index
    %swap3A_1641 = tpu.vector_load %arg9[%swap3A_1640] {strides = array<i32>} : memref<48xi32, #tpu.memory_space<vmem>>, vector<16xi32>,
    tpu.vector_store %arg9[%swap3A_1640], %shift_right_logical3A_1639 {strides = array<i32>} : memref<48xi32, #tpu.memory_space<vmem>>, vector<16xi32>,
    %dma_start3A_1642 = arith.constant 0 : i32
    %dma_start3A_1643 = arith.constant 0 : i32
    %dma_start3A_1644 = tpu.memref_slice %arg2[%dma_start3A_1642, %dma_start3A_1643] : memref<3125x128xi32, #tpu.memory_space<hbm>> -> memref<3125x128xi32, #tpu.memory_space<hbm>>
    tpu.enqueue_indirect_dma source(%dma_start3A_1644 : memref<3125x128xi32, #tpu.memory_space<hbm>>) target(%arg10 : memref<48x128xi32, #tpu.memory_space<vmem>>) offsets(%arg8 : memref<48xi32, #tpu.memory_space<vmem>>) semaphore(%arg14 : memref<!tpu.dma_semaphore, #tpu.memory_space<semaphore_mem>>)
    %dma_start3A_1645 = arith.constant 0 : i32
    %dma_start3A_1646 = arith.constant 0 : i32
    %dma_start3A_1647 = tpu.memref_slice %arg3[%dma_start3A_1645, %dma_start3A_1646] : memref<782x128xf32, #tpu.memory_space<hbm>> -> memref<782x128xf32, #tpu.memory_space<hbm>>
    tpu.enqueue_indirect_dma source(%dma_start3A_1647 : memref<782x128xf32, #tpu.memory_space<hbm>>) target(%arg11 : memref<48x128xf32, #tpu.memory_space<vmem>>) offsets(%arg9 : memref<48xi32, #tpu.memory_space<vmem>>) semaphore(%arg15 : memref<!tpu.dma_semaphore, #tpu.memory_space<semaphore_mem>>)
    %dma_wait3A_1648 = arith.constant 0 : i32
    %dma_wait3A_1649 = arith.constant 0 : i32
    %dma_wait3A_1650 = tpu.memref_slice %arg2[%dma_wait3A_1648, %dma_wait3A_1649] : memref<3125x128xi32, #tpu.memory_space<hbm>> -> memref<3125x128xi32, #tpu.memory_space<hbm>>
    tpu.wait_indirect_dma semaphore(%arg14 : memref<!tpu.dma_semaphore, #tpu.memory_space<semaphore_mem>>) src(%dma_wait3A_1650 : memref<3125x128xi32, #tpu.memory_space<hbm>>) dst(%arg10 : memref<48x128xi32, #tpu.memory_space<vmem>>)
    %dma_wait3A_1651 = arith.constant 0 : i32
    %dma_wait3A_1652 = arith.constant 0 : i32
    %dma_wait3A_1653 = tpu.memref_slice %arg3[%dma_wait3A_1651, %dma_wait3A_1652] : memref<782x128xf32, #tpu.memory_space<hbm>> -> memref<782x128xf32, #tpu.memory_space<hbm>>
    tpu.wait_indirect_dma semaphore(%arg15 : memref<!tpu.dma_semaphore, #tpu.memory_space<semaphore_mem>>) src(%dma_wait3A_1653 : memref<782x128xf32, #tpu.memory_space<hbm>>) dst(%arg11 : memref<48x128xf32, #tpu.memory_space<vmem>>)
    %shift_right_logical3A_1654 = arith.constant 2 : i32
    %shift_right_logical3A_1655 = vector.broadcast %shift_right_logical3A_1654 : i32 to vector<16xi32>
    %shift_right_logical3A_1656 = arith.shrui %iota3A, %shift_right_logical3A_1655 : vector<16xi32>
    %add3A_1657 = arith.constant 0 : i32
    %add3A_1658 = vector.broadcast %add3A_1657 : i32 to vector<16xi32>
    %add3A_1659 = arith.addi %add3A_1658, %shift_right_logical3A_1656 : vector<16xi32>
    %gather3A_1660 = tpu.vector_load_idx %arg7[%add3A_1659] : memref<48xi32, #tpu.memory_space<vmem>>[vector<16xi32>], vector<16xi32>,
    %and3A_1661 = arith.constant 31 : i32
    %and3A_1662 = vector.broadcast %and3A_1661 : i32 to vector<16xi32>
    %and3A_1663 = arith.andi %gather3A_1660, %and3A_1662 : vector<16xi32>
    %shift_left3A_1664 = arith.constant 2 : i32
    %shift_left3A_1665 = vector.broadcast %shift_left3A_1664 : i32 to vector<16xi32>
    %shift_left3A_1666 = arith.shli %and3A_1663, %shift_left3A_1665 : vector<16xi32>
    %and3A_1667 = arith.constant 3 : i32
    %and3A_1668 = vector.broadcast %and3A_1667 : i32 to vector<16xi32>
    %and3A_1669 = arith.andi %iota3A, %and3A_1668 : vector<16xi32>
    %or3A_1670 = arith.ori %shift_left3A_1666, %and3A_1669 : vector<16xi32>
    %gather3A_1671 = tpu.vector_load_idx %arg10[%add3A_1659, %or3A_1670] : memref<48x128xi32, #tpu.memory_space<vmem>>[vector<16xi32>, vector<16xi32>], vector<16xi32>,
    %swap3A_1672 = arith.constant 0 : index
    %swap3A_1673 = tpu.vector_load %arg12[%swap3A_1672] {strides = array<i32>} : memref<192xi32, #tpu.memory_space<vmem>>, vector<16xi32>,
    tpu.vector_store %arg12[%swap3A_1672], %gather3A_1671 {strides = array<i32>} : memref<192xi32, #tpu.memory_space<vmem>>, vector<16xi32>,
    %shift_right_logical3A_1674 = arith.constant 2 : i32
    %shift_right_logical3A_1675 = vector.broadcast %shift_right_logical3A_1674 : i32 to vector<16xi32>
    %shift_right_logical3A_1676 = arith.shrui %iota3A, %shift_right_logical3A_1675 : vector<16xi32>
    %add3A_1677 = arith.constant 4 : i32
    %add3A_1678 = vector.broadcast %add3A_1677 : i32 to vector<16xi32>
    %add3A_1679 = arith.addi %add3A_1678, %shift_right_logical3A_1676 : vector<16xi32>
    %gather3A_1680 = tpu.vector_load_idx %arg7[%add3A_1679] : memref<48xi32, #tpu.memory_space<vmem>>[vector<16xi32>], vector<16xi32>,
    %and3A_1681 = arith.constant 31 : i32
    %and3A_1682 = vector.broadcast %and3A_1681 : i32 to vector<16xi32>
    %and3A_1683 = arith.andi %gather3A_1680, %and3A_1682 : vector<16xi32>
    %shift_left3A_1684 = arith.constant 2 : i32
    %shift_left3A_1685 = vector.broadcast %shift_left3A_1684 : i32 to vector<16xi32>
    %shift_left3A_1686 = arith.shli %and3A_1683, %shift_left3A_1685 : vector<16xi32>
    %and3A_1687 = arith.constant 3 : i32
    %and3A_1688 = vector.broadcast %and3A_1687 : i32 to vector<16xi32>
    %and3A_1689 = arith.andi %iota3A, %and3A_1688 : vector<16xi32>
    %or3A_1690 = arith.ori %shift_left3A_1686, %and3A_1689 : vector<16xi32>
    %gather3A_1691 = tpu.vector_load_idx %arg10[%add3A_1679, %or3A_1690] : memref<48x128xi32, #tpu.memory_space<vmem>>[vector<16xi32>, vector<16xi32>], vector<16xi32>,
    %swap3A_1692 = arith.constant 16 : index
    %swap3A_1693 = tpu.vector_load %arg12[%swap3A_1692] {strides = array<i32>} : memref<192xi32, #tpu.memory_space<vmem>>, vector<16xi32>,
    tpu.vector_store %arg12[%swap3A_1692], %gather3A_1691 {strides = array<i32>} : memref<192xi32, #tpu.memory_space<vmem>>, vector<16xi32>,
    %shift_right_logical3A_1694 = arith.constant 2 : i32
    %shift_right_logical3A_1695 = vector.broadcast %shift_right_logical3A_1694 : i32 to vector<16xi32>
    %shift_right_logical3A_1696 = arith.shrui %iota3A, %shift_right_logical3A_1695 : vector<16xi32>
    %add3A_1697 = arith.constant 8 : i32
    %add3A_1698 = vector.broadcast %add3A_1697 : i32 to vector<16xi32>
    %add3A_1699 = arith.addi %add3A_1698, %shift_right_logical3A_1696 : vector<16xi32>
    %gather3A_1700 = tpu.vector_load_idx %arg7[%add3A_1699] : memref<48xi32, #tpu.memory_space<vmem>>[vector<16xi32>], vector<16xi32>,
    %and3A_1701 = arith.constant 31 : i32
    %and3A_1702 = vector.broadcast %and3A_1701 : i32 to vector<16xi32>
    %and3A_1703 = arith.andi %gather3A_1700, %and3A_1702 : vector<16xi32>
    %shift_left3A_1704 = arith.constant 2 : i32
    %shift_left3A_1705 = vector.broadcast %shift_left3A_1704 : i32 to vector<16xi32>
    %shift_left3A_1706 = arith.shli %and3A_1703, %shift_left3A_1705 : vector<16xi32>
    %and3A_1707 = arith.constant 3 : i32
    %and3A_1708 = vector.broadcast %and3A_1707 : i32 to vector<16xi32>
    %and3A_1709 = arith.andi %iota3A, %and3A_1708 : vector<16xi32>
    %or3A_1710 = arith.ori %shift_left3A_1706, %and3A_1709 : vector<16xi32>
    %gather3A_1711 = tpu.vector_load_idx %arg10[%add3A_1699, %or3A_1710] : memref<48x128xi32, #tpu.memory_space<vmem>>[vector<16xi32>, vector<16xi32>], vector<16xi32>,
    %swap3A_1712 = arith.constant 32 : index
    %swap3A_1713 = tpu.vector_load %arg12[%swap3A_1712] {strides = array<i32>} : memref<192xi32, #tpu.memory_space<vmem>>, vector<16xi32>,
    tpu.vector_store %arg12[%swap3A_1712], %gather3A_1711 {strides = array<i32>} : memref<192xi32, #tpu.memory_space<vmem>>, vector<16xi32>,
    %shift_right_logical3A_1714 = arith.constant 2 : i32
    %shift_right_logical3A_1715 = vector.broadcast %shift_right_logical3A_1714 : i32 to vector<16xi32>
    %shift_right_logical3A_1716 = arith.shrui %iota3A, %shift_right_logical3A_1715 : vector<16xi32>
    %add3A_1717 = arith.constant 12 : i32
    %add3A_1718 = vector.broadcast %add3A_1717 : i32 to vector<16xi32>
    %add3A_1719 = arith.addi %add3A_1718, %shift_right_logical3A_1716 : vector<16xi32>
    %gather3A_1720 = tpu.vector_load_idx %arg7[%add3A_1719] : memref<48xi32, #tpu.memory_space<vmem>>[vector<16xi32>], vector<16xi32>,
    %and3A_1721 = arith.constant 31 : i32
    %and3A_1722 = vector.broadcast %and3A_1721 : i32 to vector<16xi32>
    %and3A_1723 = arith.andi %gather3A_1720, %and3A_1722 : vector<16xi32>
    %shift_left3A_1724 = arith.constant 2 : i32
    %shift_left3A_1725 = vector.broadcast %shift_left3A_1724 : i32 to vector<16xi32>
    %shift_left3A_1726 = arith.shli %and3A_1723, %shift_left3A_1725 : vector<16xi32>
    %and3A_1727 = arith.constant 3 : i32
    %and3A_1728 = vector.broadcast %and3A_1727 : i32 to vector<16xi32>
    %and3A_1729 = arith.andi %iota3A, %and3A_1728 : vector<16xi32>
    %or3A_1730 = arith.ori %shift_left3A_1726, %and3A_1729 : vector<16xi32>
    %gather3A_1731 = tpu.vector_load_idx %arg10[%add3A_1719, %or3A_1730] : memref<48x128xi32, #tpu.memory_space<vmem>>[vector<16xi32>, vector<16xi32>], vector<16xi32>,
    %swap3A_1732 = arith.constant 48 : index
    %swap3A_1733 = tpu.vector_load %arg12[%swap3A_1732] {strides = array<i32>} : memref<192xi32, #tpu.memory_space<vmem>>, vector<16xi32>,
    tpu.vector_store %arg12[%swap3A_1732], %gather3A_1731 {strides = array<i32>} : memref<192xi32, #tpu.memory_space<vmem>>, vector<16xi32>,
    %shift_right_logical3A_1734 = arith.constant 2 : i32
    %shift_right_logical3A_1735 = vector.broadcast %shift_right_logical3A_1734 : i32 to vector<16xi32>
    %shift_right_logical3A_1736 = arith.shrui %iota3A, %shift_right_logical3A_1735 : vector<16xi32>
    %add3A_1737 = arith.constant 16 : i32
    %add3A_1738 = vector.broadcast %add3A_1737 : i32 to vector<16xi32>
    %add3A_1739 = arith.addi %add3A_1738, %shift_right_logical3A_1736 : vector<16xi32>
    %gather3A_1740 = tpu.vector_load_idx %arg7[%add3A_1739] : memref<48xi32, #tpu.memory_space<vmem>>[vector<16xi32>], vector<16xi32>,
    %and3A_1741 = arith.constant 31 : i32
    %and3A_1742 = vector.broadcast %and3A_1741 : i32 to vector<16xi32>
    %and3A_1743 = arith.andi %gather3A_1740, %and3A_1742 : vector<16xi32>
    %shift_left3A_1744 = arith.constant 2 : i32
    %shift_left3A_1745 = vector.broadcast %shift_left3A_1744 : i32 to vector<16xi32>
    %shift_left3A_1746 = arith.shli %and3A_1743, %shift_left3A_1745 : vector<16xi32>
    %and3A_1747 = arith.constant 3 : i32
    %and3A_1748 = vector.broadcast %and3A_1747 : i32 to vector<16xi32>
    %and3A_1749 = arith.andi %iota3A, %and3A_1748 : vector<16xi32>
    %or3A_1750 = arith.ori %shift_left3A_1746, %and3A_1749 : vector<16xi32>
    %gather3A_1751 = tpu.vector_load_idx %arg10[%add3A_1739, %or3A_1750] : memref<48x128xi32, #tpu.memory_space<vmem>>[vector<16xi32>, vector<16xi32>], vector<16xi32>,
    %swap3A_1752 = arith.constant 64 : index
    %swap3A_1753 = tpu.vector_load %arg12[%swap3A_1752] {strides = array<i32>} : memref<192xi32, #tpu.memory_space<vmem>>, vector<16xi32>,
    tpu.vector_store %arg12[%swap3A_1752], %gather3A_1751 {strides = array<i32>} : memref<192xi32, #tpu.memory_space<vmem>>, vector<16xi32>,
    %shift_right_logical3A_1754 = arith.constant 2 : i32
    %shift_right_logical3A_1755 = vector.broadcast %shift_right_logical3A_1754 : i32 to vector<16xi32>
    %shift_right_logical3A_1756 = arith.shrui %iota3A, %shift_right_logical3A_1755 : vector<16xi32>
    %add3A_1757 = arith.constant 20 : i32
    %add3A_1758 = vector.broadcast %add3A_1757 : i32 to vector<16xi32>
    %add3A_1759 = arith.addi %add3A_1758, %shift_right_logical3A_1756 : vector<16xi32>
    %gather3A_1760 = tpu.vector_load_idx %arg7[%add3A_1759] : memref<48xi32, #tpu.memory_space<vmem>>[vector<16xi32>], vector<16xi32>,
    %and3A_1761 = arith.constant 31 : i32
    %and3A_1762 = vector.broadcast %and3A_1761 : i32 to vector<16xi32>
    %and3A_1763 = arith.andi %gather3A_1760, %and3A_1762 : vector<16xi32>
    %shift_left3A_1764 = arith.constant 2 : i32
    %shift_left3A_1765 = vector.broadcast %shift_left3A_1764 : i32 to vector<16xi32>
    %shift_left3A_1766 = arith.shli %and3A_1763, %shift_left3A_1765 : vector<16xi32>
    %and3A_1767 = arith.constant 3 : i32
    %and3A_1768 = vector.broadcast %and3A_1767 : i32 to vector<16xi32>
    %and3A_1769 = arith.andi %iota3A, %and3A_1768 : vector<16xi32>
    %or3A_1770 = arith.ori %shift_left3A_1766, %and3A_1769 : vector<16xi32>
    %gather3A_1771 = tpu.vector_load_idx %arg10[%add3A_1759, %or3A_1770] : memref<48x128xi32, #tpu.memory_space<vmem>>[vector<16xi32>, vector<16xi32>], vector<16xi32>,
    %swap3A_1772 = arith.constant 80 : index
    %swap3A_1773 = tpu.vector_load %arg12[%swap3A_1772] {strides = array<i32>} : memref<192xi32, #tpu.memory_space<vmem>>, vector<16xi32>,
    tpu.vector_store %arg12[%swap3A_1772], %gather3A_1771 {strides = array<i32>} : memref<192xi32, #tpu.memory_space<vmem>>, vector<16xi32>,
    %shift_right_logical3A_1774 = arith.constant 2 : i32
    %shift_right_logical3A_1775 = vector.broadcast %shift_right_logical3A_1774 : i32 to vector<16xi32>
    %shift_right_logical3A_1776 = arith.shrui %iota3A, %shift_right_logical3A_1775 : vector<16xi32>
    %add3A_1777 = arith.constant 24 : i32
    %add3A_1778 = vector.broadcast %add3A_1777 : i32 to vector<16xi32>
    %add3A_1779 = arith.addi %add3A_1778, %shift_right_logical3A_1776 : vector<16xi32>
    %gather3A_1780 = tpu.vector_load_idx %arg7[%add3A_1779] : memref<48xi32, #tpu.memory_space<vmem>>[vector<16xi32>], vector<16xi32>,
    %and3A_1781 = arith.constant 31 : i32
    %and3A_1782 = vector.broadcast %and3A_1781 : i32 to vector<16xi32>
    %and3A_1783 = arith.andi %gather3A_1780, %and3A_1782 : vector<16xi32>
    %shift_left3A_1784 = arith.constant 2 : i32
    %shift_left3A_1785 = vector.broadcast %shift_left3A_1784 : i32 to vector<16xi32>
    %shift_left3A_1786 = arith.shli %and3A_1783, %shift_left3A_1785 : vector<16xi32>
    %and3A_1787 = arith.constant 3 : i32
    %and3A_1788 = vector.broadcast %and3A_1787 : i32 to vector<16xi32>
    %and3A_1789 = arith.andi %iota3A, %and3A_1788 : vector<16xi32>
    %or3A_1790 = arith.ori %shift_left3A_1786, %and3A_1789 : vector<16xi32>
    %gather3A_1791 = tpu.vector_load_idx %arg10[%add3A_1779, %or3A_1790] : memref<48x128xi32, #tpu.memory_space<vmem>>[vector<16xi32>, vector<16xi32>], vector<16xi32>,
    %swap3A_1792 = arith.constant 96 : index
    %swap3A_1793 = tpu.vector_load %arg12[%swap3A_1792] {strides = array<i32>} : memref<192xi32, #tpu.memory_space<vmem>>, vector<16xi32>,
    tpu.vector_store %arg12[%swap3A_1792], %gather3A_1791 {strides = array<i32>} : memref<192xi32, #tpu.memory_space<vmem>>, vector<16xi32>,
    %shift_right_logical3A_1794 = arith.constant 2 : i32
    %shift_right_logical3A_1795 = vector.broadcast %shift_right_logical3A_1794 : i32 to vector<16xi32>
    %shift_right_logical3A_1796 = arith.shrui %iota3A, %shift_right_logical3A_1795 : vector<16xi32>
    %add3A_1797 = arith.constant 28 : i32
    %add3A_1798 = vector.broadcast %add3A_1797 : i32 to vector<16xi32>
    %add3A_1799 = arith.addi %add3A_1798, %shift_right_logical3A_1796 : vector<16xi32>
    %gather3A_1800 = tpu.vector_load_idx %arg7[%add3A_1799] : memref<48xi32, #tpu.memory_space<vmem>>[vector<16xi32>], vector<16xi32>,
    %and3A_1801 = arith.constant 31 : i32
    %and3A_1802 = vector.broadcast %and3A_1801 : i32 to vector<16xi32>
    %and3A_1803 = arith.andi %gather3A_1800, %and3A_1802 : vector<16xi32>
    %shift_left3A_1804 = arith.constant 2 : i32
    %shift_left3A_1805 = vector.broadcast %shift_left3A_1804 : i32 to vector<16xi32>
    %shift_left3A_1806 = arith.shli %and3A_1803, %shift_left3A_1805 : vector<16xi32>
    %and3A_1807 = arith.constant 3 : i32
    %and3A_1808 = vector.broadcast %and3A_1807 : i32 to vector<16xi32>
    %and3A_1809 = arith.andi %iota3A, %and3A_1808 : vector<16xi32>
    %or3A_1810 = arith.ori %shift_left3A_1806, %and3A_1809 : vector<16xi32>
    %gather3A_1811 = tpu.vector_load_idx %arg10[%add3A_1799, %or3A_1810] : memref<48x128xi32, #tpu.memory_space<vmem>>[vector<16xi32>, vector<16xi32>], vector<16xi32>,
    %swap3A_1812 = arith.constant 112 : index
    %swap3A_1813 = tpu.vector_load %arg12[%swap3A_1812] {strides = array<i32>} : memref<192xi32, #tpu.memory_space<vmem>>, vector<16xi32>,
    tpu.vector_store %arg12[%swap3A_1812], %gather3A_1811 {strides = array<i32>} : memref<192xi32, #tpu.memory_space<vmem>>, vector<16xi32>,
    %shift_right_logical3A_1814 = arith.constant 2 : i32
    %shift_right_logical3A_1815 = vector.broadcast %shift_right_logical3A_1814 : i32 to vector<16xi32>
    %shift_right_logical3A_1816 = arith.shrui %iota3A, %shift_right_logical3A_1815 : vector<16xi32>
    %add3A_1817 = arith.constant 32 : i32
    %add3A_1818 = vector.broadcast %add3A_1817 : i32 to vector<16xi32>
    %add3A_1819 = arith.addi %add3A_1818, %shift_right_logical3A_1816 : vector<16xi32>
    %gather3A_1820 = tpu.vector_load_idx %arg7[%add3A_1819] : memref<48xi32, #tpu.memory_space<vmem>>[vector<16xi32>], vector<16xi32>,
    %and3A_1821 = arith.constant 31 : i32
    %and3A_1822 = vector.broadcast %and3A_1821 : i32 to vector<16xi32>
    %and3A_1823 = arith.andi %gather3A_1820, %and3A_1822 : vector<16xi32>
    %shift_left3A_1824 = arith.constant 2 : i32
    %shift_left3A_1825 = vector.broadcast %shift_left3A_1824 : i32 to vector<16xi32>
    %shift_left3A_1826 = arith.shli %and3A_1823, %shift_left3A_1825 : vector<16xi32>
    %and3A_1827 = arith.constant 3 : i32
    %and3A_1828 = vector.broadcast %and3A_1827 : i32 to vector<16xi32>
    %and3A_1829 = arith.andi %iota3A, %and3A_1828 : vector<16xi32>
    %or3A_1830 = arith.ori %shift_left3A_1826, %and3A_1829 : vector<16xi32>
    %gather3A_1831 = tpu.vector_load_idx %arg10[%add3A_1819, %or3A_1830] : memref<48x128xi32, #tpu.memory_space<vmem>>[vector<16xi32>, vector<16xi32>], vector<16xi32>,
    %swap3A_1832 = arith.constant 128 : index
    %swap3A_1833 = tpu.vector_load %arg12[%swap3A_1832] {strides = array<i32>} : memref<192xi32, #tpu.memory_space<vmem>>, vector<16xi32>,
    tpu.vector_store %arg12[%swap3A_1832], %gather3A_1831 {strides = array<i32>} : memref<192xi32, #tpu.memory_space<vmem>>, vector<16xi32>,
    %shift_right_logical3A_1834 = arith.constant 2 : i32
    %shift_right_logical3A_1835 = vector.broadcast %shift_right_logical3A_1834 : i32 to vector<16xi32>
    %shift_right_logical3A_1836 = arith.shrui %iota3A, %shift_right_logical3A_1835 : vector<16xi32>
    %add3A_1837 = arith.constant 36 : i32
    %add3A_1838 = vector.broadcast %add3A_1837 : i32 to vector<16xi32>
    %add3A_1839 = arith.addi %add3A_1838, %shift_right_logical3A_1836 : vector<16xi32>
    %gather3A_1840 = tpu.vector_load_idx %arg7[%add3A_1839] : memref<48xi32, #tpu.memory_space<vmem>>[vector<16xi32>], vector<16xi32>,
    %and3A_1841 = arith.constant 31 : i32
    %and3A_1842 = vector.broadcast %and3A_1841 : i32 to vector<16xi32>
    %and3A_1843 = arith.andi %gather3A_1840, %and3A_1842 : vector<16xi32>
    %shift_left3A_1844 = arith.constant 2 : i32
    %shift_left3A_1845 = vector.broadcast %shift_left3A_1844 : i32 to vector<16xi32>
    %shift_left3A_1846 = arith.shli %and3A_1843, %shift_left3A_1845 : vector<16xi32>
    %and3A_1847 = arith.constant 3 : i32
    %and3A_1848 = vector.broadcast %and3A_1847 : i32 to vector<16xi32>
    %and3A_1849 = arith.andi %iota3A, %and3A_1848 : vector<16xi32>
    %or3A_1850 = arith.ori %shift_left3A_1846, %and3A_1849 : vector<16xi32>
    %gather3A_1851 = tpu.vector_load_idx %arg10[%add3A_1839, %or3A_1850] : memref<48x128xi32, #tpu.memory_space<vmem>>[vector<16xi32>, vector<16xi32>], vector<16xi32>,
    %swap3A_1852 = arith.constant 144 : index
    %swap3A_1853 = tpu.vector_load %arg12[%swap3A_1852] {strides = array<i32>} : memref<192xi32, #tpu.memory_space<vmem>>, vector<16xi32>,
    tpu.vector_store %arg12[%swap3A_1852], %gather3A_1851 {strides = array<i32>} : memref<192xi32, #tpu.memory_space<vmem>>, vector<16xi32>,
    %shift_right_logical3A_1854 = arith.constant 2 : i32
    %shift_right_logical3A_1855 = vector.broadcast %shift_right_logical3A_1854 : i32 to vector<16xi32>
    %shift_right_logical3A_1856 = arith.shrui %iota3A, %shift_right_logical3A_1855 : vector<16xi32>
    %add3A_1857 = arith.constant 40 : i32
    %add3A_1858 = vector.broadcast %add3A_1857 : i32 to vector<16xi32>
    %add3A_1859 = arith.addi %add3A_1858, %shift_right_logical3A_1856 : vector<16xi32>
    %gather3A_1860 = tpu.vector_load_idx %arg7[%add3A_1859] : memref<48xi32, #tpu.memory_space<vmem>>[vector<16xi32>], vector<16xi32>,
    %and3A_1861 = arith.constant 31 : i32
    %and3A_1862 = vector.broadcast %and3A_1861 : i32 to vector<16xi32>
    %and3A_1863 = arith.andi %gather3A_1860, %and3A_1862 : vector<16xi32>
    %shift_left3A_1864 = arith.constant 2 : i32
    %shift_left3A_1865 = vector.broadcast %shift_left3A_1864 : i32 to vector<16xi32>
    %shift_left3A_1866 = arith.shli %and3A_1863, %shift_left3A_1865 : vector<16xi32>
    %and3A_1867 = arith.constant 3 : i32
    %and3A_1868 = vector.broadcast %and3A_1867 : i32 to vector<16xi32>
    %and3A_1869 = arith.andi %iota3A, %and3A_1868 : vector<16xi32>
    %or3A_1870 = arith.ori %shift_left3A_1866, %and3A_1869 : vector<16xi32>
    %gather3A_1871 = tpu.vector_load_idx %arg10[%add3A_1859, %or3A_1870] : memref<48x128xi32, #tpu.memory_space<vmem>>[vector<16xi32>, vector<16xi32>], vector<16xi32>,
    %swap3A_1872 = arith.constant 160 : index
    %swap3A_1873 = tpu.vector_load %arg12[%swap3A_1872] {strides = array<i32>} : memref<192xi32, #tpu.memory_space<vmem>>, vector<16xi32>,
    tpu.vector_store %arg12[%swap3A_1872], %gather3A_1871 {strides = array<i32>} : memref<192xi32, #tpu.memory_space<vmem>>, vector<16xi32>,
    %shift_right_logical3A_1874 = arith.constant 2 : i32
    %shift_right_logical3A_1875 = vector.broadcast %shift_right_logical3A_1874 : i32 to vector<16xi32>
    %shift_right_logical3A_1876 = arith.shrui %iota3A, %shift_right_logical3A_1875 : vector<16xi32>
    %add3A_1877 = arith.constant 44 : i32
    %add3A_1878 = vector.broadcast %add3A_1877 : i32 to vector<16xi32>
    %add3A_1879 = arith.addi %add3A_1878, %shift_right_logical3A_1876 : vector<16xi32>
    %gather3A_1880 = tpu.vector_load_idx %arg7[%add3A_1879] : memref<48xi32, #tpu.memory_space<vmem>>[vector<16xi32>], vector<16xi32>,
    %and3A_1881 = arith.constant 31 : i32
    %and3A_1882 = vector.broadcast %and3A_1881 : i32 to vector<16xi32>
    %and3A_1883 = arith.andi %gather3A_1880, %and3A_1882 : vector<16xi32>
    %shift_left3A_1884 = arith.constant 2 : i32
    %shift_left3A_1885 = vector.broadcast %shift_left3A_1884 : i32 to vector<16xi32>
    %shift_left3A_1886 = arith.shli %and3A_1883, %shift_left3A_1885 : vector<16xi32>
    %and3A_1887 = arith.constant 3 : i32
    %and3A_1888 = vector.broadcast %and3A_1887 : i32 to vector<16xi32>
    %and3A_1889 = arith.andi %iota3A, %and3A_1888 : vector<16xi32>
    %or3A_1890 = arith.ori %shift_left3A_1886, %and3A_1889 : vector<16xi32>
    %gather3A_1891 = tpu.vector_load_idx %arg10[%add3A_1879, %or3A_1890] : memref<48x128xi32, #tpu.memory_space<vmem>>[vector<16xi32>, vector<16xi32>], vector<16xi32>,
    %swap3A_1892 = arith.constant 176 : index
    %swap3A_1893 = tpu.vector_load %arg12[%swap3A_1892] {strides = array<i32>} : memref<192xi32, #tpu.memory_space<vmem>>, vector<16xi32>,
    tpu.vector_store %arg12[%swap3A_1892], %gather3A_1891 {strides = array<i32>} : memref<192xi32, #tpu.memory_space<vmem>>, vector<16xi32>,
    %add3A_1894 = arith.constant 0 : i32
    %add3A_1895 = vector.broadcast %add3A_1894 : i32 to vector<16xi32>
    %add3A_1896 = arith.addi %add3A_1895, %iota3A : vector<16xi32>
    %gather3A_1897 = tpu.vector_load_idx %arg7[%add3A_1896] : memref<48xi32, #tpu.memory_space<vmem>>[vector<16xi32>], vector<16xi32>,
    %and3A_1898 = arith.constant 127 : i32
    %and3A_1899 = vector.broadcast %and3A_1898 : i32 to vector<16xi32>
    %and3A_1900 = arith.andi %gather3A_1897, %and3A_1899 : vector<16xi32>
    %gather3A_1901 = tpu.vector_load_idx %arg11[%add3A_1896, %and3A_1900] : memref<48x128xf32, #tpu.memory_space<vmem>>[vector<16xi32>, vector<16xi32>], vector<16xf32>,
    %swap3A_1902 = arith.constant 0 : index
    %swap3A_1903 = tpu.vector_load %arg13[%swap3A_1902] {strides = array<i32>} : memref<48xf32, #tpu.memory_space<vmem>>, vector<16xf32>,
    tpu.vector_store %arg13[%swap3A_1902], %gather3A_1901 {strides = array<i32>} : memref<48xf32, #tpu.memory_space<vmem>>, vector<16xf32>,
    %add3A_1904 = arith.constant 16 : i32
    %add3A_1905 = vector.broadcast %add3A_1904 : i32 to vector<16xi32>
    %add3A_1906 = arith.addi %add3A_1905, %iota3A : vector<16xi32>
    %gather3A_1907 = tpu.vector_load_idx %arg7[%add3A_1906] : memref<48xi32, #tpu.memory_space<vmem>>[vector<16xi32>], vector<16xi32>,
    %and3A_1908 = arith.constant 127 : i32
    %and3A_1909 = vector.broadcast %and3A_1908 : i32 to vector<16xi32>
    %and3A_1910 = arith.andi %gather3A_1907, %and3A_1909 : vector<16xi32>
    %gather3A_1911 = tpu.vector_load_idx %arg11[%add3A_1906, %and3A_1910] : memref<48x128xf32, #tpu.memory_space<vmem>>[vector<16xi32>, vector<16xi32>], vector<16xf32>,
    %swap3A_1912 = arith.constant 16 : index
    %swap3A_1913 = tpu.vector_load %arg13[%swap3A_1912] {strides = array<i32>} : memref<48xf32, #tpu.memory_space<vmem>>, vector<16xf32>,
    tpu.vector_store %arg13[%swap3A_1912], %gather3A_1911 {strides = array<i32>} : memref<48xf32, #tpu.memory_space<vmem>>, vector<16xf32>,
    %add3A_1914 = arith.constant 32 : i32
    %add3A_1915 = vector.broadcast %add3A_1914 : i32 to vector<16xi32>
    %add3A_1916 = arith.addi %add3A_1915, %iota3A : vector<16xi32>
    %gather3A_1917 = tpu.vector_load_idx %arg7[%add3A_1916] : memref<48xi32, #tpu.memory_space<vmem>>[vector<16xi32>], vector<16xi32>,
    %and3A_1918 = arith.constant 127 : i32
    %and3A_1919 = vector.broadcast %and3A_1918 : i32 to vector<16xi32>
    %and3A_1920 = arith.andi %gather3A_1917, %and3A_1919 : vector<16xi32>
    %gather3A_1921 = tpu.vector_load_idx %arg11[%add3A_1916, %and3A_1920] : memref<48x128xf32, #tpu.memory_space<vmem>>[vector<16xi32>, vector<16xi32>], vector<16xf32>,
    %swap3A_1922 = arith.constant 32 : index
    %swap3A_1923 = tpu.vector_load %arg13[%swap3A_1922] {strides = array<i32>} : memref<48xf32, #tpu.memory_space<vmem>>, vector<16xf32>,
    tpu.vector_store %arg13[%swap3A_1922], %gather3A_1921 {strides = array<i32>} : memref<48xf32, #tpu.memory_space<vmem>>, vector<16xf32>,
    %mul3A_1924 = arith.constant 4 : i32
    %mul3A_1925 = arith.muli %add3A_1605, %mul3A_1924 : i32
    "tpu.region"() ({
      %run_scoped3A = tpu.sem_alloc : memref<!tpu.dma_semaphore, #tpu.memory_space<semaphore_mem>>
      %dma_start3A_3536 = tpu.memref_slice %arg5[%mul3A_1925] : memref<67584xi32, #tpu.memory_space<hbm>> -> memref<192xi32, #tpu.memory_space<hbm>>
      %dma_start3A_3537 = tpu.memref_slice %arg5[%mul3A_1925] : memref<67584xi32, #tpu.memory_space<hbm>> -> memref<192xi32, #tpu.memory_space<hbm>>
      tpu.enqueue_dma source(%arg12 : memref<192xi32, #tpu.memory_space<vmem>>) target(%dma_start3A_3537 : memref<192xi32, #tpu.memory_space<hbm>>) target_semaphore(%run_scoped3A : memref<!tpu.dma_semaphore, #tpu.memory_space<semaphore_mem>>)
      %dma_wait3A_3538 = tpu.memref_slice %arg5[%mul3A_1925] : memref<67584xi32, #tpu.memory_space<hbm>> -> memref<192xi32, #tpu.memory_space<hbm>>
      %dma_wait3A_3539 = tpu.memref_slice %arg5[%mul3A_1925] : memref<67584xi32, #tpu.memory_space<hbm>> -> memref<192xi32, #tpu.memory_space<hbm>>
      tpu.wait_dma2 semaphore(%run_scoped3A : memref<!tpu.dma_semaphore, #tpu.memory_space<semaphore_mem>>) src(%arg12 : memref<192xi32, #tpu.memory_space<vmem>>) dst(%dma_wait3A_3539 : memref<192xi32, #tpu.memory_space<hbm>>)
      tpu.yield
    }) : () -> ()
    "tpu.region"() ({
      %run_scoped3A = tpu.sem_alloc : memref<!tpu.dma_semaphore, #tpu.memory_space<semaphore_mem>>
      %dma_start3A_3536 = tpu.memref_slice %arg6[%add3A_1605] : memref<16896xf32, #tpu.memory_space<hbm>> -> memref<48xf32, #tpu.memory_space<hbm>>
      %dma_start3A_3537 = tpu.memref_slice %arg6[%add3A_1605] : memref<16896xf32, #tpu.memory_space<hbm>> -> memref<48xf32, #tpu.memory_space<hbm>>
      tpu.enqueue_dma source(%arg13 : memref<48xf32, #tpu.memory_space<vmem>>) target(%dma_start3A_3537 : memref<48xf32, #tpu.memory_space<hbm>>) target_semaphore(%run_scoped3A : memref<!tpu.dma_semaphore, #tpu.memory_space<semaphore_mem>>)
      %dma_wait3A_3538 = tpu.memref_slice %arg6[%add3A_1605] : memref<16896xf32, #tpu.memory_space<hbm>> -> memref<48xf32, #tpu.memory_space<hbm>>
      %dma_wait3A_3539 = tpu.memref_slice %arg6[%add3A_1605] : memref<16896xf32, #tpu.memory_space<hbm>> -> memref<48xf32, #tpu.memory_space<hbm>>
      tpu.wait_dma2 semaphore(%run_scoped3A : memref<!tpu.dma_semaphore, #tpu.memory_space<semaphore_mem>>) src(%arg13 : memref<48xf32, #tpu.memory_space<vmem>>) dst(%dma_wait3A_3539 : memref<48xf32, #tpu.memory_space<hbm>>)
      tpu.yield
    }) : () -> ()
    %add3A_1926 = arith.constant 288 : i32
    %add3A_1927 = arith.addi %mul3A_2, %add3A_1926 : i32
    "tpu.region"() ({
      %run_scoped3A = tpu.sem_alloc : memref<!tpu.dma_semaphore, #tpu.memory_space<semaphore_mem>>
      %dma_start3A_3536 = tpu.memref_slice %arg4[%add3A_1927] : memref<16896xi32, #tpu.memory_space<hbm>> -> memref<48xi32, #tpu.memory_space<hbm>>
      %dma_start3A_3537 = tpu.memref_slice %arg4[%add3A_1927] : memref<16896xi32, #tpu.memory_space<hbm>> -> memref<48xi32, #tpu.memory_space<hbm>>
      tpu.enqueue_dma source(%dma_start3A_3537 : memref<48xi32, #tpu.memory_space<hbm>>) target(%arg7 : memref<48xi32, #tpu.memory_space<vmem>>) target_semaphore(%run_scoped3A : memref<!tpu.dma_semaphore, #tpu.memory_space<semaphore_mem>>)
      %dma_wait3A_3538 = tpu.memref_slice %arg4[%add3A_1927] : memref<16896xi32, #tpu.memory_space<hbm>> -> memref<48xi32, #tpu.memory_space<hbm>>
      %dma_wait3A_3539 = tpu.memref_slice %arg4[%add3A_1927] : memref<16896xi32, #tpu.memory_space<hbm>> -> memref<48xi32, #tpu.memory_space<hbm>>
      tpu.wait_dma2 semaphore(%run_scoped3A : memref<!tpu.dma_semaphore, #tpu.memory_space<semaphore_mem>>) src(%dma_wait3A_3539 : memref<48xi32, #tpu.memory_space<hbm>>) dst(%arg7 : memref<48xi32, #tpu.memory_space<vmem>>)
      tpu.yield
    }) : () -> ()
    %get3A_1928 = arith.constant 0 : index
    %get3A_1929 = tpu.vector_load %arg7[%get3A_1928] {strides = array<i32>} : memref<48xi32, #tpu.memory_space<vmem>>, vector<16xi32>,
    %shift_right_logical3A_1930 = arith.constant 5 : i32
    %shift_right_logical3A_1931 = vector.broadcast %shift_right_logical3A_1930 : i32 to vector<16xi32>
    %shift_right_logical3A_1932 = arith.shrui %get3A_1929, %shift_right_logical3A_1931 : vector<16xi32>
    %swap3A_1933 = arith.constant 0 : index
    %swap3A_1934 = tpu.vector_load %arg8[%swap3A_1933] {strides = array<i32>} : memref<48xi32, #tpu.memory_space<vmem>>, vector<16xi32>,
    tpu.vector_store %arg8[%swap3A_1933], %shift_right_logical3A_1932 {strides = array<i32>} : memref<48xi32, #tpu.memory_space<vmem>>, vector<16xi32>,
    %shift_right_logical3A_1935 = arith.constant 7 : i32
    %shift_right_logical3A_1936 = vector.broadcast %shift_right_logical3A_1935 : i32 to vector<16xi32>
    %shift_right_logical3A_1937 = arith.shrui %get3A_1929, %shift_right_logical3A_1936 : vector<16xi32>
    %swap3A_1938 = arith.constant 0 : index
    %swap3A_1939 = tpu.vector_load %arg9[%swap3A_1938] {strides = array<i32>} : memref<48xi32, #tpu.memory_space<vmem>>, vector<16xi32>,
    tpu.vector_store %arg9[%swap3A_1938], %shift_right_logical3A_1937 {strides = array<i32>} : memref<48xi32, #tpu.memory_space<vmem>>, vector<16xi32>,
    %get3A_1940 = arith.constant 16 : index
    %get3A_1941 = tpu.vector_load %arg7[%get3A_1940] {strides = array<i32>} : memref<48xi32, #tpu.memory_space<vmem>>, vector<16xi32>,
    %shift_right_logical3A_1942 = arith.constant 5 : i32
    %shift_right_logical3A_1943 = vector.broadcast %shift_right_logical3A_1942 : i32 to vector<16xi32>
    %shift_right_logical3A_1944 = arith.shrui %get3A_1941, %shift_right_logical3A_1943 : vector<16xi32>
    %swap3A_1945 = arith.constant 16 : index
    %swap3A_1946 = tpu.vector_load %arg8[%swap3A_1945] {strides = array<i32>} : memref<48xi32, #tpu.memory_space<vmem>>, vector<16xi32>,
    tpu.vector_store %arg8[%swap3A_1945], %shift_right_logical3A_1944 {strides = array<i32>} : memref<48xi32, #tpu.memory_space<vmem>>, vector<16xi32>,
    %shift_right_logical3A_1947 = arith.constant 7 : i32
    %shift_right_logical3A_1948 = vector.broadcast %shift_right_logical3A_1947 : i32 to vector<16xi32>
    %shift_right_logical3A_1949 = arith.shrui %get3A_1941, %shift_right_logical3A_1948 : vector<16xi32>
    %swap3A_1950 = arith.constant 16 : index
    %swap3A_1951 = tpu.vector_load %arg9[%swap3A_1950] {strides = array<i32>} : memref<48xi32, #tpu.memory_space<vmem>>, vector<16xi32>,
    tpu.vector_store %arg9[%swap3A_1950], %shift_right_logical3A_1949 {strides = array<i32>} : memref<48xi32, #tpu.memory_space<vmem>>, vector<16xi32>,
    %get3A_1952 = arith.constant 32 : index
    %get3A_1953 = tpu.vector_load %arg7[%get3A_1952] {strides = array<i32>} : memref<48xi32, #tpu.memory_space<vmem>>, vector<16xi32>,
    %shift_right_logical3A_1954 = arith.constant 5 : i32
    %shift_right_logical3A_1955 = vector.broadcast %shift_right_logical3A_1954 : i32 to vector<16xi32>
    %shift_right_logical3A_1956 = arith.shrui %get3A_1953, %shift_right_logical3A_1955 : vector<16xi32>
    %swap3A_1957 = arith.constant 32 : index
    %swap3A_1958 = tpu.vector_load %arg8[%swap3A_1957] {strides = array<i32>} : memref<48xi32, #tpu.memory_space<vmem>>, vector<16xi32>,
    tpu.vector_store %arg8[%swap3A_1957], %shift_right_logical3A_1956 {strides = array<i32>} : memref<48xi32, #tpu.memory_space<vmem>>, vector<16xi32>,
    %shift_right_logical3A_1959 = arith.constant 7 : i32
    %shift_right_logical3A_1960 = vector.broadcast %shift_right_logical3A_1959 : i32 to vector<16xi32>
    %shift_right_logical3A_1961 = arith.shrui %get3A_1953, %shift_right_logical3A_1960 : vector<16xi32>
    %swap3A_1962 = arith.constant 32 : index
    %swap3A_1963 = tpu.vector_load %arg9[%swap3A_1962] {strides = array<i32>} : memref<48xi32, #tpu.memory_space<vmem>>, vector<16xi32>,
    tpu.vector_store %arg9[%swap3A_1962], %shift_right_logical3A_1961 {strides = array<i32>} : memref<48xi32, #tpu.memory_space<vmem>>, vector<16xi32>,
    %dma_start3A_1964 = arith.constant 0 : i32
    %dma_start3A_1965 = arith.constant 0 : i32
    %dma_start3A_1966 = tpu.memref_slice %arg2[%dma_start3A_1964, %dma_start3A_1965] : memref<3125x128xi32, #tpu.memory_space<hbm>> -> memref<3125x128xi32, #tpu.memory_space<hbm>>
    tpu.enqueue_indirect_dma source(%dma_start3A_1966 : memref<3125x128xi32, #tpu.memory_space<hbm>>) target(%arg10 : memref<48x128xi32, #tpu.memory_space<vmem>>) offsets(%arg8 : memref<48xi32, #tpu.memory_space<vmem>>) semaphore(%arg14 : memref<!tpu.dma_semaphore, #tpu.memory_space<semaphore_mem>>)
    %dma_start3A_1967 = arith.constant 0 : i32
    %dma_start3A_1968 = arith.constant 0 : i32
    %dma_start3A_1969 = tpu.memref_slice %arg3[%dma_start3A_1967, %dma_start3A_1968] : memref<782x128xf32, #tpu.memory_space<hbm>> -> memref<782x128xf32, #tpu.memory_space<hbm>>
    tpu.enqueue_indirect_dma source(%dma_start3A_1969 : memref<782x128xf32, #tpu.memory_space<hbm>>) target(%arg11 : memref<48x128xf32, #tpu.memory_space<vmem>>) offsets(%arg9 : memref<48xi32, #tpu.memory_space<vmem>>) semaphore(%arg15 : memref<!tpu.dma_semaphore, #tpu.memory_space<semaphore_mem>>)
    %dma_wait3A_1970 = arith.constant 0 : i32
    %dma_wait3A_1971 = arith.constant 0 : i32
    %dma_wait3A_1972 = tpu.memref_slice %arg2[%dma_wait3A_1970, %dma_wait3A_1971] : memref<3125x128xi32, #tpu.memory_space<hbm>> -> memref<3125x128xi32, #tpu.memory_space<hbm>>
    tpu.wait_indirect_dma semaphore(%arg14 : memref<!tpu.dma_semaphore, #tpu.memory_space<semaphore_mem>>) src(%dma_wait3A_1972 : memref<3125x128xi32, #tpu.memory_space<hbm>>) dst(%arg10 : memref<48x128xi32, #tpu.memory_space<vmem>>)
    %dma_wait3A_1973 = arith.constant 0 : i32
    %dma_wait3A_1974 = arith.constant 0 : i32
    %dma_wait3A_1975 = tpu.memref_slice %arg3[%dma_wait3A_1973, %dma_wait3A_1974] : memref<782x128xf32, #tpu.memory_space<hbm>> -> memref<782x128xf32, #tpu.memory_space<hbm>>
    tpu.wait_indirect_dma semaphore(%arg15 : memref<!tpu.dma_semaphore, #tpu.memory_space<semaphore_mem>>) src(%dma_wait3A_1975 : memref<782x128xf32, #tpu.memory_space<hbm>>) dst(%arg11 : memref<48x128xf32, #tpu.memory_space<vmem>>)
    %shift_right_logical3A_1976 = arith.constant 2 : i32
    %shift_right_logical3A_1977 = vector.broadcast %shift_right_logical3A_1976 : i32 to vector<16xi32>
    %shift_right_logical3A_1978 = arith.shrui %iota3A, %shift_right_logical3A_1977 : vector<16xi32>
    %add3A_1979 = arith.constant 0 : i32
    %add3A_1980 = vector.broadcast %add3A_1979 : i32 to vector<16xi32>
    %add3A_1981 = arith.addi %add3A_1980, %shift_right_logical3A_1978 : vector<16xi32>
    %gather3A_1982 = tpu.vector_load_idx %arg7[%add3A_1981] : memref<48xi32, #tpu.memory_space<vmem>>[vector<16xi32>], vector<16xi32>,
    %and3A_1983 = arith.constant 31 : i32
    %and3A_1984 = vector.broadcast %and3A_1983 : i32 to vector<16xi32>
    %and3A_1985 = arith.andi %gather3A_1982, %and3A_1984 : vector<16xi32>
    %shift_left3A_1986 = arith.constant 2 : i32
    %shift_left3A_1987 = vector.broadcast %shift_left3A_1986 : i32 to vector<16xi32>
    %shift_left3A_1988 = arith.shli %and3A_1985, %shift_left3A_1987 : vector<16xi32>
    %and3A_1989 = arith.constant 3 : i32
    %and3A_1990 = vector.broadcast %and3A_1989 : i32 to vector<16xi32>
    %and3A_1991 = arith.andi %iota3A, %and3A_1990 : vector<16xi32>
    %or3A_1992 = arith.ori %shift_left3A_1988, %and3A_1991 : vector<16xi32>
    %gather3A_1993 = tpu.vector_load_idx %arg10[%add3A_1981, %or3A_1992] : memref<48x128xi32, #tpu.memory_space<vmem>>[vector<16xi32>, vector<16xi32>], vector<16xi32>,
    %swap3A_1994 = arith.constant 0 : index
    %swap3A_1995 = tpu.vector_load %arg12[%swap3A_1994] {strides = array<i32>} : memref<192xi32, #tpu.memory_space<vmem>>, vector<16xi32>,
    tpu.vector_store %arg12[%swap3A_1994], %gather3A_1993 {strides = array<i32>} : memref<192xi32, #tpu.memory_space<vmem>>, vector<16xi32>,
    %shift_right_logical3A_1996 = arith.constant 2 : i32
    %shift_right_logical3A_1997 = vector.broadcast %shift_right_logical3A_1996 : i32 to vector<16xi32>
    %shift_right_logical3A_1998 = arith.shrui %iota3A, %shift_right_logical3A_1997 : vector<16xi32>
    %add3A_1999 = arith.constant 4 : i32
    %add3A_2000 = vector.broadcast %add3A_1999 : i32 to vector<16xi32>
    %add3A_2001 = arith.addi %add3A_2000, %shift_right_logical3A_1998 : vector<16xi32>
    %gather3A_2002 = tpu.vector_load_idx %arg7[%add3A_2001] : memref<48xi32, #tpu.memory_space<vmem>>[vector<16xi32>], vector<16xi32>,
    %and3A_2003 = arith.constant 31 : i32
    %and3A_2004 = vector.broadcast %and3A_2003 : i32 to vector<16xi32>
    %and3A_2005 = arith.andi %gather3A_2002, %and3A_2004 : vector<16xi32>
    %shift_left3A_2006 = arith.constant 2 : i32
    %shift_left3A_2007 = vector.broadcast %shift_left3A_2006 : i32 to vector<16xi32>
    %shift_left3A_2008 = arith.shli %and3A_2005, %shift_left3A_2007 : vector<16xi32>
    %and3A_2009 = arith.constant 3 : i32
    %and3A_2010 = vector.broadcast %and3A_2009 : i32 to vector<16xi32>
    %and3A_2011 = arith.andi %iota3A, %and3A_2010 : vector<16xi32>
    %or3A_2012 = arith.ori %shift_left3A_2008, %and3A_2011 : vector<16xi32>
    %gather3A_2013 = tpu.vector_load_idx %arg10[%add3A_2001, %or3A_2012] : memref<48x128xi32, #tpu.memory_space<vmem>>[vector<16xi32>, vector<16xi32>], vector<16xi32>,
    %swap3A_2014 = arith.constant 16 : index
    %swap3A_2015 = tpu.vector_load %arg12[%swap3A_2014] {strides = array<i32>} : memref<192xi32, #tpu.memory_space<vmem>>, vector<16xi32>,
    tpu.vector_store %arg12[%swap3A_2014], %gather3A_2013 {strides = array<i32>} : memref<192xi32, #tpu.memory_space<vmem>>, vector<16xi32>,
    %shift_right_logical3A_2016 = arith.constant 2 : i32
    %shift_right_logical3A_2017 = vector.broadcast %shift_right_logical3A_2016 : i32 to vector<16xi32>
    %shift_right_logical3A_2018 = arith.shrui %iota3A, %shift_right_logical3A_2017 : vector<16xi32>
    %add3A_2019 = arith.constant 8 : i32
    %add3A_2020 = vector.broadcast %add3A_2019 : i32 to vector<16xi32>
    %add3A_2021 = arith.addi %add3A_2020, %shift_right_logical3A_2018 : vector<16xi32>
    %gather3A_2022 = tpu.vector_load_idx %arg7[%add3A_2021] : memref<48xi32, #tpu.memory_space<vmem>>[vector<16xi32>], vector<16xi32>,
    %and3A_2023 = arith.constant 31 : i32
    %and3A_2024 = vector.broadcast %and3A_2023 : i32 to vector<16xi32>
    %and3A_2025 = arith.andi %gather3A_2022, %and3A_2024 : vector<16xi32>
    %shift_left3A_2026 = arith.constant 2 : i32
    %shift_left3A_2027 = vector.broadcast %shift_left3A_2026 : i32 to vector<16xi32>
    %shift_left3A_2028 = arith.shli %and3A_2025, %shift_left3A_2027 : vector<16xi32>
    %and3A_2029 = arith.constant 3 : i32
    %and3A_2030 = vector.broadcast %and3A_2029 : i32 to vector<16xi32>
    %and3A_2031 = arith.andi %iota3A, %and3A_2030 : vector<16xi32>
    %or3A_2032 = arith.ori %shift_left3A_2028, %and3A_2031 : vector<16xi32>
    %gather3A_2033 = tpu.vector_load_idx %arg10[%add3A_2021, %or3A_2032] : memref<48x128xi32, #tpu.memory_space<vmem>>[vector<16xi32>, vector<16xi32>], vector<16xi32>,
    %swap3A_2034 = arith.constant 32 : index
    %swap3A_2035 = tpu.vector_load %arg12[%swap3A_2034] {strides = array<i32>} : memref<192xi32, #tpu.memory_space<vmem>>, vector<16xi32>,
    tpu.vector_store %arg12[%swap3A_2034], %gather3A_2033 {strides = array<i32>} : memref<192xi32, #tpu.memory_space<vmem>>, vector<16xi32>,
    %shift_right_logical3A_2036 = arith.constant 2 : i32
    %shift_right_logical3A_2037 = vector.broadcast %shift_right_logical3A_2036 : i32 to vector<16xi32>
    %shift_right_logical3A_2038 = arith.shrui %iota3A, %shift_right_logical3A_2037 : vector<16xi32>
    %add3A_2039 = arith.constant 12 : i32
    %add3A_2040 = vector.broadcast %add3A_2039 : i32 to vector<16xi32>
    %add3A_2041 = arith.addi %add3A_2040, %shift_right_logical3A_2038 : vector<16xi32>
    %gather3A_2042 = tpu.vector_load_idx %arg7[%add3A_2041] : memref<48xi32, #tpu.memory_space<vmem>>[vector<16xi32>], vector<16xi32>,
    %and3A_2043 = arith.constant 31 : i32
    %and3A_2044 = vector.broadcast %and3A_2043 : i32 to vector<16xi32>
    %and3A_2045 = arith.andi %gather3A_2042, %and3A_2044 : vector<16xi32>
    %shift_left3A_2046 = arith.constant 2 : i32
    %shift_left3A_2047 = vector.broadcast %shift_left3A_2046 : i32 to vector<16xi32>
    %shift_left3A_2048 = arith.shli %and3A_2045, %shift_left3A_2047 : vector<16xi32>
    %and3A_2049 = arith.constant 3 : i32
    %and3A_2050 = vector.broadcast %and3A_2049 : i32 to vector<16xi32>
    %and3A_2051 = arith.andi %iota3A, %and3A_2050 : vector<16xi32>
    %or3A_2052 = arith.ori %shift_left3A_2048, %and3A_2051 : vector<16xi32>
    %gather3A_2053 = tpu.vector_load_idx %arg10[%add3A_2041, %or3A_2052] : memref<48x128xi32, #tpu.memory_space<vmem>>[vector<16xi32>, vector<16xi32>], vector<16xi32>,
    %swap3A_2054 = arith.constant 48 : index
    %swap3A_2055 = tpu.vector_load %arg12[%swap3A_2054] {strides = array<i32>} : memref<192xi32, #tpu.memory_space<vmem>>, vector<16xi32>,
    tpu.vector_store %arg12[%swap3A_2054], %gather3A_2053 {strides = array<i32>} : memref<192xi32, #tpu.memory_space<vmem>>, vector<16xi32>,
    %shift_right_logical3A_2056 = arith.constant 2 : i32
    %shift_right_logical3A_2057 = vector.broadcast %shift_right_logical3A_2056 : i32 to vector<16xi32>
    %shift_right_logical3A_2058 = arith.shrui %iota3A, %shift_right_logical3A_2057 : vector<16xi32>
    %add3A_2059 = arith.constant 16 : i32
    %add3A_2060 = vector.broadcast %add3A_2059 : i32 to vector<16xi32>
    %add3A_2061 = arith.addi %add3A_2060, %shift_right_logical3A_2058 : vector<16xi32>
    %gather3A_2062 = tpu.vector_load_idx %arg7[%add3A_2061] : memref<48xi32, #tpu.memory_space<vmem>>[vector<16xi32>], vector<16xi32>,
    %and3A_2063 = arith.constant 31 : i32
    %and3A_2064 = vector.broadcast %and3A_2063 : i32 to vector<16xi32>
    %and3A_2065 = arith.andi %gather3A_2062, %and3A_2064 : vector<16xi32>
    %shift_left3A_2066 = arith.constant 2 : i32
    %shift_left3A_2067 = vector.broadcast %shift_left3A_2066 : i32 to vector<16xi32>
    %shift_left3A_2068 = arith.shli %and3A_2065, %shift_left3A_2067 : vector<16xi32>
    %and3A_2069 = arith.constant 3 : i32
    %and3A_2070 = vector.broadcast %and3A_2069 : i32 to vector<16xi32>
    %and3A_2071 = arith.andi %iota3A, %and3A_2070 : vector<16xi32>
    %or3A_2072 = arith.ori %shift_left3A_2068, %and3A_2071 : vector<16xi32>
    %gather3A_2073 = tpu.vector_load_idx %arg10[%add3A_2061, %or3A_2072] : memref<48x128xi32, #tpu.memory_space<vmem>>[vector<16xi32>, vector<16xi32>], vector<16xi32>,
    %swap3A_2074 = arith.constant 64 : index
    %swap3A_2075 = tpu.vector_load %arg12[%swap3A_2074] {strides = array<i32>} : memref<192xi32, #tpu.memory_space<vmem>>, vector<16xi32>,
    tpu.vector_store %arg12[%swap3A_2074], %gather3A_2073 {strides = array<i32>} : memref<192xi32, #tpu.memory_space<vmem>>, vector<16xi32>,
    %shift_right_logical3A_2076 = arith.constant 2 : i32
    %shift_right_logical3A_2077 = vector.broadcast %shift_right_logical3A_2076 : i32 to vector<16xi32>
    %shift_right_logical3A_2078 = arith.shrui %iota3A, %shift_right_logical3A_2077 : vector<16xi32>
    %add3A_2079 = arith.constant 20 : i32
    %add3A_2080 = vector.broadcast %add3A_2079 : i32 to vector<16xi32>
    %add3A_2081 = arith.addi %add3A_2080, %shift_right_logical3A_2078 : vector<16xi32>
    %gather3A_2082 = tpu.vector_load_idx %arg7[%add3A_2081] : memref<48xi32, #tpu.memory_space<vmem>>[vector<16xi32>], vector<16xi32>,
    %and3A_2083 = arith.constant 31 : i32
    %and3A_2084 = vector.broadcast %and3A_2083 : i32 to vector<16xi32>
    %and3A_2085 = arith.andi %gather3A_2082, %and3A_2084 : vector<16xi32>
    %shift_left3A_2086 = arith.constant 2 : i32
    %shift_left3A_2087 = vector.broadcast %shift_left3A_2086 : i32 to vector<16xi32>
    %shift_left3A_2088 = arith.shli %and3A_2085, %shift_left3A_2087 : vector<16xi32>
    %and3A_2089 = arith.constant 3 : i32
    %and3A_2090 = vector.broadcast %and3A_2089 : i32 to vector<16xi32>
    %and3A_2091 = arith.andi %iota3A, %and3A_2090 : vector<16xi32>
    %or3A_2092 = arith.ori %shift_left3A_2088, %and3A_2091 : vector<16xi32>
    %gather3A_2093 = tpu.vector_load_idx %arg10[%add3A_2081, %or3A_2092] : memref<48x128xi32, #tpu.memory_space<vmem>>[vector<16xi32>, vector<16xi32>], vector<16xi32>,
    %swap3A_2094 = arith.constant 80 : index
    %swap3A_2095 = tpu.vector_load %arg12[%swap3A_2094] {strides = array<i32>} : memref<192xi32, #tpu.memory_space<vmem>>, vector<16xi32>,
    tpu.vector_store %arg12[%swap3A_2094], %gather3A_2093 {strides = array<i32>} : memref<192xi32, #tpu.memory_space<vmem>>, vector<16xi32>,
    %shift_right_logical3A_2096 = arith.constant 2 : i32
    %shift_right_logical3A_2097 = vector.broadcast %shift_right_logical3A_2096 : i32 to vector<16xi32>
    %shift_right_logical3A_2098 = arith.shrui %iota3A, %shift_right_logical3A_2097 : vector<16xi32>
    %add3A_2099 = arith.constant 24 : i32
    %add3A_2100 = vector.broadcast %add3A_2099 : i32 to vector<16xi32>
    %add3A_2101 = arith.addi %add3A_2100, %shift_right_logical3A_2098 : vector<16xi32>
    %gather3A_2102 = tpu.vector_load_idx %arg7[%add3A_2101] : memref<48xi32, #tpu.memory_space<vmem>>[vector<16xi32>], vector<16xi32>,
    %and3A_2103 = arith.constant 31 : i32
    %and3A_2104 = vector.broadcast %and3A_2103 : i32 to vector<16xi32>
    %and3A_2105 = arith.andi %gather3A_2102, %and3A_2104 : vector<16xi32>
    %shift_left3A_2106 = arith.constant 2 : i32
    %shift_left3A_2107 = vector.broadcast %shift_left3A_2106 : i32 to vector<16xi32>
    %shift_left3A_2108 = arith.shli %and3A_2105, %shift_left3A_2107 : vector<16xi32>
    %and3A_2109 = arith.constant 3 : i32
    %and3A_2110 = vector.broadcast %and3A_2109 : i32 to vector<16xi32>
    %and3A_2111 = arith.andi %iota3A, %and3A_2110 : vector<16xi32>
    %or3A_2112 = arith.ori %shift_left3A_2108, %and3A_2111 : vector<16xi32>
    %gather3A_2113 = tpu.vector_load_idx %arg10[%add3A_2101, %or3A_2112] : memref<48x128xi32, #tpu.memory_space<vmem>>[vector<16xi32>, vector<16xi32>], vector<16xi32>,
    %swap3A_2114 = arith.constant 96 : index
    %swap3A_2115 = tpu.vector_load %arg12[%swap3A_2114] {strides = array<i32>} : memref<192xi32, #tpu.memory_space<vmem>>, vector<16xi32>,
    tpu.vector_store %arg12[%swap3A_2114], %gather3A_2113 {strides = array<i32>} : memref<192xi32, #tpu.memory_space<vmem>>, vector<16xi32>,
    %shift_right_logical3A_2116 = arith.constant 2 : i32
    %shift_right_logical3A_2117 = vector.broadcast %shift_right_logical3A_2116 : i32 to vector<16xi32>
    %shift_right_logical3A_2118 = arith.shrui %iota3A, %shift_right_logical3A_2117 : vector<16xi32>
    %add3A_2119 = arith.constant 28 : i32
    %add3A_2120 = vector.broadcast %add3A_2119 : i32 to vector<16xi32>
    %add3A_2121 = arith.addi %add3A_2120, %shift_right_logical3A_2118 : vector<16xi32>
    %gather3A_2122 = tpu.vector_load_idx %arg7[%add3A_2121] : memref<48xi32, #tpu.memory_space<vmem>>[vector<16xi32>], vector<16xi32>,
    %and3A_2123 = arith.constant 31 : i32
    %and3A_2124 = vector.broadcast %and3A_2123 : i32 to vector<16xi32>
    %and3A_2125 = arith.andi %gather3A_2122, %and3A_2124 : vector<16xi32>
    %shift_left3A_2126 = arith.constant 2 : i32
    %shift_left3A_2127 = vector.broadcast %shift_left3A_2126 : i32 to vector<16xi32>
    %shift_left3A_2128 = arith.shli %and3A_2125, %shift_left3A_2127 : vector<16xi32>
    %and3A_2129 = arith.constant 3 : i32
    %and3A_2130 = vector.broadcast %and3A_2129 : i32 to vector<16xi32>
    %and3A_2131 = arith.andi %iota3A, %and3A_2130 : vector<16xi32>
    %or3A_2132 = arith.ori %shift_left3A_2128, %and3A_2131 : vector<16xi32>
    %gather3A_2133 = tpu.vector_load_idx %arg10[%add3A_2121, %or3A_2132] : memref<48x128xi32, #tpu.memory_space<vmem>>[vector<16xi32>, vector<16xi32>], vector<16xi32>,
    %swap3A_2134 = arith.constant 112 : index
    %swap3A_2135 = tpu.vector_load %arg12[%swap3A_2134] {strides = array<i32>} : memref<192xi32, #tpu.memory_space<vmem>>, vector<16xi32>,
    tpu.vector_store %arg12[%swap3A_2134], %gather3A_2133 {strides = array<i32>} : memref<192xi32, #tpu.memory_space<vmem>>, vector<16xi32>,
    %shift_right_logical3A_2136 = arith.constant 2 : i32
    %shift_right_logical3A_2137 = vector.broadcast %shift_right_logical3A_2136 : i32 to vector<16xi32>
    %shift_right_logical3A_2138 = arith.shrui %iota3A, %shift_right_logical3A_2137 : vector<16xi32>
    %add3A_2139 = arith.constant 32 : i32
    %add3A_2140 = vector.broadcast %add3A_2139 : i32 to vector<16xi32>
    %add3A_2141 = arith.addi %add3A_2140, %shift_right_logical3A_2138 : vector<16xi32>
    %gather3A_2142 = tpu.vector_load_idx %arg7[%add3A_2141] : memref<48xi32, #tpu.memory_space<vmem>>[vector<16xi32>], vector<16xi32>,
    %and3A_2143 = arith.constant 31 : i32
    %and3A_2144 = vector.broadcast %and3A_2143 : i32 to vector<16xi32>
    %and3A_2145 = arith.andi %gather3A_2142, %and3A_2144 : vector<16xi32>
    %shift_left3A_2146 = arith.constant 2 : i32
    %shift_left3A_2147 = vector.broadcast %shift_left3A_2146 : i32 to vector<16xi32>
    %shift_left3A_2148 = arith.shli %and3A_2145, %shift_left3A_2147 : vector<16xi32>
    %and3A_2149 = arith.constant 3 : i32
    %and3A_2150 = vector.broadcast %and3A_2149 : i32 to vector<16xi32>
    %and3A_2151 = arith.andi %iota3A, %and3A_2150 : vector<16xi32>
    %or3A_2152 = arith.ori %shift_left3A_2148, %and3A_2151 : vector<16xi32>
    %gather3A_2153 = tpu.vector_load_idx %arg10[%add3A_2141, %or3A_2152] : memref<48x128xi32, #tpu.memory_space<vmem>>[vector<16xi32>, vector<16xi32>], vector<16xi32>,
    %swap3A_2154 = arith.constant 128 : index
    %swap3A_2155 = tpu.vector_load %arg12[%swap3A_2154] {strides = array<i32>} : memref<192xi32, #tpu.memory_space<vmem>>, vector<16xi32>,
    tpu.vector_store %arg12[%swap3A_2154], %gather3A_2153 {strides = array<i32>} : memref<192xi32, #tpu.memory_space<vmem>>, vector<16xi32>,
    %shift_right_logical3A_2156 = arith.constant 2 : i32
    %shift_right_logical3A_2157 = vector.broadcast %shift_right_logical3A_2156 : i32 to vector<16xi32>
    %shift_right_logical3A_2158 = arith.shrui %iota3A, %shift_right_logical3A_2157 : vector<16xi32>
    %add3A_2159 = arith.constant 36 : i32
    %add3A_2160 = vector.broadcast %add3A_2159 : i32 to vector<16xi32>
    %add3A_2161 = arith.addi %add3A_2160, %shift_right_logical3A_2158 : vector<16xi32>
    %gather3A_2162 = tpu.vector_load_idx %arg7[%add3A_2161] : memref<48xi32, #tpu.memory_space<vmem>>[vector<16xi32>], vector<16xi32>,
    %and3A_2163 = arith.constant 31 : i32
    %and3A_2164 = vector.broadcast %and3A_2163 : i32 to vector<16xi32>
    %and3A_2165 = arith.andi %gather3A_2162, %and3A_2164 : vector<16xi32>
    %shift_left3A_2166 = arith.constant 2 : i32
    %shift_left3A_2167 = vector.broadcast %shift_left3A_2166 : i32 to vector<16xi32>
    %shift_left3A_2168 = arith.shli %and3A_2165, %shift_left3A_2167 : vector<16xi32>
    %and3A_2169 = arith.constant 3 : i32
    %and3A_2170 = vector.broadcast %and3A_2169 : i32 to vector<16xi32>
    %and3A_2171 = arith.andi %iota3A, %and3A_2170 : vector<16xi32>
    %or3A_2172 = arith.ori %shift_left3A_2168, %and3A_2171 : vector<16xi32>
    %gather3A_2173 = tpu.vector_load_idx %arg10[%add3A_2161, %or3A_2172] : memref<48x128xi32, #tpu.memory_space<vmem>>[vector<16xi32>, vector<16xi32>], vector<16xi32>,
    %swap3A_2174 = arith.constant 144 : index
    %swap3A_2175 = tpu.vector_load %arg12[%swap3A_2174] {strides = array<i32>} : memref<192xi32, #tpu.memory_space<vmem>>, vector<16xi32>,
    tpu.vector_store %arg12[%swap3A_2174], %gather3A_2173 {strides = array<i32>} : memref<192xi32, #tpu.memory_space<vmem>>, vector<16xi32>,
    %shift_right_logical3A_2176 = arith.constant 2 : i32
    %shift_right_logical3A_2177 = vector.broadcast %shift_right_logical3A_2176 : i32 to vector<16xi32>
    %shift_right_logical3A_2178 = arith.shrui %iota3A, %shift_right_logical3A_2177 : vector<16xi32>
    %add3A_2179 = arith.constant 40 : i32
    %add3A_2180 = vector.broadcast %add3A_2179 : i32 to vector<16xi32>
    %add3A_2181 = arith.addi %add3A_2180, %shift_right_logical3A_2178 : vector<16xi32>
    %gather3A_2182 = tpu.vector_load_idx %arg7[%add3A_2181] : memref<48xi32, #tpu.memory_space<vmem>>[vector<16xi32>], vector<16xi32>,
    %and3A_2183 = arith.constant 31 : i32
    %and3A_2184 = vector.broadcast %and3A_2183 : i32 to vector<16xi32>
    %and3A_2185 = arith.andi %gather3A_2182, %and3A_2184 : vector<16xi32>
    %shift_left3A_2186 = arith.constant 2 : i32
    %shift_left3A_2187 = vector.broadcast %shift_left3A_2186 : i32 to vector<16xi32>
    %shift_left3A_2188 = arith.shli %and3A_2185, %shift_left3A_2187 : vector<16xi32>
    %and3A_2189 = arith.constant 3 : i32
    %and3A_2190 = vector.broadcast %and3A_2189 : i32 to vector<16xi32>
    %and3A_2191 = arith.andi %iota3A, %and3A_2190 : vector<16xi32>
    %or3A_2192 = arith.ori %shift_left3A_2188, %and3A_2191 : vector<16xi32>
    %gather3A_2193 = tpu.vector_load_idx %arg10[%add3A_2181, %or3A_2192] : memref<48x128xi32, #tpu.memory_space<vmem>>[vector<16xi32>, vector<16xi32>], vector<16xi32>,
    %swap3A_2194 = arith.constant 160 : index
    %swap3A_2195 = tpu.vector_load %arg12[%swap3A_2194] {strides = array<i32>} : memref<192xi32, #tpu.memory_space<vmem>>, vector<16xi32>,
    tpu.vector_store %arg12[%swap3A_2194], %gather3A_2193 {strides = array<i32>} : memref<192xi32, #tpu.memory_space<vmem>>, vector<16xi32>,
    %shift_right_logical3A_2196 = arith.constant 2 : i32
    %shift_right_logical3A_2197 = vector.broadcast %shift_right_logical3A_2196 : i32 to vector<16xi32>
    %shift_right_logical3A_2198 = arith.shrui %iota3A, %shift_right_logical3A_2197 : vector<16xi32>
    %add3A_2199 = arith.constant 44 : i32
    %add3A_2200 = vector.broadcast %add3A_2199 : i32 to vector<16xi32>
    %add3A_2201 = arith.addi %add3A_2200, %shift_right_logical3A_2198 : vector<16xi32>
    %gather3A_2202 = tpu.vector_load_idx %arg7[%add3A_2201] : memref<48xi32, #tpu.memory_space<vmem>>[vector<16xi32>], vector<16xi32>,
    %and3A_2203 = arith.constant 31 : i32
    %and3A_2204 = vector.broadcast %and3A_2203 : i32 to vector<16xi32>
    %and3A_2205 = arith.andi %gather3A_2202, %and3A_2204 : vector<16xi32>
    %shift_left3A_2206 = arith.constant 2 : i32
    %shift_left3A_2207 = vector.broadcast %shift_left3A_2206 : i32 to vector<16xi32>
    %shift_left3A_2208 = arith.shli %and3A_2205, %shift_left3A_2207 : vector<16xi32>
    %and3A_2209 = arith.constant 3 : i32
    %and3A_2210 = vector.broadcast %and3A_2209 : i32 to vector<16xi32>
    %and3A_2211 = arith.andi %iota3A, %and3A_2210 : vector<16xi32>
    %or3A_2212 = arith.ori %shift_left3A_2208, %and3A_2211 : vector<16xi32>
    %gather3A_2213 = tpu.vector_load_idx %arg10[%add3A_2201, %or3A_2212] : memref<48x128xi32, #tpu.memory_space<vmem>>[vector<16xi32>, vector<16xi32>], vector<16xi32>,
    %swap3A_2214 = arith.constant 176 : index
    %swap3A_2215 = tpu.vector_load %arg12[%swap3A_2214] {strides = array<i32>} : memref<192xi32, #tpu.memory_space<vmem>>, vector<16xi32>,
    tpu.vector_store %arg12[%swap3A_2214], %gather3A_2213 {strides = array<i32>} : memref<192xi32, #tpu.memory_space<vmem>>, vector<16xi32>,
    %add3A_2216 = arith.constant 0 : i32
    %add3A_2217 = vector.broadcast %add3A_2216 : i32 to vector<16xi32>
    %add3A_2218 = arith.addi %add3A_2217, %iota3A : vector<16xi32>
    %gather3A_2219 = tpu.vector_load_idx %arg7[%add3A_2218] : memref<48xi32, #tpu.memory_space<vmem>>[vector<16xi32>], vector<16xi32>,
    %and3A_2220 = arith.constant 127 : i32
    %and3A_2221 = vector.broadcast %and3A_2220 : i32 to vector<16xi32>
    %and3A_2222 = arith.andi %gather3A_2219, %and3A_2221 : vector<16xi32>
    %gather3A_2223 = tpu.vector_load_idx %arg11[%add3A_2218, %and3A_2222] : memref<48x128xf32, #tpu.memory_space<vmem>>[vector<16xi32>, vector<16xi32>], vector<16xf32>,
    %swap3A_2224 = arith.constant 0 : index
    %swap3A_2225 = tpu.vector_load %arg13[%swap3A_2224] {strides = array<i32>} : memref<48xf32, #tpu.memory_space<vmem>>, vector<16xf32>,
    tpu.vector_store %arg13[%swap3A_2224], %gather3A_2223 {strides = array<i32>} : memref<48xf32, #tpu.memory_space<vmem>>, vector<16xf32>,
    %add3A_2226 = arith.constant 16 : i32
    %add3A_2227 = vector.broadcast %add3A_2226 : i32 to vector<16xi32>
    %add3A_2228 = arith.addi %add3A_2227, %iota3A : vector<16xi32>
    %gather3A_2229 = tpu.vector_load_idx %arg7[%add3A_2228] : memref<48xi32, #tpu.memory_space<vmem>>[vector<16xi32>], vector<16xi32>,
    %and3A_2230 = arith.constant 127 : i32
    %and3A_2231 = vector.broadcast %and3A_2230 : i32 to vector<16xi32>
    %and3A_2232 = arith.andi %gather3A_2229, %and3A_2231 : vector<16xi32>
    %gather3A_2233 = tpu.vector_load_idx %arg11[%add3A_2228, %and3A_2232] : memref<48x128xf32, #tpu.memory_space<vmem>>[vector<16xi32>, vector<16xi32>], vector<16xf32>,
    %swap3A_2234 = arith.constant 16 : index
    %swap3A_2235 = tpu.vector_load %arg13[%swap3A_2234] {strides = array<i32>} : memref<48xf32, #tpu.memory_space<vmem>>, vector<16xf32>,
    tpu.vector_store %arg13[%swap3A_2234], %gather3A_2233 {strides = array<i32>} : memref<48xf32, #tpu.memory_space<vmem>>, vector<16xf32>,
    %add3A_2236 = arith.constant 32 : i32
    %add3A_2237 = vector.broadcast %add3A_2236 : i32 to vector<16xi32>
    %add3A_2238 = arith.addi %add3A_2237, %iota3A : vector<16xi32>
    %gather3A_2239 = tpu.vector_load_idx %arg7[%add3A_2238] : memref<48xi32, #tpu.memory_space<vmem>>[vector<16xi32>], vector<16xi32>,
    %and3A_2240 = arith.constant 127 : i32
    %and3A_2241 = vector.broadcast %and3A_2240 : i32 to vector<16xi32>
    %and3A_2242 = arith.andi %gather3A_2239, %and3A_2241 : vector<16xi32>
    %gather3A_2243 = tpu.vector_load_idx %arg11[%add3A_2238, %and3A_2242] : memref<48x128xf32, #tpu.memory_space<vmem>>[vector<16xi32>, vector<16xi32>], vector<16xf32>,
    %swap3A_2244 = arith.constant 32 : index
    %swap3A_2245 = tpu.vector_load %arg13[%swap3A_2244] {strides = array<i32>} : memref<48xf32, #tpu.memory_space<vmem>>, vector<16xf32>,
    tpu.vector_store %arg13[%swap3A_2244], %gather3A_2243 {strides = array<i32>} : memref<48xf32, #tpu.memory_space<vmem>>, vector<16xf32>,
    %mul3A_2246 = arith.constant 4 : i32
    %mul3A_2247 = arith.muli %add3A_1927, %mul3A_2246 : i32
    "tpu.region"() ({
      %run_scoped3A = tpu.sem_alloc : memref<!tpu.dma_semaphore, #tpu.memory_space<semaphore_mem>>
      %dma_start3A_3536 = tpu.memref_slice %arg5[%mul3A_2247] : memref<67584xi32, #tpu.memory_space<hbm>> -> memref<192xi32, #tpu.memory_space<hbm>>
      %dma_start3A_3537 = tpu.memref_slice %arg5[%mul3A_2247] : memref<67584xi32, #tpu.memory_space<hbm>> -> memref<192xi32, #tpu.memory_space<hbm>>
      tpu.enqueue_dma source(%arg12 : memref<192xi32, #tpu.memory_space<vmem>>) target(%dma_start3A_3537 : memref<192xi32, #tpu.memory_space<hbm>>) target_semaphore(%run_scoped3A : memref<!tpu.dma_semaphore, #tpu.memory_space<semaphore_mem>>)
      %dma_wait3A_3538 = tpu.memref_slice %arg5[%mul3A_2247] : memref<67584xi32, #tpu.memory_space<hbm>> -> memref<192xi32, #tpu.memory_space<hbm>>
      %dma_wait3A_3539 = tpu.memref_slice %arg5[%mul3A_2247] : memref<67584xi32, #tpu.memory_space<hbm>> -> memref<192xi32, #tpu.memory_space<hbm>>
      tpu.wait_dma2 semaphore(%run_scoped3A : memref<!tpu.dma_semaphore, #tpu.memory_space<semaphore_mem>>) src(%arg12 : memref<192xi32, #tpu.memory_space<vmem>>) dst(%dma_wait3A_3539 : memref<192xi32, #tpu.memory_space<hbm>>)
      tpu.yield
    }) : () -> ()
    "tpu.region"() ({
      %run_scoped3A = tpu.sem_alloc : memref<!tpu.dma_semaphore, #tpu.memory_space<semaphore_mem>>
      %dma_start3A_3536 = tpu.memref_slice %arg6[%add3A_1927] : memref<16896xf32, #tpu.memory_space<hbm>> -> memref<48xf32, #tpu.memory_space<hbm>>
      %dma_start3A_3537 = tpu.memref_slice %arg6[%add3A_1927] : memref<16896xf32, #tpu.memory_space<hbm>> -> memref<48xf32, #tpu.memory_space<hbm>>
      tpu.enqueue_dma source(%arg13 : memref<48xf32, #tpu.memory_space<vmem>>) target(%dma_start3A_3537 : memref<48xf32, #tpu.memory_space<hbm>>) target_semaphore(%run_scoped3A : memref<!tpu.dma_semaphore, #tpu.memory_space<semaphore_mem>>)
      %dma_wait3A_3538 = tpu.memref_slice %arg6[%add3A_1927] : memref<16896xf32, #tpu.memory_space<hbm>> -> memref<48xf32, #tpu.memory_space<hbm>>
      %dma_wait3A_3539 = tpu.memref_slice %arg6[%add3A_1927] : memref<16896xf32, #tpu.memory_space<hbm>> -> memref<48xf32, #tpu.memory_space<hbm>>
      tpu.wait_dma2 semaphore(%run_scoped3A : memref<!tpu.dma_semaphore, #tpu.memory_space<semaphore_mem>>) src(%arg13 : memref<48xf32, #tpu.memory_space<vmem>>) dst(%dma_wait3A_3539 : memref<48xf32, #tpu.memory_space<hbm>>)
      tpu.yield
    }) : () -> ()
    %add3A_2248 = arith.constant 336 : i32
    %add3A_2249 = arith.addi %mul3A_2, %add3A_2248 : i32
    "tpu.region"() ({
      %run_scoped3A = tpu.sem_alloc : memref<!tpu.dma_semaphore, #tpu.memory_space<semaphore_mem>>
      %dma_start3A_3536 = tpu.memref_slice %arg4[%add3A_2249] : memref<16896xi32, #tpu.memory_space<hbm>> -> memref<48xi32, #tpu.memory_space<hbm>>
      %dma_start3A_3537 = tpu.memref_slice %arg4[%add3A_2249] : memref<16896xi32, #tpu.memory_space<hbm>> -> memref<48xi32, #tpu.memory_space<hbm>>
      tpu.enqueue_dma source(%dma_start3A_3537 : memref<48xi32, #tpu.memory_space<hbm>>) target(%arg7 : memref<48xi32, #tpu.memory_space<vmem>>) target_semaphore(%run_scoped3A : memref<!tpu.dma_semaphore, #tpu.memory_space<semaphore_mem>>)
      %dma_wait3A_3538 = tpu.memref_slice %arg4[%add3A_2249] : memref<16896xi32, #tpu.memory_space<hbm>> -> memref<48xi32, #tpu.memory_space<hbm>>
      %dma_wait3A_3539 = tpu.memref_slice %arg4[%add3A_2249] : memref<16896xi32, #tpu.memory_space<hbm>> -> memref<48xi32, #tpu.memory_space<hbm>>
      tpu.wait_dma2 semaphore(%run_scoped3A : memref<!tpu.dma_semaphore, #tpu.memory_space<semaphore_mem>>) src(%dma_wait3A_3539 : memref<48xi32, #tpu.memory_space<hbm>>) dst(%arg7 : memref<48xi32, #tpu.memory_space<vmem>>)
      tpu.yield
    }) : () -> ()
    %get3A_2250 = arith.constant 0 : index
    %get3A_2251 = tpu.vector_load %arg7[%get3A_2250] {strides = array<i32>} : memref<48xi32, #tpu.memory_space<vmem>>, vector<16xi32>,
    %shift_right_logical3A_2252 = arith.constant 5 : i32
    %shift_right_logical3A_2253 = vector.broadcast %shift_right_logical3A_2252 : i32 to vector<16xi32>
    %shift_right_logical3A_2254 = arith.shrui %get3A_2251, %shift_right_logical3A_2253 : vector<16xi32>
    %swap3A_2255 = arith.constant 0 : index
    %swap3A_2256 = tpu.vector_load %arg8[%swap3A_2255] {strides = array<i32>} : memref<48xi32, #tpu.memory_space<vmem>>, vector<16xi32>,
    tpu.vector_store %arg8[%swap3A_2255], %shift_right_logical3A_2254 {strides = array<i32>} : memref<48xi32, #tpu.memory_space<vmem>>, vector<16xi32>,
    %shift_right_logical3A_2257 = arith.constant 7 : i32
    %shift_right_logical3A_2258 = vector.broadcast %shift_right_logical3A_2257 : i32 to vector<16xi32>
    %shift_right_logical3A_2259 = arith.shrui %get3A_2251, %shift_right_logical3A_2258 : vector<16xi32>
    %swap3A_2260 = arith.constant 0 : index
    %swap3A_2261 = tpu.vector_load %arg9[%swap3A_2260] {strides = array<i32>} : memref<48xi32, #tpu.memory_space<vmem>>, vector<16xi32>,
    tpu.vector_store %arg9[%swap3A_2260], %shift_right_logical3A_2259 {strides = array<i32>} : memref<48xi32, #tpu.memory_space<vmem>>, vector<16xi32>,
    %get3A_2262 = arith.constant 16 : index
    %get3A_2263 = tpu.vector_load %arg7[%get3A_2262] {strides = array<i32>} : memref<48xi32, #tpu.memory_space<vmem>>, vector<16xi32>,
    %shift_right_logical3A_2264 = arith.constant 5 : i32
    %shift_right_logical3A_2265 = vector.broadcast %shift_right_logical3A_2264 : i32 to vector<16xi32>
    %shift_right_logical3A_2266 = arith.shrui %get3A_2263, %shift_right_logical3A_2265 : vector<16xi32>
    %swap3A_2267 = arith.constant 16 : index
    %swap3A_2268 = tpu.vector_load %arg8[%swap3A_2267] {strides = array<i32>} : memref<48xi32, #tpu.memory_space<vmem>>, vector<16xi32>,
    tpu.vector_store %arg8[%swap3A_2267], %shift_right_logical3A_2266 {strides = array<i32>} : memref<48xi32, #tpu.memory_space<vmem>>, vector<16xi32>,
    %shift_right_logical3A_2269 = arith.constant 7 : i32
    %shift_right_logical3A_2270 = vector.broadcast %shift_right_logical3A_2269 : i32 to vector<16xi32>
    %shift_right_logical3A_2271 = arith.shrui %get3A_2263, %shift_right_logical3A_2270 : vector<16xi32>
    %swap3A_2272 = arith.constant 16 : index
    %swap3A_2273 = tpu.vector_load %arg9[%swap3A_2272] {strides = array<i32>} : memref<48xi32, #tpu.memory_space<vmem>>, vector<16xi32>,
    tpu.vector_store %arg9[%swap3A_2272], %shift_right_logical3A_2271 {strides = array<i32>} : memref<48xi32, #tpu.memory_space<vmem>>, vector<16xi32>,
    %get3A_2274 = arith.constant 32 : index
    %get3A_2275 = tpu.vector_load %arg7[%get3A_2274] {strides = array<i32>} : memref<48xi32, #tpu.memory_space<vmem>>, vector<16xi32>,
    %shift_right_logical3A_2276 = arith.constant 5 : i32
    %shift_right_logical3A_2277 = vector.broadcast %shift_right_logical3A_2276 : i32 to vector<16xi32>
    %shift_right_logical3A_2278 = arith.shrui %get3A_2275, %shift_right_logical3A_2277 : vector<16xi32>
    %swap3A_2279 = arith.constant 32 : index
    %swap3A_2280 = tpu.vector_load %arg8[%swap3A_2279] {strides = array<i32>} : memref<48xi32, #tpu.memory_space<vmem>>, vector<16xi32>,
    tpu.vector_store %arg8[%swap3A_2279], %shift_right_logical3A_2278 {strides = array<i32>} : memref<48xi32, #tpu.memory_space<vmem>>, vector<16xi32>,
    %shift_right_logical3A_2281 = arith.constant 7 : i32
    %shift_right_logical3A_2282 = vector.broadcast %shift_right_logical3A_2281 : i32 to vector<16xi32>
    %shift_right_logical3A_2283 = arith.shrui %get3A_2275, %shift_right_logical3A_2282 : vector<16xi32>
    %swap3A_2284 = arith.constant 32 : index
    %swap3A_2285 = tpu.vector_load %arg9[%swap3A_2284] {strides = array<i32>} : memref<48xi32, #tpu.memory_space<vmem>>, vector<16xi32>,
    tpu.vector_store %arg9[%swap3A_2284], %shift_right_logical3A_2283 {strides = array<i32>} : memref<48xi32, #tpu.memory_space<vmem>>, vector<16xi32>,
    %dma_start3A_2286 = arith.constant 0 : i32
    %dma_start3A_2287 = arith.constant 0 : i32
    %dma_start3A_2288 = tpu.memref_slice %arg2[%dma_start3A_2286, %dma_start3A_2287] : memref<3125x128xi32, #tpu.memory_space<hbm>> -> memref<3125x128xi32, #tpu.memory_space<hbm>>
    tpu.enqueue_indirect_dma source(%dma_start3A_2288 : memref<3125x128xi32, #tpu.memory_space<hbm>>) target(%arg10 : memref<48x128xi32, #tpu.memory_space<vmem>>) offsets(%arg8 : memref<48xi32, #tpu.memory_space<vmem>>) semaphore(%arg14 : memref<!tpu.dma_semaphore, #tpu.memory_space<semaphore_mem>>)
    %dma_start3A_2289 = arith.constant 0 : i32
    %dma_start3A_2290 = arith.constant 0 : i32
    %dma_start3A_2291 = tpu.memref_slice %arg3[%dma_start3A_2289, %dma_start3A_2290] : memref<782x128xf32, #tpu.memory_space<hbm>> -> memref<782x128xf32, #tpu.memory_space<hbm>>
    tpu.enqueue_indirect_dma source(%dma_start3A_2291 : memref<782x128xf32, #tpu.memory_space<hbm>>) target(%arg11 : memref<48x128xf32, #tpu.memory_space<vmem>>) offsets(%arg9 : memref<48xi32, #tpu.memory_space<vmem>>) semaphore(%arg15 : memref<!tpu.dma_semaphore, #tpu.memory_space<semaphore_mem>>)
    %dma_wait3A_2292 = arith.constant 0 : i32
    %dma_wait3A_2293 = arith.constant 0 : i32
    %dma_wait3A_2294 = tpu.memref_slice %arg2[%dma_wait3A_2292, %dma_wait3A_2293] : memref<3125x128xi32, #tpu.memory_space<hbm>> -> memref<3125x128xi32, #tpu.memory_space<hbm>>
    tpu.wait_indirect_dma semaphore(%arg14 : memref<!tpu.dma_semaphore, #tpu.memory_space<semaphore_mem>>) src(%dma_wait3A_2294 : memref<3125x128xi32, #tpu.memory_space<hbm>>) dst(%arg10 : memref<48x128xi32, #tpu.memory_space<vmem>>)
    %dma_wait3A_2295 = arith.constant 0 : i32
    %dma_wait3A_2296 = arith.constant 0 : i32
    %dma_wait3A_2297 = tpu.memref_slice %arg3[%dma_wait3A_2295, %dma_wait3A_2296] : memref<782x128xf32, #tpu.memory_space<hbm>> -> memref<782x128xf32, #tpu.memory_space<hbm>>
    tpu.wait_indirect_dma semaphore(%arg15 : memref<!tpu.dma_semaphore, #tpu.memory_space<semaphore_mem>>) src(%dma_wait3A_2297 : memref<782x128xf32, #tpu.memory_space<hbm>>) dst(%arg11 : memref<48x128xf32, #tpu.memory_space<vmem>>)
    %shift_right_logical3A_2298 = arith.constant 2 : i32
    %shift_right_logical3A_2299 = vector.broadcast %shift_right_logical3A_2298 : i32 to vector<16xi32>
    %shift_right_logical3A_2300 = arith.shrui %iota3A, %shift_right_logical3A_2299 : vector<16xi32>
    %add3A_2301 = arith.constant 0 : i32
    %add3A_2302 = vector.broadcast %add3A_2301 : i32 to vector<16xi32>
    %add3A_2303 = arith.addi %add3A_2302, %shift_right_logical3A_2300 : vector<16xi32>
    %gather3A_2304 = tpu.vector_load_idx %arg7[%add3A_2303] : memref<48xi32, #tpu.memory_space<vmem>>[vector<16xi32>], vector<16xi32>,
    %and3A_2305 = arith.constant 31 : i32
    %and3A_2306 = vector.broadcast %and3A_2305 : i32 to vector<16xi32>
    %and3A_2307 = arith.andi %gather3A_2304, %and3A_2306 : vector<16xi32>
    %shift_left3A_2308 = arith.constant 2 : i32
    %shift_left3A_2309 = vector.broadcast %shift_left3A_2308 : i32 to vector<16xi32>
    %shift_left3A_2310 = arith.shli %and3A_2307, %shift_left3A_2309 : vector<16xi32>
    %and3A_2311 = arith.constant 3 : i32
    %and3A_2312 = vector.broadcast %and3A_2311 : i32 to vector<16xi32>
    %and3A_2313 = arith.andi %iota3A, %and3A_2312 : vector<16xi32>
    %or3A_2314 = arith.ori %shift_left3A_2310, %and3A_2313 : vector<16xi32>
    %gather3A_2315 = tpu.vector_load_idx %arg10[%add3A_2303, %or3A_2314] : memref<48x128xi32, #tpu.memory_space<vmem>>[vector<16xi32>, vector<16xi32>], vector<16xi32>,
    %swap3A_2316 = arith.constant 0 : index
    %swap3A_2317 = tpu.vector_load %arg12[%swap3A_2316] {strides = array<i32>} : memref<192xi32, #tpu.memory_space<vmem>>, vector<16xi32>,
    tpu.vector_store %arg12[%swap3A_2316], %gather3A_2315 {strides = array<i32>} : memref<192xi32, #tpu.memory_space<vmem>>, vector<16xi32>,
    %shift_right_logical3A_2318 = arith.constant 2 : i32
    %shift_right_logical3A_2319 = vector.broadcast %shift_right_logical3A_2318 : i32 to vector<16xi32>
    %shift_right_logical3A_2320 = arith.shrui %iota3A, %shift_right_logical3A_2319 : vector<16xi32>
    %add3A_2321 = arith.constant 4 : i32
    %add3A_2322 = vector.broadcast %add3A_2321 : i32 to vector<16xi32>
    %add3A_2323 = arith.addi %add3A_2322, %shift_right_logical3A_2320 : vector<16xi32>
    %gather3A_2324 = tpu.vector_load_idx %arg7[%add3A_2323] : memref<48xi32, #tpu.memory_space<vmem>>[vector<16xi32>], vector<16xi32>,
    %and3A_2325 = arith.constant 31 : i32
    %and3A_2326 = vector.broadcast %and3A_2325 : i32 to vector<16xi32>
    %and3A_2327 = arith.andi %gather3A_2324, %and3A_2326 : vector<16xi32>
    %shift_left3A_2328 = arith.constant 2 : i32
    %shift_left3A_2329 = vector.broadcast %shift_left3A_2328 : i32 to vector<16xi32>
    %shift_left3A_2330 = arith.shli %and3A_2327, %shift_left3A_2329 : vector<16xi32>
    %and3A_2331 = arith.constant 3 : i32
    %and3A_2332 = vector.broadcast %and3A_2331 : i32 to vector<16xi32>
    %and3A_2333 = arith.andi %iota3A, %and3A_2332 : vector<16xi32>
    %or3A_2334 = arith.ori %shift_left3A_2330, %and3A_2333 : vector<16xi32>
    %gather3A_2335 = tpu.vector_load_idx %arg10[%add3A_2323, %or3A_2334] : memref<48x128xi32, #tpu.memory_space<vmem>>[vector<16xi32>, vector<16xi32>], vector<16xi32>,
    %swap3A_2336 = arith.constant 16 : index
    %swap3A_2337 = tpu.vector_load %arg12[%swap3A_2336] {strides = array<i32>} : memref<192xi32, #tpu.memory_space<vmem>>, vector<16xi32>,
    tpu.vector_store %arg12[%swap3A_2336], %gather3A_2335 {strides = array<i32>} : memref<192xi32, #tpu.memory_space<vmem>>, vector<16xi32>,
    %shift_right_logical3A_2338 = arith.constant 2 : i32
    %shift_right_logical3A_2339 = vector.broadcast %shift_right_logical3A_2338 : i32 to vector<16xi32>
    %shift_right_logical3A_2340 = arith.shrui %iota3A, %shift_right_logical3A_2339 : vector<16xi32>
    %add3A_2341 = arith.constant 8 : i32
    %add3A_2342 = vector.broadcast %add3A_2341 : i32 to vector<16xi32>
    %add3A_2343 = arith.addi %add3A_2342, %shift_right_logical3A_2340 : vector<16xi32>
    %gather3A_2344 = tpu.vector_load_idx %arg7[%add3A_2343] : memref<48xi32, #tpu.memory_space<vmem>>[vector<16xi32>], vector<16xi32>,
    %and3A_2345 = arith.constant 31 : i32
    %and3A_2346 = vector.broadcast %and3A_2345 : i32 to vector<16xi32>
    %and3A_2347 = arith.andi %gather3A_2344, %and3A_2346 : vector<16xi32>
    %shift_left3A_2348 = arith.constant 2 : i32
    %shift_left3A_2349 = vector.broadcast %shift_left3A_2348 : i32 to vector<16xi32>
    %shift_left3A_2350 = arith.shli %and3A_2347, %shift_left3A_2349 : vector<16xi32>
    %and3A_2351 = arith.constant 3 : i32
    %and3A_2352 = vector.broadcast %and3A_2351 : i32 to vector<16xi32>
    %and3A_2353 = arith.andi %iota3A, %and3A_2352 : vector<16xi32>
    %or3A_2354 = arith.ori %shift_left3A_2350, %and3A_2353 : vector<16xi32>
    %gather3A_2355 = tpu.vector_load_idx %arg10[%add3A_2343, %or3A_2354] : memref<48x128xi32, #tpu.memory_space<vmem>>[vector<16xi32>, vector<16xi32>], vector<16xi32>,
    %swap3A_2356 = arith.constant 32 : index
    %swap3A_2357 = tpu.vector_load %arg12[%swap3A_2356] {strides = array<i32>} : memref<192xi32, #tpu.memory_space<vmem>>, vector<16xi32>,
    tpu.vector_store %arg12[%swap3A_2356], %gather3A_2355 {strides = array<i32>} : memref<192xi32, #tpu.memory_space<vmem>>, vector<16xi32>,
    %shift_right_logical3A_2358 = arith.constant 2 : i32
    %shift_right_logical3A_2359 = vector.broadcast %shift_right_logical3A_2358 : i32 to vector<16xi32>
    %shift_right_logical3A_2360 = arith.shrui %iota3A, %shift_right_logical3A_2359 : vector<16xi32>
    %add3A_2361 = arith.constant 12 : i32
    %add3A_2362 = vector.broadcast %add3A_2361 : i32 to vector<16xi32>
    %add3A_2363 = arith.addi %add3A_2362, %shift_right_logical3A_2360 : vector<16xi32>
    %gather3A_2364 = tpu.vector_load_idx %arg7[%add3A_2363] : memref<48xi32, #tpu.memory_space<vmem>>[vector<16xi32>], vector<16xi32>,
    %and3A_2365 = arith.constant 31 : i32
    %and3A_2366 = vector.broadcast %and3A_2365 : i32 to vector<16xi32>
    %and3A_2367 = arith.andi %gather3A_2364, %and3A_2366 : vector<16xi32>
    %shift_left3A_2368 = arith.constant 2 : i32
    %shift_left3A_2369 = vector.broadcast %shift_left3A_2368 : i32 to vector<16xi32>
    %shift_left3A_2370 = arith.shli %and3A_2367, %shift_left3A_2369 : vector<16xi32>
    %and3A_2371 = arith.constant 3 : i32
    %and3A_2372 = vector.broadcast %and3A_2371 : i32 to vector<16xi32>
    %and3A_2373 = arith.andi %iota3A, %and3A_2372 : vector<16xi32>
    %or3A_2374 = arith.ori %shift_left3A_2370, %and3A_2373 : vector<16xi32>
    %gather3A_2375 = tpu.vector_load_idx %arg10[%add3A_2363, %or3A_2374] : memref<48x128xi32, #tpu.memory_space<vmem>>[vector<16xi32>, vector<16xi32>], vector<16xi32>,
    %swap3A_2376 = arith.constant 48 : index
    %swap3A_2377 = tpu.vector_load %arg12[%swap3A_2376] {strides = array<i32>} : memref<192xi32, #tpu.memory_space<vmem>>, vector<16xi32>,
    tpu.vector_store %arg12[%swap3A_2376], %gather3A_2375 {strides = array<i32>} : memref<192xi32, #tpu.memory_space<vmem>>, vector<16xi32>,
    %shift_right_logical3A_2378 = arith.constant 2 : i32
    %shift_right_logical3A_2379 = vector.broadcast %shift_right_logical3A_2378 : i32 to vector<16xi32>
    %shift_right_logical3A_2380 = arith.shrui %iota3A, %shift_right_logical3A_2379 : vector<16xi32>
    %add3A_2381 = arith.constant 16 : i32
    %add3A_2382 = vector.broadcast %add3A_2381 : i32 to vector<16xi32>
    %add3A_2383 = arith.addi %add3A_2382, %shift_right_logical3A_2380 : vector<16xi32>
    %gather3A_2384 = tpu.vector_load_idx %arg7[%add3A_2383] : memref<48xi32, #tpu.memory_space<vmem>>[vector<16xi32>], vector<16xi32>,
    %and3A_2385 = arith.constant 31 : i32
    %and3A_2386 = vector.broadcast %and3A_2385 : i32 to vector<16xi32>
    %and3A_2387 = arith.andi %gather3A_2384, %and3A_2386 : vector<16xi32>
    %shift_left3A_2388 = arith.constant 2 : i32
    %shift_left3A_2389 = vector.broadcast %shift_left3A_2388 : i32 to vector<16xi32>
    %shift_left3A_2390 = arith.shli %and3A_2387, %shift_left3A_2389 : vector<16xi32>
    %and3A_2391 = arith.constant 3 : i32
    %and3A_2392 = vector.broadcast %and3A_2391 : i32 to vector<16xi32>
    %and3A_2393 = arith.andi %iota3A, %and3A_2392 : vector<16xi32>
    %or3A_2394 = arith.ori %shift_left3A_2390, %and3A_2393 : vector<16xi32>
    %gather3A_2395 = tpu.vector_load_idx %arg10[%add3A_2383, %or3A_2394] : memref<48x128xi32, #tpu.memory_space<vmem>>[vector<16xi32>, vector<16xi32>], vector<16xi32>,
    %swap3A_2396 = arith.constant 64 : index
    %swap3A_2397 = tpu.vector_load %arg12[%swap3A_2396] {strides = array<i32>} : memref<192xi32, #tpu.memory_space<vmem>>, vector<16xi32>,
    tpu.vector_store %arg12[%swap3A_2396], %gather3A_2395 {strides = array<i32>} : memref<192xi32, #tpu.memory_space<vmem>>, vector<16xi32>,
    %shift_right_logical3A_2398 = arith.constant 2 : i32
    %shift_right_logical3A_2399 = vector.broadcast %shift_right_logical3A_2398 : i32 to vector<16xi32>
    %shift_right_logical3A_2400 = arith.shrui %iota3A, %shift_right_logical3A_2399 : vector<16xi32>
    %add3A_2401 = arith.constant 20 : i32
    %add3A_2402 = vector.broadcast %add3A_2401 : i32 to vector<16xi32>
    %add3A_2403 = arith.addi %add3A_2402, %shift_right_logical3A_2400 : vector<16xi32>
    %gather3A_2404 = tpu.vector_load_idx %arg7[%add3A_2403] : memref<48xi32, #tpu.memory_space<vmem>>[vector<16xi32>], vector<16xi32>,
    %and3A_2405 = arith.constant 31 : i32
    %and3A_2406 = vector.broadcast %and3A_2405 : i32 to vector<16xi32>
    %and3A_2407 = arith.andi %gather3A_2404, %and3A_2406 : vector<16xi32>
    %shift_left3A_2408 = arith.constant 2 : i32
    %shift_left3A_2409 = vector.broadcast %shift_left3A_2408 : i32 to vector<16xi32>
    %shift_left3A_2410 = arith.shli %and3A_2407, %shift_left3A_2409 : vector<16xi32>
    %and3A_2411 = arith.constant 3 : i32
    %and3A_2412 = vector.broadcast %and3A_2411 : i32 to vector<16xi32>
    %and3A_2413 = arith.andi %iota3A, %and3A_2412 : vector<16xi32>
    %or3A_2414 = arith.ori %shift_left3A_2410, %and3A_2413 : vector<16xi32>
    %gather3A_2415 = tpu.vector_load_idx %arg10[%add3A_2403, %or3A_2414] : memref<48x128xi32, #tpu.memory_space<vmem>>[vector<16xi32>, vector<16xi32>], vector<16xi32>,
    %swap3A_2416 = arith.constant 80 : index
    %swap3A_2417 = tpu.vector_load %arg12[%swap3A_2416] {strides = array<i32>} : memref<192xi32, #tpu.memory_space<vmem>>, vector<16xi32>,
    tpu.vector_store %arg12[%swap3A_2416], %gather3A_2415 {strides = array<i32>} : memref<192xi32, #tpu.memory_space<vmem>>, vector<16xi32>,
    %shift_right_logical3A_2418 = arith.constant 2 : i32
    %shift_right_logical3A_2419 = vector.broadcast %shift_right_logical3A_2418 : i32 to vector<16xi32>
    %shift_right_logical3A_2420 = arith.shrui %iota3A, %shift_right_logical3A_2419 : vector<16xi32>
    %add3A_2421 = arith.constant 24 : i32
    %add3A_2422 = vector.broadcast %add3A_2421 : i32 to vector<16xi32>
    %add3A_2423 = arith.addi %add3A_2422, %shift_right_logical3A_2420 : vector<16xi32>
    %gather3A_2424 = tpu.vector_load_idx %arg7[%add3A_2423] : memref<48xi32, #tpu.memory_space<vmem>>[vector<16xi32>], vector<16xi32>,
    %and3A_2425 = arith.constant 31 : i32
    %and3A_2426 = vector.broadcast %and3A_2425 : i32 to vector<16xi32>
    %and3A_2427 = arith.andi %gather3A_2424, %and3A_2426 : vector<16xi32>
    %shift_left3A_2428 = arith.constant 2 : i32
    %shift_left3A_2429 = vector.broadcast %shift_left3A_2428 : i32 to vector<16xi32>
    %shift_left3A_2430 = arith.shli %and3A_2427, %shift_left3A_2429 : vector<16xi32>
    %and3A_2431 = arith.constant 3 : i32
    %and3A_2432 = vector.broadcast %and3A_2431 : i32 to vector<16xi32>
    %and3A_2433 = arith.andi %iota3A, %and3A_2432 : vector<16xi32>
    %or3A_2434 = arith.ori %shift_left3A_2430, %and3A_2433 : vector<16xi32>
    %gather3A_2435 = tpu.vector_load_idx %arg10[%add3A_2423, %or3A_2434] : memref<48x128xi32, #tpu.memory_space<vmem>>[vector<16xi32>, vector<16xi32>], vector<16xi32>,
    %swap3A_2436 = arith.constant 96 : index
    %swap3A_2437 = tpu.vector_load %arg12[%swap3A_2436] {strides = array<i32>} : memref<192xi32, #tpu.memory_space<vmem>>, vector<16xi32>,
    tpu.vector_store %arg12[%swap3A_2436], %gather3A_2435 {strides = array<i32>} : memref<192xi32, #tpu.memory_space<vmem>>, vector<16xi32>,
    %shift_right_logical3A_2438 = arith.constant 2 : i32
    %shift_right_logical3A_2439 = vector.broadcast %shift_right_logical3A_2438 : i32 to vector<16xi32>
    %shift_right_logical3A_2440 = arith.shrui %iota3A, %shift_right_logical3A_2439 : vector<16xi32>
    %add3A_2441 = arith.constant 28 : i32
    %add3A_2442 = vector.broadcast %add3A_2441 : i32 to vector<16xi32>
    %add3A_2443 = arith.addi %add3A_2442, %shift_right_logical3A_2440 : vector<16xi32>
    %gather3A_2444 = tpu.vector_load_idx %arg7[%add3A_2443] : memref<48xi32, #tpu.memory_space<vmem>>[vector<16xi32>], vector<16xi32>,
    %and3A_2445 = arith.constant 31 : i32
    %and3A_2446 = vector.broadcast %and3A_2445 : i32 to vector<16xi32>
    %and3A_2447 = arith.andi %gather3A_2444, %and3A_2446 : vector<16xi32>
    %shift_left3A_2448 = arith.constant 2 : i32
    %shift_left3A_2449 = vector.broadcast %shift_left3A_2448 : i32 to vector<16xi32>
    %shift_left3A_2450 = arith.shli %and3A_2447, %shift_left3A_2449 : vector<16xi32>
    %and3A_2451 = arith.constant 3 : i32
    %and3A_2452 = vector.broadcast %and3A_2451 : i32 to vector<16xi32>
    %and3A_2453 = arith.andi %iota3A, %and3A_2452 : vector<16xi32>
    %or3A_2454 = arith.ori %shift_left3A_2450, %and3A_2453 : vector<16xi32>
    %gather3A_2455 = tpu.vector_load_idx %arg10[%add3A_2443, %or3A_2454] : memref<48x128xi32, #tpu.memory_space<vmem>>[vector<16xi32>, vector<16xi32>], vector<16xi32>,
    %swap3A_2456 = arith.constant 112 : index
    %swap3A_2457 = tpu.vector_load %arg12[%swap3A_2456] {strides = array<i32>} : memref<192xi32, #tpu.memory_space<vmem>>, vector<16xi32>,
    tpu.vector_store %arg12[%swap3A_2456], %gather3A_2455 {strides = array<i32>} : memref<192xi32, #tpu.memory_space<vmem>>, vector<16xi32>,
    %shift_right_logical3A_2458 = arith.constant 2 : i32
    %shift_right_logical3A_2459 = vector.broadcast %shift_right_logical3A_2458 : i32 to vector<16xi32>
    %shift_right_logical3A_2460 = arith.shrui %iota3A, %shift_right_logical3A_2459 : vector<16xi32>
    %add3A_2461 = arith.constant 32 : i32
    %add3A_2462 = vector.broadcast %add3A_2461 : i32 to vector<16xi32>
    %add3A_2463 = arith.addi %add3A_2462, %shift_right_logical3A_2460 : vector<16xi32>
    %gather3A_2464 = tpu.vector_load_idx %arg7[%add3A_2463] : memref<48xi32, #tpu.memory_space<vmem>>[vector<16xi32>], vector<16xi32>,
    %and3A_2465 = arith.constant 31 : i32
    %and3A_2466 = vector.broadcast %and3A_2465 : i32 to vector<16xi32>
    %and3A_2467 = arith.andi %gather3A_2464, %and3A_2466 : vector<16xi32>
    %shift_left3A_2468 = arith.constant 2 : i32
    %shift_left3A_2469 = vector.broadcast %shift_left3A_2468 : i32 to vector<16xi32>
    %shift_left3A_2470 = arith.shli %and3A_2467, %shift_left3A_2469 : vector<16xi32>
    %and3A_2471 = arith.constant 3 : i32
    %and3A_2472 = vector.broadcast %and3A_2471 : i32 to vector<16xi32>
    %and3A_2473 = arith.andi %iota3A, %and3A_2472 : vector<16xi32>
    %or3A_2474 = arith.ori %shift_left3A_2470, %and3A_2473 : vector<16xi32>
    %gather3A_2475 = tpu.vector_load_idx %arg10[%add3A_2463, %or3A_2474] : memref<48x128xi32, #tpu.memory_space<vmem>>[vector<16xi32>, vector<16xi32>], vector<16xi32>,
    %swap3A_2476 = arith.constant 128 : index
    %swap3A_2477 = tpu.vector_load %arg12[%swap3A_2476] {strides = array<i32>} : memref<192xi32, #tpu.memory_space<vmem>>, vector<16xi32>,
    tpu.vector_store %arg12[%swap3A_2476], %gather3A_2475 {strides = array<i32>} : memref<192xi32, #tpu.memory_space<vmem>>, vector<16xi32>,
    %shift_right_logical3A_2478 = arith.constant 2 : i32
    %shift_right_logical3A_2479 = vector.broadcast %shift_right_logical3A_2478 : i32 to vector<16xi32>
    %shift_right_logical3A_2480 = arith.shrui %iota3A, %shift_right_logical3A_2479 : vector<16xi32>
    %add3A_2481 = arith.constant 36 : i32
    %add3A_2482 = vector.broadcast %add3A_2481 : i32 to vector<16xi32>
    %add3A_2483 = arith.addi %add3A_2482, %shift_right_logical3A_2480 : vector<16xi32>
    %gather3A_2484 = tpu.vector_load_idx %arg7[%add3A_2483] : memref<48xi32, #tpu.memory_space<vmem>>[vector<16xi32>], vector<16xi32>,
    %and3A_2485 = arith.constant 31 : i32
    %and3A_2486 = vector.broadcast %and3A_2485 : i32 to vector<16xi32>
    %and3A_2487 = arith.andi %gather3A_2484, %and3A_2486 : vector<16xi32>
    %shift_left3A_2488 = arith.constant 2 : i32
    %shift_left3A_2489 = vector.broadcast %shift_left3A_2488 : i32 to vector<16xi32>
    %shift_left3A_2490 = arith.shli %and3A_2487, %shift_left3A_2489 : vector<16xi32>
    %and3A_2491 = arith.constant 3 : i32
    %and3A_2492 = vector.broadcast %and3A_2491 : i32 to vector<16xi32>
    %and3A_2493 = arith.andi %iota3A, %and3A_2492 : vector<16xi32>
    %or3A_2494 = arith.ori %shift_left3A_2490, %and3A_2493 : vector<16xi32>
    %gather3A_2495 = tpu.vector_load_idx %arg10[%add3A_2483, %or3A_2494] : memref<48x128xi32, #tpu.memory_space<vmem>>[vector<16xi32>, vector<16xi32>], vector<16xi32>,
    %swap3A_2496 = arith.constant 144 : index
    %swap3A_2497 = tpu.vector_load %arg12[%swap3A_2496] {strides = array<i32>} : memref<192xi32, #tpu.memory_space<vmem>>, vector<16xi32>,
    tpu.vector_store %arg12[%swap3A_2496], %gather3A_2495 {strides = array<i32>} : memref<192xi32, #tpu.memory_space<vmem>>, vector<16xi32>,
    %shift_right_logical3A_2498 = arith.constant 2 : i32
    %shift_right_logical3A_2499 = vector.broadcast %shift_right_logical3A_2498 : i32 to vector<16xi32>
    %shift_right_logical3A_2500 = arith.shrui %iota3A, %shift_right_logical3A_2499 : vector<16xi32>
    %add3A_2501 = arith.constant 40 : i32
    %add3A_2502 = vector.broadcast %add3A_2501 : i32 to vector<16xi32>
    %add3A_2503 = arith.addi %add3A_2502, %shift_right_logical3A_2500 : vector<16xi32>
    %gather3A_2504 = tpu.vector_load_idx %arg7[%add3A_2503] : memref<48xi32, #tpu.memory_space<vmem>>[vector<16xi32>], vector<16xi32>,
    %and3A_2505 = arith.constant 31 : i32
    %and3A_2506 = vector.broadcast %and3A_2505 : i32 to vector<16xi32>
    %and3A_2507 = arith.andi %gather3A_2504, %and3A_2506 : vector<16xi32>
    %shift_left3A_2508 = arith.constant 2 : i32
    %shift_left3A_2509 = vector.broadcast %shift_left3A_2508 : i32 to vector<16xi32>
    %shift_left3A_2510 = arith.shli %and3A_2507, %shift_left3A_2509 : vector<16xi32>
    %and3A_2511 = arith.constant 3 : i32
    %and3A_2512 = vector.broadcast %and3A_2511 : i32 to vector<16xi32>
    %and3A_2513 = arith.andi %iota3A, %and3A_2512 : vector<16xi32>
    %or3A_2514 = arith.ori %shift_left3A_2510, %and3A_2513 : vector<16xi32>
    %gather3A_2515 = tpu.vector_load_idx %arg10[%add3A_2503, %or3A_2514] : memref<48x128xi32, #tpu.memory_space<vmem>>[vector<16xi32>, vector<16xi32>], vector<16xi32>,
    %swap3A_2516 = arith.constant 160 : index
    %swap3A_2517 = tpu.vector_load %arg12[%swap3A_2516] {strides = array<i32>} : memref<192xi32, #tpu.memory_space<vmem>>, vector<16xi32>,
    tpu.vector_store %arg12[%swap3A_2516], %gather3A_2515 {strides = array<i32>} : memref<192xi32, #tpu.memory_space<vmem>>, vector<16xi32>,
    %shift_right_logical3A_2518 = arith.constant 2 : i32
    %shift_right_logical3A_2519 = vector.broadcast %shift_right_logical3A_2518 : i32 to vector<16xi32>
    %shift_right_logical3A_2520 = arith.shrui %iota3A, %shift_right_logical3A_2519 : vector<16xi32>
    %add3A_2521 = arith.constant 44 : i32
    %add3A_2522 = vector.broadcast %add3A_2521 : i32 to vector<16xi32>
    %add3A_2523 = arith.addi %add3A_2522, %shift_right_logical3A_2520 : vector<16xi32>
    %gather3A_2524 = tpu.vector_load_idx %arg7[%add3A_2523] : memref<48xi32, #tpu.memory_space<vmem>>[vector<16xi32>], vector<16xi32>,
    %and3A_2525 = arith.constant 31 : i32
    %and3A_2526 = vector.broadcast %and3A_2525 : i32 to vector<16xi32>
    %and3A_2527 = arith.andi %gather3A_2524, %and3A_2526 : vector<16xi32>
    %shift_left3A_2528 = arith.constant 2 : i32
    %shift_left3A_2529 = vector.broadcast %shift_left3A_2528 : i32 to vector<16xi32>
    %shift_left3A_2530 = arith.shli %and3A_2527, %shift_left3A_2529 : vector<16xi32>
    %and3A_2531 = arith.constant 3 : i32
    %and3A_2532 = vector.broadcast %and3A_2531 : i32 to vector<16xi32>
    %and3A_2533 = arith.andi %iota3A, %and3A_2532 : vector<16xi32>
    %or3A_2534 = arith.ori %shift_left3A_2530, %and3A_2533 : vector<16xi32>
    %gather3A_2535 = tpu.vector_load_idx %arg10[%add3A_2523, %or3A_2534] : memref<48x128xi32, #tpu.memory_space<vmem>>[vector<16xi32>, vector<16xi32>], vector<16xi32>,
    %swap3A_2536 = arith.constant 176 : index
    %swap3A_2537 = tpu.vector_load %arg12[%swap3A_2536] {strides = array<i32>} : memref<192xi32, #tpu.memory_space<vmem>>, vector<16xi32>,
    tpu.vector_store %arg12[%swap3A_2536], %gather3A_2535 {strides = array<i32>} : memref<192xi32, #tpu.memory_space<vmem>>, vector<16xi32>,
    %add3A_2538 = arith.constant 0 : i32
    %add3A_2539 = vector.broadcast %add3A_2538 : i32 to vector<16xi32>
    %add3A_2540 = arith.addi %add3A_2539, %iota3A : vector<16xi32>
    %gather3A_2541 = tpu.vector_load_idx %arg7[%add3A_2540] : memref<48xi32, #tpu.memory_space<vmem>>[vector<16xi32>], vector<16xi32>,
    %and3A_2542 = arith.constant 127 : i32
    %and3A_2543 = vector.broadcast %and3A_2542 : i32 to vector<16xi32>
    %and3A_2544 = arith.andi %gather3A_2541, %and3A_2543 : vector<16xi32>
    %gather3A_2545 = tpu.vector_load_idx %arg11[%add3A_2540, %and3A_2544] : memref<48x128xf32, #tpu.memory_space<vmem>>[vector<16xi32>, vector<16xi32>], vector<16xf32>,
    %swap3A_2546 = arith.constant 0 : index
    %swap3A_2547 = tpu.vector_load %arg13[%swap3A_2546] {strides = array<i32>} : memref<48xf32, #tpu.memory_space<vmem>>, vector<16xf32>,
    tpu.vector_store %arg13[%swap3A_2546], %gather3A_2545 {strides = array<i32>} : memref<48xf32, #tpu.memory_space<vmem>>, vector<16xf32>,
    %add3A_2548 = arith.constant 16 : i32
    %add3A_2549 = vector.broadcast %add3A_2548 : i32 to vector<16xi32>
    %add3A_2550 = arith.addi %add3A_2549, %iota3A : vector<16xi32>
    %gather3A_2551 = tpu.vector_load_idx %arg7[%add3A_2550] : memref<48xi32, #tpu.memory_space<vmem>>[vector<16xi32>], vector<16xi32>,
    %and3A_2552 = arith.constant 127 : i32
    %and3A_2553 = vector.broadcast %and3A_2552 : i32 to vector<16xi32>
    %and3A_2554 = arith.andi %gather3A_2551, %and3A_2553 : vector<16xi32>
    %gather3A_2555 = tpu.vector_load_idx %arg11[%add3A_2550, %and3A_2554] : memref<48x128xf32, #tpu.memory_space<vmem>>[vector<16xi32>, vector<16xi32>], vector<16xf32>,
    %swap3A_2556 = arith.constant 16 : index
    %swap3A_2557 = tpu.vector_load %arg13[%swap3A_2556] {strides = array<i32>} : memref<48xf32, #tpu.memory_space<vmem>>, vector<16xf32>,
    tpu.vector_store %arg13[%swap3A_2556], %gather3A_2555 {strides = array<i32>} : memref<48xf32, #tpu.memory_space<vmem>>, vector<16xf32>,
    %add3A_2558 = arith.constant 32 : i32
    %add3A_2559 = vector.broadcast %add3A_2558 : i32 to vector<16xi32>
    %add3A_2560 = arith.addi %add3A_2559, %iota3A : vector<16xi32>
    %gather3A_2561 = tpu.vector_load_idx %arg7[%add3A_2560] : memref<48xi32, #tpu.memory_space<vmem>>[vector<16xi32>], vector<16xi32>,
    %and3A_2562 = arith.constant 127 : i32
    %and3A_2563 = vector.broadcast %and3A_2562 : i32 to vector<16xi32>
    %and3A_2564 = arith.andi %gather3A_2561, %and3A_2563 : vector<16xi32>
    %gather3A_2565 = tpu.vector_load_idx %arg11[%add3A_2560, %and3A_2564] : memref<48x128xf32, #tpu.memory_space<vmem>>[vector<16xi32>, vector<16xi32>], vector<16xf32>,
    %swap3A_2566 = arith.constant 32 : index
    %swap3A_2567 = tpu.vector_load %arg13[%swap3A_2566] {strides = array<i32>} : memref<48xf32, #tpu.memory_space<vmem>>, vector<16xf32>,
    tpu.vector_store %arg13[%swap3A_2566], %gather3A_2565 {strides = array<i32>} : memref<48xf32, #tpu.memory_space<vmem>>, vector<16xf32>,
    %mul3A_2568 = arith.constant 4 : i32
    %mul3A_2569 = arith.muli %add3A_2249, %mul3A_2568 : i32
    "tpu.region"() ({
      %run_scoped3A = tpu.sem_alloc : memref<!tpu.dma_semaphore, #tpu.memory_space<semaphore_mem>>
      %dma_start3A_3536 = tpu.memref_slice %arg5[%mul3A_2569] : memref<67584xi32, #tpu.memory_space<hbm>> -> memref<192xi32, #tpu.memory_space<hbm>>
      %dma_start3A_3537 = tpu.memref_slice %arg5[%mul3A_2569] : memref<67584xi32, #tpu.memory_space<hbm>> -> memref<192xi32, #tpu.memory_space<hbm>>
      tpu.enqueue_dma source(%arg12 : memref<192xi32, #tpu.memory_space<vmem>>) target(%dma_start3A_3537 : memref<192xi32, #tpu.memory_space<hbm>>) target_semaphore(%run_scoped3A : memref<!tpu.dma_semaphore, #tpu.memory_space<semaphore_mem>>)
      %dma_wait3A_3538 = tpu.memref_slice %arg5[%mul3A_2569] : memref<67584xi32, #tpu.memory_space<hbm>> -> memref<192xi32, #tpu.memory_space<hbm>>
      %dma_wait3A_3539 = tpu.memref_slice %arg5[%mul3A_2569] : memref<67584xi32, #tpu.memory_space<hbm>> -> memref<192xi32, #tpu.memory_space<hbm>>
      tpu.wait_dma2 semaphore(%run_scoped3A : memref<!tpu.dma_semaphore, #tpu.memory_space<semaphore_mem>>) src(%arg12 : memref<192xi32, #tpu.memory_space<vmem>>) dst(%dma_wait3A_3539 : memref<192xi32, #tpu.memory_space<hbm>>)
      tpu.yield
    }) : () -> ()
    "tpu.region"() ({
      %run_scoped3A = tpu.sem_alloc : memref<!tpu.dma_semaphore, #tpu.memory_space<semaphore_mem>>
      %dma_start3A_3536 = tpu.memref_slice %arg6[%add3A_2249] : memref<16896xf32, #tpu.memory_space<hbm>> -> memref<48xf32, #tpu.memory_space<hbm>>
      %dma_start3A_3537 = tpu.memref_slice %arg6[%add3A_2249] : memref<16896xf32, #tpu.memory_space<hbm>> -> memref<48xf32, #tpu.memory_space<hbm>>
      tpu.enqueue_dma source(%arg13 : memref<48xf32, #tpu.memory_space<vmem>>) target(%dma_start3A_3537 : memref<48xf32, #tpu.memory_space<hbm>>) target_semaphore(%run_scoped3A : memref<!tpu.dma_semaphore, #tpu.memory_space<semaphore_mem>>)
      %dma_wait3A_3538 = tpu.memref_slice %arg6[%add3A_2249] : memref<16896xf32, #tpu.memory_space<hbm>> -> memref<48xf32, #tpu.memory_space<hbm>>
      %dma_wait3A_3539 = tpu.memref_slice %arg6[%add3A_2249] : memref<16896xf32, #tpu.memory_space<hbm>> -> memref<48xf32, #tpu.memory_space<hbm>>
      tpu.wait_dma2 semaphore(%run_scoped3A : memref<!tpu.dma_semaphore, #tpu.memory_space<semaphore_mem>>) src(%arg13 : memref<48xf32, #tpu.memory_space<vmem>>) dst(%dma_wait3A_3539 : memref<48xf32, #tpu.memory_space<hbm>>)
      tpu.yield
    }) : () -> ()
    %add3A_2570 = arith.constant 384 : i32
    %add3A_2571 = arith.addi %mul3A_2, %add3A_2570 : i32
    "tpu.region"() ({
      %run_scoped3A = tpu.sem_alloc : memref<!tpu.dma_semaphore, #tpu.memory_space<semaphore_mem>>
      %dma_start3A_3536 = tpu.memref_slice %arg4[%add3A_2571] : memref<16896xi32, #tpu.memory_space<hbm>> -> memref<48xi32, #tpu.memory_space<hbm>>
      %dma_start3A_3537 = tpu.memref_slice %arg4[%add3A_2571] : memref<16896xi32, #tpu.memory_space<hbm>> -> memref<48xi32, #tpu.memory_space<hbm>>
      tpu.enqueue_dma source(%dma_start3A_3537 : memref<48xi32, #tpu.memory_space<hbm>>) target(%arg7 : memref<48xi32, #tpu.memory_space<vmem>>) target_semaphore(%run_scoped3A : memref<!tpu.dma_semaphore, #tpu.memory_space<semaphore_mem>>)
      %dma_wait3A_3538 = tpu.memref_slice %arg4[%add3A_2571] : memref<16896xi32, #tpu.memory_space<hbm>> -> memref<48xi32, #tpu.memory_space<hbm>>
      %dma_wait3A_3539 = tpu.memref_slice %arg4[%add3A_2571] : memref<16896xi32, #tpu.memory_space<hbm>> -> memref<48xi32, #tpu.memory_space<hbm>>
      tpu.wait_dma2 semaphore(%run_scoped3A : memref<!tpu.dma_semaphore, #tpu.memory_space<semaphore_mem>>) src(%dma_wait3A_3539 : memref<48xi32, #tpu.memory_space<hbm>>) dst(%arg7 : memref<48xi32, #tpu.memory_space<vmem>>)
      tpu.yield
    }) : () -> ()
    %get3A_2572 = arith.constant 0 : index
    %get3A_2573 = tpu.vector_load %arg7[%get3A_2572] {strides = array<i32>} : memref<48xi32, #tpu.memory_space<vmem>>, vector<16xi32>,
    %shift_right_logical3A_2574 = arith.constant 5 : i32
    %shift_right_logical3A_2575 = vector.broadcast %shift_right_logical3A_2574 : i32 to vector<16xi32>
    %shift_right_logical3A_2576 = arith.shrui %get3A_2573, %shift_right_logical3A_2575 : vector<16xi32>
    %swap3A_2577 = arith.constant 0 : index
    %swap3A_2578 = tpu.vector_load %arg8[%swap3A_2577] {strides = array<i32>} : memref<48xi32, #tpu.memory_space<vmem>>, vector<16xi32>,
    tpu.vector_store %arg8[%swap3A_2577], %shift_right_logical3A_2576 {strides = array<i32>} : memref<48xi32, #tpu.memory_space<vmem>>, vector<16xi32>,
    %shift_right_logical3A_2579 = arith.constant 7 : i32
    %shift_right_logical3A_2580 = vector.broadcast %shift_right_logical3A_2579 : i32 to vector<16xi32>
    %shift_right_logical3A_2581 = arith.shrui %get3A_2573, %shift_right_logical3A_2580 : vector<16xi32>
    %swap3A_2582 = arith.constant 0 : index
    %swap3A_2583 = tpu.vector_load %arg9[%swap3A_2582] {strides = array<i32>} : memref<48xi32, #tpu.memory_space<vmem>>, vector<16xi32>,
    tpu.vector_store %arg9[%swap3A_2582], %shift_right_logical3A_2581 {strides = array<i32>} : memref<48xi32, #tpu.memory_space<vmem>>, vector<16xi32>,
    %get3A_2584 = arith.constant 16 : index
    %get3A_2585 = tpu.vector_load %arg7[%get3A_2584] {strides = array<i32>} : memref<48xi32, #tpu.memory_space<vmem>>, vector<16xi32>,
    %shift_right_logical3A_2586 = arith.constant 5 : i32
    %shift_right_logical3A_2587 = vector.broadcast %shift_right_logical3A_2586 : i32 to vector<16xi32>
    %shift_right_logical3A_2588 = arith.shrui %get3A_2585, %shift_right_logical3A_2587 : vector<16xi32>
    %swap3A_2589 = arith.constant 16 : index
    %swap3A_2590 = tpu.vector_load %arg8[%swap3A_2589] {strides = array<i32>} : memref<48xi32, #tpu.memory_space<vmem>>, vector<16xi32>,
    tpu.vector_store %arg8[%swap3A_2589], %shift_right_logical3A_2588 {strides = array<i32>} : memref<48xi32, #tpu.memory_space<vmem>>, vector<16xi32>,
    %shift_right_logical3A_2591 = arith.constant 7 : i32
    %shift_right_logical3A_2592 = vector.broadcast %shift_right_logical3A_2591 : i32 to vector<16xi32>
    %shift_right_logical3A_2593 = arith.shrui %get3A_2585, %shift_right_logical3A_2592 : vector<16xi32>
    %swap3A_2594 = arith.constant 16 : index
    %swap3A_2595 = tpu.vector_load %arg9[%swap3A_2594] {strides = array<i32>} : memref<48xi32, #tpu.memory_space<vmem>>, vector<16xi32>,
    tpu.vector_store %arg9[%swap3A_2594], %shift_right_logical3A_2593 {strides = array<i32>} : memref<48xi32, #tpu.memory_space<vmem>>, vector<16xi32>,
    %get3A_2596 = arith.constant 32 : index
    %get3A_2597 = tpu.vector_load %arg7[%get3A_2596] {strides = array<i32>} : memref<48xi32, #tpu.memory_space<vmem>>, vector<16xi32>,
    %shift_right_logical3A_2598 = arith.constant 5 : i32
    %shift_right_logical3A_2599 = vector.broadcast %shift_right_logical3A_2598 : i32 to vector<16xi32>
    %shift_right_logical3A_2600 = arith.shrui %get3A_2597, %shift_right_logical3A_2599 : vector<16xi32>
    %swap3A_2601 = arith.constant 32 : index
    %swap3A_2602 = tpu.vector_load %arg8[%swap3A_2601] {strides = array<i32>} : memref<48xi32, #tpu.memory_space<vmem>>, vector<16xi32>,
    tpu.vector_store %arg8[%swap3A_2601], %shift_right_logical3A_2600 {strides = array<i32>} : memref<48xi32, #tpu.memory_space<vmem>>, vector<16xi32>,
    %shift_right_logical3A_2603 = arith.constant 7 : i32
    %shift_right_logical3A_2604 = vector.broadcast %shift_right_logical3A_2603 : i32 to vector<16xi32>
    %shift_right_logical3A_2605 = arith.shrui %get3A_2597, %shift_right_logical3A_2604 : vector<16xi32>
    %swap3A_2606 = arith.constant 32 : index
    %swap3A_2607 = tpu.vector_load %arg9[%swap3A_2606] {strides = array<i32>} : memref<48xi32, #tpu.memory_space<vmem>>, vector<16xi32>,
    tpu.vector_store %arg9[%swap3A_2606], %shift_right_logical3A_2605 {strides = array<i32>} : memref<48xi32, #tpu.memory_space<vmem>>, vector<16xi32>,
    %dma_start3A_2608 = arith.constant 0 : i32
    %dma_start3A_2609 = arith.constant 0 : i32
    %dma_start3A_2610 = tpu.memref_slice %arg2[%dma_start3A_2608, %dma_start3A_2609] : memref<3125x128xi32, #tpu.memory_space<hbm>> -> memref<3125x128xi32, #tpu.memory_space<hbm>>
    tpu.enqueue_indirect_dma source(%dma_start3A_2610 : memref<3125x128xi32, #tpu.memory_space<hbm>>) target(%arg10 : memref<48x128xi32, #tpu.memory_space<vmem>>) offsets(%arg8 : memref<48xi32, #tpu.memory_space<vmem>>) semaphore(%arg14 : memref<!tpu.dma_semaphore, #tpu.memory_space<semaphore_mem>>)
    %dma_start3A_2611 = arith.constant 0 : i32
    %dma_start3A_2612 = arith.constant 0 : i32
    %dma_start3A_2613 = tpu.memref_slice %arg3[%dma_start3A_2611, %dma_start3A_2612] : memref<782x128xf32, #tpu.memory_space<hbm>> -> memref<782x128xf32, #tpu.memory_space<hbm>>
    tpu.enqueue_indirect_dma source(%dma_start3A_2613 : memref<782x128xf32, #tpu.memory_space<hbm>>) target(%arg11 : memref<48x128xf32, #tpu.memory_space<vmem>>) offsets(%arg9 : memref<48xi32, #tpu.memory_space<vmem>>) semaphore(%arg15 : memref<!tpu.dma_semaphore, #tpu.memory_space<semaphore_mem>>)
    %dma_wait3A_2614 = arith.constant 0 : i32
    %dma_wait3A_2615 = arith.constant 0 : i32
    %dma_wait3A_2616 = tpu.memref_slice %arg2[%dma_wait3A_2614, %dma_wait3A_2615] : memref<3125x128xi32, #tpu.memory_space<hbm>> -> memref<3125x128xi32, #tpu.memory_space<hbm>>
    tpu.wait_indirect_dma semaphore(%arg14 : memref<!tpu.dma_semaphore, #tpu.memory_space<semaphore_mem>>) src(%dma_wait3A_2616 : memref<3125x128xi32, #tpu.memory_space<hbm>>) dst(%arg10 : memref<48x128xi32, #tpu.memory_space<vmem>>)
    %dma_wait3A_2617 = arith.constant 0 : i32
    %dma_wait3A_2618 = arith.constant 0 : i32
    %dma_wait3A_2619 = tpu.memref_slice %arg3[%dma_wait3A_2617, %dma_wait3A_2618] : memref<782x128xf32, #tpu.memory_space<hbm>> -> memref<782x128xf32, #tpu.memory_space<hbm>>
    tpu.wait_indirect_dma semaphore(%arg15 : memref<!tpu.dma_semaphore, #tpu.memory_space<semaphore_mem>>) src(%dma_wait3A_2619 : memref<782x128xf32, #tpu.memory_space<hbm>>) dst(%arg11 : memref<48x128xf32, #tpu.memory_space<vmem>>)
    %shift_right_logical3A_2620 = arith.constant 2 : i32
    %shift_right_logical3A_2621 = vector.broadcast %shift_right_logical3A_2620 : i32 to vector<16xi32>
    %shift_right_logical3A_2622 = arith.shrui %iota3A, %shift_right_logical3A_2621 : vector<16xi32>
    %add3A_2623 = arith.constant 0 : i32
    %add3A_2624 = vector.broadcast %add3A_2623 : i32 to vector<16xi32>
    %add3A_2625 = arith.addi %add3A_2624, %shift_right_logical3A_2622 : vector<16xi32>
    %gather3A_2626 = tpu.vector_load_idx %arg7[%add3A_2625] : memref<48xi32, #tpu.memory_space<vmem>>[vector<16xi32>], vector<16xi32>,
    %and3A_2627 = arith.constant 31 : i32
    %and3A_2628 = vector.broadcast %and3A_2627 : i32 to vector<16xi32>
    %and3A_2629 = arith.andi %gather3A_2626, %and3A_2628 : vector<16xi32>
    %shift_left3A_2630 = arith.constant 2 : i32
    %shift_left3A_2631 = vector.broadcast %shift_left3A_2630 : i32 to vector<16xi32>
    %shift_left3A_2632 = arith.shli %and3A_2629, %shift_left3A_2631 : vector<16xi32>
    %and3A_2633 = arith.constant 3 : i32
    %and3A_2634 = vector.broadcast %and3A_2633 : i32 to vector<16xi32>
    %and3A_2635 = arith.andi %iota3A, %and3A_2634 : vector<16xi32>
    %or3A_2636 = arith.ori %shift_left3A_2632, %and3A_2635 : vector<16xi32>
    %gather3A_2637 = tpu.vector_load_idx %arg10[%add3A_2625, %or3A_2636] : memref<48x128xi32, #tpu.memory_space<vmem>>[vector<16xi32>, vector<16xi32>], vector<16xi32>,
    %swap3A_2638 = arith.constant 0 : index
    %swap3A_2639 = tpu.vector_load %arg12[%swap3A_2638] {strides = array<i32>} : memref<192xi32, #tpu.memory_space<vmem>>, vector<16xi32>,
    tpu.vector_store %arg12[%swap3A_2638], %gather3A_2637 {strides = array<i32>} : memref<192xi32, #tpu.memory_space<vmem>>, vector<16xi32>,
    %shift_right_logical3A_2640 = arith.constant 2 : i32
    %shift_right_logical3A_2641 = vector.broadcast %shift_right_logical3A_2640 : i32 to vector<16xi32>
    %shift_right_logical3A_2642 = arith.shrui %iota3A, %shift_right_logical3A_2641 : vector<16xi32>
    %add3A_2643 = arith.constant 4 : i32
    %add3A_2644 = vector.broadcast %add3A_2643 : i32 to vector<16xi32>
    %add3A_2645 = arith.addi %add3A_2644, %shift_right_logical3A_2642 : vector<16xi32>
    %gather3A_2646 = tpu.vector_load_idx %arg7[%add3A_2645] : memref<48xi32, #tpu.memory_space<vmem>>[vector<16xi32>], vector<16xi32>,
    %and3A_2647 = arith.constant 31 : i32
    %and3A_2648 = vector.broadcast %and3A_2647 : i32 to vector<16xi32>
    %and3A_2649 = arith.andi %gather3A_2646, %and3A_2648 : vector<16xi32>
    %shift_left3A_2650 = arith.constant 2 : i32
    %shift_left3A_2651 = vector.broadcast %shift_left3A_2650 : i32 to vector<16xi32>
    %shift_left3A_2652 = arith.shli %and3A_2649, %shift_left3A_2651 : vector<16xi32>
    %and3A_2653 = arith.constant 3 : i32
    %and3A_2654 = vector.broadcast %and3A_2653 : i32 to vector<16xi32>
    %and3A_2655 = arith.andi %iota3A, %and3A_2654 : vector<16xi32>
    %or3A_2656 = arith.ori %shift_left3A_2652, %and3A_2655 : vector<16xi32>
    %gather3A_2657 = tpu.vector_load_idx %arg10[%add3A_2645, %or3A_2656] : memref<48x128xi32, #tpu.memory_space<vmem>>[vector<16xi32>, vector<16xi32>], vector<16xi32>,
    %swap3A_2658 = arith.constant 16 : index
    %swap3A_2659 = tpu.vector_load %arg12[%swap3A_2658] {strides = array<i32>} : memref<192xi32, #tpu.memory_space<vmem>>, vector<16xi32>,
    tpu.vector_store %arg12[%swap3A_2658], %gather3A_2657 {strides = array<i32>} : memref<192xi32, #tpu.memory_space<vmem>>, vector<16xi32>,
    %shift_right_logical3A_2660 = arith.constant 2 : i32
    %shift_right_logical3A_2661 = vector.broadcast %shift_right_logical3A_2660 : i32 to vector<16xi32>
    %shift_right_logical3A_2662 = arith.shrui %iota3A, %shift_right_logical3A_2661 : vector<16xi32>
    %add3A_2663 = arith.constant 8 : i32
    %add3A_2664 = vector.broadcast %add3A_2663 : i32 to vector<16xi32>
    %add3A_2665 = arith.addi %add3A_2664, %shift_right_logical3A_2662 : vector<16xi32>
    %gather3A_2666 = tpu.vector_load_idx %arg7[%add3A_2665] : memref<48xi32, #tpu.memory_space<vmem>>[vector<16xi32>], vector<16xi32>,
    %and3A_2667 = arith.constant 31 : i32
    %and3A_2668 = vector.broadcast %and3A_2667 : i32 to vector<16xi32>
    %and3A_2669 = arith.andi %gather3A_2666, %and3A_2668 : vector<16xi32>
    %shift_left3A_2670 = arith.constant 2 : i32
    %shift_left3A_2671 = vector.broadcast %shift_left3A_2670 : i32 to vector<16xi32>
    %shift_left3A_2672 = arith.shli %and3A_2669, %shift_left3A_2671 : vector<16xi32>
    %and3A_2673 = arith.constant 3 : i32
    %and3A_2674 = vector.broadcast %and3A_2673 : i32 to vector<16xi32>
    %and3A_2675 = arith.andi %iota3A, %and3A_2674 : vector<16xi32>
    %or3A_2676 = arith.ori %shift_left3A_2672, %and3A_2675 : vector<16xi32>
    %gather3A_2677 = tpu.vector_load_idx %arg10[%add3A_2665, %or3A_2676] : memref<48x128xi32, #tpu.memory_space<vmem>>[vector<16xi32>, vector<16xi32>], vector<16xi32>,
    %swap3A_2678 = arith.constant 32 : index
    %swap3A_2679 = tpu.vector_load %arg12[%swap3A_2678] {strides = array<i32>} : memref<192xi32, #tpu.memory_space<vmem>>, vector<16xi32>,
    tpu.vector_store %arg12[%swap3A_2678], %gather3A_2677 {strides = array<i32>} : memref<192xi32, #tpu.memory_space<vmem>>, vector<16xi32>,
    %shift_right_logical3A_2680 = arith.constant 2 : i32
    %shift_right_logical3A_2681 = vector.broadcast %shift_right_logical3A_2680 : i32 to vector<16xi32>
    %shift_right_logical3A_2682 = arith.shrui %iota3A, %shift_right_logical3A_2681 : vector<16xi32>
    %add3A_2683 = arith.constant 12 : i32
    %add3A_2684 = vector.broadcast %add3A_2683 : i32 to vector<16xi32>
    %add3A_2685 = arith.addi %add3A_2684, %shift_right_logical3A_2682 : vector<16xi32>
    %gather3A_2686 = tpu.vector_load_idx %arg7[%add3A_2685] : memref<48xi32, #tpu.memory_space<vmem>>[vector<16xi32>], vector<16xi32>,
    %and3A_2687 = arith.constant 31 : i32
    %and3A_2688 = vector.broadcast %and3A_2687 : i32 to vector<16xi32>
    %and3A_2689 = arith.andi %gather3A_2686, %and3A_2688 : vector<16xi32>
    %shift_left3A_2690 = arith.constant 2 : i32
    %shift_left3A_2691 = vector.broadcast %shift_left3A_2690 : i32 to vector<16xi32>
    %shift_left3A_2692 = arith.shli %and3A_2689, %shift_left3A_2691 : vector<16xi32>
    %and3A_2693 = arith.constant 3 : i32
    %and3A_2694 = vector.broadcast %and3A_2693 : i32 to vector<16xi32>
    %and3A_2695 = arith.andi %iota3A, %and3A_2694 : vector<16xi32>
    %or3A_2696 = arith.ori %shift_left3A_2692, %and3A_2695 : vector<16xi32>
    %gather3A_2697 = tpu.vector_load_idx %arg10[%add3A_2685, %or3A_2696] : memref<48x128xi32, #tpu.memory_space<vmem>>[vector<16xi32>, vector<16xi32>], vector<16xi32>,
    %swap3A_2698 = arith.constant 48 : index
    %swap3A_2699 = tpu.vector_load %arg12[%swap3A_2698] {strides = array<i32>} : memref<192xi32, #tpu.memory_space<vmem>>, vector<16xi32>,
    tpu.vector_store %arg12[%swap3A_2698], %gather3A_2697 {strides = array<i32>} : memref<192xi32, #tpu.memory_space<vmem>>, vector<16xi32>,
    %shift_right_logical3A_2700 = arith.constant 2 : i32
    %shift_right_logical3A_2701 = vector.broadcast %shift_right_logical3A_2700 : i32 to vector<16xi32>
    %shift_right_logical3A_2702 = arith.shrui %iota3A, %shift_right_logical3A_2701 : vector<16xi32>
    %add3A_2703 = arith.constant 16 : i32
    %add3A_2704 = vector.broadcast %add3A_2703 : i32 to vector<16xi32>
    %add3A_2705 = arith.addi %add3A_2704, %shift_right_logical3A_2702 : vector<16xi32>
    %gather3A_2706 = tpu.vector_load_idx %arg7[%add3A_2705] : memref<48xi32, #tpu.memory_space<vmem>>[vector<16xi32>], vector<16xi32>,
    %and3A_2707 = arith.constant 31 : i32
    %and3A_2708 = vector.broadcast %and3A_2707 : i32 to vector<16xi32>
    %and3A_2709 = arith.andi %gather3A_2706, %and3A_2708 : vector<16xi32>
    %shift_left3A_2710 = arith.constant 2 : i32
    %shift_left3A_2711 = vector.broadcast %shift_left3A_2710 : i32 to vector<16xi32>
    %shift_left3A_2712 = arith.shli %and3A_2709, %shift_left3A_2711 : vector<16xi32>
    %and3A_2713 = arith.constant 3 : i32
    %and3A_2714 = vector.broadcast %and3A_2713 : i32 to vector<16xi32>
    %and3A_2715 = arith.andi %iota3A, %and3A_2714 : vector<16xi32>
    %or3A_2716 = arith.ori %shift_left3A_2712, %and3A_2715 : vector<16xi32>
    %gather3A_2717 = tpu.vector_load_idx %arg10[%add3A_2705, %or3A_2716] : memref<48x128xi32, #tpu.memory_space<vmem>>[vector<16xi32>, vector<16xi32>], vector<16xi32>,
    %swap3A_2718 = arith.constant 64 : index
    %swap3A_2719 = tpu.vector_load %arg12[%swap3A_2718] {strides = array<i32>} : memref<192xi32, #tpu.memory_space<vmem>>, vector<16xi32>,
    tpu.vector_store %arg12[%swap3A_2718], %gather3A_2717 {strides = array<i32>} : memref<192xi32, #tpu.memory_space<vmem>>, vector<16xi32>,
    %shift_right_logical3A_2720 = arith.constant 2 : i32
    %shift_right_logical3A_2721 = vector.broadcast %shift_right_logical3A_2720 : i32 to vector<16xi32>
    %shift_right_logical3A_2722 = arith.shrui %iota3A, %shift_right_logical3A_2721 : vector<16xi32>
    %add3A_2723 = arith.constant 20 : i32
    %add3A_2724 = vector.broadcast %add3A_2723 : i32 to vector<16xi32>
    %add3A_2725 = arith.addi %add3A_2724, %shift_right_logical3A_2722 : vector<16xi32>
    %gather3A_2726 = tpu.vector_load_idx %arg7[%add3A_2725] : memref<48xi32, #tpu.memory_space<vmem>>[vector<16xi32>], vector<16xi32>,
    %and3A_2727 = arith.constant 31 : i32
    %and3A_2728 = vector.broadcast %and3A_2727 : i32 to vector<16xi32>
    %and3A_2729 = arith.andi %gather3A_2726, %and3A_2728 : vector<16xi32>
    %shift_left3A_2730 = arith.constant 2 : i32
    %shift_left3A_2731 = vector.broadcast %shift_left3A_2730 : i32 to vector<16xi32>
    %shift_left3A_2732 = arith.shli %and3A_2729, %shift_left3A_2731 : vector<16xi32>
    %and3A_2733 = arith.constant 3 : i32
    %and3A_2734 = vector.broadcast %and3A_2733 : i32 to vector<16xi32>
    %and3A_2735 = arith.andi %iota3A, %and3A_2734 : vector<16xi32>
    %or3A_2736 = arith.ori %shift_left3A_2732, %and3A_2735 : vector<16xi32>
    %gather3A_2737 = tpu.vector_load_idx %arg10[%add3A_2725, %or3A_2736] : memref<48x128xi32, #tpu.memory_space<vmem>>[vector<16xi32>, vector<16xi32>], vector<16xi32>,
    %swap3A_2738 = arith.constant 80 : index
    %swap3A_2739 = tpu.vector_load %arg12[%swap3A_2738] {strides = array<i32>} : memref<192xi32, #tpu.memory_space<vmem>>, vector<16xi32>,
    tpu.vector_store %arg12[%swap3A_2738], %gather3A_2737 {strides = array<i32>} : memref<192xi32, #tpu.memory_space<vmem>>, vector<16xi32>,
    %shift_right_logical3A_2740 = arith.constant 2 : i32
    %shift_right_logical3A_2741 = vector.broadcast %shift_right_logical3A_2740 : i32 to vector<16xi32>
    %shift_right_logical3A_2742 = arith.shrui %iota3A, %shift_right_logical3A_2741 : vector<16xi32>
    %add3A_2743 = arith.constant 24 : i32
    %add3A_2744 = vector.broadcast %add3A_2743 : i32 to vector<16xi32>
    %add3A_2745 = arith.addi %add3A_2744, %shift_right_logical3A_2742 : vector<16xi32>
    %gather3A_2746 = tpu.vector_load_idx %arg7[%add3A_2745] : memref<48xi32, #tpu.memory_space<vmem>>[vector<16xi32>], vector<16xi32>,
    %and3A_2747 = arith.constant 31 : i32
    %and3A_2748 = vector.broadcast %and3A_2747 : i32 to vector<16xi32>
    %and3A_2749 = arith.andi %gather3A_2746, %and3A_2748 : vector<16xi32>
    %shift_left3A_2750 = arith.constant 2 : i32
    %shift_left3A_2751 = vector.broadcast %shift_left3A_2750 : i32 to vector<16xi32>
    %shift_left3A_2752 = arith.shli %and3A_2749, %shift_left3A_2751 : vector<16xi32>
    %and3A_2753 = arith.constant 3 : i32
    %and3A_2754 = vector.broadcast %and3A_2753 : i32 to vector<16xi32>
    %and3A_2755 = arith.andi %iota3A, %and3A_2754 : vector<16xi32>
    %or3A_2756 = arith.ori %shift_left3A_2752, %and3A_2755 : vector<16xi32>
    %gather3A_2757 = tpu.vector_load_idx %arg10[%add3A_2745, %or3A_2756] : memref<48x128xi32, #tpu.memory_space<vmem>>[vector<16xi32>, vector<16xi32>], vector<16xi32>,
    %swap3A_2758 = arith.constant 96 : index
    %swap3A_2759 = tpu.vector_load %arg12[%swap3A_2758] {strides = array<i32>} : memref<192xi32, #tpu.memory_space<vmem>>, vector<16xi32>,
    tpu.vector_store %arg12[%swap3A_2758], %gather3A_2757 {strides = array<i32>} : memref<192xi32, #tpu.memory_space<vmem>>, vector<16xi32>,
    %shift_right_logical3A_2760 = arith.constant 2 : i32
    %shift_right_logical3A_2761 = vector.broadcast %shift_right_logical3A_2760 : i32 to vector<16xi32>
    %shift_right_logical3A_2762 = arith.shrui %iota3A, %shift_right_logical3A_2761 : vector<16xi32>
    %add3A_2763 = arith.constant 28 : i32
    %add3A_2764 = vector.broadcast %add3A_2763 : i32 to vector<16xi32>
    %add3A_2765 = arith.addi %add3A_2764, %shift_right_logical3A_2762 : vector<16xi32>
    %gather3A_2766 = tpu.vector_load_idx %arg7[%add3A_2765] : memref<48xi32, #tpu.memory_space<vmem>>[vector<16xi32>], vector<16xi32>,
    %and3A_2767 = arith.constant 31 : i32
    %and3A_2768 = vector.broadcast %and3A_2767 : i32 to vector<16xi32>
    %and3A_2769 = arith.andi %gather3A_2766, %and3A_2768 : vector<16xi32>
    %shift_left3A_2770 = arith.constant 2 : i32
    %shift_left3A_2771 = vector.broadcast %shift_left3A_2770 : i32 to vector<16xi32>
    %shift_left3A_2772 = arith.shli %and3A_2769, %shift_left3A_2771 : vector<16xi32>
    %and3A_2773 = arith.constant 3 : i32
    %and3A_2774 = vector.broadcast %and3A_2773 : i32 to vector<16xi32>
    %and3A_2775 = arith.andi %iota3A, %and3A_2774 : vector<16xi32>
    %or3A_2776 = arith.ori %shift_left3A_2772, %and3A_2775 : vector<16xi32>
    %gather3A_2777 = tpu.vector_load_idx %arg10[%add3A_2765, %or3A_2776] : memref<48x128xi32, #tpu.memory_space<vmem>>[vector<16xi32>, vector<16xi32>], vector<16xi32>,
    %swap3A_2778 = arith.constant 112 : index
    %swap3A_2779 = tpu.vector_load %arg12[%swap3A_2778] {strides = array<i32>} : memref<192xi32, #tpu.memory_space<vmem>>, vector<16xi32>,
    tpu.vector_store %arg12[%swap3A_2778], %gather3A_2777 {strides = array<i32>} : memref<192xi32, #tpu.memory_space<vmem>>, vector<16xi32>,
    %shift_right_logical3A_2780 = arith.constant 2 : i32
    %shift_right_logical3A_2781 = vector.broadcast %shift_right_logical3A_2780 : i32 to vector<16xi32>
    %shift_right_logical3A_2782 = arith.shrui %iota3A, %shift_right_logical3A_2781 : vector<16xi32>
    %add3A_2783 = arith.constant 32 : i32
    %add3A_2784 = vector.broadcast %add3A_2783 : i32 to vector<16xi32>
    %add3A_2785 = arith.addi %add3A_2784, %shift_right_logical3A_2782 : vector<16xi32>
    %gather3A_2786 = tpu.vector_load_idx %arg7[%add3A_2785] : memref<48xi32, #tpu.memory_space<vmem>>[vector<16xi32>], vector<16xi32>,
    %and3A_2787 = arith.constant 31 : i32
    %and3A_2788 = vector.broadcast %and3A_2787 : i32 to vector<16xi32>
    %and3A_2789 = arith.andi %gather3A_2786, %and3A_2788 : vector<16xi32>
    %shift_left3A_2790 = arith.constant 2 : i32
    %shift_left3A_2791 = vector.broadcast %shift_left3A_2790 : i32 to vector<16xi32>
    %shift_left3A_2792 = arith.shli %and3A_2789, %shift_left3A_2791 : vector<16xi32>
    %and3A_2793 = arith.constant 3 : i32
    %and3A_2794 = vector.broadcast %and3A_2793 : i32 to vector<16xi32>
    %and3A_2795 = arith.andi %iota3A, %and3A_2794 : vector<16xi32>
    %or3A_2796 = arith.ori %shift_left3A_2792, %and3A_2795 : vector<16xi32>
    %gather3A_2797 = tpu.vector_load_idx %arg10[%add3A_2785, %or3A_2796] : memref<48x128xi32, #tpu.memory_space<vmem>>[vector<16xi32>, vector<16xi32>], vector<16xi32>,
    %swap3A_2798 = arith.constant 128 : index
    %swap3A_2799 = tpu.vector_load %arg12[%swap3A_2798] {strides = array<i32>} : memref<192xi32, #tpu.memory_space<vmem>>, vector<16xi32>,
    tpu.vector_store %arg12[%swap3A_2798], %gather3A_2797 {strides = array<i32>} : memref<192xi32, #tpu.memory_space<vmem>>, vector<16xi32>,
    %shift_right_logical3A_2800 = arith.constant 2 : i32
    %shift_right_logical3A_2801 = vector.broadcast %shift_right_logical3A_2800 : i32 to vector<16xi32>
    %shift_right_logical3A_2802 = arith.shrui %iota3A, %shift_right_logical3A_2801 : vector<16xi32>
    %add3A_2803 = arith.constant 36 : i32
    %add3A_2804 = vector.broadcast %add3A_2803 : i32 to vector<16xi32>
    %add3A_2805 = arith.addi %add3A_2804, %shift_right_logical3A_2802 : vector<16xi32>
    %gather3A_2806 = tpu.vector_load_idx %arg7[%add3A_2805] : memref<48xi32, #tpu.memory_space<vmem>>[vector<16xi32>], vector<16xi32>,
    %and3A_2807 = arith.constant 31 : i32
    %and3A_2808 = vector.broadcast %and3A_2807 : i32 to vector<16xi32>
    %and3A_2809 = arith.andi %gather3A_2806, %and3A_2808 : vector<16xi32>
    %shift_left3A_2810 = arith.constant 2 : i32
    %shift_left3A_2811 = vector.broadcast %shift_left3A_2810 : i32 to vector<16xi32>
    %shift_left3A_2812 = arith.shli %and3A_2809, %shift_left3A_2811 : vector<16xi32>
    %and3A_2813 = arith.constant 3 : i32
    %and3A_2814 = vector.broadcast %and3A_2813 : i32 to vector<16xi32>
    %and3A_2815 = arith.andi %iota3A, %and3A_2814 : vector<16xi32>
    %or3A_2816 = arith.ori %shift_left3A_2812, %and3A_2815 : vector<16xi32>
    %gather3A_2817 = tpu.vector_load_idx %arg10[%add3A_2805, %or3A_2816] : memref<48x128xi32, #tpu.memory_space<vmem>>[vector<16xi32>, vector<16xi32>], vector<16xi32>,
    %swap3A_2818 = arith.constant 144 : index
    %swap3A_2819 = tpu.vector_load %arg12[%swap3A_2818] {strides = array<i32>} : memref<192xi32, #tpu.memory_space<vmem>>, vector<16xi32>,
    tpu.vector_store %arg12[%swap3A_2818], %gather3A_2817 {strides = array<i32>} : memref<192xi32, #tpu.memory_space<vmem>>, vector<16xi32>,
    %shift_right_logical3A_2820 = arith.constant 2 : i32
    %shift_right_logical3A_2821 = vector.broadcast %shift_right_logical3A_2820 : i32 to vector<16xi32>
    %shift_right_logical3A_2822 = arith.shrui %iota3A, %shift_right_logical3A_2821 : vector<16xi32>
    %add3A_2823 = arith.constant 40 : i32
    %add3A_2824 = vector.broadcast %add3A_2823 : i32 to vector<16xi32>
    %add3A_2825 = arith.addi %add3A_2824, %shift_right_logical3A_2822 : vector<16xi32>
    %gather3A_2826 = tpu.vector_load_idx %arg7[%add3A_2825] : memref<48xi32, #tpu.memory_space<vmem>>[vector<16xi32>], vector<16xi32>,
    %and3A_2827 = arith.constant 31 : i32
    %and3A_2828 = vector.broadcast %and3A_2827 : i32 to vector<16xi32>
    %and3A_2829 = arith.andi %gather3A_2826, %and3A_2828 : vector<16xi32>
    %shift_left3A_2830 = arith.constant 2 : i32
    %shift_left3A_2831 = vector.broadcast %shift_left3A_2830 : i32 to vector<16xi32>
    %shift_left3A_2832 = arith.shli %and3A_2829, %shift_left3A_2831 : vector<16xi32>
    %and3A_2833 = arith.constant 3 : i32
    %and3A_2834 = vector.broadcast %and3A_2833 : i32 to vector<16xi32>
    %and3A_2835 = arith.andi %iota3A, %and3A_2834 : vector<16xi32>
    %or3A_2836 = arith.ori %shift_left3A_2832, %and3A_2835 : vector<16xi32>
    %gather3A_2837 = tpu.vector_load_idx %arg10[%add3A_2825, %or3A_2836] : memref<48x128xi32, #tpu.memory_space<vmem>>[vector<16xi32>, vector<16xi32>], vector<16xi32>,
    %swap3A_2838 = arith.constant 160 : index
    %swap3A_2839 = tpu.vector_load %arg12[%swap3A_2838] {strides = array<i32>} : memref<192xi32, #tpu.memory_space<vmem>>, vector<16xi32>,
    tpu.vector_store %arg12[%swap3A_2838], %gather3A_2837 {strides = array<i32>} : memref<192xi32, #tpu.memory_space<vmem>>, vector<16xi32>,
    %shift_right_logical3A_2840 = arith.constant 2 : i32
    %shift_right_logical3A_2841 = vector.broadcast %shift_right_logical3A_2840 : i32 to vector<16xi32>
    %shift_right_logical3A_2842 = arith.shrui %iota3A, %shift_right_logical3A_2841 : vector<16xi32>
    %add3A_2843 = arith.constant 44 : i32
    %add3A_2844 = vector.broadcast %add3A_2843 : i32 to vector<16xi32>
    %add3A_2845 = arith.addi %add3A_2844, %shift_right_logical3A_2842 : vector<16xi32>
    %gather3A_2846 = tpu.vector_load_idx %arg7[%add3A_2845] : memref<48xi32, #tpu.memory_space<vmem>>[vector<16xi32>], vector<16xi32>,
    %and3A_2847 = arith.constant 31 : i32
    %and3A_2848 = vector.broadcast %and3A_2847 : i32 to vector<16xi32>
    %and3A_2849 = arith.andi %gather3A_2846, %and3A_2848 : vector<16xi32>
    %shift_left3A_2850 = arith.constant 2 : i32
    %shift_left3A_2851 = vector.broadcast %shift_left3A_2850 : i32 to vector<16xi32>
    %shift_left3A_2852 = arith.shli %and3A_2849, %shift_left3A_2851 : vector<16xi32>
    %and3A_2853 = arith.constant 3 : i32
    %and3A_2854 = vector.broadcast %and3A_2853 : i32 to vector<16xi32>
    %and3A_2855 = arith.andi %iota3A, %and3A_2854 : vector<16xi32>
    %or3A_2856 = arith.ori %shift_left3A_2852, %and3A_2855 : vector<16xi32>
    %gather3A_2857 = tpu.vector_load_idx %arg10[%add3A_2845, %or3A_2856] : memref<48x128xi32, #tpu.memory_space<vmem>>[vector<16xi32>, vector<16xi32>], vector<16xi32>,
    %swap3A_2858 = arith.constant 176 : index
    %swap3A_2859 = tpu.vector_load %arg12[%swap3A_2858] {strides = array<i32>} : memref<192xi32, #tpu.memory_space<vmem>>, vector<16xi32>,
    tpu.vector_store %arg12[%swap3A_2858], %gather3A_2857 {strides = array<i32>} : memref<192xi32, #tpu.memory_space<vmem>>, vector<16xi32>,
    %add3A_2860 = arith.constant 0 : i32
    %add3A_2861 = vector.broadcast %add3A_2860 : i32 to vector<16xi32>
    %add3A_2862 = arith.addi %add3A_2861, %iota3A : vector<16xi32>
    %gather3A_2863 = tpu.vector_load_idx %arg7[%add3A_2862] : memref<48xi32, #tpu.memory_space<vmem>>[vector<16xi32>], vector<16xi32>,
    %and3A_2864 = arith.constant 127 : i32
    %and3A_2865 = vector.broadcast %and3A_2864 : i32 to vector<16xi32>
    %and3A_2866 = arith.andi %gather3A_2863, %and3A_2865 : vector<16xi32>
    %gather3A_2867 = tpu.vector_load_idx %arg11[%add3A_2862, %and3A_2866] : memref<48x128xf32, #tpu.memory_space<vmem>>[vector<16xi32>, vector<16xi32>], vector<16xf32>,
    %swap3A_2868 = arith.constant 0 : index
    %swap3A_2869 = tpu.vector_load %arg13[%swap3A_2868] {strides = array<i32>} : memref<48xf32, #tpu.memory_space<vmem>>, vector<16xf32>,
    tpu.vector_store %arg13[%swap3A_2868], %gather3A_2867 {strides = array<i32>} : memref<48xf32, #tpu.memory_space<vmem>>, vector<16xf32>,
    %add3A_2870 = arith.constant 16 : i32
    %add3A_2871 = vector.broadcast %add3A_2870 : i32 to vector<16xi32>
    %add3A_2872 = arith.addi %add3A_2871, %iota3A : vector<16xi32>
    %gather3A_2873 = tpu.vector_load_idx %arg7[%add3A_2872] : memref<48xi32, #tpu.memory_space<vmem>>[vector<16xi32>], vector<16xi32>,
    %and3A_2874 = arith.constant 127 : i32
    %and3A_2875 = vector.broadcast %and3A_2874 : i32 to vector<16xi32>
    %and3A_2876 = arith.andi %gather3A_2873, %and3A_2875 : vector<16xi32>
    %gather3A_2877 = tpu.vector_load_idx %arg11[%add3A_2872, %and3A_2876] : memref<48x128xf32, #tpu.memory_space<vmem>>[vector<16xi32>, vector<16xi32>], vector<16xf32>,
    %swap3A_2878 = arith.constant 16 : index
    %swap3A_2879 = tpu.vector_load %arg13[%swap3A_2878] {strides = array<i32>} : memref<48xf32, #tpu.memory_space<vmem>>, vector<16xf32>,
    tpu.vector_store %arg13[%swap3A_2878], %gather3A_2877 {strides = array<i32>} : memref<48xf32, #tpu.memory_space<vmem>>, vector<16xf32>,
    %add3A_2880 = arith.constant 32 : i32
    %add3A_2881 = vector.broadcast %add3A_2880 : i32 to vector<16xi32>
    %add3A_2882 = arith.addi %add3A_2881, %iota3A : vector<16xi32>
    %gather3A_2883 = tpu.vector_load_idx %arg7[%add3A_2882] : memref<48xi32, #tpu.memory_space<vmem>>[vector<16xi32>], vector<16xi32>,
    %and3A_2884 = arith.constant 127 : i32
    %and3A_2885 = vector.broadcast %and3A_2884 : i32 to vector<16xi32>
    %and3A_2886 = arith.andi %gather3A_2883, %and3A_2885 : vector<16xi32>
    %gather3A_2887 = tpu.vector_load_idx %arg11[%add3A_2882, %and3A_2886] : memref<48x128xf32, #tpu.memory_space<vmem>>[vector<16xi32>, vector<16xi32>], vector<16xf32>,
    %swap3A_2888 = arith.constant 32 : index
    %swap3A_2889 = tpu.vector_load %arg13[%swap3A_2888] {strides = array<i32>} : memref<48xf32, #tpu.memory_space<vmem>>, vector<16xf32>,
    tpu.vector_store %arg13[%swap3A_2888], %gather3A_2887 {strides = array<i32>} : memref<48xf32, #tpu.memory_space<vmem>>, vector<16xf32>,
    %mul3A_2890 = arith.constant 4 : i32
    %mul3A_2891 = arith.muli %add3A_2571, %mul3A_2890 : i32
    "tpu.region"() ({
      %run_scoped3A = tpu.sem_alloc : memref<!tpu.dma_semaphore, #tpu.memory_space<semaphore_mem>>
      %dma_start3A_3536 = tpu.memref_slice %arg5[%mul3A_2891] : memref<67584xi32, #tpu.memory_space<hbm>> -> memref<192xi32, #tpu.memory_space<hbm>>
      %dma_start3A_3537 = tpu.memref_slice %arg5[%mul3A_2891] : memref<67584xi32, #tpu.memory_space<hbm>> -> memref<192xi32, #tpu.memory_space<hbm>>
      tpu.enqueue_dma source(%arg12 : memref<192xi32, #tpu.memory_space<vmem>>) target(%dma_start3A_3537 : memref<192xi32, #tpu.memory_space<hbm>>) target_semaphore(%run_scoped3A : memref<!tpu.dma_semaphore, #tpu.memory_space<semaphore_mem>>)
      %dma_wait3A_3538 = tpu.memref_slice %arg5[%mul3A_2891] : memref<67584xi32, #tpu.memory_space<hbm>> -> memref<192xi32, #tpu.memory_space<hbm>>
      %dma_wait3A_3539 = tpu.memref_slice %arg5[%mul3A_2891] : memref<67584xi32, #tpu.memory_space<hbm>> -> memref<192xi32, #tpu.memory_space<hbm>>
      tpu.wait_dma2 semaphore(%run_scoped3A : memref<!tpu.dma_semaphore, #tpu.memory_space<semaphore_mem>>) src(%arg12 : memref<192xi32, #tpu.memory_space<vmem>>) dst(%dma_wait3A_3539 : memref<192xi32, #tpu.memory_space<hbm>>)
      tpu.yield
    }) : () -> ()
    "tpu.region"() ({
      %run_scoped3A = tpu.sem_alloc : memref<!tpu.dma_semaphore, #tpu.memory_space<semaphore_mem>>
      %dma_start3A_3536 = tpu.memref_slice %arg6[%add3A_2571] : memref<16896xf32, #tpu.memory_space<hbm>> -> memref<48xf32, #tpu.memory_space<hbm>>
      %dma_start3A_3537 = tpu.memref_slice %arg6[%add3A_2571] : memref<16896xf32, #tpu.memory_space<hbm>> -> memref<48xf32, #tpu.memory_space<hbm>>
      tpu.enqueue_dma source(%arg13 : memref<48xf32, #tpu.memory_space<vmem>>) target(%dma_start3A_3537 : memref<48xf32, #tpu.memory_space<hbm>>) target_semaphore(%run_scoped3A : memref<!tpu.dma_semaphore, #tpu.memory_space<semaphore_mem>>)
      %dma_wait3A_3538 = tpu.memref_slice %arg6[%add3A_2571] : memref<16896xf32, #tpu.memory_space<hbm>> -> memref<48xf32, #tpu.memory_space<hbm>>
      %dma_wait3A_3539 = tpu.memref_slice %arg6[%add3A_2571] : memref<16896xf32, #tpu.memory_space<hbm>> -> memref<48xf32, #tpu.memory_space<hbm>>
      tpu.wait_dma2 semaphore(%run_scoped3A : memref<!tpu.dma_semaphore, #tpu.memory_space<semaphore_mem>>) src(%arg13 : memref<48xf32, #tpu.memory_space<vmem>>) dst(%dma_wait3A_3539 : memref<48xf32, #tpu.memory_space<hbm>>)
      tpu.yield
    }) : () -> ()
    %add3A_2892 = arith.constant 432 : i32
    %add3A_2893 = arith.addi %mul3A_2, %add3A_2892 : i32
    "tpu.region"() ({
      %run_scoped3A = tpu.sem_alloc : memref<!tpu.dma_semaphore, #tpu.memory_space<semaphore_mem>>
      %dma_start3A_3536 = tpu.memref_slice %arg4[%add3A_2893] : memref<16896xi32, #tpu.memory_space<hbm>> -> memref<48xi32, #tpu.memory_space<hbm>>
      %dma_start3A_3537 = tpu.memref_slice %arg4[%add3A_2893] : memref<16896xi32, #tpu.memory_space<hbm>> -> memref<48xi32, #tpu.memory_space<hbm>>
      tpu.enqueue_dma source(%dma_start3A_3537 : memref<48xi32, #tpu.memory_space<hbm>>) target(%arg7 : memref<48xi32, #tpu.memory_space<vmem>>) target_semaphore(%run_scoped3A : memref<!tpu.dma_semaphore, #tpu.memory_space<semaphore_mem>>)
      %dma_wait3A_3538 = tpu.memref_slice %arg4[%add3A_2893] : memref<16896xi32, #tpu.memory_space<hbm>> -> memref<48xi32, #tpu.memory_space<hbm>>
      %dma_wait3A_3539 = tpu.memref_slice %arg4[%add3A_2893] : memref<16896xi32, #tpu.memory_space<hbm>> -> memref<48xi32, #tpu.memory_space<hbm>>
      tpu.wait_dma2 semaphore(%run_scoped3A : memref<!tpu.dma_semaphore, #tpu.memory_space<semaphore_mem>>) src(%dma_wait3A_3539 : memref<48xi32, #tpu.memory_space<hbm>>) dst(%arg7 : memref<48xi32, #tpu.memory_space<vmem>>)
      tpu.yield
    }) : () -> ()
    %get3A_2894 = arith.constant 0 : index
    %get3A_2895 = tpu.vector_load %arg7[%get3A_2894] {strides = array<i32>} : memref<48xi32, #tpu.memory_space<vmem>>, vector<16xi32>,
    %shift_right_logical3A_2896 = arith.constant 5 : i32
    %shift_right_logical3A_2897 = vector.broadcast %shift_right_logical3A_2896 : i32 to vector<16xi32>
    %shift_right_logical3A_2898 = arith.shrui %get3A_2895, %shift_right_logical3A_2897 : vector<16xi32>
    %swap3A_2899 = arith.constant 0 : index
    %swap3A_2900 = tpu.vector_load %arg8[%swap3A_2899] {strides = array<i32>} : memref<48xi32, #tpu.memory_space<vmem>>, vector<16xi32>,
    tpu.vector_store %arg8[%swap3A_2899], %shift_right_logical3A_2898 {strides = array<i32>} : memref<48xi32, #tpu.memory_space<vmem>>, vector<16xi32>,
    %shift_right_logical3A_2901 = arith.constant 7 : i32
    %shift_right_logical3A_2902 = vector.broadcast %shift_right_logical3A_2901 : i32 to vector<16xi32>
    %shift_right_logical3A_2903 = arith.shrui %get3A_2895, %shift_right_logical3A_2902 : vector<16xi32>
    %swap3A_2904 = arith.constant 0 : index
    %swap3A_2905 = tpu.vector_load %arg9[%swap3A_2904] {strides = array<i32>} : memref<48xi32, #tpu.memory_space<vmem>>, vector<16xi32>,
    tpu.vector_store %arg9[%swap3A_2904], %shift_right_logical3A_2903 {strides = array<i32>} : memref<48xi32, #tpu.memory_space<vmem>>, vector<16xi32>,
    %get3A_2906 = arith.constant 16 : index
    %get3A_2907 = tpu.vector_load %arg7[%get3A_2906] {strides = array<i32>} : memref<48xi32, #tpu.memory_space<vmem>>, vector<16xi32>,
    %shift_right_logical3A_2908 = arith.constant 5 : i32
    %shift_right_logical3A_2909 = vector.broadcast %shift_right_logical3A_2908 : i32 to vector<16xi32>
    %shift_right_logical3A_2910 = arith.shrui %get3A_2907, %shift_right_logical3A_2909 : vector<16xi32>
    %swap3A_2911 = arith.constant 16 : index
    %swap3A_2912 = tpu.vector_load %arg8[%swap3A_2911] {strides = array<i32>} : memref<48xi32, #tpu.memory_space<vmem>>, vector<16xi32>,
    tpu.vector_store %arg8[%swap3A_2911], %shift_right_logical3A_2910 {strides = array<i32>} : memref<48xi32, #tpu.memory_space<vmem>>, vector<16xi32>,
    %shift_right_logical3A_2913 = arith.constant 7 : i32
    %shift_right_logical3A_2914 = vector.broadcast %shift_right_logical3A_2913 : i32 to vector<16xi32>
    %shift_right_logical3A_2915 = arith.shrui %get3A_2907, %shift_right_logical3A_2914 : vector<16xi32>
    %swap3A_2916 = arith.constant 16 : index
    %swap3A_2917 = tpu.vector_load %arg9[%swap3A_2916] {strides = array<i32>} : memref<48xi32, #tpu.memory_space<vmem>>, vector<16xi32>,
    tpu.vector_store %arg9[%swap3A_2916], %shift_right_logical3A_2915 {strides = array<i32>} : memref<48xi32, #tpu.memory_space<vmem>>, vector<16xi32>,
    %get3A_2918 = arith.constant 32 : index
    %get3A_2919 = tpu.vector_load %arg7[%get3A_2918] {strides = array<i32>} : memref<48xi32, #tpu.memory_space<vmem>>, vector<16xi32>,
    %shift_right_logical3A_2920 = arith.constant 5 : i32
    %shift_right_logical3A_2921 = vector.broadcast %shift_right_logical3A_2920 : i32 to vector<16xi32>
    %shift_right_logical3A_2922 = arith.shrui %get3A_2919, %shift_right_logical3A_2921 : vector<16xi32>
    %swap3A_2923 = arith.constant 32 : index
    %swap3A_2924 = tpu.vector_load %arg8[%swap3A_2923] {strides = array<i32>} : memref<48xi32, #tpu.memory_space<vmem>>, vector<16xi32>,
    tpu.vector_store %arg8[%swap3A_2923], %shift_right_logical3A_2922 {strides = array<i32>} : memref<48xi32, #tpu.memory_space<vmem>>, vector<16xi32>,
    %shift_right_logical3A_2925 = arith.constant 7 : i32
    %shift_right_logical3A_2926 = vector.broadcast %shift_right_logical3A_2925 : i32 to vector<16xi32>
    %shift_right_logical3A_2927 = arith.shrui %get3A_2919, %shift_right_logical3A_2926 : vector<16xi32>
    %swap3A_2928 = arith.constant 32 : index
    %swap3A_2929 = tpu.vector_load %arg9[%swap3A_2928] {strides = array<i32>} : memref<48xi32, #tpu.memory_space<vmem>>, vector<16xi32>,
    tpu.vector_store %arg9[%swap3A_2928], %shift_right_logical3A_2927 {strides = array<i32>} : memref<48xi32, #tpu.memory_space<vmem>>, vector<16xi32>,
    %dma_start3A_2930 = arith.constant 0 : i32
    %dma_start3A_2931 = arith.constant 0 : i32
    %dma_start3A_2932 = tpu.memref_slice %arg2[%dma_start3A_2930, %dma_start3A_2931] : memref<3125x128xi32, #tpu.memory_space<hbm>> -> memref<3125x128xi32, #tpu.memory_space<hbm>>
    tpu.enqueue_indirect_dma source(%dma_start3A_2932 : memref<3125x128xi32, #tpu.memory_space<hbm>>) target(%arg10 : memref<48x128xi32, #tpu.memory_space<vmem>>) offsets(%arg8 : memref<48xi32, #tpu.memory_space<vmem>>) semaphore(%arg14 : memref<!tpu.dma_semaphore, #tpu.memory_space<semaphore_mem>>)
    %dma_start3A_2933 = arith.constant 0 : i32
    %dma_start3A_2934 = arith.constant 0 : i32
    %dma_start3A_2935 = tpu.memref_slice %arg3[%dma_start3A_2933, %dma_start3A_2934] : memref<782x128xf32, #tpu.memory_space<hbm>> -> memref<782x128xf32, #tpu.memory_space<hbm>>
    tpu.enqueue_indirect_dma source(%dma_start3A_2935 : memref<782x128xf32, #tpu.memory_space<hbm>>) target(%arg11 : memref<48x128xf32, #tpu.memory_space<vmem>>) offsets(%arg9 : memref<48xi32, #tpu.memory_space<vmem>>) semaphore(%arg15 : memref<!tpu.dma_semaphore, #tpu.memory_space<semaphore_mem>>)
    %dma_wait3A_2936 = arith.constant 0 : i32
    %dma_wait3A_2937 = arith.constant 0 : i32
    %dma_wait3A_2938 = tpu.memref_slice %arg2[%dma_wait3A_2936, %dma_wait3A_2937] : memref<3125x128xi32, #tpu.memory_space<hbm>> -> memref<3125x128xi32, #tpu.memory_space<hbm>>
    tpu.wait_indirect_dma semaphore(%arg14 : memref<!tpu.dma_semaphore, #tpu.memory_space<semaphore_mem>>) src(%dma_wait3A_2938 : memref<3125x128xi32, #tpu.memory_space<hbm>>) dst(%arg10 : memref<48x128xi32, #tpu.memory_space<vmem>>)
    %dma_wait3A_2939 = arith.constant 0 : i32
    %dma_wait3A_2940 = arith.constant 0 : i32
    %dma_wait3A_2941 = tpu.memref_slice %arg3[%dma_wait3A_2939, %dma_wait3A_2940] : memref<782x128xf32, #tpu.memory_space<hbm>> -> memref<782x128xf32, #tpu.memory_space<hbm>>
    tpu.wait_indirect_dma semaphore(%arg15 : memref<!tpu.dma_semaphore, #tpu.memory_space<semaphore_mem>>) src(%dma_wait3A_2941 : memref<782x128xf32, #tpu.memory_space<hbm>>) dst(%arg11 : memref<48x128xf32, #tpu.memory_space<vmem>>)
    %shift_right_logical3A_2942 = arith.constant 2 : i32
    %shift_right_logical3A_2943 = vector.broadcast %shift_right_logical3A_2942 : i32 to vector<16xi32>
    %shift_right_logical3A_2944 = arith.shrui %iota3A, %shift_right_logical3A_2943 : vector<16xi32>
    %add3A_2945 = arith.constant 0 : i32
    %add3A_2946 = vector.broadcast %add3A_2945 : i32 to vector<16xi32>
    %add3A_2947 = arith.addi %add3A_2946, %shift_right_logical3A_2944 : vector<16xi32>
    %gather3A_2948 = tpu.vector_load_idx %arg7[%add3A_2947] : memref<48xi32, #tpu.memory_space<vmem>>[vector<16xi32>], vector<16xi32>,
    %and3A_2949 = arith.constant 31 : i32
    %and3A_2950 = vector.broadcast %and3A_2949 : i32 to vector<16xi32>
    %and3A_2951 = arith.andi %gather3A_2948, %and3A_2950 : vector<16xi32>
    %shift_left3A_2952 = arith.constant 2 : i32
    %shift_left3A_2953 = vector.broadcast %shift_left3A_2952 : i32 to vector<16xi32>
    %shift_left3A_2954 = arith.shli %and3A_2951, %shift_left3A_2953 : vector<16xi32>
    %and3A_2955 = arith.constant 3 : i32
    %and3A_2956 = vector.broadcast %and3A_2955 : i32 to vector<16xi32>
    %and3A_2957 = arith.andi %iota3A, %and3A_2956 : vector<16xi32>
    %or3A_2958 = arith.ori %shift_left3A_2954, %and3A_2957 : vector<16xi32>
    %gather3A_2959 = tpu.vector_load_idx %arg10[%add3A_2947, %or3A_2958] : memref<48x128xi32, #tpu.memory_space<vmem>>[vector<16xi32>, vector<16xi32>], vector<16xi32>,
    %swap3A_2960 = arith.constant 0 : index
    %swap3A_2961 = tpu.vector_load %arg12[%swap3A_2960] {strides = array<i32>} : memref<192xi32, #tpu.memory_space<vmem>>, vector<16xi32>,
    tpu.vector_store %arg12[%swap3A_2960], %gather3A_2959 {strides = array<i32>} : memref<192xi32, #tpu.memory_space<vmem>>, vector<16xi32>,
    %shift_right_logical3A_2962 = arith.constant 2 : i32
    %shift_right_logical3A_2963 = vector.broadcast %shift_right_logical3A_2962 : i32 to vector<16xi32>
    %shift_right_logical3A_2964 = arith.shrui %iota3A, %shift_right_logical3A_2963 : vector<16xi32>
    %add3A_2965 = arith.constant 4 : i32
    %add3A_2966 = vector.broadcast %add3A_2965 : i32 to vector<16xi32>
    %add3A_2967 = arith.addi %add3A_2966, %shift_right_logical3A_2964 : vector<16xi32>
    %gather3A_2968 = tpu.vector_load_idx %arg7[%add3A_2967] : memref<48xi32, #tpu.memory_space<vmem>>[vector<16xi32>], vector<16xi32>,
    %and3A_2969 = arith.constant 31 : i32
    %and3A_2970 = vector.broadcast %and3A_2969 : i32 to vector<16xi32>
    %and3A_2971 = arith.andi %gather3A_2968, %and3A_2970 : vector<16xi32>
    %shift_left3A_2972 = arith.constant 2 : i32
    %shift_left3A_2973 = vector.broadcast %shift_left3A_2972 : i32 to vector<16xi32>
    %shift_left3A_2974 = arith.shli %and3A_2971, %shift_left3A_2973 : vector<16xi32>
    %and3A_2975 = arith.constant 3 : i32
    %and3A_2976 = vector.broadcast %and3A_2975 : i32 to vector<16xi32>
    %and3A_2977 = arith.andi %iota3A, %and3A_2976 : vector<16xi32>
    %or3A_2978 = arith.ori %shift_left3A_2974, %and3A_2977 : vector<16xi32>
    %gather3A_2979 = tpu.vector_load_idx %arg10[%add3A_2967, %or3A_2978] : memref<48x128xi32, #tpu.memory_space<vmem>>[vector<16xi32>, vector<16xi32>], vector<16xi32>,
    %swap3A_2980 = arith.constant 16 : index
    %swap3A_2981 = tpu.vector_load %arg12[%swap3A_2980] {strides = array<i32>} : memref<192xi32, #tpu.memory_space<vmem>>, vector<16xi32>,
    tpu.vector_store %arg12[%swap3A_2980], %gather3A_2979 {strides = array<i32>} : memref<192xi32, #tpu.memory_space<vmem>>, vector<16xi32>,
    %shift_right_logical3A_2982 = arith.constant 2 : i32
    %shift_right_logical3A_2983 = vector.broadcast %shift_right_logical3A_2982 : i32 to vector<16xi32>
    %shift_right_logical3A_2984 = arith.shrui %iota3A, %shift_right_logical3A_2983 : vector<16xi32>
    %add3A_2985 = arith.constant 8 : i32
    %add3A_2986 = vector.broadcast %add3A_2985 : i32 to vector<16xi32>
    %add3A_2987 = arith.addi %add3A_2986, %shift_right_logical3A_2984 : vector<16xi32>
    %gather3A_2988 = tpu.vector_load_idx %arg7[%add3A_2987] : memref<48xi32, #tpu.memory_space<vmem>>[vector<16xi32>], vector<16xi32>,
    %and3A_2989 = arith.constant 31 : i32
    %and3A_2990 = vector.broadcast %and3A_2989 : i32 to vector<16xi32>
    %and3A_2991 = arith.andi %gather3A_2988, %and3A_2990 : vector<16xi32>
    %shift_left3A_2992 = arith.constant 2 : i32
    %shift_left3A_2993 = vector.broadcast %shift_left3A_2992 : i32 to vector<16xi32>
    %shift_left3A_2994 = arith.shli %and3A_2991, %shift_left3A_2993 : vector<16xi32>
    %and3A_2995 = arith.constant 3 : i32
    %and3A_2996 = vector.broadcast %and3A_2995 : i32 to vector<16xi32>
    %and3A_2997 = arith.andi %iota3A, %and3A_2996 : vector<16xi32>
    %or3A_2998 = arith.ori %shift_left3A_2994, %and3A_2997 : vector<16xi32>
    %gather3A_2999 = tpu.vector_load_idx %arg10[%add3A_2987, %or3A_2998] : memref<48x128xi32, #tpu.memory_space<vmem>>[vector<16xi32>, vector<16xi32>], vector<16xi32>,
    %swap3A_3000 = arith.constant 32 : index
    %swap3A_3001 = tpu.vector_load %arg12[%swap3A_3000] {strides = array<i32>} : memref<192xi32, #tpu.memory_space<vmem>>, vector<16xi32>,
    tpu.vector_store %arg12[%swap3A_3000], %gather3A_2999 {strides = array<i32>} : memref<192xi32, #tpu.memory_space<vmem>>, vector<16xi32>,
    %shift_right_logical3A_3002 = arith.constant 2 : i32
    %shift_right_logical3A_3003 = vector.broadcast %shift_right_logical3A_3002 : i32 to vector<16xi32>
    %shift_right_logical3A_3004 = arith.shrui %iota3A, %shift_right_logical3A_3003 : vector<16xi32>
    %add3A_3005 = arith.constant 12 : i32
    %add3A_3006 = vector.broadcast %add3A_3005 : i32 to vector<16xi32>
    %add3A_3007 = arith.addi %add3A_3006, %shift_right_logical3A_3004 : vector<16xi32>
    %gather3A_3008 = tpu.vector_load_idx %arg7[%add3A_3007] : memref<48xi32, #tpu.memory_space<vmem>>[vector<16xi32>], vector<16xi32>,
    %and3A_3009 = arith.constant 31 : i32
    %and3A_3010 = vector.broadcast %and3A_3009 : i32 to vector<16xi32>
    %and3A_3011 = arith.andi %gather3A_3008, %and3A_3010 : vector<16xi32>
    %shift_left3A_3012 = arith.constant 2 : i32
    %shift_left3A_3013 = vector.broadcast %shift_left3A_3012 : i32 to vector<16xi32>
    %shift_left3A_3014 = arith.shli %and3A_3011, %shift_left3A_3013 : vector<16xi32>
    %and3A_3015 = arith.constant 3 : i32
    %and3A_3016 = vector.broadcast %and3A_3015 : i32 to vector<16xi32>
    %and3A_3017 = arith.andi %iota3A, %and3A_3016 : vector<16xi32>
    %or3A_3018 = arith.ori %shift_left3A_3014, %and3A_3017 : vector<16xi32>
    %gather3A_3019 = tpu.vector_load_idx %arg10[%add3A_3007, %or3A_3018] : memref<48x128xi32, #tpu.memory_space<vmem>>[vector<16xi32>, vector<16xi32>], vector<16xi32>,
    %swap3A_3020 = arith.constant 48 : index
    %swap3A_3021 = tpu.vector_load %arg12[%swap3A_3020] {strides = array<i32>} : memref<192xi32, #tpu.memory_space<vmem>>, vector<16xi32>,
    tpu.vector_store %arg12[%swap3A_3020], %gather3A_3019 {strides = array<i32>} : memref<192xi32, #tpu.memory_space<vmem>>, vector<16xi32>,
    %shift_right_logical3A_3022 = arith.constant 2 : i32
    %shift_right_logical3A_3023 = vector.broadcast %shift_right_logical3A_3022 : i32 to vector<16xi32>
    %shift_right_logical3A_3024 = arith.shrui %iota3A, %shift_right_logical3A_3023 : vector<16xi32>
    %add3A_3025 = arith.constant 16 : i32
    %add3A_3026 = vector.broadcast %add3A_3025 : i32 to vector<16xi32>
    %add3A_3027 = arith.addi %add3A_3026, %shift_right_logical3A_3024 : vector<16xi32>
    %gather3A_3028 = tpu.vector_load_idx %arg7[%add3A_3027] : memref<48xi32, #tpu.memory_space<vmem>>[vector<16xi32>], vector<16xi32>,
    %and3A_3029 = arith.constant 31 : i32
    %and3A_3030 = vector.broadcast %and3A_3029 : i32 to vector<16xi32>
    %and3A_3031 = arith.andi %gather3A_3028, %and3A_3030 : vector<16xi32>
    %shift_left3A_3032 = arith.constant 2 : i32
    %shift_left3A_3033 = vector.broadcast %shift_left3A_3032 : i32 to vector<16xi32>
    %shift_left3A_3034 = arith.shli %and3A_3031, %shift_left3A_3033 : vector<16xi32>
    %and3A_3035 = arith.constant 3 : i32
    %and3A_3036 = vector.broadcast %and3A_3035 : i32 to vector<16xi32>
    %and3A_3037 = arith.andi %iota3A, %and3A_3036 : vector<16xi32>
    %or3A_3038 = arith.ori %shift_left3A_3034, %and3A_3037 : vector<16xi32>
    %gather3A_3039 = tpu.vector_load_idx %arg10[%add3A_3027, %or3A_3038] : memref<48x128xi32, #tpu.memory_space<vmem>>[vector<16xi32>, vector<16xi32>], vector<16xi32>,
    %swap3A_3040 = arith.constant 64 : index
    %swap3A_3041 = tpu.vector_load %arg12[%swap3A_3040] {strides = array<i32>} : memref<192xi32, #tpu.memory_space<vmem>>, vector<16xi32>,
    tpu.vector_store %arg12[%swap3A_3040], %gather3A_3039 {strides = array<i32>} : memref<192xi32, #tpu.memory_space<vmem>>, vector<16xi32>,
    %shift_right_logical3A_3042 = arith.constant 2 : i32
    %shift_right_logical3A_3043 = vector.broadcast %shift_right_logical3A_3042 : i32 to vector<16xi32>
    %shift_right_logical3A_3044 = arith.shrui %iota3A, %shift_right_logical3A_3043 : vector<16xi32>
    %add3A_3045 = arith.constant 20 : i32
    %add3A_3046 = vector.broadcast %add3A_3045 : i32 to vector<16xi32>
    %add3A_3047 = arith.addi %add3A_3046, %shift_right_logical3A_3044 : vector<16xi32>
    %gather3A_3048 = tpu.vector_load_idx %arg7[%add3A_3047] : memref<48xi32, #tpu.memory_space<vmem>>[vector<16xi32>], vector<16xi32>,
    %and3A_3049 = arith.constant 31 : i32
    %and3A_3050 = vector.broadcast %and3A_3049 : i32 to vector<16xi32>
    %and3A_3051 = arith.andi %gather3A_3048, %and3A_3050 : vector<16xi32>
    %shift_left3A_3052 = arith.constant 2 : i32
    %shift_left3A_3053 = vector.broadcast %shift_left3A_3052 : i32 to vector<16xi32>
    %shift_left3A_3054 = arith.shli %and3A_3051, %shift_left3A_3053 : vector<16xi32>
    %and3A_3055 = arith.constant 3 : i32
    %and3A_3056 = vector.broadcast %and3A_3055 : i32 to vector<16xi32>
    %and3A_3057 = arith.andi %iota3A, %and3A_3056 : vector<16xi32>
    %or3A_3058 = arith.ori %shift_left3A_3054, %and3A_3057 : vector<16xi32>
    %gather3A_3059 = tpu.vector_load_idx %arg10[%add3A_3047, %or3A_3058] : memref<48x128xi32, #tpu.memory_space<vmem>>[vector<16xi32>, vector<16xi32>], vector<16xi32>,
    %swap3A_3060 = arith.constant 80 : index
    %swap3A_3061 = tpu.vector_load %arg12[%swap3A_3060] {strides = array<i32>} : memref<192xi32, #tpu.memory_space<vmem>>, vector<16xi32>,
    tpu.vector_store %arg12[%swap3A_3060], %gather3A_3059 {strides = array<i32>} : memref<192xi32, #tpu.memory_space<vmem>>, vector<16xi32>,
    %shift_right_logical3A_3062 = arith.constant 2 : i32
    %shift_right_logical3A_3063 = vector.broadcast %shift_right_logical3A_3062 : i32 to vector<16xi32>
    %shift_right_logical3A_3064 = arith.shrui %iota3A, %shift_right_logical3A_3063 : vector<16xi32>
    %add3A_3065 = arith.constant 24 : i32
    %add3A_3066 = vector.broadcast %add3A_3065 : i32 to vector<16xi32>
    %add3A_3067 = arith.addi %add3A_3066, %shift_right_logical3A_3064 : vector<16xi32>
    %gather3A_3068 = tpu.vector_load_idx %arg7[%add3A_3067] : memref<48xi32, #tpu.memory_space<vmem>>[vector<16xi32>], vector<16xi32>,
    %and3A_3069 = arith.constant 31 : i32
    %and3A_3070 = vector.broadcast %and3A_3069 : i32 to vector<16xi32>
    %and3A_3071 = arith.andi %gather3A_3068, %and3A_3070 : vector<16xi32>
    %shift_left3A_3072 = arith.constant 2 : i32
    %shift_left3A_3073 = vector.broadcast %shift_left3A_3072 : i32 to vector<16xi32>
    %shift_left3A_3074 = arith.shli %and3A_3071, %shift_left3A_3073 : vector<16xi32>
    %and3A_3075 = arith.constant 3 : i32
    %and3A_3076 = vector.broadcast %and3A_3075 : i32 to vector<16xi32>
    %and3A_3077 = arith.andi %iota3A, %and3A_3076 : vector<16xi32>
    %or3A_3078 = arith.ori %shift_left3A_3074, %and3A_3077 : vector<16xi32>
    %gather3A_3079 = tpu.vector_load_idx %arg10[%add3A_3067, %or3A_3078] : memref<48x128xi32, #tpu.memory_space<vmem>>[vector<16xi32>, vector<16xi32>], vector<16xi32>,
    %swap3A_3080 = arith.constant 96 : index
    %swap3A_3081 = tpu.vector_load %arg12[%swap3A_3080] {strides = array<i32>} : memref<192xi32, #tpu.memory_space<vmem>>, vector<16xi32>,
    tpu.vector_store %arg12[%swap3A_3080], %gather3A_3079 {strides = array<i32>} : memref<192xi32, #tpu.memory_space<vmem>>, vector<16xi32>,
    %shift_right_logical3A_3082 = arith.constant 2 : i32
    %shift_right_logical3A_3083 = vector.broadcast %shift_right_logical3A_3082 : i32 to vector<16xi32>
    %shift_right_logical3A_3084 = arith.shrui %iota3A, %shift_right_logical3A_3083 : vector<16xi32>
    %add3A_3085 = arith.constant 28 : i32
    %add3A_3086 = vector.broadcast %add3A_3085 : i32 to vector<16xi32>
    %add3A_3087 = arith.addi %add3A_3086, %shift_right_logical3A_3084 : vector<16xi32>
    %gather3A_3088 = tpu.vector_load_idx %arg7[%add3A_3087] : memref<48xi32, #tpu.memory_space<vmem>>[vector<16xi32>], vector<16xi32>,
    %and3A_3089 = arith.constant 31 : i32
    %and3A_3090 = vector.broadcast %and3A_3089 : i32 to vector<16xi32>
    %and3A_3091 = arith.andi %gather3A_3088, %and3A_3090 : vector<16xi32>
    %shift_left3A_3092 = arith.constant 2 : i32
    %shift_left3A_3093 = vector.broadcast %shift_left3A_3092 : i32 to vector<16xi32>
    %shift_left3A_3094 = arith.shli %and3A_3091, %shift_left3A_3093 : vector<16xi32>
    %and3A_3095 = arith.constant 3 : i32
    %and3A_3096 = vector.broadcast %and3A_3095 : i32 to vector<16xi32>
    %and3A_3097 = arith.andi %iota3A, %and3A_3096 : vector<16xi32>
    %or3A_3098 = arith.ori %shift_left3A_3094, %and3A_3097 : vector<16xi32>
    %gather3A_3099 = tpu.vector_load_idx %arg10[%add3A_3087, %or3A_3098] : memref<48x128xi32, #tpu.memory_space<vmem>>[vector<16xi32>, vector<16xi32>], vector<16xi32>,
    %swap3A_3100 = arith.constant 112 : index
    %swap3A_3101 = tpu.vector_load %arg12[%swap3A_3100] {strides = array<i32>} : memref<192xi32, #tpu.memory_space<vmem>>, vector<16xi32>,
    tpu.vector_store %arg12[%swap3A_3100], %gather3A_3099 {strides = array<i32>} : memref<192xi32, #tpu.memory_space<vmem>>, vector<16xi32>,
    %shift_right_logical3A_3102 = arith.constant 2 : i32
    %shift_right_logical3A_3103 = vector.broadcast %shift_right_logical3A_3102 : i32 to vector<16xi32>
    %shift_right_logical3A_3104 = arith.shrui %iota3A, %shift_right_logical3A_3103 : vector<16xi32>
    %add3A_3105 = arith.constant 32 : i32
    %add3A_3106 = vector.broadcast %add3A_3105 : i32 to vector<16xi32>
    %add3A_3107 = arith.addi %add3A_3106, %shift_right_logical3A_3104 : vector<16xi32>
    %gather3A_3108 = tpu.vector_load_idx %arg7[%add3A_3107] : memref<48xi32, #tpu.memory_space<vmem>>[vector<16xi32>], vector<16xi32>,
    %and3A_3109 = arith.constant 31 : i32
    %and3A_3110 = vector.broadcast %and3A_3109 : i32 to vector<16xi32>
    %and3A_3111 = arith.andi %gather3A_3108, %and3A_3110 : vector<16xi32>
    %shift_left3A_3112 = arith.constant 2 : i32
    %shift_left3A_3113 = vector.broadcast %shift_left3A_3112 : i32 to vector<16xi32>
    %shift_left3A_3114 = arith.shli %and3A_3111, %shift_left3A_3113 : vector<16xi32>
    %and3A_3115 = arith.constant 3 : i32
    %and3A_3116 = vector.broadcast %and3A_3115 : i32 to vector<16xi32>
    %and3A_3117 = arith.andi %iota3A, %and3A_3116 : vector<16xi32>
    %or3A_3118 = arith.ori %shift_left3A_3114, %and3A_3117 : vector<16xi32>
    %gather3A_3119 = tpu.vector_load_idx %arg10[%add3A_3107, %or3A_3118] : memref<48x128xi32, #tpu.memory_space<vmem>>[vector<16xi32>, vector<16xi32>], vector<16xi32>,
    %swap3A_3120 = arith.constant 128 : index
    %swap3A_3121 = tpu.vector_load %arg12[%swap3A_3120] {strides = array<i32>} : memref<192xi32, #tpu.memory_space<vmem>>, vector<16xi32>,
    tpu.vector_store %arg12[%swap3A_3120], %gather3A_3119 {strides = array<i32>} : memref<192xi32, #tpu.memory_space<vmem>>, vector<16xi32>,
    %shift_right_logical3A_3122 = arith.constant 2 : i32
    %shift_right_logical3A_3123 = vector.broadcast %shift_right_logical3A_3122 : i32 to vector<16xi32>
    %shift_right_logical3A_3124 = arith.shrui %iota3A, %shift_right_logical3A_3123 : vector<16xi32>
    %add3A_3125 = arith.constant 36 : i32
    %add3A_3126 = vector.broadcast %add3A_3125 : i32 to vector<16xi32>
    %add3A_3127 = arith.addi %add3A_3126, %shift_right_logical3A_3124 : vector<16xi32>
    %gather3A_3128 = tpu.vector_load_idx %arg7[%add3A_3127] : memref<48xi32, #tpu.memory_space<vmem>>[vector<16xi32>], vector<16xi32>,
    %and3A_3129 = arith.constant 31 : i32
    %and3A_3130 = vector.broadcast %and3A_3129 : i32 to vector<16xi32>
    %and3A_3131 = arith.andi %gather3A_3128, %and3A_3130 : vector<16xi32>
    %shift_left3A_3132 = arith.constant 2 : i32
    %shift_left3A_3133 = vector.broadcast %shift_left3A_3132 : i32 to vector<16xi32>
    %shift_left3A_3134 = arith.shli %and3A_3131, %shift_left3A_3133 : vector<16xi32>
    %and3A_3135 = arith.constant 3 : i32
    %and3A_3136 = vector.broadcast %and3A_3135 : i32 to vector<16xi32>
    %and3A_3137 = arith.andi %iota3A, %and3A_3136 : vector<16xi32>
    %or3A_3138 = arith.ori %shift_left3A_3134, %and3A_3137 : vector<16xi32>
    %gather3A_3139 = tpu.vector_load_idx %arg10[%add3A_3127, %or3A_3138] : memref<48x128xi32, #tpu.memory_space<vmem>>[vector<16xi32>, vector<16xi32>], vector<16xi32>,
    %swap3A_3140 = arith.constant 144 : index
    %swap3A_3141 = tpu.vector_load %arg12[%swap3A_3140] {strides = array<i32>} : memref<192xi32, #tpu.memory_space<vmem>>, vector<16xi32>,
    tpu.vector_store %arg12[%swap3A_3140], %gather3A_3139 {strides = array<i32>} : memref<192xi32, #tpu.memory_space<vmem>>, vector<16xi32>,
    %shift_right_logical3A_3142 = arith.constant 2 : i32
    %shift_right_logical3A_3143 = vector.broadcast %shift_right_logical3A_3142 : i32 to vector<16xi32>
    %shift_right_logical3A_3144 = arith.shrui %iota3A, %shift_right_logical3A_3143 : vector<16xi32>
    %add3A_3145 = arith.constant 40 : i32
    %add3A_3146 = vector.broadcast %add3A_3145 : i32 to vector<16xi32>
    %add3A_3147 = arith.addi %add3A_3146, %shift_right_logical3A_3144 : vector<16xi32>
    %gather3A_3148 = tpu.vector_load_idx %arg7[%add3A_3147] : memref<48xi32, #tpu.memory_space<vmem>>[vector<16xi32>], vector<16xi32>,
    %and3A_3149 = arith.constant 31 : i32
    %and3A_3150 = vector.broadcast %and3A_3149 : i32 to vector<16xi32>
    %and3A_3151 = arith.andi %gather3A_3148, %and3A_3150 : vector<16xi32>
    %shift_left3A_3152 = arith.constant 2 : i32
    %shift_left3A_3153 = vector.broadcast %shift_left3A_3152 : i32 to vector<16xi32>
    %shift_left3A_3154 = arith.shli %and3A_3151, %shift_left3A_3153 : vector<16xi32>
    %and3A_3155 = arith.constant 3 : i32
    %and3A_3156 = vector.broadcast %and3A_3155 : i32 to vector<16xi32>
    %and3A_3157 = arith.andi %iota3A, %and3A_3156 : vector<16xi32>
    %or3A_3158 = arith.ori %shift_left3A_3154, %and3A_3157 : vector<16xi32>
    %gather3A_3159 = tpu.vector_load_idx %arg10[%add3A_3147, %or3A_3158] : memref<48x128xi32, #tpu.memory_space<vmem>>[vector<16xi32>, vector<16xi32>], vector<16xi32>,
    %swap3A_3160 = arith.constant 160 : index
    %swap3A_3161 = tpu.vector_load %arg12[%swap3A_3160] {strides = array<i32>} : memref<192xi32, #tpu.memory_space<vmem>>, vector<16xi32>,
    tpu.vector_store %arg12[%swap3A_3160], %gather3A_3159 {strides = array<i32>} : memref<192xi32, #tpu.memory_space<vmem>>, vector<16xi32>,
    %shift_right_logical3A_3162 = arith.constant 2 : i32
    %shift_right_logical3A_3163 = vector.broadcast %shift_right_logical3A_3162 : i32 to vector<16xi32>
    %shift_right_logical3A_3164 = arith.shrui %iota3A, %shift_right_logical3A_3163 : vector<16xi32>
    %add3A_3165 = arith.constant 44 : i32
    %add3A_3166 = vector.broadcast %add3A_3165 : i32 to vector<16xi32>
    %add3A_3167 = arith.addi %add3A_3166, %shift_right_logical3A_3164 : vector<16xi32>
    %gather3A_3168 = tpu.vector_load_idx %arg7[%add3A_3167] : memref<48xi32, #tpu.memory_space<vmem>>[vector<16xi32>], vector<16xi32>,
    %and3A_3169 = arith.constant 31 : i32
    %and3A_3170 = vector.broadcast %and3A_3169 : i32 to vector<16xi32>
    %and3A_3171 = arith.andi %gather3A_3168, %and3A_3170 : vector<16xi32>
    %shift_left3A_3172 = arith.constant 2 : i32
    %shift_left3A_3173 = vector.broadcast %shift_left3A_3172 : i32 to vector<16xi32>
    %shift_left3A_3174 = arith.shli %and3A_3171, %shift_left3A_3173 : vector<16xi32>
    %and3A_3175 = arith.constant 3 : i32
    %and3A_3176 = vector.broadcast %and3A_3175 : i32 to vector<16xi32>
    %and3A_3177 = arith.andi %iota3A, %and3A_3176 : vector<16xi32>
    %or3A_3178 = arith.ori %shift_left3A_3174, %and3A_3177 : vector<16xi32>
    %gather3A_3179 = tpu.vector_load_idx %arg10[%add3A_3167, %or3A_3178] : memref<48x128xi32, #tpu.memory_space<vmem>>[vector<16xi32>, vector<16xi32>], vector<16xi32>,
    %swap3A_3180 = arith.constant 176 : index
    %swap3A_3181 = tpu.vector_load %arg12[%swap3A_3180] {strides = array<i32>} : memref<192xi32, #tpu.memory_space<vmem>>, vector<16xi32>,
    tpu.vector_store %arg12[%swap3A_3180], %gather3A_3179 {strides = array<i32>} : memref<192xi32, #tpu.memory_space<vmem>>, vector<16xi32>,
    %add3A_3182 = arith.constant 0 : i32
    %add3A_3183 = vector.broadcast %add3A_3182 : i32 to vector<16xi32>
    %add3A_3184 = arith.addi %add3A_3183, %iota3A : vector<16xi32>
    %gather3A_3185 = tpu.vector_load_idx %arg7[%add3A_3184] : memref<48xi32, #tpu.memory_space<vmem>>[vector<16xi32>], vector<16xi32>,
    %and3A_3186 = arith.constant 127 : i32
    %and3A_3187 = vector.broadcast %and3A_3186 : i32 to vector<16xi32>
    %and3A_3188 = arith.andi %gather3A_3185, %and3A_3187 : vector<16xi32>
    %gather3A_3189 = tpu.vector_load_idx %arg11[%add3A_3184, %and3A_3188] : memref<48x128xf32, #tpu.memory_space<vmem>>[vector<16xi32>, vector<16xi32>], vector<16xf32>,
    %swap3A_3190 = arith.constant 0 : index
    %swap3A_3191 = tpu.vector_load %arg13[%swap3A_3190] {strides = array<i32>} : memref<48xf32, #tpu.memory_space<vmem>>, vector<16xf32>,
    tpu.vector_store %arg13[%swap3A_3190], %gather3A_3189 {strides = array<i32>} : memref<48xf32, #tpu.memory_space<vmem>>, vector<16xf32>,
    %add3A_3192 = arith.constant 16 : i32
    %add3A_3193 = vector.broadcast %add3A_3192 : i32 to vector<16xi32>
    %add3A_3194 = arith.addi %add3A_3193, %iota3A : vector<16xi32>
    %gather3A_3195 = tpu.vector_load_idx %arg7[%add3A_3194] : memref<48xi32, #tpu.memory_space<vmem>>[vector<16xi32>], vector<16xi32>,
    %and3A_3196 = arith.constant 127 : i32
    %and3A_3197 = vector.broadcast %and3A_3196 : i32 to vector<16xi32>
    %and3A_3198 = arith.andi %gather3A_3195, %and3A_3197 : vector<16xi32>
    %gather3A_3199 = tpu.vector_load_idx %arg11[%add3A_3194, %and3A_3198] : memref<48x128xf32, #tpu.memory_space<vmem>>[vector<16xi32>, vector<16xi32>], vector<16xf32>,
    %swap3A_3200 = arith.constant 16 : index
    %swap3A_3201 = tpu.vector_load %arg13[%swap3A_3200] {strides = array<i32>} : memref<48xf32, #tpu.memory_space<vmem>>, vector<16xf32>,
    tpu.vector_store %arg13[%swap3A_3200], %gather3A_3199 {strides = array<i32>} : memref<48xf32, #tpu.memory_space<vmem>>, vector<16xf32>,
    %add3A_3202 = arith.constant 32 : i32
    %add3A_3203 = vector.broadcast %add3A_3202 : i32 to vector<16xi32>
    %add3A_3204 = arith.addi %add3A_3203, %iota3A : vector<16xi32>
    %gather3A_3205 = tpu.vector_load_idx %arg7[%add3A_3204] : memref<48xi32, #tpu.memory_space<vmem>>[vector<16xi32>], vector<16xi32>,
    %and3A_3206 = arith.constant 127 : i32
    %and3A_3207 = vector.broadcast %and3A_3206 : i32 to vector<16xi32>
    %and3A_3208 = arith.andi %gather3A_3205, %and3A_3207 : vector<16xi32>
    %gather3A_3209 = tpu.vector_load_idx %arg11[%add3A_3204, %and3A_3208] : memref<48x128xf32, #tpu.memory_space<vmem>>[vector<16xi32>, vector<16xi32>], vector<16xf32>,
    %swap3A_3210 = arith.constant 32 : index
    %swap3A_3211 = tpu.vector_load %arg13[%swap3A_3210] {strides = array<i32>} : memref<48xf32, #tpu.memory_space<vmem>>, vector<16xf32>,
    tpu.vector_store %arg13[%swap3A_3210], %gather3A_3209 {strides = array<i32>} : memref<48xf32, #tpu.memory_space<vmem>>, vector<16xf32>,
    %mul3A_3212 = arith.constant 4 : i32
    %mul3A_3213 = arith.muli %add3A_2893, %mul3A_3212 : i32
    "tpu.region"() ({
      %run_scoped3A = tpu.sem_alloc : memref<!tpu.dma_semaphore, #tpu.memory_space<semaphore_mem>>
      %dma_start3A_3536 = tpu.memref_slice %arg5[%mul3A_3213] : memref<67584xi32, #tpu.memory_space<hbm>> -> memref<192xi32, #tpu.memory_space<hbm>>
      %dma_start3A_3537 = tpu.memref_slice %arg5[%mul3A_3213] : memref<67584xi32, #tpu.memory_space<hbm>> -> memref<192xi32, #tpu.memory_space<hbm>>
      tpu.enqueue_dma source(%arg12 : memref<192xi32, #tpu.memory_space<vmem>>) target(%dma_start3A_3537 : memref<192xi32, #tpu.memory_space<hbm>>) target_semaphore(%run_scoped3A : memref<!tpu.dma_semaphore, #tpu.memory_space<semaphore_mem>>)
      %dma_wait3A_3538 = tpu.memref_slice %arg5[%mul3A_3213] : memref<67584xi32, #tpu.memory_space<hbm>> -> memref<192xi32, #tpu.memory_space<hbm>>
      %dma_wait3A_3539 = tpu.memref_slice %arg5[%mul3A_3213] : memref<67584xi32, #tpu.memory_space<hbm>> -> memref<192xi32, #tpu.memory_space<hbm>>
      tpu.wait_dma2 semaphore(%run_scoped3A : memref<!tpu.dma_semaphore, #tpu.memory_space<semaphore_mem>>) src(%arg12 : memref<192xi32, #tpu.memory_space<vmem>>) dst(%dma_wait3A_3539 : memref<192xi32, #tpu.memory_space<hbm>>)
      tpu.yield
    }) : () -> ()
    "tpu.region"() ({
      %run_scoped3A = tpu.sem_alloc : memref<!tpu.dma_semaphore, #tpu.memory_space<semaphore_mem>>
      %dma_start3A_3536 = tpu.memref_slice %arg6[%add3A_2893] : memref<16896xf32, #tpu.memory_space<hbm>> -> memref<48xf32, #tpu.memory_space<hbm>>
      %dma_start3A_3537 = tpu.memref_slice %arg6[%add3A_2893] : memref<16896xf32, #tpu.memory_space<hbm>> -> memref<48xf32, #tpu.memory_space<hbm>>
      tpu.enqueue_dma source(%arg13 : memref<48xf32, #tpu.memory_space<vmem>>) target(%dma_start3A_3537 : memref<48xf32, #tpu.memory_space<hbm>>) target_semaphore(%run_scoped3A : memref<!tpu.dma_semaphore, #tpu.memory_space<semaphore_mem>>)
      %dma_wait3A_3538 = tpu.memref_slice %arg6[%add3A_2893] : memref<16896xf32, #tpu.memory_space<hbm>> -> memref<48xf32, #tpu.memory_space<hbm>>
      %dma_wait3A_3539 = tpu.memref_slice %arg6[%add3A_2893] : memref<16896xf32, #tpu.memory_space<hbm>> -> memref<48xf32, #tpu.memory_space<hbm>>
      tpu.wait_dma2 semaphore(%run_scoped3A : memref<!tpu.dma_semaphore, #tpu.memory_space<semaphore_mem>>) src(%arg13 : memref<48xf32, #tpu.memory_space<vmem>>) dst(%dma_wait3A_3539 : memref<48xf32, #tpu.memory_space<hbm>>)
      tpu.yield
    }) : () -> ()
    %add3A_3214 = arith.constant 480 : i32
    %add3A_3215 = arith.addi %mul3A_2, %add3A_3214 : i32
    "tpu.region"() ({
      %run_scoped3A = tpu.sem_alloc : memref<!tpu.dma_semaphore, #tpu.memory_space<semaphore_mem>>
      %dma_start3A_3536 = tpu.memref_slice %arg4[%add3A_3215] : memref<16896xi32, #tpu.memory_space<hbm>> -> memref<48xi32, #tpu.memory_space<hbm>>
      %dma_start3A_3537 = tpu.memref_slice %arg4[%add3A_3215] : memref<16896xi32, #tpu.memory_space<hbm>> -> memref<48xi32, #tpu.memory_space<hbm>>
      tpu.enqueue_dma source(%dma_start3A_3537 : memref<48xi32, #tpu.memory_space<hbm>>) target(%arg7 : memref<48xi32, #tpu.memory_space<vmem>>) target_semaphore(%run_scoped3A : memref<!tpu.dma_semaphore, #tpu.memory_space<semaphore_mem>>)
      %dma_wait3A_3538 = tpu.memref_slice %arg4[%add3A_3215] : memref<16896xi32, #tpu.memory_space<hbm>> -> memref<48xi32, #tpu.memory_space<hbm>>
      %dma_wait3A_3539 = tpu.memref_slice %arg4[%add3A_3215] : memref<16896xi32, #tpu.memory_space<hbm>> -> memref<48xi32, #tpu.memory_space<hbm>>
      tpu.wait_dma2 semaphore(%run_scoped3A : memref<!tpu.dma_semaphore, #tpu.memory_space<semaphore_mem>>) src(%dma_wait3A_3539 : memref<48xi32, #tpu.memory_space<hbm>>) dst(%arg7 : memref<48xi32, #tpu.memory_space<vmem>>)
      tpu.yield
    }) : () -> ()
    %get3A_3216 = arith.constant 0 : index
    %get3A_3217 = tpu.vector_load %arg7[%get3A_3216] {strides = array<i32>} : memref<48xi32, #tpu.memory_space<vmem>>, vector<16xi32>,
    %shift_right_logical3A_3218 = arith.constant 5 : i32
    %shift_right_logical3A_3219 = vector.broadcast %shift_right_logical3A_3218 : i32 to vector<16xi32>
    %shift_right_logical3A_3220 = arith.shrui %get3A_3217, %shift_right_logical3A_3219 : vector<16xi32>
    %swap3A_3221 = arith.constant 0 : index
    %swap3A_3222 = tpu.vector_load %arg8[%swap3A_3221] {strides = array<i32>} : memref<48xi32, #tpu.memory_space<vmem>>, vector<16xi32>,
    tpu.vector_store %arg8[%swap3A_3221], %shift_right_logical3A_3220 {strides = array<i32>} : memref<48xi32, #tpu.memory_space<vmem>>, vector<16xi32>,
    %shift_right_logical3A_3223 = arith.constant 7 : i32
    %shift_right_logical3A_3224 = vector.broadcast %shift_right_logical3A_3223 : i32 to vector<16xi32>
    %shift_right_logical3A_3225 = arith.shrui %get3A_3217, %shift_right_logical3A_3224 : vector<16xi32>
    %swap3A_3226 = arith.constant 0 : index
    %swap3A_3227 = tpu.vector_load %arg9[%swap3A_3226] {strides = array<i32>} : memref<48xi32, #tpu.memory_space<vmem>>, vector<16xi32>,
    tpu.vector_store %arg9[%swap3A_3226], %shift_right_logical3A_3225 {strides = array<i32>} : memref<48xi32, #tpu.memory_space<vmem>>, vector<16xi32>,
    %get3A_3228 = arith.constant 16 : index
    %get3A_3229 = tpu.vector_load %arg7[%get3A_3228] {strides = array<i32>} : memref<48xi32, #tpu.memory_space<vmem>>, vector<16xi32>,
    %shift_right_logical3A_3230 = arith.constant 5 : i32
    %shift_right_logical3A_3231 = vector.broadcast %shift_right_logical3A_3230 : i32 to vector<16xi32>
    %shift_right_logical3A_3232 = arith.shrui %get3A_3229, %shift_right_logical3A_3231 : vector<16xi32>
    %swap3A_3233 = arith.constant 16 : index
    %swap3A_3234 = tpu.vector_load %arg8[%swap3A_3233] {strides = array<i32>} : memref<48xi32, #tpu.memory_space<vmem>>, vector<16xi32>,
    tpu.vector_store %arg8[%swap3A_3233], %shift_right_logical3A_3232 {strides = array<i32>} : memref<48xi32, #tpu.memory_space<vmem>>, vector<16xi32>,
    %shift_right_logical3A_3235 = arith.constant 7 : i32
    %shift_right_logical3A_3236 = vector.broadcast %shift_right_logical3A_3235 : i32 to vector<16xi32>
    %shift_right_logical3A_3237 = arith.shrui %get3A_3229, %shift_right_logical3A_3236 : vector<16xi32>
    %swap3A_3238 = arith.constant 16 : index
    %swap3A_3239 = tpu.vector_load %arg9[%swap3A_3238] {strides = array<i32>} : memref<48xi32, #tpu.memory_space<vmem>>, vector<16xi32>,
    tpu.vector_store %arg9[%swap3A_3238], %shift_right_logical3A_3237 {strides = array<i32>} : memref<48xi32, #tpu.memory_space<vmem>>, vector<16xi32>,
    %get3A_3240 = arith.constant 32 : index
    %get3A_3241 = tpu.vector_load %arg7[%get3A_3240] {strides = array<i32>} : memref<48xi32, #tpu.memory_space<vmem>>, vector<16xi32>,
    %shift_right_logical3A_3242 = arith.constant 5 : i32
    %shift_right_logical3A_3243 = vector.broadcast %shift_right_logical3A_3242 : i32 to vector<16xi32>
    %shift_right_logical3A_3244 = arith.shrui %get3A_3241, %shift_right_logical3A_3243 : vector<16xi32>
    %swap3A_3245 = arith.constant 32 : index
    %swap3A_3246 = tpu.vector_load %arg8[%swap3A_3245] {strides = array<i32>} : memref<48xi32, #tpu.memory_space<vmem>>, vector<16xi32>,
    tpu.vector_store %arg8[%swap3A_3245], %shift_right_logical3A_3244 {strides = array<i32>} : memref<48xi32, #tpu.memory_space<vmem>>, vector<16xi32>,
    %shift_right_logical3A_3247 = arith.constant 7 : i32
    %shift_right_logical3A_3248 = vector.broadcast %shift_right_logical3A_3247 : i32 to vector<16xi32>
    %shift_right_logical3A_3249 = arith.shrui %get3A_3241, %shift_right_logical3A_3248 : vector<16xi32>
    %swap3A_3250 = arith.constant 32 : index
    %swap3A_3251 = tpu.vector_load %arg9[%swap3A_3250] {strides = array<i32>} : memref<48xi32, #tpu.memory_space<vmem>>, vector<16xi32>,
    tpu.vector_store %arg9[%swap3A_3250], %shift_right_logical3A_3249 {strides = array<i32>} : memref<48xi32, #tpu.memory_space<vmem>>, vector<16xi32>,
    %dma_start3A_3252 = arith.constant 0 : i32
    %dma_start3A_3253 = arith.constant 0 : i32
    %dma_start3A_3254 = tpu.memref_slice %arg2[%dma_start3A_3252, %dma_start3A_3253] : memref<3125x128xi32, #tpu.memory_space<hbm>> -> memref<3125x128xi32, #tpu.memory_space<hbm>>
    tpu.enqueue_indirect_dma source(%dma_start3A_3254 : memref<3125x128xi32, #tpu.memory_space<hbm>>) target(%arg10 : memref<48x128xi32, #tpu.memory_space<vmem>>) offsets(%arg8 : memref<48xi32, #tpu.memory_space<vmem>>) semaphore(%arg14 : memref<!tpu.dma_semaphore, #tpu.memory_space<semaphore_mem>>)
    %dma_start3A_3255 = arith.constant 0 : i32
    %dma_start3A_3256 = arith.constant 0 : i32
    %dma_start3A_3257 = tpu.memref_slice %arg3[%dma_start3A_3255, %dma_start3A_3256] : memref<782x128xf32, #tpu.memory_space<hbm>> -> memref<782x128xf32, #tpu.memory_space<hbm>>
    tpu.enqueue_indirect_dma source(%dma_start3A_3257 : memref<782x128xf32, #tpu.memory_space<hbm>>) target(%arg11 : memref<48x128xf32, #tpu.memory_space<vmem>>) offsets(%arg9 : memref<48xi32, #tpu.memory_space<vmem>>) semaphore(%arg15 : memref<!tpu.dma_semaphore, #tpu.memory_space<semaphore_mem>>)
    %dma_wait3A_3258 = arith.constant 0 : i32
    %dma_wait3A_3259 = arith.constant 0 : i32
    %dma_wait3A_3260 = tpu.memref_slice %arg2[%dma_wait3A_3258, %dma_wait3A_3259] : memref<3125x128xi32, #tpu.memory_space<hbm>> -> memref<3125x128xi32, #tpu.memory_space<hbm>>
    tpu.wait_indirect_dma semaphore(%arg14 : memref<!tpu.dma_semaphore, #tpu.memory_space<semaphore_mem>>) src(%dma_wait3A_3260 : memref<3125x128xi32, #tpu.memory_space<hbm>>) dst(%arg10 : memref<48x128xi32, #tpu.memory_space<vmem>>)
    %dma_wait3A_3261 = arith.constant 0 : i32
    %dma_wait3A_3262 = arith.constant 0 : i32
    %dma_wait3A_3263 = tpu.memref_slice %arg3[%dma_wait3A_3261, %dma_wait3A_3262] : memref<782x128xf32, #tpu.memory_space<hbm>> -> memref<782x128xf32, #tpu.memory_space<hbm>>
    tpu.wait_indirect_dma semaphore(%arg15 : memref<!tpu.dma_semaphore, #tpu.memory_space<semaphore_mem>>) src(%dma_wait3A_3263 : memref<782x128xf32, #tpu.memory_space<hbm>>) dst(%arg11 : memref<48x128xf32, #tpu.memory_space<vmem>>)
    %shift_right_logical3A_3264 = arith.constant 2 : i32
    %shift_right_logical3A_3265 = vector.broadcast %shift_right_logical3A_3264 : i32 to vector<16xi32>
    %shift_right_logical3A_3266 = arith.shrui %iota3A, %shift_right_logical3A_3265 : vector<16xi32>
    %add3A_3267 = arith.constant 0 : i32
    %add3A_3268 = vector.broadcast %add3A_3267 : i32 to vector<16xi32>
    %add3A_3269 = arith.addi %add3A_3268, %shift_right_logical3A_3266 : vector<16xi32>
    %gather3A_3270 = tpu.vector_load_idx %arg7[%add3A_3269] : memref<48xi32, #tpu.memory_space<vmem>>[vector<16xi32>], vector<16xi32>,
    %and3A_3271 = arith.constant 31 : i32
    %and3A_3272 = vector.broadcast %and3A_3271 : i32 to vector<16xi32>
    %and3A_3273 = arith.andi %gather3A_3270, %and3A_3272 : vector<16xi32>
    %shift_left3A_3274 = arith.constant 2 : i32
    %shift_left3A_3275 = vector.broadcast %shift_left3A_3274 : i32 to vector<16xi32>
    %shift_left3A_3276 = arith.shli %and3A_3273, %shift_left3A_3275 : vector<16xi32>
    %and3A_3277 = arith.constant 3 : i32
    %and3A_3278 = vector.broadcast %and3A_3277 : i32 to vector<16xi32>
    %and3A_3279 = arith.andi %iota3A, %and3A_3278 : vector<16xi32>
    %or3A_3280 = arith.ori %shift_left3A_3276, %and3A_3279 : vector<16xi32>
    %gather3A_3281 = tpu.vector_load_idx %arg10[%add3A_3269, %or3A_3280] : memref<48x128xi32, #tpu.memory_space<vmem>>[vector<16xi32>, vector<16xi32>], vector<16xi32>,
    %swap3A_3282 = arith.constant 0 : index
    %swap3A_3283 = tpu.vector_load %arg12[%swap3A_3282] {strides = array<i32>} : memref<192xi32, #tpu.memory_space<vmem>>, vector<16xi32>,
    tpu.vector_store %arg12[%swap3A_3282], %gather3A_3281 {strides = array<i32>} : memref<192xi32, #tpu.memory_space<vmem>>, vector<16xi32>,
    %shift_right_logical3A_3284 = arith.constant 2 : i32
    %shift_right_logical3A_3285 = vector.broadcast %shift_right_logical3A_3284 : i32 to vector<16xi32>
    %shift_right_logical3A_3286 = arith.shrui %iota3A, %shift_right_logical3A_3285 : vector<16xi32>
    %add3A_3287 = arith.constant 4 : i32
    %add3A_3288 = vector.broadcast %add3A_3287 : i32 to vector<16xi32>
    %add3A_3289 = arith.addi %add3A_3288, %shift_right_logical3A_3286 : vector<16xi32>
    %gather3A_3290 = tpu.vector_load_idx %arg7[%add3A_3289] : memref<48xi32, #tpu.memory_space<vmem>>[vector<16xi32>], vector<16xi32>,
    %and3A_3291 = arith.constant 31 : i32
    %and3A_3292 = vector.broadcast %and3A_3291 : i32 to vector<16xi32>
    %and3A_3293 = arith.andi %gather3A_3290, %and3A_3292 : vector<16xi32>
    %shift_left3A_3294 = arith.constant 2 : i32
    %shift_left3A_3295 = vector.broadcast %shift_left3A_3294 : i32 to vector<16xi32>
    %shift_left3A_3296 = arith.shli %and3A_3293, %shift_left3A_3295 : vector<16xi32>
    %and3A_3297 = arith.constant 3 : i32
    %and3A_3298 = vector.broadcast %and3A_3297 : i32 to vector<16xi32>
    %and3A_3299 = arith.andi %iota3A, %and3A_3298 : vector<16xi32>
    %or3A_3300 = arith.ori %shift_left3A_3296, %and3A_3299 : vector<16xi32>
    %gather3A_3301 = tpu.vector_load_idx %arg10[%add3A_3289, %or3A_3300] : memref<48x128xi32, #tpu.memory_space<vmem>>[vector<16xi32>, vector<16xi32>], vector<16xi32>,
    %swap3A_3302 = arith.constant 16 : index
    %swap3A_3303 = tpu.vector_load %arg12[%swap3A_3302] {strides = array<i32>} : memref<192xi32, #tpu.memory_space<vmem>>, vector<16xi32>,
    tpu.vector_store %arg12[%swap3A_3302], %gather3A_3301 {strides = array<i32>} : memref<192xi32, #tpu.memory_space<vmem>>, vector<16xi32>,
    %shift_right_logical3A_3304 = arith.constant 2 : i32
    %shift_right_logical3A_3305 = vector.broadcast %shift_right_logical3A_3304 : i32 to vector<16xi32>
    %shift_right_logical3A_3306 = arith.shrui %iota3A, %shift_right_logical3A_3305 : vector<16xi32>
    %add3A_3307 = arith.constant 8 : i32
    %add3A_3308 = vector.broadcast %add3A_3307 : i32 to vector<16xi32>
    %add3A_3309 = arith.addi %add3A_3308, %shift_right_logical3A_3306 : vector<16xi32>
    %gather3A_3310 = tpu.vector_load_idx %arg7[%add3A_3309] : memref<48xi32, #tpu.memory_space<vmem>>[vector<16xi32>], vector<16xi32>,
    %and3A_3311 = arith.constant 31 : i32
    %and3A_3312 = vector.broadcast %and3A_3311 : i32 to vector<16xi32>
    %and3A_3313 = arith.andi %gather3A_3310, %and3A_3312 : vector<16xi32>
    %shift_left3A_3314 = arith.constant 2 : i32
    %shift_left3A_3315 = vector.broadcast %shift_left3A_3314 : i32 to vector<16xi32>
    %shift_left3A_3316 = arith.shli %and3A_3313, %shift_left3A_3315 : vector<16xi32>
    %and3A_3317 = arith.constant 3 : i32
    %and3A_3318 = vector.broadcast %and3A_3317 : i32 to vector<16xi32>
    %and3A_3319 = arith.andi %iota3A, %and3A_3318 : vector<16xi32>
    %or3A_3320 = arith.ori %shift_left3A_3316, %and3A_3319 : vector<16xi32>
    %gather3A_3321 = tpu.vector_load_idx %arg10[%add3A_3309, %or3A_3320] : memref<48x128xi32, #tpu.memory_space<vmem>>[vector<16xi32>, vector<16xi32>], vector<16xi32>,
    %swap3A_3322 = arith.constant 32 : index
    %swap3A_3323 = tpu.vector_load %arg12[%swap3A_3322] {strides = array<i32>} : memref<192xi32, #tpu.memory_space<vmem>>, vector<16xi32>,
    tpu.vector_store %arg12[%swap3A_3322], %gather3A_3321 {strides = array<i32>} : memref<192xi32, #tpu.memory_space<vmem>>, vector<16xi32>,
    %shift_right_logical3A_3324 = arith.constant 2 : i32
    %shift_right_logical3A_3325 = vector.broadcast %shift_right_logical3A_3324 : i32 to vector<16xi32>
    %shift_right_logical3A_3326 = arith.shrui %iota3A, %shift_right_logical3A_3325 : vector<16xi32>
    %add3A_3327 = arith.constant 12 : i32
    %add3A_3328 = vector.broadcast %add3A_3327 : i32 to vector<16xi32>
    %add3A_3329 = arith.addi %add3A_3328, %shift_right_logical3A_3326 : vector<16xi32>
    %gather3A_3330 = tpu.vector_load_idx %arg7[%add3A_3329] : memref<48xi32, #tpu.memory_space<vmem>>[vector<16xi32>], vector<16xi32>,
    %and3A_3331 = arith.constant 31 : i32
    %and3A_3332 = vector.broadcast %and3A_3331 : i32 to vector<16xi32>
    %and3A_3333 = arith.andi %gather3A_3330, %and3A_3332 : vector<16xi32>
    %shift_left3A_3334 = arith.constant 2 : i32
    %shift_left3A_3335 = vector.broadcast %shift_left3A_3334 : i32 to vector<16xi32>
    %shift_left3A_3336 = arith.shli %and3A_3333, %shift_left3A_3335 : vector<16xi32>
    %and3A_3337 = arith.constant 3 : i32
    %and3A_3338 = vector.broadcast %and3A_3337 : i32 to vector<16xi32>
    %and3A_3339 = arith.andi %iota3A, %and3A_3338 : vector<16xi32>
    %or3A_3340 = arith.ori %shift_left3A_3336, %and3A_3339 : vector<16xi32>
    %gather3A_3341 = tpu.vector_load_idx %arg10[%add3A_3329, %or3A_3340] : memref<48x128xi32, #tpu.memory_space<vmem>>[vector<16xi32>, vector<16xi32>], vector<16xi32>,
    %swap3A_3342 = arith.constant 48 : index
    %swap3A_3343 = tpu.vector_load %arg12[%swap3A_3342] {strides = array<i32>} : memref<192xi32, #tpu.memory_space<vmem>>, vector<16xi32>,
    tpu.vector_store %arg12[%swap3A_3342], %gather3A_3341 {strides = array<i32>} : memref<192xi32, #tpu.memory_space<vmem>>, vector<16xi32>,
    %shift_right_logical3A_3344 = arith.constant 2 : i32
    %shift_right_logical3A_3345 = vector.broadcast %shift_right_logical3A_3344 : i32 to vector<16xi32>
    %shift_right_logical3A_3346 = arith.shrui %iota3A, %shift_right_logical3A_3345 : vector<16xi32>
    %add3A_3347 = arith.constant 16 : i32
    %add3A_3348 = vector.broadcast %add3A_3347 : i32 to vector<16xi32>
    %add3A_3349 = arith.addi %add3A_3348, %shift_right_logical3A_3346 : vector<16xi32>
    %gather3A_3350 = tpu.vector_load_idx %arg7[%add3A_3349] : memref<48xi32, #tpu.memory_space<vmem>>[vector<16xi32>], vector<16xi32>,
    %and3A_3351 = arith.constant 31 : i32
    %and3A_3352 = vector.broadcast %and3A_3351 : i32 to vector<16xi32>
    %and3A_3353 = arith.andi %gather3A_3350, %and3A_3352 : vector<16xi32>
    %shift_left3A_3354 = arith.constant 2 : i32
    %shift_left3A_3355 = vector.broadcast %shift_left3A_3354 : i32 to vector<16xi32>
    %shift_left3A_3356 = arith.shli %and3A_3353, %shift_left3A_3355 : vector<16xi32>
    %and3A_3357 = arith.constant 3 : i32
    %and3A_3358 = vector.broadcast %and3A_3357 : i32 to vector<16xi32>
    %and3A_3359 = arith.andi %iota3A, %and3A_3358 : vector<16xi32>
    %or3A_3360 = arith.ori %shift_left3A_3356, %and3A_3359 : vector<16xi32>
    %gather3A_3361 = tpu.vector_load_idx %arg10[%add3A_3349, %or3A_3360] : memref<48x128xi32, #tpu.memory_space<vmem>>[vector<16xi32>, vector<16xi32>], vector<16xi32>,
    %swap3A_3362 = arith.constant 64 : index
    %swap3A_3363 = tpu.vector_load %arg12[%swap3A_3362] {strides = array<i32>} : memref<192xi32, #tpu.memory_space<vmem>>, vector<16xi32>,
    tpu.vector_store %arg12[%swap3A_3362], %gather3A_3361 {strides = array<i32>} : memref<192xi32, #tpu.memory_space<vmem>>, vector<16xi32>,
    %shift_right_logical3A_3364 = arith.constant 2 : i32
    %shift_right_logical3A_3365 = vector.broadcast %shift_right_logical3A_3364 : i32 to vector<16xi32>
    %shift_right_logical3A_3366 = arith.shrui %iota3A, %shift_right_logical3A_3365 : vector<16xi32>
    %add3A_3367 = arith.constant 20 : i32
    %add3A_3368 = vector.broadcast %add3A_3367 : i32 to vector<16xi32>
    %add3A_3369 = arith.addi %add3A_3368, %shift_right_logical3A_3366 : vector<16xi32>
    %gather3A_3370 = tpu.vector_load_idx %arg7[%add3A_3369] : memref<48xi32, #tpu.memory_space<vmem>>[vector<16xi32>], vector<16xi32>,
    %and3A_3371 = arith.constant 31 : i32
    %and3A_3372 = vector.broadcast %and3A_3371 : i32 to vector<16xi32>
    %and3A_3373 = arith.andi %gather3A_3370, %and3A_3372 : vector<16xi32>
    %shift_left3A_3374 = arith.constant 2 : i32
    %shift_left3A_3375 = vector.broadcast %shift_left3A_3374 : i32 to vector<16xi32>
    %shift_left3A_3376 = arith.shli %and3A_3373, %shift_left3A_3375 : vector<16xi32>
    %and3A_3377 = arith.constant 3 : i32
    %and3A_3378 = vector.broadcast %and3A_3377 : i32 to vector<16xi32>
    %and3A_3379 = arith.andi %iota3A, %and3A_3378 : vector<16xi32>
    %or3A_3380 = arith.ori %shift_left3A_3376, %and3A_3379 : vector<16xi32>
    %gather3A_3381 = tpu.vector_load_idx %arg10[%add3A_3369, %or3A_3380] : memref<48x128xi32, #tpu.memory_space<vmem>>[vector<16xi32>, vector<16xi32>], vector<16xi32>,
    %swap3A_3382 = arith.constant 80 : index
    %swap3A_3383 = tpu.vector_load %arg12[%swap3A_3382] {strides = array<i32>} : memref<192xi32, #tpu.memory_space<vmem>>, vector<16xi32>,
    tpu.vector_store %arg12[%swap3A_3382], %gather3A_3381 {strides = array<i32>} : memref<192xi32, #tpu.memory_space<vmem>>, vector<16xi32>,
    %shift_right_logical3A_3384 = arith.constant 2 : i32
    %shift_right_logical3A_3385 = vector.broadcast %shift_right_logical3A_3384 : i32 to vector<16xi32>
    %shift_right_logical3A_3386 = arith.shrui %iota3A, %shift_right_logical3A_3385 : vector<16xi32>
    %add3A_3387 = arith.constant 24 : i32
    %add3A_3388 = vector.broadcast %add3A_3387 : i32 to vector<16xi32>
    %add3A_3389 = arith.addi %add3A_3388, %shift_right_logical3A_3386 : vector<16xi32>
    %gather3A_3390 = tpu.vector_load_idx %arg7[%add3A_3389] : memref<48xi32, #tpu.memory_space<vmem>>[vector<16xi32>], vector<16xi32>,
    %and3A_3391 = arith.constant 31 : i32
    %and3A_3392 = vector.broadcast %and3A_3391 : i32 to vector<16xi32>
    %and3A_3393 = arith.andi %gather3A_3390, %and3A_3392 : vector<16xi32>
    %shift_left3A_3394 = arith.constant 2 : i32
    %shift_left3A_3395 = vector.broadcast %shift_left3A_3394 : i32 to vector<16xi32>
    %shift_left3A_3396 = arith.shli %and3A_3393, %shift_left3A_3395 : vector<16xi32>
    %and3A_3397 = arith.constant 3 : i32
    %and3A_3398 = vector.broadcast %and3A_3397 : i32 to vector<16xi32>
    %and3A_3399 = arith.andi %iota3A, %and3A_3398 : vector<16xi32>
    %or3A_3400 = arith.ori %shift_left3A_3396, %and3A_3399 : vector<16xi32>
    %gather3A_3401 = tpu.vector_load_idx %arg10[%add3A_3389, %or3A_3400] : memref<48x128xi32, #tpu.memory_space<vmem>>[vector<16xi32>, vector<16xi32>], vector<16xi32>,
    %swap3A_3402 = arith.constant 96 : index
    %swap3A_3403 = tpu.vector_load %arg12[%swap3A_3402] {strides = array<i32>} : memref<192xi32, #tpu.memory_space<vmem>>, vector<16xi32>,
    tpu.vector_store %arg12[%swap3A_3402], %gather3A_3401 {strides = array<i32>} : memref<192xi32, #tpu.memory_space<vmem>>, vector<16xi32>,
    %shift_right_logical3A_3404 = arith.constant 2 : i32
    %shift_right_logical3A_3405 = vector.broadcast %shift_right_logical3A_3404 : i32 to vector<16xi32>
    %shift_right_logical3A_3406 = arith.shrui %iota3A, %shift_right_logical3A_3405 : vector<16xi32>
    %add3A_3407 = arith.constant 28 : i32
    %add3A_3408 = vector.broadcast %add3A_3407 : i32 to vector<16xi32>
    %add3A_3409 = arith.addi %add3A_3408, %shift_right_logical3A_3406 : vector<16xi32>
    %gather3A_3410 = tpu.vector_load_idx %arg7[%add3A_3409] : memref<48xi32, #tpu.memory_space<vmem>>[vector<16xi32>], vector<16xi32>,
    %and3A_3411 = arith.constant 31 : i32
    %and3A_3412 = vector.broadcast %and3A_3411 : i32 to vector<16xi32>
    %and3A_3413 = arith.andi %gather3A_3410, %and3A_3412 : vector<16xi32>
    %shift_left3A_3414 = arith.constant 2 : i32
    %shift_left3A_3415 = vector.broadcast %shift_left3A_3414 : i32 to vector<16xi32>
    %shift_left3A_3416 = arith.shli %and3A_3413, %shift_left3A_3415 : vector<16xi32>
    %and3A_3417 = arith.constant 3 : i32
    %and3A_3418 = vector.broadcast %and3A_3417 : i32 to vector<16xi32>
    %and3A_3419 = arith.andi %iota3A, %and3A_3418 : vector<16xi32>
    %or3A_3420 = arith.ori %shift_left3A_3416, %and3A_3419 : vector<16xi32>
    %gather3A_3421 = tpu.vector_load_idx %arg10[%add3A_3409, %or3A_3420] : memref<48x128xi32, #tpu.memory_space<vmem>>[vector<16xi32>, vector<16xi32>], vector<16xi32>,
    %swap3A_3422 = arith.constant 112 : index
    %swap3A_3423 = tpu.vector_load %arg12[%swap3A_3422] {strides = array<i32>} : memref<192xi32, #tpu.memory_space<vmem>>, vector<16xi32>,
    tpu.vector_store %arg12[%swap3A_3422], %gather3A_3421 {strides = array<i32>} : memref<192xi32, #tpu.memory_space<vmem>>, vector<16xi32>,
    %shift_right_logical3A_3424 = arith.constant 2 : i32
    %shift_right_logical3A_3425 = vector.broadcast %shift_right_logical3A_3424 : i32 to vector<16xi32>
    %shift_right_logical3A_3426 = arith.shrui %iota3A, %shift_right_logical3A_3425 : vector<16xi32>
    %add3A_3427 = arith.constant 32 : i32
    %add3A_3428 = vector.broadcast %add3A_3427 : i32 to vector<16xi32>
    %add3A_3429 = arith.addi %add3A_3428, %shift_right_logical3A_3426 : vector<16xi32>
    %gather3A_3430 = tpu.vector_load_idx %arg7[%add3A_3429] : memref<48xi32, #tpu.memory_space<vmem>>[vector<16xi32>], vector<16xi32>,
    %and3A_3431 = arith.constant 31 : i32
    %and3A_3432 = vector.broadcast %and3A_3431 : i32 to vector<16xi32>
    %and3A_3433 = arith.andi %gather3A_3430, %and3A_3432 : vector<16xi32>
    %shift_left3A_3434 = arith.constant 2 : i32
    %shift_left3A_3435 = vector.broadcast %shift_left3A_3434 : i32 to vector<16xi32>
    %shift_left3A_3436 = arith.shli %and3A_3433, %shift_left3A_3435 : vector<16xi32>
    %and3A_3437 = arith.constant 3 : i32
    %and3A_3438 = vector.broadcast %and3A_3437 : i32 to vector<16xi32>
    %and3A_3439 = arith.andi %iota3A, %and3A_3438 : vector<16xi32>
    %or3A_3440 = arith.ori %shift_left3A_3436, %and3A_3439 : vector<16xi32>
    %gather3A_3441 = tpu.vector_load_idx %arg10[%add3A_3429, %or3A_3440] : memref<48x128xi32, #tpu.memory_space<vmem>>[vector<16xi32>, vector<16xi32>], vector<16xi32>,
    %swap3A_3442 = arith.constant 128 : index
    %swap3A_3443 = tpu.vector_load %arg12[%swap3A_3442] {strides = array<i32>} : memref<192xi32, #tpu.memory_space<vmem>>, vector<16xi32>,
    tpu.vector_store %arg12[%swap3A_3442], %gather3A_3441 {strides = array<i32>} : memref<192xi32, #tpu.memory_space<vmem>>, vector<16xi32>,
    %shift_right_logical3A_3444 = arith.constant 2 : i32
    %shift_right_logical3A_3445 = vector.broadcast %shift_right_logical3A_3444 : i32 to vector<16xi32>
    %shift_right_logical3A_3446 = arith.shrui %iota3A, %shift_right_logical3A_3445 : vector<16xi32>
    %add3A_3447 = arith.constant 36 : i32
    %add3A_3448 = vector.broadcast %add3A_3447 : i32 to vector<16xi32>
    %add3A_3449 = arith.addi %add3A_3448, %shift_right_logical3A_3446 : vector<16xi32>
    %gather3A_3450 = tpu.vector_load_idx %arg7[%add3A_3449] : memref<48xi32, #tpu.memory_space<vmem>>[vector<16xi32>], vector<16xi32>,
    %and3A_3451 = arith.constant 31 : i32
    %and3A_3452 = vector.broadcast %and3A_3451 : i32 to vector<16xi32>
    %and3A_3453 = arith.andi %gather3A_3450, %and3A_3452 : vector<16xi32>
    %shift_left3A_3454 = arith.constant 2 : i32
    %shift_left3A_3455 = vector.broadcast %shift_left3A_3454 : i32 to vector<16xi32>
    %shift_left3A_3456 = arith.shli %and3A_3453, %shift_left3A_3455 : vector<16xi32>
    %and3A_3457 = arith.constant 3 : i32
    %and3A_3458 = vector.broadcast %and3A_3457 : i32 to vector<16xi32>
    %and3A_3459 = arith.andi %iota3A, %and3A_3458 : vector<16xi32>
    %or3A_3460 = arith.ori %shift_left3A_3456, %and3A_3459 : vector<16xi32>
    %gather3A_3461 = tpu.vector_load_idx %arg10[%add3A_3449, %or3A_3460] : memref<48x128xi32, #tpu.memory_space<vmem>>[vector<16xi32>, vector<16xi32>], vector<16xi32>,
    %swap3A_3462 = arith.constant 144 : index
    %swap3A_3463 = tpu.vector_load %arg12[%swap3A_3462] {strides = array<i32>} : memref<192xi32, #tpu.memory_space<vmem>>, vector<16xi32>,
    tpu.vector_store %arg12[%swap3A_3462], %gather3A_3461 {strides = array<i32>} : memref<192xi32, #tpu.memory_space<vmem>>, vector<16xi32>,
    %shift_right_logical3A_3464 = arith.constant 2 : i32
    %shift_right_logical3A_3465 = vector.broadcast %shift_right_logical3A_3464 : i32 to vector<16xi32>
    %shift_right_logical3A_3466 = arith.shrui %iota3A, %shift_right_logical3A_3465 : vector<16xi32>
    %add3A_3467 = arith.constant 40 : i32
    %add3A_3468 = vector.broadcast %add3A_3467 : i32 to vector<16xi32>
    %add3A_3469 = arith.addi %add3A_3468, %shift_right_logical3A_3466 : vector<16xi32>
    %gather3A_3470 = tpu.vector_load_idx %arg7[%add3A_3469] : memref<48xi32, #tpu.memory_space<vmem>>[vector<16xi32>], vector<16xi32>,
    %and3A_3471 = arith.constant 31 : i32
    %and3A_3472 = vector.broadcast %and3A_3471 : i32 to vector<16xi32>
    %and3A_3473 = arith.andi %gather3A_3470, %and3A_3472 : vector<16xi32>
    %shift_left3A_3474 = arith.constant 2 : i32
    %shift_left3A_3475 = vector.broadcast %shift_left3A_3474 : i32 to vector<16xi32>
    %shift_left3A_3476 = arith.shli %and3A_3473, %shift_left3A_3475 : vector<16xi32>
    %and3A_3477 = arith.constant 3 : i32
    %and3A_3478 = vector.broadcast %and3A_3477 : i32 to vector<16xi32>
    %and3A_3479 = arith.andi %iota3A, %and3A_3478 : vector<16xi32>
    %or3A_3480 = arith.ori %shift_left3A_3476, %and3A_3479 : vector<16xi32>
    %gather3A_3481 = tpu.vector_load_idx %arg10[%add3A_3469, %or3A_3480] : memref<48x128xi32, #tpu.memory_space<vmem>>[vector<16xi32>, vector<16xi32>], vector<16xi32>,
    %swap3A_3482 = arith.constant 160 : index
    %swap3A_3483 = tpu.vector_load %arg12[%swap3A_3482] {strides = array<i32>} : memref<192xi32, #tpu.memory_space<vmem>>, vector<16xi32>,
    tpu.vector_store %arg12[%swap3A_3482], %gather3A_3481 {strides = array<i32>} : memref<192xi32, #tpu.memory_space<vmem>>, vector<16xi32>,
    %shift_right_logical3A_3484 = arith.constant 2 : i32
    %shift_right_logical3A_3485 = vector.broadcast %shift_right_logical3A_3484 : i32 to vector<16xi32>
    %shift_right_logical3A_3486 = arith.shrui %iota3A, %shift_right_logical3A_3485 : vector<16xi32>
    %add3A_3487 = arith.constant 44 : i32
    %add3A_3488 = vector.broadcast %add3A_3487 : i32 to vector<16xi32>
    %add3A_3489 = arith.addi %add3A_3488, %shift_right_logical3A_3486 : vector<16xi32>
    %gather3A_3490 = tpu.vector_load_idx %arg7[%add3A_3489] : memref<48xi32, #tpu.memory_space<vmem>>[vector<16xi32>], vector<16xi32>,
    %and3A_3491 = arith.constant 31 : i32
    %and3A_3492 = vector.broadcast %and3A_3491 : i32 to vector<16xi32>
    %and3A_3493 = arith.andi %gather3A_3490, %and3A_3492 : vector<16xi32>
    %shift_left3A_3494 = arith.constant 2 : i32
    %shift_left3A_3495 = vector.broadcast %shift_left3A_3494 : i32 to vector<16xi32>
    %shift_left3A_3496 = arith.shli %and3A_3493, %shift_left3A_3495 : vector<16xi32>
    %and3A_3497 = arith.constant 3 : i32
    %and3A_3498 = vector.broadcast %and3A_3497 : i32 to vector<16xi32>
    %and3A_3499 = arith.andi %iota3A, %and3A_3498 : vector<16xi32>
    %or3A_3500 = arith.ori %shift_left3A_3496, %and3A_3499 : vector<16xi32>
    %gather3A_3501 = tpu.vector_load_idx %arg10[%add3A_3489, %or3A_3500] : memref<48x128xi32, #tpu.memory_space<vmem>>[vector<16xi32>, vector<16xi32>], vector<16xi32>,
    %swap3A_3502 = arith.constant 176 : index
    %swap3A_3503 = tpu.vector_load %arg12[%swap3A_3502] {strides = array<i32>} : memref<192xi32, #tpu.memory_space<vmem>>, vector<16xi32>,
    tpu.vector_store %arg12[%swap3A_3502], %gather3A_3501 {strides = array<i32>} : memref<192xi32, #tpu.memory_space<vmem>>, vector<16xi32>,
    %add3A_3504 = arith.constant 0 : i32
    %add3A_3505 = vector.broadcast %add3A_3504 : i32 to vector<16xi32>
    %add3A_3506 = arith.addi %add3A_3505, %iota3A : vector<16xi32>
    %gather3A_3507 = tpu.vector_load_idx %arg7[%add3A_3506] : memref<48xi32, #tpu.memory_space<vmem>>[vector<16xi32>], vector<16xi32>,
    %and3A_3508 = arith.constant 127 : i32
    %and3A_3509 = vector.broadcast %and3A_3508 : i32 to vector<16xi32>
    %and3A_3510 = arith.andi %gather3A_3507, %and3A_3509 : vector<16xi32>
    %gather3A_3511 = tpu.vector_load_idx %arg11[%add3A_3506, %and3A_3510] : memref<48x128xf32, #tpu.memory_space<vmem>>[vector<16xi32>, vector<16xi32>], vector<16xf32>,
    %swap3A_3512 = arith.constant 0 : index
    %swap3A_3513 = tpu.vector_load %arg13[%swap3A_3512] {strides = array<i32>} : memref<48xf32, #tpu.memory_space<vmem>>, vector<16xf32>,
    tpu.vector_store %arg13[%swap3A_3512], %gather3A_3511 {strides = array<i32>} : memref<48xf32, #tpu.memory_space<vmem>>, vector<16xf32>,
    %add3A_3514 = arith.constant 16 : i32
    %add3A_3515 = vector.broadcast %add3A_3514 : i32 to vector<16xi32>
    %add3A_3516 = arith.addi %add3A_3515, %iota3A : vector<16xi32>
    %gather3A_3517 = tpu.vector_load_idx %arg7[%add3A_3516] : memref<48xi32, #tpu.memory_space<vmem>>[vector<16xi32>], vector<16xi32>,
    %and3A_3518 = arith.constant 127 : i32
    %and3A_3519 = vector.broadcast %and3A_3518 : i32 to vector<16xi32>
    %and3A_3520 = arith.andi %gather3A_3517, %and3A_3519 : vector<16xi32>
    %gather3A_3521 = tpu.vector_load_idx %arg11[%add3A_3516, %and3A_3520] : memref<48x128xf32, #tpu.memory_space<vmem>>[vector<16xi32>, vector<16xi32>], vector<16xf32>,
    %swap3A_3522 = arith.constant 16 : index
    %swap3A_3523 = tpu.vector_load %arg13[%swap3A_3522] {strides = array<i32>} : memref<48xf32, #tpu.memory_space<vmem>>, vector<16xf32>,
    tpu.vector_store %arg13[%swap3A_3522], %gather3A_3521 {strides = array<i32>} : memref<48xf32, #tpu.memory_space<vmem>>, vector<16xf32>,
    %add3A_3524 = arith.constant 32 : i32
    %add3A_3525 = vector.broadcast %add3A_3524 : i32 to vector<16xi32>
    %add3A_3526 = arith.addi %add3A_3525, %iota3A : vector<16xi32>
    %gather3A_3527 = tpu.vector_load_idx %arg7[%add3A_3526] : memref<48xi32, #tpu.memory_space<vmem>>[vector<16xi32>], vector<16xi32>,
    %and3A_3528 = arith.constant 127 : i32
    %and3A_3529 = vector.broadcast %and3A_3528 : i32 to vector<16xi32>
    %and3A_3530 = arith.andi %gather3A_3527, %and3A_3529 : vector<16xi32>
    %gather3A_3531 = tpu.vector_load_idx %arg11[%add3A_3526, %and3A_3530] : memref<48x128xf32, #tpu.memory_space<vmem>>[vector<16xi32>, vector<16xi32>], vector<16xf32>,
    %swap3A_3532 = arith.constant 32 : index
    %swap3A_3533 = tpu.vector_load %arg13[%swap3A_3532] {strides = array<i32>} : memref<48xf32, #tpu.memory_space<vmem>>, vector<16xf32>,
    tpu.vector_store %arg13[%swap3A_3532], %gather3A_3531 {strides = array<i32>} : memref<48xf32, #tpu.memory_space<vmem>>, vector<16xf32>,
    %mul3A_3534 = arith.constant 4 : i32
    %mul3A_3535 = arith.muli %add3A_3215, %mul3A_3534 : i32
    "tpu.region"() ({
      %run_scoped3A = tpu.sem_alloc : memref<!tpu.dma_semaphore, #tpu.memory_space<semaphore_mem>>
      %dma_start3A_3536 = tpu.memref_slice %arg5[%mul3A_3535] : memref<67584xi32, #tpu.memory_space<hbm>> -> memref<192xi32, #tpu.memory_space<hbm>>
      %dma_start3A_3537 = tpu.memref_slice %arg5[%mul3A_3535] : memref<67584xi32, #tpu.memory_space<hbm>> -> memref<192xi32, #tpu.memory_space<hbm>>
      tpu.enqueue_dma source(%arg12 : memref<192xi32, #tpu.memory_space<vmem>>) target(%dma_start3A_3537 : memref<192xi32, #tpu.memory_space<hbm>>) target_semaphore(%run_scoped3A : memref<!tpu.dma_semaphore, #tpu.memory_space<semaphore_mem>>)
      %dma_wait3A_3538 = tpu.memref_slice %arg5[%mul3A_3535] : memref<67584xi32, #tpu.memory_space<hbm>> -> memref<192xi32, #tpu.memory_space<hbm>>
      %dma_wait3A_3539 = tpu.memref_slice %arg5[%mul3A_3535] : memref<67584xi32, #tpu.memory_space<hbm>> -> memref<192xi32, #tpu.memory_space<hbm>>
      tpu.wait_dma2 semaphore(%run_scoped3A : memref<!tpu.dma_semaphore, #tpu.memory_space<semaphore_mem>>) src(%arg12 : memref<192xi32, #tpu.memory_space<vmem>>) dst(%dma_wait3A_3539 : memref<192xi32, #tpu.memory_space<hbm>>)
      tpu.yield
    }) : () -> ()
    "tpu.region"() ({
      %run_scoped3A = tpu.sem_alloc : memref<!tpu.dma_semaphore, #tpu.memory_space<semaphore_mem>>
      %dma_start3A_3536 = tpu.memref_slice %arg6[%add3A_3215] : memref<16896xf32, #tpu.memory_space<hbm>> -> memref<48xf32, #tpu.memory_space<hbm>>
      %dma_start3A_3537 = tpu.memref_slice %arg6[%add3A_3215] : memref<16896xf32, #tpu.memory_space<hbm>> -> memref<48xf32, #tpu.memory_space<hbm>>
      tpu.enqueue_dma source(%arg13 : memref<48xf32, #tpu.memory_space<vmem>>) target(%dma_start3A_3537 : memref<48xf32, #tpu.memory_space<hbm>>) target_semaphore(%run_scoped3A : memref<!tpu.dma_semaphore, #tpu.memory_space<semaphore_mem>>)
      %dma_wait3A_3538 = tpu.memref_slice %arg6[%add3A_3215] : memref<16896xf32, #tpu.memory_space<hbm>> -> memref<48xf32, #tpu.memory_space<hbm>>
      %dma_wait3A_3539 = tpu.memref_slice %arg6[%add3A_3215] : memref<16896xf32, #tpu.memory_space<hbm>> -> memref<48xf32, #tpu.memory_space<hbm>>
      tpu.wait_dma2 semaphore(%run_scoped3A : memref<!tpu.dma_semaphore, #tpu.memory_space<semaphore_mem>>) src(%arg13 : memref<48xf32, #tpu.memory_space<vmem>>) dst(%dma_wait3A_3539 : memref<48xf32, #tpu.memory_space<hbm>>)
      tpu.yield
    }) : () -> ()
    return
  }
}

module attributes {stable_mosaic.version = 14 : i64} {
  func.func @_tc_body(%arg0: memref<1x2048xi32, #tpu.memory_space<vmem>>, %arg1: memref<16x2048xi32, #tpu.memory_space<vmem>>, %arg2: memref<16x2048xi32, #tpu.memory_space<vmem>>, %arg3: memref<1x2048xf32, #tpu.memory_space<vmem>>, %arg4: memref<16x2048xf32, #tpu.memory_space<vmem>>, %arg5: memref<16x2048xf32, #tpu.memory_space<vmem>>, %arg6: memref<160x1x2048xi32, #tpu.memory_space<vmem>>, %arg7: memref<1x2048xi32, #tpu.memory_space<vmem>>, %arg8: memref<3xf32, #tpu.memory_space<smem>>) attributes {dimension_semantics = [], scalar_prefetch = 0 : i64, scratch_operands = 0 : i64, tpu.core_type = #tpu.core_type<tc>} {
    %get3A = arith.constant 0 : index
    %get3A_0 = arith.constant 0 : index
    %get3A_1 = vector.load %arg0[%get3A, %get3A_0] : memref<1x2048xi32, #tpu.memory_space<vmem>>, vector<1x2048xi32>
    %get3A_2 = arith.constant 0 : index
    %get3A_3 = arith.constant 0 : index
    %get3A_4 = vector.load %arg1[%get3A_2, %get3A_3] : memref<16x2048xi32, #tpu.memory_space<vmem>>, vector<16x2048xi32>
    %get3A_5 = arith.constant 0 : index
    %get3A_6 = arith.constant 0 : index
    %get3A_7 = vector.load %arg2[%get3A_5, %get3A_6] : memref<16x2048xi32, #tpu.memory_space<vmem>>, vector<16x2048xi32>
    %xor3A = vector.broadcast %get3A_1 : vector<1x2048xi32> to vector<16x2048xi32>
    %xor3A_8 = arith.xori %get3A_4, %xor3A : vector<16x2048xi32>
    %xor3A_9 = vector.broadcast %get3A_1 : vector<1x2048xi32> to vector<16x2048xi32>
    %xor3A_10 = arith.xori %get3A_7, %xor3A_9 : vector<16x2048xi32>
    %convert_element_type3A = arith.sitofp %xor3A_8 : vector<16x2048xi32> to vector<16x2048xf32>
    %bitcast_convert_type3A = tpu.bitcast %convert_element_type3A : vector<16x2048xf32> -> vector<16x2048xi32>
    %shift_right_logical3A = arith.constant 23 : i32
    %shift_right_logical3A_11 = vector.broadcast %shift_right_logical3A : i32 to vector<16x2048xi32>
    %shift_right_logical3A_12 = arith.shrui %bitcast_convert_type3A, %shift_right_logical3A_11 : vector<16x2048xi32>
    %sub3A = arith.constant 126 : i32
    %sub3A_13 = vector.broadcast %sub3A : i32 to vector<16x2048xi32>
    %sub3A_14 = arith.subi %shift_right_logical3A_12, %sub3A_13 : vector<16x2048xi32>
    %max3A = arith.constant 0 : i32
    %max3A_15 = vector.broadcast %max3A : i32 to vector<16x2048xi32>
    %max3A_16 = arith.maxsi %sub3A_14, %max3A_15 : vector<16x2048xi32>
    %convert_element_type3A_17 = arith.sitofp %xor3A_10 : vector<16x2048xi32> to vector<16x2048xf32>
    %bitcast_convert_type3A_18 = tpu.bitcast %convert_element_type3A_17 : vector<16x2048xf32> -> vector<16x2048xi32>
    %shift_right_logical3A_19 = arith.constant 23 : i32
    %shift_right_logical3A_20 = vector.broadcast %shift_right_logical3A_19 : i32 to vector<16x2048xi32>
    %shift_right_logical3A_21 = arith.shrui %bitcast_convert_type3A_18, %shift_right_logical3A_20 : vector<16x2048xi32>
    %sub3A_22 = arith.constant 126 : i32
    %sub3A_23 = vector.broadcast %sub3A_22 : i32 to vector<16x2048xi32>
    %sub3A_24 = arith.subi %shift_right_logical3A_21, %sub3A_23 : vector<16x2048xi32>
    %max3A_25 = arith.constant 0 : i32
    %max3A_26 = vector.broadcast %max3A_25 : i32 to vector<16x2048xi32>
    %max3A_27 = arith.maxsi %sub3A_24, %max3A_26 : vector<16x2048xi32>
    %slice3A = vector.extract_strided_slice %max3A_16 {offsets = [0, 0], sizes = [16, 512], strides = [1, 1]} : vector<16x2048xi32> to vector<16x512xi32>
    %slice3A_28 = vector.extract_strided_slice %max3A_16 {offsets = [0, 512], sizes = [16, 512], strides = [1, 1]} : vector<16x2048xi32> to vector<16x512xi32>
    %add3A = arith.addi %slice3A, %slice3A_28 : vector<16x512xi32>
    %slice3A_29 = vector.extract_strided_slice %max3A_16 {offsets = [0, 1024], sizes = [16, 512], strides = [1, 1]} : vector<16x2048xi32> to vector<16x512xi32>
    %add3A_30 = arith.addi %add3A, %slice3A_29 : vector<16x512xi32>
    %slice3A_31 = vector.extract_strided_slice %max3A_16 {offsets = [0, 1536], sizes = [16, 512], strides = [1, 1]} : vector<16x2048xi32> to vector<16x512xi32>
    %add3A_32 = arith.addi %add3A_30, %slice3A_31 : vector<16x512xi32>
    %concatenate3A = tpu.concatenate %add3A_32, %add3A_32, %add3A_32, %add3A_32 in 1 : vector<16x512xi32>, vector<16x512xi32>, vector<16x512xi32>, vector<16x512xi32> -> vector<16x2048xi32>
    %sub3A_33 = arith.subi %concatenate3A, %max3A_16 : vector<16x2048xi32>
    %slice3A_34 = vector.extract_strided_slice %max3A_27 {offsets = [0, 0], sizes = [16, 512], strides = [1, 1]} : vector<16x2048xi32> to vector<16x512xi32>
    %slice3A_35 = vector.extract_strided_slice %max3A_27 {offsets = [0, 512], sizes = [16, 512], strides = [1, 1]} : vector<16x2048xi32> to vector<16x512xi32>
    %add3A_36 = arith.addi %slice3A_34, %slice3A_35 : vector<16x512xi32>
    %slice3A_37 = vector.extract_strided_slice %max3A_27 {offsets = [0, 1024], sizes = [16, 512], strides = [1, 1]} : vector<16x2048xi32> to vector<16x512xi32>
    %add3A_38 = arith.addi %add3A_36, %slice3A_37 : vector<16x512xi32>
    %slice3A_39 = vector.extract_strided_slice %max3A_27 {offsets = [0, 1536], sizes = [16, 512], strides = [1, 1]} : vector<16x2048xi32> to vector<16x512xi32>
    %add3A_40 = arith.addi %add3A_38, %slice3A_39 : vector<16x512xi32>
    %concatenate3A_41 = tpu.concatenate %add3A_40, %add3A_40, %add3A_40, %add3A_40 in 1 : vector<16x512xi32>, vector<16x512xi32>, vector<16x512xi32>, vector<16x512xi32> -> vector<16x2048xi32>
    %sub3A_42 = arith.subi %concatenate3A_41, %max3A_27 : vector<16x2048xi32>
    %get3A_43 = arith.constant 0 : index
    %get3A_44 = arith.constant 0 : index
    %get3A_45 = vector.load %arg3[%get3A_43, %get3A_44] : memref<1x2048xf32, #tpu.memory_space<vmem>>, vector<1x2048xf32>
    %add3A_46 = arith.constant 1.000000e+00 : f32
    %add3A_47 = vector.broadcast %add3A_46 : f32 to vector<1x2048xf32>
    %add3A_48 = arith.addf %get3A_45, %add3A_47 : vector<1x2048xf32>
    %get3A_49 = arith.constant 0 : index
    %get3A_50 = arith.constant 0 : index
    %get3A_51 = vector.load %arg4[%get3A_49, %get3A_50] : memref<16x2048xf32, #tpu.memory_space<vmem>>, vector<16x2048xf32>
    %add3A_52 = arith.constant 1.000000e+00 : f32
    %add3A_53 = vector.broadcast %add3A_52 : f32 to vector<16x2048xf32>
    %add3A_54 = arith.addf %get3A_51, %add3A_53 : vector<16x2048xf32>
    %mul3A = vector.broadcast %add3A_48 : vector<1x2048xf32> to vector<16x2048xf32>
    %mul3A_55 = arith.mulf %mul3A, %add3A_54 : vector<16x2048xf32>
    %log3A = math.log %mul3A_55 : vector<16x2048xf32>
    %div3A = arith.constant 1.000000e+00 : f32
    %div3A_56 = vector.broadcast %div3A : f32 to vector<16x2048xf32>
    %div3A_57 = arith.divf %div3A_56, %log3A : vector<16x2048xf32>
    %get3A_58 = arith.constant 0 : index
    %get3A_59 = arith.constant 0 : index
    %get3A_60 = vector.load %arg3[%get3A_58, %get3A_59] : memref<1x2048xf32, #tpu.memory_space<vmem>>, vector<1x2048xf32>
    %add3A_61 = arith.constant 1.000000e+00 : f32
    %add3A_62 = vector.broadcast %add3A_61 : f32 to vector<1x2048xf32>
    %add3A_63 = arith.addf %get3A_60, %add3A_62 : vector<1x2048xf32>
    %get3A_64 = arith.constant 0 : index
    %get3A_65 = arith.constant 0 : index
    %get3A_66 = vector.load %arg5[%get3A_64, %get3A_65] : memref<16x2048xf32, #tpu.memory_space<vmem>>, vector<16x2048xf32>
    %add3A_67 = arith.constant 1.000000e+00 : f32
    %add3A_68 = vector.broadcast %add3A_67 : f32 to vector<16x2048xf32>
    %add3A_69 = arith.addf %get3A_66, %add3A_68 : vector<16x2048xf32>
    %mul3A_70 = vector.broadcast %add3A_63 : vector<1x2048xf32> to vector<16x2048xf32>
    %mul3A_71 = arith.mulf %mul3A_70, %add3A_69 : vector<16x2048xf32>
    %log3A_72 = math.log %mul3A_71 : vector<16x2048xf32>
    %div3A_73 = arith.constant 1.000000e+00 : f32
    %div3A_74 = vector.broadcast %div3A_73 : f32 to vector<16x2048xf32>
    %div3A_75 = arith.divf %div3A_74, %log3A_72 : vector<16x2048xf32>
    %broadcast_in_dim3A = arith.constant 0.000000e+00 : f32
    %broadcast_in_dim3A_76 = vector.broadcast %broadcast_in_dim3A : f32 to vector<1x2048xf32>
    %broadcast_in_dim3A_77 = arith.constant 1.000000e+30 : f32
    %broadcast_in_dim3A_78 = vector.broadcast %broadcast_in_dim3A_77 : f32 to vector<1x2048xf32>
    %broadcast_in_dim3A_79 = arith.constant 0 : i32
    %broadcast_in_dim3A_80 = vector.broadcast %broadcast_in_dim3A_79 : i32 to vector<1x2048xi32>
    %while3A = arith.constant 6.250000e-02 : f32
    %while3A_81 = arith.constant 0 : i32
    %while3A_82 = arith.constant 161 : i32
    %while3A_83 = arith.subi %while3A_82, %while3A_81 : i32
    %while3A_84 = arith.addi %while3A_81, %while3A_83 : i32
    %while3A_85 = arith.constant 1 : i32
    %while3A_86 = arith.divsi %while3A_83, %while3A_85 : i32
    %while3A_87 = arith.muli %while3A_86, %while3A_85 : i32
    %while3A_88 = arith.addi %while3A_81, %while3A_87 : i32
    %while3A_89 = arith.constant 1 : i32
    %while3A_90:4 = scf.for %while3A_121 = %while3A_81 to %while3A_88 step %while3A_89 iter_args(%while3A_122 = %broadcast_in_dim3A_78, %while3A_123 = %broadcast_in_dim3A_76, %while3A_124 = %broadcast_in_dim3A_76, %while3A_125 = %broadcast_in_dim3A_80) -> (vector<1x2048xf32>, vector<1x2048xf32>, vector<1x2048xf32>, vector<1x2048xi32>)  : i32 {
      %min3A = arith.constant 159 : i32
      %min3A_126 = arith.minsi %while3A_121, %min3A : i32
      %jit3A = arith.constant 8 : i32
      %div3A_127 = arith.divsi %min3A_126, %jit3A : i32
      %sign3A = arith.constant 0 : i32
      %sign3A_128 = arith.cmpi sgt, %min3A_126, %sign3A : i32
      %sign3A_129 = arith.extui %sign3A_128 : i1 to i32
      %sign3A_130 = arith.constant 0 : i32
      %sign3A_131 = arith.cmpi slt, %min3A_126, %sign3A_130 : i32
      %sign3A_132 = arith.extui %sign3A_131 : i1 to i32
      %sign3A_133 = arith.subi %sign3A_129, %sign3A_132 : i32
      %sign3A_134 = arith.constant 0 : i32
      %sign3A_135 = arith.cmpi sgt, %jit3A, %sign3A_134 : i32
      %sign3A_136 = arith.extui %sign3A_135 : i1 to i32
      %sign3A_137 = arith.constant 0 : i32
      %sign3A_138 = arith.cmpi slt, %jit3A, %sign3A_137 : i32
      %sign3A_139 = arith.extui %sign3A_138 : i1 to i32
      %sign3A_140 = arith.subi %sign3A_136, %sign3A_139 : i32
      %ne3A = arith.cmpi ne, %sign3A_133, %sign3A_140 : i32
      %rem3A = arith.remsi %min3A_126, %jit3A : i32
      %ne3A_141 = arith.constant 0 : i32
      %ne3A_142 = arith.cmpi ne, %rem3A, %ne3A_141 : i32
      %and3A = arith.andi %ne3A, %ne3A_142 : i1
      %sub3A_143 = arith.constant 1 : i32
      %sub3A_144 = arith.subi %div3A_127, %sub3A_143 : i32
      %select_n3A = arith.select %and3A, %sub3A_144, %div3A_127 : i32
      %shift_left3A = arith.constant 1 : i32
      %shift_left3A_145 = arith.shli %shift_left3A, %select_n3A : i32
      %sub3A_146 = arith.constant 1 : i32
      %sub3A_147 = arith.subi %shift_left3A_145, %sub3A_146 : i32
      %get3A_148 = arith.index_cast %min3A_126 : i32 to index
      %get3A_149 = arith.constant 0 : index
      %get3A_150 = arith.constant 0 : index
      %get3A_151 = vector.load %arg6[%get3A_148, %get3A_149, %get3A_150] : memref<160x1x2048xi32, #tpu.memory_space<vmem>>, vector<1x1x2048xi32>
      %get3A_152 = vector.shape_cast %get3A_151 : vector<1x1x2048xi32> to vector<1x2048xi32>
      %and3A_153 = vector.broadcast %sub3A_147 : i32 to vector<1x2048xi32>
      %and3A_154 = arith.andi %get3A_152, %and3A_153 : vector<1x2048xi32>
      %xor3A_155 = vector.broadcast %shift_left3A_145 : i32 to vector<1x2048xi32>
      %xor3A_156 = arith.xori %and3A_154, %xor3A_155 : vector<1x2048xi32>
      %eq3A = arith.constant 160 : i32
      %eq3A_157 = arith.cmpi eq, %while3A_121, %eq3A : i32
      %jit3A_158 = arith.constant 0 : i32
      %broadcast_in_dim3A_159 = vector.broadcast %jit3A_158 : i32 to vector<1x2048xi32>
      %select_n3A_160 = arith.select %eq3A_157, %broadcast_in_dim3A_159, %xor3A_156 : vector<1x2048xi32>
      %xor3A_161 = vector.broadcast %select_n3A_160 : vector<1x2048xi32> to vector<16x2048xi32>
      %xor3A_162 = arith.xori %xor3A_8, %xor3A_161 : vector<16x2048xi32>
      %convert_element_type3A_163 = arith.sitofp %xor3A_162 : vector<16x2048xi32> to vector<16x2048xf32>
      %bitcast_convert_type3A_164 = tpu.bitcast %convert_element_type3A_163 : vector<16x2048xf32> -> vector<16x2048xi32>
      %shift_right_logical3A_165 = arith.constant 23 : i32
      %shift_right_logical3A_166 = vector.broadcast %shift_right_logical3A_165 : i32 to vector<16x2048xi32>
      %shift_right_logical3A_167 = arith.shrui %bitcast_convert_type3A_164, %shift_right_logical3A_166 : vector<16x2048xi32>
      %sub3A_168 = arith.constant 126 : i32
      %sub3A_169 = vector.broadcast %sub3A_168 : i32 to vector<16x2048xi32>
      %sub3A_170 = arith.subi %shift_right_logical3A_167, %sub3A_169 : vector<16x2048xi32>
      %max3A_171 = arith.constant 0 : i32
      %max3A_172 = vector.broadcast %max3A_171 : i32 to vector<16x2048xi32>
      %max3A_173 = arith.maxsi %sub3A_170, %max3A_172 : vector<16x2048xi32>
      %add3A_174 = arith.addi %max3A_173, %sub3A_33 : vector<16x2048xi32>
      %convert_element_type3A_175 = arith.sitofp %add3A_174 : vector<16x2048xi32> to vector<16x2048xf32>
      %mul3A_176 = arith.constant 2.500000e-01 : f32
      %mul3A_177 = vector.broadcast %mul3A_176 : f32 to vector<16x2048xf32>
      %mul3A_178 = arith.mulf %convert_element_type3A_175, %mul3A_177 : vector<16x2048xf32>
      %xor3A_179 = vector.broadcast %select_n3A_160 : vector<1x2048xi32> to vector<16x2048xi32>
      %xor3A_180 = arith.xori %xor3A_10, %xor3A_179 : vector<16x2048xi32>
      %convert_element_type3A_181 = arith.sitofp %xor3A_180 : vector<16x2048xi32> to vector<16x2048xf32>
      %bitcast_convert_type3A_182 = tpu.bitcast %convert_element_type3A_181 : vector<16x2048xf32> -> vector<16x2048xi32>
      %shift_right_logical3A_183 = arith.constant 23 : i32
      %shift_right_logical3A_184 = vector.broadcast %shift_right_logical3A_183 : i32 to vector<16x2048xi32>
      %shift_right_logical3A_185 = arith.shrui %bitcast_convert_type3A_182, %shift_right_logical3A_184 : vector<16x2048xi32>
      %sub3A_186 = arith.constant 126 : i32
      %sub3A_187 = vector.broadcast %sub3A_186 : i32 to vector<16x2048xi32>
      %sub3A_188 = arith.subi %shift_right_logical3A_185, %sub3A_187 : vector<16x2048xi32>
      %max3A_189 = arith.constant 0 : i32
      %max3A_190 = vector.broadcast %max3A_189 : i32 to vector<16x2048xi32>
      %max3A_191 = arith.maxsi %sub3A_188, %max3A_190 : vector<16x2048xi32>
      %add3A_192 = arith.addi %max3A_191, %sub3A_42 : vector<16x2048xi32>
      %convert_element_type3A_193 = arith.sitofp %add3A_192 : vector<16x2048xi32> to vector<16x2048xf32>
      %mul3A_194 = arith.constant 2.500000e-01 : f32
      %mul3A_195 = vector.broadcast %mul3A_194 : f32 to vector<16x2048xf32>
      %mul3A_196 = arith.mulf %convert_element_type3A_193, %mul3A_195 : vector<16x2048xf32>
      %add3A_197 = arith.constant 5.000000e-02 : f32
      %add3A_198 = vector.broadcast %add3A_197 : f32 to vector<16x2048xf32>
      %add3A_199 = arith.addf %mul3A_178, %add3A_198 : vector<16x2048xf32>
      %mul3A_200 = arith.mulf %add3A_199, %div3A_57 : vector<16x2048xf32>
      %mul3A_201 = arith.mulf %mul3A_200, %mul3A_200 : vector<16x2048xf32>
      %add3A_202 = arith.constant 5.000000e-02 : f32
      %add3A_203 = vector.broadcast %add3A_202 : f32 to vector<16x2048xf32>
      %add3A_204 = arith.addf %mul3A_196, %add3A_203 : vector<16x2048xf32>
      %mul3A_205 = arith.mulf %add3A_204, %div3A_75 : vector<16x2048xf32>
      %mul3A_206 = arith.mulf %mul3A_205, %mul3A_205 : vector<16x2048xf32>
      %add3A_207 = arith.constant 1.000000e+00 : f32
      %add3A_208 = vector.broadcast %add3A_207 : f32 to vector<16x2048xf32>
      %add3A_209 = arith.addf %add3A_208, %mul3A_201 : vector<16x2048xf32>
      %log3A_210 = math.log %add3A_209 : vector<16x2048xf32>
      %add3A_211 = arith.constant 1.000000e+00 : f32
      %add3A_212 = vector.broadcast %add3A_211 : f32 to vector<16x2048xf32>
      %add3A_213 = arith.addf %add3A_212, %mul3A_206 : vector<16x2048xf32>
      %log3A_214 = math.log %add3A_213 : vector<16x2048xf32>
      %mul3A_215 = arith.constant 1.050000e+00 : f32
      %mul3A_216 = vector.broadcast %mul3A_215 : f32 to vector<16x2048xf32>
      %mul3A_217 = arith.mulf %mul3A_216, %mul3A_206 : vector<16x2048xf32>
      %add3A_218 = arith.constant 5.000000e-02 : f32
      %add3A_219 = vector.broadcast %add3A_218 : f32 to vector<16x2048xf32>
      %add3A_220 = arith.addf %add3A_219, %mul3A_217 : vector<16x2048xf32>
      %log3A_221 = math.log %add3A_220 : vector<16x2048xf32>
      %sub3A_222 = arith.subf %log3A_214, %log3A_221 : vector<16x2048xf32>
      %reduce_sum3A_223 = arith.constant dense<0.000000e+00> : vector<2048xf32>
      %reduce_sum3A_224 = vector.multi_reduction <add>, %log3A_210, %reduce_sum3A_223 [0] : vector<16x2048xf32> to vector<2048xf32>
      %broadcast_in_dim3A_225 = vector.shape_cast %reduce_sum3A_224 : vector<2048xf32> to vector<1x2048xf32>
      %mul3A_226 = vector.broadcast %while3A : f32 to vector<1x2048xf32>
      %mul3A_227 = arith.mulf %broadcast_in_dim3A_225, %mul3A_226 : vector<1x2048xf32>
      %reduce_sum3A_228 = arith.constant dense<0.000000e+00> : vector<2048xf32>
      %reduce_sum3A_229 = vector.multi_reduction <add>, %sub3A_222, %reduce_sum3A_228 [0] : vector<16x2048xf32> to vector<2048xf32>
      %broadcast_in_dim3A_230 = vector.shape_cast %reduce_sum3A_229 : vector<2048xf32> to vector<1x2048xf32>
      %mul3A_231 = vector.broadcast %while3A : f32 to vector<1x2048xf32>
      %mul3A_232 = arith.mulf %broadcast_in_dim3A_230, %mul3A_231 : vector<1x2048xf32>
      %add3A_233 = arith.addf %mul3A_227, %mul3A_232 : vector<1x2048xf32>
      %xor3A_234 = arith.xori %get3A_1, %select_n3A_160 : vector<1x2048xi32>
      %lt3A = arith.cmpf olt, %add3A_233, %while3A_122 : vector<1x2048xf32>
      %select_n3A_235 = arith.select %lt3A, %add3A_233, %while3A_122 : vector<1x2048xi1>, vector<1x2048xf32>
      %select_n3A_236 = arith.select %lt3A, %mul3A_227, %while3A_123 : vector<1x2048xi1>, vector<1x2048xf32>
      %select_n3A_237 = arith.select %lt3A, %mul3A_232, %while3A_124 : vector<1x2048xi1>, vector<1x2048xf32>
      %select_n3A_238 = arith.select %lt3A, %xor3A_234, %while3A_125 : vector<1x2048xi1>, vector<1x2048xi32>
      scf.yield %select_n3A_235, %select_n3A_236, %select_n3A_237, %select_n3A_238 : vector<1x2048xf32>, vector<1x2048xf32>, vector<1x2048xf32>, vector<1x2048xi32>
    }
    %while3A_91 = arith.constant 1 : i32
    %while3A_92:4 = scf.for %while3A_121 = %while3A_88 to %while3A_84 step %while3A_91 iter_args(%while3A_122 = %while3A_90#0, %while3A_123 = %while3A_90#1, %while3A_124 = %while3A_90#2, %while3A_125 = %while3A_90#3) -> (vector<1x2048xf32>, vector<1x2048xf32>, vector<1x2048xf32>, vector<1x2048xi32>)  : i32 {
      %min3A = arith.constant 159 : i32
      %min3A_126 = arith.minsi %while3A_121, %min3A : i32
      %jit3A = arith.constant 8 : i32
      %div3A_127 = arith.divsi %min3A_126, %jit3A : i32
      %sign3A = arith.constant 0 : i32
      %sign3A_128 = arith.cmpi sgt, %min3A_126, %sign3A : i32
      %sign3A_129 = arith.extui %sign3A_128 : i1 to i32
      %sign3A_130 = arith.constant 0 : i32
      %sign3A_131 = arith.cmpi slt, %min3A_126, %sign3A_130 : i32
      %sign3A_132 = arith.extui %sign3A_131 : i1 to i32
      %sign3A_133 = arith.subi %sign3A_129, %sign3A_132 : i32
      %sign3A_134 = arith.constant 0 : i32
      %sign3A_135 = arith.cmpi sgt, %jit3A, %sign3A_134 : i32
      %sign3A_136 = arith.extui %sign3A_135 : i1 to i32
      %sign3A_137 = arith.constant 0 : i32
      %sign3A_138 = arith.cmpi slt, %jit3A, %sign3A_137 : i32
      %sign3A_139 = arith.extui %sign3A_138 : i1 to i32
      %sign3A_140 = arith.subi %sign3A_136, %sign3A_139 : i32
      %ne3A = arith.cmpi ne, %sign3A_133, %sign3A_140 : i32
      %rem3A = arith.remsi %min3A_126, %jit3A : i32
      %ne3A_141 = arith.constant 0 : i32
      %ne3A_142 = arith.cmpi ne, %rem3A, %ne3A_141 : i32
      %and3A = arith.andi %ne3A, %ne3A_142 : i1
      %sub3A_143 = arith.constant 1 : i32
      %sub3A_144 = arith.subi %div3A_127, %sub3A_143 : i32
      %select_n3A = arith.select %and3A, %sub3A_144, %div3A_127 : i32
      %shift_left3A = arith.constant 1 : i32
      %shift_left3A_145 = arith.shli %shift_left3A, %select_n3A : i32
      %sub3A_146 = arith.constant 1 : i32
      %sub3A_147 = arith.subi %shift_left3A_145, %sub3A_146 : i32
      %get3A_148 = arith.index_cast %min3A_126 : i32 to index
      %get3A_149 = arith.constant 0 : index
      %get3A_150 = arith.constant 0 : index
      %get3A_151 = vector.load %arg6[%get3A_148, %get3A_149, %get3A_150] : memref<160x1x2048xi32, #tpu.memory_space<vmem>>, vector<1x1x2048xi32>
      %get3A_152 = vector.shape_cast %get3A_151 : vector<1x1x2048xi32> to vector<1x2048xi32>
      %and3A_153 = vector.broadcast %sub3A_147 : i32 to vector<1x2048xi32>
      %and3A_154 = arith.andi %get3A_152, %and3A_153 : vector<1x2048xi32>
      %xor3A_155 = vector.broadcast %shift_left3A_145 : i32 to vector<1x2048xi32>
      %xor3A_156 = arith.xori %and3A_154, %xor3A_155 : vector<1x2048xi32>
      %eq3A = arith.constant 160 : i32
      %eq3A_157 = arith.cmpi eq, %while3A_121, %eq3A : i32
      %jit3A_158 = arith.constant 0 : i32
      %broadcast_in_dim3A_159 = vector.broadcast %jit3A_158 : i32 to vector<1x2048xi32>
      %select_n3A_160 = arith.select %eq3A_157, %broadcast_in_dim3A_159, %xor3A_156 : vector<1x2048xi32>
      %xor3A_161 = vector.broadcast %select_n3A_160 : vector<1x2048xi32> to vector<16x2048xi32>
      %xor3A_162 = arith.xori %xor3A_8, %xor3A_161 : vector<16x2048xi32>
      %convert_element_type3A_163 = arith.sitofp %xor3A_162 : vector<16x2048xi32> to vector<16x2048xf32>
      %bitcast_convert_type3A_164 = tpu.bitcast %convert_element_type3A_163 : vector<16x2048xf32> -> vector<16x2048xi32>
      %shift_right_logical3A_165 = arith.constant 23 : i32
      %shift_right_logical3A_166 = vector.broadcast %shift_right_logical3A_165 : i32 to vector<16x2048xi32>
      %shift_right_logical3A_167 = arith.shrui %bitcast_convert_type3A_164, %shift_right_logical3A_166 : vector<16x2048xi32>
      %sub3A_168 = arith.constant 126 : i32
      %sub3A_169 = vector.broadcast %sub3A_168 : i32 to vector<16x2048xi32>
      %sub3A_170 = arith.subi %shift_right_logical3A_167, %sub3A_169 : vector<16x2048xi32>
      %max3A_171 = arith.constant 0 : i32
      %max3A_172 = vector.broadcast %max3A_171 : i32 to vector<16x2048xi32>
      %max3A_173 = arith.maxsi %sub3A_170, %max3A_172 : vector<16x2048xi32>
      %add3A_174 = arith.addi %max3A_173, %sub3A_33 : vector<16x2048xi32>
      %convert_element_type3A_175 = arith.sitofp %add3A_174 : vector<16x2048xi32> to vector<16x2048xf32>
      %mul3A_176 = arith.constant 2.500000e-01 : f32
      %mul3A_177 = vector.broadcast %mul3A_176 : f32 to vector<16x2048xf32>
      %mul3A_178 = arith.mulf %convert_element_type3A_175, %mul3A_177 : vector<16x2048xf32>
      %xor3A_179 = vector.broadcast %select_n3A_160 : vector<1x2048xi32> to vector<16x2048xi32>
      %xor3A_180 = arith.xori %xor3A_10, %xor3A_179 : vector<16x2048xi32>
      %convert_element_type3A_181 = arith.sitofp %xor3A_180 : vector<16x2048xi32> to vector<16x2048xf32>
      %bitcast_convert_type3A_182 = tpu.bitcast %convert_element_type3A_181 : vector<16x2048xf32> -> vector<16x2048xi32>
      %shift_right_logical3A_183 = arith.constant 23 : i32
      %shift_right_logical3A_184 = vector.broadcast %shift_right_logical3A_183 : i32 to vector<16x2048xi32>
      %shift_right_logical3A_185 = arith.shrui %bitcast_convert_type3A_182, %shift_right_logical3A_184 : vector<16x2048xi32>
      %sub3A_186 = arith.constant 126 : i32
      %sub3A_187 = vector.broadcast %sub3A_186 : i32 to vector<16x2048xi32>
      %sub3A_188 = arith.subi %shift_right_logical3A_185, %sub3A_187 : vector<16x2048xi32>
      %max3A_189 = arith.constant 0 : i32
      %max3A_190 = vector.broadcast %max3A_189 : i32 to vector<16x2048xi32>
      %max3A_191 = arith.maxsi %sub3A_188, %max3A_190 : vector<16x2048xi32>
      %add3A_192 = arith.addi %max3A_191, %sub3A_42 : vector<16x2048xi32>
      %convert_element_type3A_193 = arith.sitofp %add3A_192 : vector<16x2048xi32> to vector<16x2048xf32>
      %mul3A_194 = arith.constant 2.500000e-01 : f32
      %mul3A_195 = vector.broadcast %mul3A_194 : f32 to vector<16x2048xf32>
      %mul3A_196 = arith.mulf %convert_element_type3A_193, %mul3A_195 : vector<16x2048xf32>
      %add3A_197 = arith.constant 5.000000e-02 : f32
      %add3A_198 = vector.broadcast %add3A_197 : f32 to vector<16x2048xf32>
      %add3A_199 = arith.addf %mul3A_178, %add3A_198 : vector<16x2048xf32>
      %mul3A_200 = arith.mulf %add3A_199, %div3A_57 : vector<16x2048xf32>
      %mul3A_201 = arith.mulf %mul3A_200, %mul3A_200 : vector<16x2048xf32>
      %add3A_202 = arith.constant 5.000000e-02 : f32
      %add3A_203 = vector.broadcast %add3A_202 : f32 to vector<16x2048xf32>
      %add3A_204 = arith.addf %mul3A_196, %add3A_203 : vector<16x2048xf32>
      %mul3A_205 = arith.mulf %add3A_204, %div3A_75 : vector<16x2048xf32>
      %mul3A_206 = arith.mulf %mul3A_205, %mul3A_205 : vector<16x2048xf32>
      %add3A_207 = arith.constant 1.000000e+00 : f32
      %add3A_208 = vector.broadcast %add3A_207 : f32 to vector<16x2048xf32>
      %add3A_209 = arith.addf %add3A_208, %mul3A_201 : vector<16x2048xf32>
      %log3A_210 = math.log %add3A_209 : vector<16x2048xf32>
      %add3A_211 = arith.constant 1.000000e+00 : f32
      %add3A_212 = vector.broadcast %add3A_211 : f32 to vector<16x2048xf32>
      %add3A_213 = arith.addf %add3A_212, %mul3A_206 : vector<16x2048xf32>
      %log3A_214 = math.log %add3A_213 : vector<16x2048xf32>
      %mul3A_215 = arith.constant 1.050000e+00 : f32
      %mul3A_216 = vector.broadcast %mul3A_215 : f32 to vector<16x2048xf32>
      %mul3A_217 = arith.mulf %mul3A_216, %mul3A_206 : vector<16x2048xf32>
      %add3A_218 = arith.constant 5.000000e-02 : f32
      %add3A_219 = vector.broadcast %add3A_218 : f32 to vector<16x2048xf32>
      %add3A_220 = arith.addf %add3A_219, %mul3A_217 : vector<16x2048xf32>
      %log3A_221 = math.log %add3A_220 : vector<16x2048xf32>
      %sub3A_222 = arith.subf %log3A_214, %log3A_221 : vector<16x2048xf32>
      %reduce_sum3A_223 = arith.constant dense<0.000000e+00> : vector<2048xf32>
      %reduce_sum3A_224 = vector.multi_reduction <add>, %log3A_210, %reduce_sum3A_223 [0] : vector<16x2048xf32> to vector<2048xf32>
      %broadcast_in_dim3A_225 = vector.shape_cast %reduce_sum3A_224 : vector<2048xf32> to vector<1x2048xf32>
      %mul3A_226 = vector.broadcast %while3A : f32 to vector<1x2048xf32>
      %mul3A_227 = arith.mulf %broadcast_in_dim3A_225, %mul3A_226 : vector<1x2048xf32>
      %reduce_sum3A_228 = arith.constant dense<0.000000e+00> : vector<2048xf32>
      %reduce_sum3A_229 = vector.multi_reduction <add>, %sub3A_222, %reduce_sum3A_228 [0] : vector<16x2048xf32> to vector<2048xf32>
      %broadcast_in_dim3A_230 = vector.shape_cast %reduce_sum3A_229 : vector<2048xf32> to vector<1x2048xf32>
      %mul3A_231 = vector.broadcast %while3A : f32 to vector<1x2048xf32>
      %mul3A_232 = arith.mulf %broadcast_in_dim3A_230, %mul3A_231 : vector<1x2048xf32>
      %add3A_233 = arith.addf %mul3A_227, %mul3A_232 : vector<1x2048xf32>
      %xor3A_234 = arith.xori %get3A_1, %select_n3A_160 : vector<1x2048xi32>
      %lt3A = arith.cmpf olt, %add3A_233, %while3A_122 : vector<1x2048xf32>
      %select_n3A_235 = arith.select %lt3A, %add3A_233, %while3A_122 : vector<1x2048xi1>, vector<1x2048xf32>
      %select_n3A_236 = arith.select %lt3A, %mul3A_227, %while3A_123 : vector<1x2048xi1>, vector<1x2048xf32>
      %select_n3A_237 = arith.select %lt3A, %mul3A_232, %while3A_124 : vector<1x2048xi1>, vector<1x2048xf32>
      %select_n3A_238 = arith.select %lt3A, %xor3A_234, %while3A_125 : vector<1x2048xi1>, vector<1x2048xi32>
      scf.yield %select_n3A_235, %select_n3A_236, %select_n3A_237, %select_n3A_238 : vector<1x2048xf32>, vector<1x2048xf32>, vector<1x2048xf32>, vector<1x2048xi32>
    }
    %swap3A = arith.constant 0 : index
    %swap3A_93 = arith.constant 0 : index
    %swap3A_94 = vector.load %arg7[%swap3A, %swap3A_93] : memref<1x2048xi32, #tpu.memory_space<vmem>>, vector<1x2048xi32>
    tpu.vector_store %arg7[%swap3A, %swap3A_93], %while3A_92#3 {strides = array<i32>} : memref<1x2048xi32, #tpu.memory_space<vmem>>, vector<1x2048xi32>,
    %reduce_sum3A = vector.shape_cast %while3A_92#0 : vector<1x2048xf32> to vector<1x1x2048xf32>
    %reduce_sum3A_95 = arith.constant dense<0.000000e+00> : vector<1xf32>
    %reduce_sum3A_96 = vector.multi_reduction <add>, %reduce_sum3A, %reduce_sum3A_95 [1, 2] : vector<1x1x2048xf32> to vector<1xf32>
    %reduce_sum3A_97 = vector.shape_cast %reduce_sum3A_96 : vector<1xf32> to vector<1x1x1xf32>
    %reduce_sum3A_98 = vector.extract %reduce_sum3A_97[0, 0, 0] : f32 from vector<1x1x1xf32>
    %div3A_99 = arith.constant 2.048000e+03 : f32
    %div3A_100 = arith.divf %reduce_sum3A_98, %div3A_99 : f32
    %swap3A_101 = arith.constant 0 : index
    %swap3A_102 = memref.load %arg8[%swap3A_101] : memref<3xf32, #tpu.memory_space<smem>>
    memref.store %div3A_100, %arg8[%swap3A_101] : memref<3xf32, #tpu.memory_space<smem>>
    %reduce_sum3A_103 = vector.shape_cast %while3A_92#1 : vector<1x2048xf32> to vector<1x1x2048xf32>
    %reduce_sum3A_104 = arith.constant dense<0.000000e+00> : vector<1xf32>
    %reduce_sum3A_105 = vector.multi_reduction <add>, %reduce_sum3A_103, %reduce_sum3A_104 [1, 2] : vector<1x1x2048xf32> to vector<1xf32>
    %reduce_sum3A_106 = vector.shape_cast %reduce_sum3A_105 : vector<1xf32> to vector<1x1x1xf32>
    %reduce_sum3A_107 = vector.extract %reduce_sum3A_106[0, 0, 0] : f32 from vector<1x1x1xf32>
    %div3A_108 = arith.constant 2.048000e+03 : f32
    %div3A_109 = arith.divf %reduce_sum3A_107, %div3A_108 : f32
    %swap3A_110 = arith.constant 1 : index
    %swap3A_111 = memref.load %arg8[%swap3A_110] : memref<3xf32, #tpu.memory_space<smem>>
    memref.store %div3A_109, %arg8[%swap3A_110] : memref<3xf32, #tpu.memory_space<smem>>
    %reduce_sum3A_112 = vector.shape_cast %while3A_92#2 : vector<1x2048xf32> to vector<1x1x2048xf32>
    %reduce_sum3A_113 = arith.constant dense<0.000000e+00> : vector<1xf32>
    %reduce_sum3A_114 = vector.multi_reduction <add>, %reduce_sum3A_112, %reduce_sum3A_113 [1, 2] : vector<1x1x2048xf32> to vector<1xf32>
    %reduce_sum3A_115 = vector.shape_cast %reduce_sum3A_114 : vector<1xf32> to vector<1x1x1xf32>
    %reduce_sum3A_116 = vector.extract %reduce_sum3A_115[0, 0, 0] : f32 from vector<1x1x1xf32>
    %div3A_117 = arith.constant 2.048000e+03 : f32
    %div3A_118 = arith.divf %reduce_sum3A_116, %div3A_117 : f32
    %swap3A_119 = arith.constant 2 : index
    %swap3A_120 = memref.load %arg8[%swap3A_119] : memref<3xf32, #tpu.memory_space<smem>>
    memref.store %div3A_118, %arg8[%swap3A_119] : memref<3xf32, #tpu.memory_space<smem>>
    return
  }
}

module attributes {stable_mosaic.version = 14 : i64} {
  func.func @_tc_scatter_body(%arg0: memref<4x782x128xi32, #tpu.memory_space<vmem>>, %arg1: memref<512xi32, #tpu.memory_space<smem>>, %arg2: memref<512x4xi32, #tpu.memory_space<smem>>, %arg3: memref<4x782x128xi32, #tpu.memory_space<vmem>>) attributes {dimension_semantics = [], scalar_prefetch = 0 : i64, scratch_operands = 0 : i64, tpu.core_type = #tpu.core_type<tc>} {
    %get3A = arith.constant 0 : index
    %get3A_0 = arith.constant 0 : index
    %get3A_1 = arith.constant 0 : index
    %get3A_2 = vector.load %arg0[%get3A, %get3A_0, %get3A_1] : memref<4x782x128xi32, #tpu.memory_space<vmem>>, vector<4x782x128xi32>
    %swap3A = arith.constant 0 : index
    %swap3A_3 = arith.constant 0 : index
    %swap3A_4 = arith.constant 0 : index
    %swap3A_5 = vector.load %arg3[%swap3A, %swap3A_3, %swap3A_4] : memref<4x782x128xi32, #tpu.memory_space<vmem>>, vector<4x782x128xi32>
    tpu.vector_store %arg3[%swap3A, %swap3A_3, %swap3A_4], %get3A_2 {strides = array<i32>} : memref<4x782x128xi32, #tpu.memory_space<vmem>>, vector<4x782x128xi32>,
    %iota3A = tpu.iota {dimensions = array<i32: 2>} : vector<4x1x128xi32>
    %iota3A_6 = tpu.iota {dimensions = array<i32: 0>} : vector<4x1x128xi32>
    %while3A = arith.constant 0 : i32
    %while3A_7 = arith.constant 0 : i32
    %while3A_8 = arith.constant 512 : i32
    %while3A_9 = arith.subi %while3A_8, %while3A_7 : i32
    %while3A_10 = arith.addi %while3A_7, %while3A_9 : i32
    %while3A_11 = arith.constant 1 : i32
    %while3A_12 = arith.divsi %while3A_9, %while3A_11 : i32
    %while3A_13 = arith.muli %while3A_12, %while3A_11 : i32
    %while3A_14 = arith.addi %while3A_7, %while3A_13 : i32
    %while3A_15 = arith.constant 1 : i32
    scf.for %while3A_17 = %while3A_7 to %while3A_14 step %while3A_15  : i32 {
      %get3A_18 = arith.index_cast %while3A_17 : i32 to index
      %get3A_19 = memref.load %arg1[%get3A_18] : memref<512xi32, #tpu.memory_space<smem>>
      %shift_right_logical3A = arith.constant 7 : i32
      %shift_right_logical3A_20 = arith.shrui %get3A_19, %shift_right_logical3A : i32
      %and3A = arith.constant 127 : i32
      %and3A_21 = arith.andi %get3A_19, %and3A : i32
      %get3A_22 = arith.constant 0 : index
      %get3A_23 = arith.index_cast %shift_right_logical3A_20 : i32 to index
      %get3A_24 = arith.constant 0 : index
      %get3A_25 = vector.load %arg3[%get3A_22, %get3A_23, %get3A_24] : memref<4x782x128xi32, #tpu.memory_space<vmem>>, vector<4x1x128xi32>
      %eq3A = arith.constant 0 : i32
      %eq3A_26 = vector.broadcast %eq3A : i32 to vector<4x1x128xi32>
      %eq3A_27 = arith.cmpi eq, %iota3A_6, %eq3A_26 : vector<4x1x128xi32>
      %get3A_28 = arith.index_cast %while3A_17 : i32 to index
      %get3A_29 = arith.constant 0 : index
      %get3A_30 = memref.load %arg2[%get3A_28, %get3A_29] : memref<512x4xi32, #tpu.memory_space<smem>>
      %eq3A_31 = arith.constant 1 : i32
      %eq3A_32 = vector.broadcast %eq3A_31 : i32 to vector<4x1x128xi32>
      %eq3A_33 = arith.cmpi eq, %iota3A_6, %eq3A_32 : vector<4x1x128xi32>
      %get3A_34 = arith.index_cast %while3A_17 : i32 to index
      %get3A_35 = arith.constant 1 : index
      %get3A_36 = memref.load %arg2[%get3A_34, %get3A_35] : memref<512x4xi32, #tpu.memory_space<smem>>
      %eq3A_37 = arith.constant 2 : i32
      %eq3A_38 = vector.broadcast %eq3A_37 : i32 to vector<4x1x128xi32>
      %eq3A_39 = arith.cmpi eq, %iota3A_6, %eq3A_38 : vector<4x1x128xi32>
      %get3A_40 = arith.index_cast %while3A_17 : i32 to index
      %get3A_41 = arith.constant 2 : index
      %get3A_42 = memref.load %arg2[%get3A_40, %get3A_41] : memref<512x4xi32, #tpu.memory_space<smem>>
      %get3A_43 = arith.index_cast %while3A_17 : i32 to index
      %get3A_44 = arith.constant 3 : index
      %get3A_45 = memref.load %arg2[%get3A_43, %get3A_44] : memref<512x4xi32, #tpu.memory_space<smem>>
      %broadcast_in_dim3A = vector.broadcast %get3A_42 : i32 to vector<4x1x128xi32>
      %broadcast_in_dim3A_46 = vector.broadcast %get3A_45 : i32 to vector<4x1x128xi32>
      %select_n3A = arith.select %eq3A_39, %broadcast_in_dim3A, %broadcast_in_dim3A_46 : vector<4x1x128xi1>, vector<4x1x128xi32>
      %broadcast_in_dim3A_47 = vector.broadcast %get3A_36 : i32 to vector<4x1x128xi32>
      %select_n3A_48 = arith.select %eq3A_33, %broadcast_in_dim3A_47, %select_n3A : vector<4x1x128xi1>, vector<4x1x128xi32>
      %broadcast_in_dim3A_49 = vector.broadcast %get3A_30 : i32 to vector<4x1x128xi32>
      %select_n3A_50 = arith.select %eq3A_27, %broadcast_in_dim3A_49, %select_n3A_48 : vector<4x1x128xi1>, vector<4x1x128xi32>
      %eq3A_51 = vector.broadcast %and3A_21 : i32 to vector<4x1x128xi32>
      %eq3A_52 = arith.cmpi eq, %iota3A, %eq3A_51 : vector<4x1x128xi32>
      %select_n3A_53 = arith.select %eq3A_52, %select_n3A_50, %get3A_25 : vector<4x1x128xi1>, vector<4x1x128xi32>
      %swap3A_54 = arith.constant 0 : index
      %swap3A_55 = arith.index_cast %shift_right_logical3A_20 : i32 to index
      %swap3A_56 = arith.constant 0 : index
      %swap3A_57 = vector.load %arg3[%swap3A_54, %swap3A_55, %swap3A_56] : memref<4x782x128xi32, #tpu.memory_space<vmem>>, vector<4x1x128xi32>
      tpu.vector_store %arg3[%swap3A_54, %swap3A_55, %swap3A_56], %select_n3A_53 {strides = array<i32>} : memref<4x782x128xi32, #tpu.memory_space<vmem>>, vector<4x1x128xi32>,
    }
    %while3A_16 = arith.constant 1 : i32
    scf.for %while3A_17 = %while3A_14 to %while3A_10 step %while3A_16  : i32 {
      %get3A_18 = arith.index_cast %while3A_17 : i32 to index
      %get3A_19 = memref.load %arg1[%get3A_18] : memref<512xi32, #tpu.memory_space<smem>>
      %shift_right_logical3A = arith.constant 7 : i32
      %shift_right_logical3A_20 = arith.shrui %get3A_19, %shift_right_logical3A : i32
      %and3A = arith.constant 127 : i32
      %and3A_21 = arith.andi %get3A_19, %and3A : i32
      %get3A_22 = arith.constant 0 : index
      %get3A_23 = arith.index_cast %shift_right_logical3A_20 : i32 to index
      %get3A_24 = arith.constant 0 : index
      %get3A_25 = vector.load %arg3[%get3A_22, %get3A_23, %get3A_24] : memref<4x782x128xi32, #tpu.memory_space<vmem>>, vector<4x1x128xi32>
      %eq3A = arith.constant 0 : i32
      %eq3A_26 = vector.broadcast %eq3A : i32 to vector<4x1x128xi32>
      %eq3A_27 = arith.cmpi eq, %iota3A_6, %eq3A_26 : vector<4x1x128xi32>
      %get3A_28 = arith.index_cast %while3A_17 : i32 to index
      %get3A_29 = arith.constant 0 : index
      %get3A_30 = memref.load %arg2[%get3A_28, %get3A_29] : memref<512x4xi32, #tpu.memory_space<smem>>
      %eq3A_31 = arith.constant 1 : i32
      %eq3A_32 = vector.broadcast %eq3A_31 : i32 to vector<4x1x128xi32>
      %eq3A_33 = arith.cmpi eq, %iota3A_6, %eq3A_32 : vector<4x1x128xi32>
      %get3A_34 = arith.index_cast %while3A_17 : i32 to index
      %get3A_35 = arith.constant 1 : index
      %get3A_36 = memref.load %arg2[%get3A_34, %get3A_35] : memref<512x4xi32, #tpu.memory_space<smem>>
      %eq3A_37 = arith.constant 2 : i32
      %eq3A_38 = vector.broadcast %eq3A_37 : i32 to vector<4x1x128xi32>
      %eq3A_39 = arith.cmpi eq, %iota3A_6, %eq3A_38 : vector<4x1x128xi32>
      %get3A_40 = arith.index_cast %while3A_17 : i32 to index
      %get3A_41 = arith.constant 2 : index
      %get3A_42 = memref.load %arg2[%get3A_40, %get3A_41] : memref<512x4xi32, #tpu.memory_space<smem>>
      %get3A_43 = arith.index_cast %while3A_17 : i32 to index
      %get3A_44 = arith.constant 3 : index
      %get3A_45 = memref.load %arg2[%get3A_43, %get3A_44] : memref<512x4xi32, #tpu.memory_space<smem>>
      %broadcast_in_dim3A = vector.broadcast %get3A_42 : i32 to vector<4x1x128xi32>
      %broadcast_in_dim3A_46 = vector.broadcast %get3A_45 : i32 to vector<4x1x128xi32>
      %select_n3A = arith.select %eq3A_39, %broadcast_in_dim3A, %broadcast_in_dim3A_46 : vector<4x1x128xi1>, vector<4x1x128xi32>
      %broadcast_in_dim3A_47 = vector.broadcast %get3A_36 : i32 to vector<4x1x128xi32>
      %select_n3A_48 = arith.select %eq3A_33, %broadcast_in_dim3A_47, %select_n3A : vector<4x1x128xi1>, vector<4x1x128xi32>
      %broadcast_in_dim3A_49 = vector.broadcast %get3A_30 : i32 to vector<4x1x128xi32>
      %select_n3A_50 = arith.select %eq3A_27, %broadcast_in_dim3A_49, %select_n3A_48 : vector<4x1x128xi1>, vector<4x1x128xi32>
      %eq3A_51 = vector.broadcast %and3A_21 : i32 to vector<4x1x128xi32>
      %eq3A_52 = arith.cmpi eq, %iota3A, %eq3A_51 : vector<4x1x128xi32>
      %select_n3A_53 = arith.select %eq3A_52, %select_n3A_50, %get3A_25 : vector<4x1x128xi1>, vector<4x1x128xi32>
      %swap3A_54 = arith.constant 0 : index
      %swap3A_55 = arith.index_cast %shift_right_logical3A_20 : i32 to index
      %swap3A_56 = arith.constant 0 : index
      %swap3A_57 = vector.load %arg3[%swap3A_54, %swap3A_55, %swap3A_56] : memref<4x782x128xi32, #tpu.memory_space<vmem>>, vector<4x1x128xi32>
      tpu.vector_store %arg3[%swap3A_54, %swap3A_55, %swap3A_56], %select_n3A_53 {strides = array<i32>} : memref<4x782x128xi32, #tpu.memory_space<vmem>>, vector<4x1x128xi32>,
    }
    return
  }
}

</mosaic_0001>

<sc_bundles>
// kernel: kernel.5.cloned.1.call-start
scs
__scs_entry_jumppad:
0x0: {  	(pc) =	sbr.rel $0x88, $3  }
0x1: {  	(tag) =	ssettag $0x0;
	lr =	simm.s32 $0x1  }
0x2: {  	[smem:$0x3F9B] =	sst lr;
	_ =	strace $0xD0000000  }
0x3: {  	_ = 	snop  }
0x4: {  	_ = 	snop  }
0x5: {  	_ = 	snop  }
0x6: {  	_ = 	snop  }
0x7: {  	_ = 	snop  }
__scs_overlays_trampoline_lowered:
0x8: {  	[smem:$0x3FAA] =	sst s0  }
0x9: {  	[smem:$0x3FAB] =	sst s1  }
0xa: {  	[smem:$0x3FAC] =	sst s2  }
0xb: {  	[smem:$0x3FAD] =	sst s3  }
0xc: {  	[smem:$0x3FAE] =	sst s4  }
0xd: {  	[smem:$0x3FAF] =	sst s5  }
0xe: {  	[smem:$0x3FB0] =	sst s6  }
0xf: {  	[smem:$0x3FB1] =	sst s7  }
0x10: {  	[smem:$0x3FB2] =	sst s8  }
0x11: {  	[smem:$0x3FB3] =	sst s9;
	s0 =	simm.s32 @!p0 $0x0  }
0x12: {  	s1 =	sld [smem:$0x3F99];
	s0 =	simm.s32 @p0 $0x1  }
0x13: {  	[smem:$0x3FB4] =	sst s0;
	s0 =	simm.s32 @!p1 $0x0  }
0x14: {  	s2 =	sld [smem:$0x3F98];
	s0 =	simm.s32 @p1 $0x1  }
0x15: {  	[smem:$0x3FB5] =	sst s0;
	s0 =	simm.s32 @!p2 $0x0  }
0x16: {  	s3 =	sld [smem:$0x3FDB];
	s0 =	simm.s32 @p2 $0x1  }
0x17: {  	s4 =	simm.s32 $0x1BF5;
	[smem:$0x3FB7] =	sst s0  }
0x18: {  	s0 =	sld [smem:$0x3F9A];
	_ =	swait.ge [sflag:s4], $0x0  }
0x19: {  	s7 =	sld [smem:$0x3F9B]  }
0x1a: {  	s8 =	sadd.s32 $0xFFFFE003, lr  }
0x1b: {  	s9 =	sadd.s32 $0xFFFFFEF7, lr;
	s5 =	simm.s32 $0xFFFFFFFF;
	p2 =	slt.u32 s8, $0xFFFFF086  }
0x1c: {  	p1 =	slt.u32 s9, $0xF7A;
	s5 =	simm.s32 @!p2 $0x0  }
0x1d: {  	s5 =	simm.s32 @p1 $0x1;
	p0 =	seq.s32 s7, s2  }
0x1e: {  	s7 =	smul.u32 @!p0 $0xF7A, s2;
	p2 =	seq.s32 @!p0 s5, $0x0  }
0x1f: {  	s9 =	smul.u32 $0xF7A, s1;
	s8 =	simm.s32 @!p0 $0x1BF5;
	p2 =	por !p2, p0  }
0x20: {  	[sflag:s8] =	ssyncset.s32 @!p0 $0xFFFFF086;
	s6 =	sadd.s32 @!p0 s3, s7;
	s7 =	simm.s32 @!p0 $0x108  }
0x21: {  	s3 =	sadd.s32 s3, s9;
	s6 =	sadd.s32 @!p0 $0x88, s6;
	s7 =	simm.s32 @p2 $0x1082  }
0x22: {  	[simem:s7], [sflag:s8] =	dma.local @!p0 [hbm:s6], $0xF7A  }
0x23: {  	s9 =	sor.u32 $0xD0000000, s2;
	s6 =	simm.s32 $0x108;
	_ =	swait.ge @!p0 [sflag:s8], $0x0  }
0x24: {  	s3 =	sadd.s32 $0x88, s3;
	s6 =	simm.s32 @!p1 $0x1082;
	[sflag:s4] =	ssyncset.s32 $0xFFFFF086  }
0x25: {  	[simem:s6], [sflag:s4] =	dma.local [hbm:s3], $0xF7A  }
0x26: {  	[smem:$0x3F9B] =	sst s1;
	(tag) =	ssettag s2;
	_ =	strace s9  }
0x27: {  	s1 =	sld [smem:$0x3FAB]  }
0x28: {  	s2 =	sld [smem:$0x3FAC]  }
0x29: {  	s4 =	sld [smem:$0x3FAE]  }
0x2a: {  	p0 =	seq.s32 s5, $0x0;
	s5 =	sld [smem:$0x3FAF]  }
0x2b: {  	s6 =	sld [smem:$0x3FB0]  }
0x2c: {  	s7 =	sld [smem:$0x3FB1]  }
0x2d: {  	s3 =	simm.s32 $0x108;
	s8 =	sld [smem:$0x3FB2]  }
0x2e: {  	s3 =	simm.s32 @!p0 $0x1082;
	s9 =	sld [smem:$0x3FB3]  }
0x2f: {  	lr =	sadd.s32 s0, s3;
	s0 =	sld [smem:$0x3FAA]  }
0x30: {  	s3 =	sld [smem:$0x3FAD]  }
0x31: {  	[smem:$0x3FB6] =	sst s10  }
0x32: {  	s10 =	sld [smem:$0x3FB4];
	_ =	sdelay $0x3  }
0x33: {  	p0 =	seq.s32 s10, $0x1;
	s10 =	sld [smem:$0x3FB6];
	_ =	sdelay $0x3  }
0x34: {  	[smem:$0x3FB6] =	sst s10  }
0x35: {  	s10 =	sld [smem:$0x3FB5];
	_ =	sdelay $0x3  }
0x36: {  	p1 =	seq.s32 s10, $0x1;
	s10 =	sld [smem:$0x3FB6];
	_ =	sdelay $0x3  }
0x37: {  	[smem:$0x3FB6] =	sst s10  }
0x38: {  	s10 =	sld [smem:$0x3FB7]  }
0x39: {  	_ = 	snop;
	(pc) =	sbr.ind lr, $3  }
0x3a: {  	_ = 	snop  }
0x3b: {  	_ = 	snop  }
0x3c: {  	p2 =	seq.s32 s10, $0x1;
	s10 =	sld [smem:$0x3FB6]  }
0x3d: {  	_ =	shalt  }
0x3e: {  	_ =	shalt  }
0x3f: {  	_ =	shalt  }
0x40: {  	_ =	shalt  }
0x41: {  	_ =	shalt  }
0x42: {  	_ =	shalt  }
0x43: {  	_ =	shalt  }
0x44: {  	_ =	shalt  }
0x45: {  	_ =	shalt  }
0x46: {  	_ =	shalt  }
0x47: {  	_ =	shalt  }
0x48: {  	_ =	shalt  }
0x49: {  	_ =	shalt  }
0x4a: {  	_ =	shalt  }
0x4b: {  	_ =	shalt  }
0x4c: {  	_ =	shalt  }
0x4d: {  	_ =	shalt  }
0x4e: {  	_ =	shalt  }
0x4f: {  	_ =	shalt  }
0x50: {  	_ =	shalt  }
0x51: {  	_ =	shalt  }
0x52: {  	_ =	shalt  }
0x53: {  	_ =	shalt  }
0x54: {  	_ =	shalt  }
0x55: {  	_ =	shalt  }
0x56: {  	_ =	shalt  }
0x57: {  	_ =	shalt  }
0x58: {  	_ =	shalt  }
0x59: {  	_ =	shalt  }
0x5a: {  	_ =	shalt  }
0x5b: {  	_ =	shalt  }
0x5c: {  	_ =	shalt  }
0x5d: {  	_ =	shalt  }
0x5e: {  	_ =	shalt  }
0x5f: {  	_ =	shalt  }
0x60: {  	_ =	shalt  }
0x61: {  	_ =	shalt  }
0x62: {  	_ =	shalt  }
0x63: {  	_ =	shalt  }
0x64: {  	_ =	shalt  }
0x65: {  	_ =	shalt  }
0x66: {  	_ =	shalt  }
0x67: {  	_ =	shalt  }
0x68: {  	_ =	shalt  }
0x69: {  	_ =	shalt  }
0x6a: {  	_ =	shalt  }
0x6b: {  	_ =	shalt  }
0x6c: {  	_ =	shalt  }
0x6d: {  	_ =	shalt  }
0x6e: {  	_ =	shalt  }
0x6f: {  	_ =	shalt  }
0x70: {  	_ =	shalt  }
0x71: {  	_ =	shalt  }
0x72: {  	_ =	shalt  }
0x73: {  	_ =	shalt  }
0x74: {  	_ =	shalt  }
0x75: {  	_ =	shalt  }
0x76: {  	_ =	shalt  }
0x77: {  	_ =	shalt  }
0x78: {  	_ =	shalt  }
0x79: {  	_ =	shalt  }
0x7a: {  	_ =	shalt  }
0x7b: {  	_ =	shalt  }
0x7c: {  	_ =	shalt  }
0x7d: {  	_ =	shalt  }
0x7e: {  	_ =	shalt  }
0x7f: {  	_ =	shalt  }
0x80: {  	_ =	shalt  }
0x81: {  	_ =	shalt  }
0x82: {  	_ =	shalt  }
0x83: {  	_ =	shalt  }
0x84: {  	_ =	shalt  }
0x85: {  	_ =	shalt  }
0x86: {  	_ =	shalt  }
0x87: {  	_ =	shalt  }
.Lfunc_end0:
.L_simem_size_0:
called_computation_lowered:
.L_overlay_start_0:
0x88: {  	s2 =	sld [smem:$0x3FD9]  }
0x89: {  	s3 =	sld [smem:$0x3FFE];
	_ =	sdelay $0x1  }
0x8a: {  	s1 =	srdreg.scid  }
0x8b: {  	s0 =	sand.u32 $0x1, s1  }
0x8c: {  	s14 =	sshll.u32 s0, $0xA;
	s2 =	sadd.s32 s3, s2  }
0x8d: {  	s2 =	sadd.s32 s2, s14  }
0x8e: {  	[smem:$0x3FC2] =	sst s2  }
0x8f: {  	_ = 	snop  }
0x90: {  	s2 =	sld [smem:$0x3FD0];
	_ =	sdelay $0x2  }
0x91: {  	s15 =	simm.s32 $0xA;
	s4 =	simm.s32 $0x10  }
0x92: {  	[smem:s4], [sflag:s15] =	dma.local [hbm:s2], $0x1  }
0x93: {  	_ =	swait.eq [sflag:s15], $0x1  }
0x94: {  	[sflag:s15] =	ssyncset.done $0x0  }
0x95: {  	[sflag:s15] =	ssyncadd.s32 $0xFFFFFFFF  }
0x96: {  	s16 =	sld [smem:$0x11];
	(tm) =	ssettm $0x1  }
0x97: {  	s17 =	sld [smem:$0x3FFB];
	_ =	sdelay $0x3  }
0x98: {  	_ =	strace s17  }
0x99: {  	s3 =	sld [smem:$0x3FFC];
	_ =	sdelay $0x3  }
0x9a: {  	_ =	strace s3  }
0x9b: {  	s3 =	sld [smem:$0x3FFD];
	_ =	sdelay $0x3  }
0x9c: {  	_ =	strace s3  }
0x9d: {  	_ =	strace $0x8FFFFFFF  }
0x9e: {  	s18 =	sld [smem:$0x3FDB];
	_ =	sdelay $0x1  }
0x9f: {  	s19 =	simm.s32 $_scs_section_size  }
0xa0: {  	s5 =	simm.s32 $_size__tile_overlayer_lowered;
	s6 =	simm.s32 $_tile_overlayer_lowered  }
0xa1: {  	s22 =	simm.s32 $0x1BFF;
	s21 =	sshll.u32 s6, $0x1;
	s3 =	sadd.s32 s19, s18  }
0xa2: {  	s7 =	simm.s32 $0x0;
	s20 =	sshll.u32 s5, $0x1;
	s5 =	sadd.s32 s21, s3  }
0xa3: {  	[timem:s7], [sflag:s22] =	dma.local [hbm:s5], s20  }
0xa4: {  	_ =	swait.ge [sflag:s22], s20  }
0xa5: {  	s4 =	ssub.s32 $0x0, s20;
	[sflag:s22] =	ssyncset.done $0x0  }
0xa6: {  	[sflag:s22] =	ssyncadd.s32 s4;
	_ =	sdelay $0x1  }
0xa7: {  	s23 =	simm.s32 $0x1B8B  }
0xa8: {  	_ =	swait.ge [sflag:s23], $0x1  }
0xa9: {  	[sflag:s23] =	ssyncset.done $0x0  }
0xaa: {  	s25 =	simm.s32 $0x1B8E;
	s24 =	sld [smem:$0x3FFE];
	[sflag:s23] =	ssyncadd.s32 $0xFFFFFFFF  }
0xab: {  	s26 =	simm.s32 $execute0_lowered;
	[smem:$0x3FD2] =	sst s25  }
0xac: {  	s5 =	sshll.u32 s26, $0x1;
	_ =	strace $0x80000046;
	[dreg:$0x1] =	wrdreg $0xFFFFFFFF  }
0xad: {  	s28 =	simm.s32 $_size_execute0_lowered;
	s3 =	sadd.s32 s3, s5;
	[dreg:$0x0] =	wrdreg $0x0  }
0xae: {  	s5 =	sshll.u32 s28, $0x1;
	[dreg:$0x2] =	wrdreg s3  }
0xaf: {  	[dreg:$0x3] =	wrdreg s5  }
0xb0: {  	[dreg:$0x4] =	wrdreg $0xC0  }
0xb1: {  	_ =	task [dreg:s7], $0x5FFFF  }
0xb2: {  	[dreg:$0x1] =	wrdreg $0xFFFFFFFF  }
0xb3: {  	[dreg:$0x0] =	wrdreg $0x60  }
0xb4: {  	[dreg:$0x2] =	wrdreg s16  }
0xb5: {  	[dreg:$0x3] =	wrdreg s24  }
0xb6: {  	[dreg:$0x4] =	wrdreg $0x9  }
0xb7: {  	_ =	task.clear_ibuf [dreg:s7], $0x5FFFF;
	_ =	strace $0x90000046  }
0xb8: {  	s29 =	simm.s32 $0x9;
	_ =	strace $0x80000048  }
0xb9: {  	_ =	swait.ge [sflag:s29], $0x1  }
0xba: {  	[sflag:s29] =	ssyncadd.s32 $0xFFFFFFFF  }
0xbb: {  	_ =	strace $0x90000048  }
0xbc: {  	_ =	sfence  }
0xbd: {  	s30 =	sld [smem:$0x0];
	_ =	sdelay $0x2  }
0xbe: {  	s31 =	sshll.u32 s1, $0xD;
	s1 =	sshrl.u32 s1, $0x2  }
0xbf: {  	s3 =	sand.u32 $0x4000, s31;
	s1 =	sadd.s32 s1, s30  }
0xc0: {  	s0 =	sor.u32 s3, s0;
	s1 =	sshll.u32 s1, $0x11  }
0xc1: {  	s0 =	sor.u32 s1, s0  }
0xc2: {  	s0 =	sadd.s32 $0x8F2B, s0  }
0xc3: {  	[sflag:s0] =	ssyncadd.remote.s32 $0x1  }
0xc4: {  	_ =	sfence.sel $0xFFFF  }
0xc5: {  	[dreg:$0x0] =	wrdreg $0xFFFFFFFF;
	(pc) =	sbr.abs _section_cstart, $3  }
0xc6: {  	[dreg:$0x1] =	wrdreg $0xFFFFFFFF  }
0xc7: {  	_ =	task.clear_ibuf [dreg:s7], $0x2FFFF;
	_ =	strace $0x9FFFFFFF  }
0xc8: {  	(tm) =	ssettm $0x7FFFFFFF  }
0xc9: {  	_ =	shalt  }
tec
execute0_lowered:
.L_overlay_start_1:
0x0: {  	(tag) =	ssettag $0x1  }
0x1: {  	v0 =	vimm.s32 $0x3210  }
0x2: {  	v1 =	vimm.s32 $0x83828180;
	vm0 =	vcmask $0xF00;
	vm15 =	vcmask $0x1F10  }
0x3: {  	vm3 =	vcmask $0x2320;
	vm2 =	vcmask $0x2724;
	vm1 =	vcmask $0x2B28  }
0x4: {  	v3 =	vimm.s32 $0x383;
	vm14 =	vcmask $0x300;
	vm13 =	vcmask $0x704  }
0x5: {  	v4 =	vimm.s32 $0x583;
	vm12 =	vcmask $0xB08;
	vm11 =	vcmask $0xF0C  }
0x6: {  	vm10 =	vcmask $0x1310;
	vm9 =	vcmask $0x1714;
	vm8 =	vcmask $0x1B18  }
0x7: {  	vm7 =	vcmask $0x1F1C;
	vm4 =	vcmask $0x3330;
	vm5 =	vcmask $0x3734  }
0x8: {  	vm6 =	vcmask $0x3B38;
	v7 =	vimm.s32 $0x783;
	v9 =	vimm.s32 $0x983  }
0x9: {  	v10 =	vimm.s32 $0xB83;
	v13 =	vimm.s32 $0xD83;
	v15 =	vimm.s32 $0xF83  }
0xa: {  	v16 =	vimm.s32 $0x1183;
	v19 =	vimm.s32 $0x1383;
	v21 =	vimm.s32 $0x1583  }
0xb: {  	v22 =	vimm.s32 $0x1783;
	v0 =	vunpack.c.l.s4.s8 v0;
	v1 =	vunpack.c.0.s8.s32 v1  }
0xc: {  	v3 =	vsel vm14, $0x200, v3;
	v4 =	vsel vm14, $0x400, v4;
	v8 =	vsel vm14, $0x600, v7  }
0xd: {  	v9 =	vsel vm14, $0x800, v9;
	v10 =	vsel vm14, $0xA00, v10;
	v14 =	vsel vm14, $0xC00, v13  }
0xe: {  	v15 =	vsel vm14, $0xE00, v15;
	v16 =	vsel vm14, $0x1000, v16;
	v20 =	vsel vm14, $0x1200, v19  }
0xf: {  	v21 =	vsel vm14, $0x1400, v21;
	v22 =	vsel vm14, $0x1600, v22;
	v3 =	vsel vm13, $0x201, v3  }
0x10: {  	v4 =	vsel vm13, $0x401, v4;
	v8 =	vsel vm13, $0x601, v8;
	v9 =	vsel vm13, $0x801, v9  }
0x11: {  	v10 =	vsel vm13, $0xA01, v10;
	v14 =	vsel vm13, $0xC01, v14;
	v15 =	vsel vm13, $0xE01, v15  }
0x12: {  	v16 =	vsel vm13, $0x1001, v16;
	v20 =	vsel vm13, $0x1201, v20;
	v21 =	vsel vm13, $0x1401, v21  }
0x13: {  	v22 =	vsel vm13, $0x1601, v22;
	v0 =	vunpack.c.0.s8.s32 v0;
	v1 =	vand.u32 $0xFF, v1  }
0x14: {  	v3 =	vsel vm12, $0x202, v3;
	v4 =	vsel vm12, $0x402, v4;
	v8 =	vsel vm12, $0x602, v8  }
0x15: {  	v9 =	vsel vm12, $0x802, v9;
	v10 =	vsel vm12, $0xA02, v10;
	v14 =	vsel vm12, $0xC02, v14  }
0x16: {  	v15 =	vsel vm12, $0xE02, v15;
	v16 =	vsel vm12, $0x1002, v16;
	v20 =	vsel vm12, $0x1202, v20  }
0x17: {  	v21 =	vsel vm12, $0x1402, v21;
	v22 =	vsel vm12, $0x1602, v22;
	v3 =	vsel vm11, $0x203, v3  }
0x18: {  	v4 =	vsel vm11, $0x403, v4;
	v8 =	vsel vm11, $0x603, v8;
	v9 =	vsel vm11, $0x803, v9  }
0x19: {  	v10 =	vsel vm11, $0xA03, v10;
	v14 =	vsel vm11, $0xC03, v14;
	v15 =	vsel vm11, $0xE03, v15  }
0x1a: {  	v16 =	vsel vm11, $0x1003, v16;
	v20 =	vsel vm11, $0x1203, v20;
	v21 =	vsel vm11, $0x1403, v21  }
0x1b: {  	v22 =	vsel vm11, $0x1603, v22;
	v0 =	vnsel vm0, $0x183, v0;
	vm0 =	vcmask $0x2F2C  }
0x1c: {  	v3 =	vsel vm10, $0x280, v3;
	v4 =	vsel vm10, $0x480, v4;
	v8 =	vsel vm10, $0x680, v8  }
0x1d: {  	v9 =	vsel vm10, $0x880, v9;
	v10 =	vsel vm10, $0xA80, v10;
	v14 =	vsel vm10, $0xC80, v14  }
0x1e: {  	v15 =	vsel vm10, $0xE80, v15;
	v16 =	vsel vm10, $0x1080, v16;
	v20 =	vsel vm10, $0x1280, v20  }
0x1f: {  	v21 =	vsel vm10, $0x1480, v21;
	v22 =	vsel vm10, $0x1680, v22;
	v0 =	vsel vm15, v1, v0  }
0x20: {  	v3 =	vsel vm9, $0x281, v3;
	v4 =	vsel vm9, $0x481, v4;
	v8 =	vsel vm9, $0x681, v8  }
0x21: {  	v9 =	vsel vm9, $0x881, v9;
	v10 =	vsel vm9, $0xA81, v10;
	v14 =	vsel vm9, $0xC81, v14  }
0x22: {  	v15 =	vsel vm9, $0xE81, v15;
	v16 =	vsel vm9, $0x1081, v16;
	v20 =	vsel vm9, $0x1281, v20  }
0x23: {  	v21 =	vsel vm9, $0x1481, v21;
	v22 =	vsel vm9, $0x1681, v22;
	v1 =	vsel vm3, $0x100, v0  }
0x24: {  	v0 =	vlaneseq.u32;
	v3 =	vsel vm8, $0x282, v3;
	v4 =	vsel vm8, $0x482, v4  }
0x25: {  	v8 =	vsel vm8, $0x682, v8;
	v9 =	vsel vm8, $0x882, v9;
	v10 =	vsel vm8, $0xA82, v10  }
0x26: {  	v14 =	vsel vm8, $0xC82, v14;
	v15 =	vsel vm8, $0xE82, v15;
	v16 =	vsel vm8, $0x1082, v16  }
0x27: {  	s0 =	rddreg [dreg:$0x0];
	v20 =	vsel vm8, $0x1282, v20;
	v21 =	vsel vm8, $0x1482, v21;
	v22 =	vsel vm8, $0x1682, v22  }
0x28: {  	s5 =	rddreg [dreg:$0x1];
	s3 =	simm.s32 $0x0;
	v2 =	vsel vm2, $0x101, v1;
	v1 =	vshrl.u32 v0, $0x2;
	v3 =	vsel vm7, $0x283, v3  }
0x29: {  	s1 =	srdreg.scid;
	s2 =	stileid.u32;
	s28 =	simm.s32 $0x1980;
	v4 =	vsel vm7, $0x483, v4;
	v8 =	vsel vm7, $0x683, v8;
	v9 =	vsel vm7, $0x883, v9  }
0x2a: {  	s29 =	simm.s32 $0x1;
	s30 =	simm.s32 $0x2;
	s31 =	simm.s32 $0x3180;
	v10 =	vsel vm7, $0xA83, v10;
	v14 =	vsel vm7, $0xC83, v14;
	v15 =	vsel vm7, $0xE83, v15  }
0x2b: {  	[smem:$0x7FF] =	sst s3;
	s6 =	sand.u32 $0x1, s1;
	s7 =	sshll.u32 s2, $0x1;
	v16 =	vsel vm7, $0x1083, v16;
	v20 =	vsel vm7, $0x1283, v20;
	v21 =	vsel vm7, $0x1483, v21  }
0x2c: {  	s4 =	sadd.s32 $0x600, s5;
	s1 =	sadd.s32 $0x3800, s5;
	s7 =	sor.u32 s6, s7;
	v22 =	vsel vm7, $0x1683, v22;
	v26 =	vor.u32 $0x10, v0;
	v28 =	vor.u32 $0x20, v0  }
0x2d: {  	s19 =	sadd.s32 $0x4200, s5;
	s6 =	ssub.s32 $0x2, s6;
	s16 =	smul.u32 $0x210, s7;
	v2 =	vsel vm1, $0x102, v2;
	v3 =	vsel vm3, $0x300, v3;
	v4 =	vsel vm3, $0x500, v4  }
0x2e: {  	s20 =	sadd.s32 $0x6400, s5;
	s8 =	sshrl.u32 s6, $0x1;
	s7 =	smul.u32 $0x108, s7;
	v7 =	vor.u32 $0xC, v1;
	v8 =	vsel vm3, $0x700, v8;
	v9 =	vsel vm3, $0x900, v9  }
0x2f: {  	_ =	strace $0x80000047;
	s21 =	ssub.s32 s6, s8;
	s9 =	sshrl.u32 s16, $0x3;
	v10 =	vsel vm3, $0xB00, v10;
	v13 =	vor.u32 $0x18, v1;
	v14 =	vsel vm3, $0xD00, v14  }
0x30: {  	s10 =	sadd.s32 s19, s7;
	s11 =	sadd.s32 $0x30, s16;
	s17 =	sadd.s32 $0x60, s16;
	v15 =	vsel vm3, $0xF00, v15;
	v16 =	vsel vm3, $0x1100, v16;
	v19 =	vor.u32 $0x24, v1  }
0x31: {  	s25 =	sadd.s32 $0x90, s16;
	s8 =	sadd.s32 s1, s9;
	[dreg:$0x4] =	wrdreg s10;
	v20 =	vsel vm3, $0x1300, v20;
	v21 =	vsel vm3, $0x1500, v21;
	v22 =	vsel vm3, $0x1700, v22  }
0x32: {  	s12 =	sadd.s32 s20, s9;
	s13 =	sshrl.u32 s11, $0x3;
	[dreg:$0x3] =	wrdreg s8;
	v2 =	vsel vm0, $0x103, v2;
	v3 =	vsel vm2, $0x301, v3;
	v4 =	vsel vm2, $0x501, v4  }
0x33: {  	s6 =	sshrl.u32 s11, $0x1;
	[dreg:$0x5] =	wrdreg s12;
	s14 =	sadd.s32 s1, s13;
	v8 =	vsel vm2, $0x701, v8;
	v9 =	vsel vm2, $0x901, v9;
	v10 =	vsel vm2, $0xB01, v10  }
0x34: {  	s21 =	smax.u32 s21, $0x1;
	s15 =	sadd.s32 s19, s6;
	[dreg:$0x6] =	wrdreg s14;
	v14 =	vsel vm2, $0xD01, v14;
	v15 =	vsel vm2, $0xF01, v15;
	v16 =	vsel vm2, $0x1101, v16  }
0x35: {  	s22 =	sshrl.u32 s17, $0x3;
	s18 =	sadd.s32 s20, s13;
	[dreg:$0x7] =	wrdreg s15;
	v20 =	vsel vm2, $0x1301, v20;
	v21 =	vsel vm2, $0x1501, v21;
	v22 =	vsel vm2, $0x1701, v22  }
0x36: {  	s2 =	sshrl.u32 s25, $0x3;
	s23 =	sadd.s32 s1, s22;
	[dreg:$0x8] =	wrdreg s18;
	v2 =	vsel vm4, $0x180, v2;
	v3 =	vsel vm1, $0x302, v3;
	v4 =	vsel vm1, $0x502, v4  }
0x37: {  	s10 =	sadd.s32 $0xC0, s16;
	s26 =	sadd.s32 s20, s22;
	[dreg:$0x9] =	wrdreg s23;
	v8 =	vsel vm1, $0x702, v8;
	v9 =	vsel vm1, $0x902, v9;
	v10 =	vsel vm1, $0xB02, v10  }
0x38: {  	s6 =	sshrl.u32 s17, $0x1;
	s8 =	sadd.s32 s1, s2;
	[dreg:$0xb] =	wrdreg s26;
	v14 =	vsel vm1, $0xD02, v14;
	v15 =	vsel vm1, $0xF02, v15;
	v16 =	vsel vm1, $0x1102, v16  }
0x39: {  	s11 =	sadd.s32 s20, s2;
	s12 =	sshrl.u32 s10, $0x3;
	[dreg:$0xc] =	wrdreg s8;
	v20 =	vsel vm1, $0x1302, v20;
	v21 =	vsel vm1, $0x1502, v21;
	v22 =	vsel vm1, $0x1702, v22  }
0x3a: {  	s24 =	sadd.s32 s19, s6;
	s6 =	sshrl.u32 s25, $0x1;
	[dreg:$0xe] =	wrdreg s11;
	v2 =	vsel vm5, $0x181, v2;
	v3 =	vsel vm0, $0x303, v3;
	v4 =	vsel vm0, $0x503, v4  }
0x3b: {  	s13 =	sadd.s32 s1, s12;
	s15 =	sadd.s32 $0xF0, s16;
	[dreg:$0xa] =	wrdreg s24;
	v8 =	vsel vm0, $0x703, v8;
	v9 =	vsel vm0, $0x903, v9;
	v10 =	vsel vm0, $0xB03, v10  }
0x3c: {  	s17 =	sadd.s32 s20, s12;
	s9 =	sadd.s32 s19, s6;
	[dreg:$0xf] =	wrdreg s13;
	v14 =	vsel vm0, $0xD03, v14;
	v15 =	vsel vm0, $0xF03, v15;
	v16 =	vsel vm0, $0x1103, v16  }
0x3d: {  	s6 =	sshrl.u32 s10, $0x1;
	s18 =	sshrl.u32 s15, $0x3;
	[dreg:$0x11] =	wrdreg s17;
	v20 =	vsel vm0, $0x1303, v20;
	v21 =	vsel vm0, $0x1503, v21;
	v22 =	vsel vm0, $0x1703, v22  }
0x3e: {  	s24 =	sadd.s32 $0x120, s16;
	s10 =	sadd.s32 $0x150, s16;
	s13 =	sadd.s32 $0x180, s16;
	v2 =	vsel vm6, $0x182, v2;
	v5 =	vsel vm4, $0x380, v3;
	v3 =	vor.u32 $0x4, v1  }
0x3f: {  	s17 =	sadd.s32 $0x1B0, s16;
	[dreg:$0xd] =	wrdreg s9;
	s14 =	sadd.s32 s19, s6;
	v6 =	vsel vm4, $0x580, v4;
	v8 =	vsel vm4, $0x780, v8;
	v11 =	vsel vm4, $0x980, v9  }
0x40: {  	s22 =	sadd.s32 s1, s18;
	s6 =	sshrl.u32 s15, $0x1;
	s5 =	sadd.s32 s20, s18;
	v9 =	vor.u32 $0x10, v1;
	v12 =	vsel vm4, $0xB80, v10;
	v14 =	vsel vm4, $0xD80, v14  }
0x41: {  	s25 =	sshrl.u32 s24, $0x3;
	s26 =	sshrl.u32 s24, $0x1;
	s11 =	sshrl.u32 s10, $0x3;
	v17 =	vsel vm4, $0xF80, v15;
	v15 =	vor.u32 $0x1C, v1;
	v18 =	vsel vm4, $0x1180, v16  }
0x42: {  	s10 =	sshrl.u32 s10, $0x1;
	s18 =	sshrl.u32 s17, $0x3;
	[dreg:$0x10] =	wrdreg s14;
	v20 =	vsel vm4, $0x1380, v20;
	v23 =	vsel vm4, $0x1580, v21;
	v21 =	vor.u32 $0x28, v1  }
0x43: {  	s17 =	sshrl.u32 s17, $0x1;
	s24 =	simm.s32 $0x80;
	[dreg:$0x12] =	wrdreg s22;
	v24 =	vsel vm4, $0x1780, v22;
	v5 =	vsel vm5, $0x381, v5;
	v6 =	vsel vm5, $0x581, v6  }
0x44: {  	s23 =	sadd.s32 s19, s6;
	s6 =	sadd.s32 s1, s25;
	s7 =	sadd.s32 s19, s26;
	v8 =	vsel vm5, $0x781, v8;
	v11 =	vsel vm5, $0x981, v11;
	v12 =	vsel vm5, $0xB81, v12  }
0x45: {  	s8 =	sadd.s32 s20, s25;
	s9 =	sadd.s32 s1, s11;
	s10 =	sadd.s32 s19, s10;
	v14 =	vsel vm5, $0xD81, v14;
	v17 =	vsel vm5, $0xF81, v17;
	v18 =	vsel vm5, $0x1181, v18  }
0x46: {  	s11 =	sadd.s32 s20, s11;
	s14 =	sshrl.u32 s13, $0x3;
	s13 =	sshrl.u32 s13, $0x1;
	v20 =	vsel vm5, $0x1381, v20;
	v23 =	vsel vm5, $0x1581, v23;
	v25 =	vsel vm5, $0x1781, v24  }
0x47: {  	s15 =	sadd.s32 s1, s18;
	s22 =	sadd.s32 $0x1E0, s16;
	s16 =	sadd.s32 s19, s17;
	v24 =	vor.u32 $0x2C, v1;
	v4 =	vsel vm6, $0x382, v5;
	v5 =	vor.u32 $0x8, v1  }
0x48: {  	s17 =	sadd.s32 s20, s18;
	s25 =	simm.s32 $0x180;
	s26 =	simm.s32 $0x100;
	v6 =	vsel vm6, $0x582, v6;
	v8 =	vsel vm6, $0x782, v8;
	v10 =	vsel vm6, $0x982, v11  }
0x49: {  	[dreg:$0x13] =	wrdreg s23;
	s12 =	sadd.s32 s1, s14;
	s13 =	sadd.s32 s19, s13;
	v11 =	vor.u32 $0x14, v1;
	v12 =	vsel vm6, $0xB82, v12;
	v14 =	vsel vm6, $0xD82, v14  }
0x4a: {  	s14 =	sadd.s32 s20, s14;
	s23 =	sshrl.u32 s22, $0x3;
	s22 =	sshrl.u32 s22, $0x1;
	v16 =	vsel vm6, $0xF82, v17;
	v22 =	vsel vm6, $0x1582, v23;
	v23 =	vmul.u32 $0x80, v0  }
0x4b: {  	s18 =	sadd.s32 s1, s23;
	s19 =	sadd.s32 s19, s22;
	s20 =	sadd.s32 s20, s23;
	v17 =	vor.u32 $0x20, v1;
	v18 =	vsel vm6, $0x1182, v18;
	v20 =	vsel vm6, $0x1382, v20  }
0x4c: {  	s22 =	simm.s32 $0x3;
	s23 =	simm.s32 $0x30;
	s1 =	simm.s32 $0x3280;
	v25 =	vsel vm6, $0x1782, v25;
	v27 =	vor.u32 $0x800, v23;
	v29 =	vor.u32 $0x1000, v23  }
.LBB2_1:
0x4d: {  	s2 =	rddreg [dreg:$0x3]  }
0x4e: {  	[tilespmem:s3], [sflag:$0x3] =	stream.linear.gather [hbm4b:s2+s3], $0x30, $0x38;
	[tilespmem:$0x3300] =	vst v63  }
0x4f: {  	_ =	swait.ge [sflag:s22], $0x30  }
0x50: {  	[sflag:s22] =	ssyncset.done $0x0  }
0x51: {  	[sflag:s22] =	ssyncadd.s32 $0xFFFFFFD0  }
0x52: {  	v30 =	vld [tilespmem:$0x0];
	_ =	sdelay $0x1  }
0x53: {  	v31 =	vld [tilespmem:$0x10];
	_ =	sdelay $0x1  }
0x54: {  	v32 =	vld [tilespmem:$0x20]  }
0x55: {  	v33 =	vshrl.u32 v30, $0x5  }
0x56: {  	v30 =	vshrl.u32 v30, $0x7;
	[tilespmem:$0x80] =	vst v33  }
0x57: {  	[tilespmem:$0x100] =	vst v30;
	v30 =	vshrl.u32 v31, $0x5  }
0x58: {  	[tilespmem:$0x90] =	vst v30;
	v30 =	vshrl.u32 v31, $0x7  }
0x59: {  	[tilespmem:$0x110] =	vst v30;
	v30 =	vshrl.u32 v32, $0x5  }
0x5a: {  	[tilespmem:$0xA0] =	vst v30;
	v30 =	vshrl.u32 v32, $0x7  }
0x5b: {  	[tilespmem:$0x120] =	vst v30  }
0x5c: {  	[tilespmem:s25], [sflag:$0x1] =	stream.indirect.gather [hbm4b:s0+s23], $0x80, s24, s23, $0xb8;
	[tilespmem:$0x3300] =	vst v63  }
0x5d: {  	_ = 	snop  }
0x5e: {  	[tilespmem:s28], [sflag:$0x2] =	stream.indirect.gather [hbm4b:s4+s23], $0x80, s26, s23, $0xb8;
	[tilespmem:$0x3300] =	vst v63  }
0x5f: {  	_ =	swait.ge [sflag:s29], $0x1800  }
0x60: {  	[sflag:s29] =	ssyncset.done $0x0  }
0x61: {  	[sflag:s29] =	ssyncadd.s32 $0xFFFFE800  }
0x62: {  	_ =	swait.ge [sflag:s30], $0x1800  }
0x63: {  	[sflag:s30] =	ssyncset.done $0x0  }
0x64: {  	[sflag:s30] =	ssyncadd.s32 $0xFFFFE800  }
0x65: {  	v30 =	vld.idx.msk [tilespmem:v1+s3+$0x0], $0xffff;
	_ =	sdelay $0x4  }
0x66: {  	v30 =	vshll.u32 v30, $0x2  }
0x67: {  	v30 =	vand.u32 $0x7C, v30  }
0x68: {  	v30 =	vor.u32 v2, v30;
	_ =	sdelay $0x4  }
0x69: {  	v30 =	vld.idx.msk [tilespmem:v30+s25+$0x0], $0xffff;
	_ =	sdelay $0x4  }
0x6a: {  	[tilespmem:$0x3180] =	vst v30  }
0x6b: {  	v30 =	vld.idx.msk [tilespmem:v3+s3+$0x0], $0xffff;
	_ =	sdelay $0x4  }
0x6c: {  	v30 =	vshll.u32 v30, $0x2  }
0x6d: {  	v30 =	vand.u32 $0x7C, v30  }
0x6e: {  	v30 =	vor.u32 v4, v30;
	_ =	sdelay $0x4  }
0x6f: {  	v30 =	vld.idx.msk [tilespmem:v30+s25+$0x0], $0xffff;
	_ =	sdelay $0x4  }
0x70: {  	[tilespmem:$0x3190] =	vst v30  }
0x71: {  	v30 =	vld.idx.msk [tilespmem:v5+s3+$0x0], $0xffff;
	_ =	sdelay $0x4  }
0x72: {  	v30 =	vshll.u32 v30, $0x2  }
0x73: {  	v30 =	vand.u32 $0x7C, v30  }
0x74: {  	v30 =	vor.u32 v6, v30;
	_ =	sdelay $0x4  }
0x75: {  	v30 =	vld.idx.msk [tilespmem:v30+s25+$0x0], $0xffff;
	_ =	sdelay $0x4  }
0x76: {  	[tilespmem:$0x31A0] =	vst v30  }
0x77: {  	v30 =	vld.idx.msk [tilespmem:v7+s3+$0x0], $0xffff;
	_ =	sdelay $0x4  }
0x78: {  	v30 =	vshll.u32 v30, $0x2  }
0x79: {  	v30 =	vand.u32 $0x7C, v30  }
0x7a: {  	v30 =	vor.u32 v8, v30;
	_ =	sdelay $0x4  }
0x7b: {  	v30 =	vld.idx.msk [tilespmem:v30+s25+$0x0], $0xffff;
	_ =	sdelay $0x4  }
0x7c: {  	[tilespmem:$0x31B0] =	vst v30  }
0x7d: {  	v30 =	vld.idx.msk [tilespmem:v9+s3+$0x0], $0xffff;
	_ =	sdelay $0x4  }
0x7e: {  	v30 =	vshll.u32 v30, $0x2  }
0x7f: {  	v30 =	vand.u32 $0x7C, v30  }
0x80: {  	v30 =	vor.u32 v10, v30;
	_ =	sdelay $0x4  }
0x81: {  	v30 =	vld.idx.msk [tilespmem:v30+s25+$0x0], $0xffff;
	_ =	sdelay $0x4  }
0x82: {  	[tilespmem:$0x31C0] =	vst v30  }
0x83: {  	v30 =	vld.idx.msk [tilespmem:v11+s3+$0x0], $0xffff;
	_ =	sdelay $0x4  }
0x84: {  	v30 =	vshll.u32 v30, $0x2  }
0x85: {  	v30 =	vand.u32 $0x7C, v30  }
0x86: {  	v30 =	vor.u32 v12, v30;
	_ =	sdelay $0x4  }
0x87: {  	v30 =	vld.idx.msk [tilespmem:v30+s25+$0x0], $0xffff;
	_ =	sdelay $0x4  }
0x88: {  	[tilespmem:$0x31D0] =	vst v30  }
0x89: {  	v30 =	vld.idx.msk [tilespmem:v13+s3+$0x0], $0xffff;
	_ =	sdelay $0x4  }
0x8a: {  	v30 =	vshll.u32 v30, $0x2  }
0x8b: {  	v30 =	vand.u32 $0x7C, v30  }
0x8c: {  	v30 =	vor.u32 v14, v30;
	_ =	sdelay $0x4  }
0x8d: {  	v30 =	vld.idx.msk [tilespmem:v30+s25+$0x0], $0xffff;
	_ =	sdelay $0x4  }
0x8e: {  	[tilespmem:$0x31E0] =	vst v30  }
0x8f: {  	v30 =	vld.idx.msk [tilespmem:v15+s3+$0x0], $0xffff;
	_ =	sdelay $0x4  }
0x90: {  	v30 =	vshll.u32 v30, $0x2  }
0x91: {  	v30 =	vand.u32 $0x7C, v30  }
0x92: {  	v30 =	vor.u32 v16, v30;
	_ =	sdelay $0x4  }
0x93: {  	v30 =	vld.idx.msk [tilespmem:v30+s25+$0x0], $0xffff;
	_ =	sdelay $0x4  }
0x94: {  	[tilespmem:$0x31F0] =	vst v30  }
0x95: {  	v30 =	vld.idx.msk [tilespmem:v17+s3+$0x0], $0xffff;
	_ =	sdelay $0x4  }
0x96: {  	v30 =	vshll.u32 v30, $0x2  }
0x97: {  	v30 =	vand.u32 $0x7C, v30  }
0x98: {  	v30 =	vor.u32 v18, v30;
	_ =	sdelay $0x4  }
0x99: {  	v30 =	vld.idx.msk [tilespmem:v30+s25+$0x0], $0xffff;
	_ =	sdelay $0x4  }
0x9a: {  	[tilespmem:$0x3200] =	vst v30  }
0x9b: {  	v30 =	vld.idx.msk [tilespmem:v19+s3+$0x0], $0xffff;
	_ =	sdelay $0x4  }
0x9c: {  	v30 =	vshll.u32 v30, $0x2  }
0x9d: {  	v30 =	vand.u32 $0x7C, v30  }
0x9e: {  	v30 =	vor.u32 v20, v30;
	_ =	sdelay $0x4  }
0x9f: {  	v30 =	vld.idx.msk [tilespmem:v30+s25+$0x0], $0xffff;
	_ =	sdelay $0x4  }
0xa0: {  	[tilespmem:$0x3210] =	vst v30  }
0xa1: {  	v30 =	vld.idx.msk [tilespmem:v21+s3+$0x0], $0xffff;
	_ =	sdelay $0x4  }
0xa2: {  	v30 =	vshll.u32 v30, $0x2  }
0xa3: {  	v30 =	vand.u32 $0x7C, v30  }
0xa4: {  	v30 =	vor.u32 v22, v30;
	_ =	sdelay $0x4  }
0xa5: {  	v30 =	vld.idx.msk [tilespmem:v30+s25+$0x0], $0xffff;
	_ =	sdelay $0x4  }
0xa6: {  	[tilespmem:$0x3220] =	vst v30  }
0xa7: {  	v30 =	vld.idx.msk [tilespmem:v24+s3+$0x0], $0xffff;
	_ =	sdelay $0x4  }
0xa8: {  	v30 =	vshll.u32 v30, $0x2  }
0xa9: {  	v30 =	vand.u32 $0x7C, v30  }
0xaa: {  	v30 =	vor.u32 v25, v30;
	_ =	sdelay $0x4  }
0xab: {  	v30 =	vld.idx.msk [tilespmem:v30+s25+$0x0], $0xffff;
	_ =	sdelay $0x4  }
0xac: {  	[tilespmem:$0x3230] =	vst v30  }
0xad: {  	v30 =	vld.idx.msk [tilespmem:v0+s3+$0x0], $0xffff;
	_ =	sdelay $0x4  }
0xae: {  	v30 =	vand.u32 $0x7F, v30  }
0xaf: {  	v30 =	vor.u32 v23, v30;
	_ =	sdelay $0x4  }
0xb0: {  	v30 =	vld.idx.msk [tilespmem:v30+s28+$0x0], $0xffff;
	_ =	sdelay $0x4  }
0xb1: {  	[tilespmem:$0x3280] =	vst v30  }
0xb2: {  	v30 =	vld.idx.msk [tilespmem:v26+s3+$0x0], $0xffff;
	_ =	sdelay $0x4  }
0xb3: {  	v30 =	vand.u32 $0x7F, v30  }
0xb4: {  	v30 =	vor.u32 v27, v30;
	_ =	sdelay $0x4  }
0xb5: {  	v30 =	vld.idx.msk [tilespmem:v30+s28+$0x0], $0xffff;
	_ =	sdelay $0x4  }
0xb6: {  	[tilespmem:$0x3290] =	vst v30  }
0xb7: {  	v30 =	vld.idx.msk [tilespmem:v28+s3+$0x0], $0xffff;
	_ =	sdelay $0x4  }
0xb8: {  	v30 =	vand.u32 $0x7F, v30  }
0xb9: {  	v30 =	vor.u32 v29, v30;
	_ =	sdelay $0x4  }
0xba: {  	v30 =	vld.idx.msk [tilespmem:v30+s28+$0x0], $0xffff;
	_ =	sdelay $0x4  }
0xbb: {  	s2 =	rddreg [dreg:$0x4];
	[tilespmem:$0x32A0] =	vst v30  }
0xbc: {  	[hbm4b:s2+s3] =	stream.linear.scatter [tilespmem:s31], [sflag:$0x3], $0xC0, $0x38;
	[tilespmem:$0x3300] =	vst v63  }
0xbd: {  	_ =	swait.ge [sflag:s22], $0xC0  }
0xbe: {  	[sflag:s22] =	ssyncset.done $0x0  }
0xbf: {  	s2 =	rddreg [dreg:$0x5];
	[sflag:s22] =	ssyncadd.s32 $0xFFFFFF40  }
0xc0: {  	[hbm4b:s2+s3] =	stream.linear.scatter [tilespmem:s1], [sflag:$0x3], $0x30, $0x38;
	[tilespmem:$0x3300] =	vst v63  }
0xc1: {  	_ =	swait.ge [sflag:s22], $0x30  }
0xc2: {  	[sflag:s22] =	ssyncset.done $0x0  }
0xc3: {  	s2 =	rddreg [dreg:$0x6];
	[sflag:s22] =	ssyncadd.s32 $0xFFFFFFD0  }
0xc4: {  	[tilespmem:s3], [sflag:$0x3] =	stream.linear.gather [hbm4b:s2+s3], $0x30, $0x38;
	[tilespmem:$0x3300] =	vst v63  }
0xc5: {  	_ =	swait.ge [sflag:s22], $0x30  }
0xc6: {  	[sflag:s22] =	ssyncset.done $0x0  }
0xc7: {  	[sflag:s22] =	ssyncadd.s32 $0xFFFFFFD0  }
0xc8: {  	v30 =	vld [tilespmem:$0x0];
	_ =	sdelay $0x1  }
0xc9: {  	v31 =	vld [tilespmem:$0x10];
	_ =	sdelay $0x1  }
0xca: {  	v44 =	vld [tilespmem:$0x20]  }
0xcb: {  	v45 =	vshrl.u32 v30, $0x5  }
0xcc: {  	v30 =	vshrl.u32 v30, $0x7;
	[tilespmem:$0x80] =	vst v45  }
0xcd: {  	[tilespmem:$0x100] =	vst v30;
	v30 =	vshrl.u32 v31, $0x5  }
0xce: {  	[tilespmem:$0x90] =	vst v30;
	v30 =	vshrl.u32 v31, $0x7  }
0xcf: {  	[tilespmem:$0x110] =	vst v30;
	v30 =	vshrl.u32 v44, $0x5  }
0xd0: {  	[tilespmem:$0xA0] =	vst v30;
	v30 =	vshrl.u32 v44, $0x7  }
0xd1: {  	[tilespmem:$0x120] =	vst v30  }
0xd2: {  	[tilespmem:s25], [sflag:$0x1] =	stream.indirect.gather [hbm4b:s0+s23], $0x80, s24, s23, $0xb8;
	[tilespmem:$0x3300] =	vst v63  }
0xd3: {  	_ = 	snop  }
0xd4: {  	[tilespmem:s28], [sflag:$0x2] =	stream.indirect.gather [hbm4b:s4+s23], $0x80, s26, s23, $0xb8;
	[tilespmem:$0x3300] =	vst v63  }
0xd5: {  	_ =	swait.ge [sflag:s29], $0x1800  }
0xd6: {  	[sflag:s29] =	ssyncset.done $0x0  }
0xd7: {  	[sflag:s29] =	ssyncadd.s32 $0xFFFFE800  }
0xd8: {  	_ =	swait.ge [sflag:s30], $0x1800  }
0xd9: {  	[sflag:s30] =	ssyncset.done $0x0  }
0xda: {  	[sflag:s30] =	ssyncadd.s32 $0xFFFFE800  }
0xdb: {  	v30 =	vld.idx.msk [tilespmem:v1+s3+$0x0], $0xffff;
	_ =	sdelay $0x4  }
0xdc: {  	v30 =	vshll.u32 v30, $0x2  }
0xdd: {  	v30 =	vand.u32 $0x7C, v30  }
0xde: {  	v30 =	vor.u32 v2, v30;
	_ =	sdelay $0x4  }
0xdf: {  	v30 =	vld.idx.msk [tilespmem:v30+s25+$0x0], $0xffff;
	_ =	sdelay $0x4  }
0xe0: {  	[tilespmem:$0x3180] =	vst v30  }
0xe1: {  	v30 =	vld.idx.msk [tilespmem:v3+s3+$0x0], $0xffff;
	_ =	sdelay $0x4  }
0xe2: {  	v30 =	vshll.u32 v30, $0x2  }
0xe3: {  	v30 =	vand.u32 $0x7C, v30  }
0xe4: {  	v30 =	vor.u32 v4, v30;
	_ =	sdelay $0x4  }
0xe5: {  	v30 =	vld.idx.msk [tilespmem:v30+s25+$0x0], $0xffff;
	_ =	sdelay $0x4  }
0xe6: {  	[tilespmem:$0x3190] =	vst v30  }
0xe7: {  	v30 =	vld.idx.msk [tilespmem:v5+s3+$0x0], $0xffff;
	_ =	sdelay $0x4  }
0xe8: {  	v30 =	vshll.u32 v30, $0x2  }
0xe9: {  	v30 =	vand.u32 $0x7C, v30  }
0xea: {  	v30 =	vor.u32 v6, v30;
	_ =	sdelay $0x4  }
0xeb: {  	v30 =	vld.idx.msk [tilespmem:v30+s25+$0x0], $0xffff;
	_ =	sdelay $0x4  }
0xec: {  	[tilespmem:$0x31A0] =	vst v30  }
0xed: {  	v30 =	vld.idx.msk [tilespmem:v7+s3+$0x0], $0xffff;
	_ =	sdelay $0x4  }
0xee: {  	v30 =	vshll.u32 v30, $0x2  }
0xef: {  	v30 =	vand.u32 $0x7C, v30  }
0xf0: {  	v30 =	vor.u32 v8, v30;
	_ =	sdelay $0x4  }
0xf1: {  	v30 =	vld.idx.msk [tilespmem:v30+s25+$0x0], $0xffff;
	_ =	sdelay $0x4  }
0xf2: {  	[tilespmem:$0x31B0] =	vst v30  }
0xf3: {  	v30 =	vld.idx.msk [tilespmem:v9+s3+$0x0], $0xffff;
	_ =	sdelay $0x4  }
0xf4: {  	v30 =	vshll.u32 v30, $0x2  }
0xf5: {  	v30 =	vand.u32 $0x7C, v30  }
0xf6: {  	v30 =	vor.u32 v10, v30;
	_ =	sdelay $0x4  }
0xf7: {  	v30 =	vld.idx.msk [tilespmem:v30+s25+$0x0], $0xffff;
	_ =	sdelay $0x4  }
0xf8: {  	[tilespmem:$0x31C0] =	vst v30  }
0xf9: {  	v30 =	vld.idx.msk [tilespmem:v11+s3+$0x0], $0xffff;
	_ =	sdelay $0x4  }
0xfa: {  	v30 =	vshll.u32 v30, $0x2  }
0xfb: {  	v30 =	vand.u32 $0x7C, v30  }
0xfc: {  	v30 =	vor.u32 v12, v30;
	_ =	sdelay $0x4  }
0xfd: {  	v30 =	vld.idx.msk [tilespmem:v30+s25+$0x0], $0xffff;
	_ =	sdelay $0x4  }
0xfe: {  	[tilespmem:$0x31D0] =	vst v30  }
0xff: {  	v30 =	vld.idx.msk [tilespmem:v13+s3+$0x0], $0xffff;
	_ =	sdelay $0x4  }
0x100: {  	v30 =	vshll.u32 v30, $0x2  }
0x101: {  	v30 =	vand.u32 $0x7C, v30  }
0x102: {  	v30 =	vor.u32 v14, v30;
	_ =	sdelay $0x4  }
0x103: {  	v30 =	vld.idx.msk [tilespmem:v30+s25+$0x0], $0xffff;
	_ =	sdelay $0x4  }
0x104: {  	[tilespmem:$0x31E0] =	vst v30  }
0x105: {  	v30 =	vld.idx.msk [tilespmem:v15+s3+$0x0], $0xffff;
	_ =	sdelay $0x4  }
0x106: {  	v30 =	vshll.u32 v30, $0x2  }
0x107: {  	v30 =	vand.u32 $0x7C, v30  }
0x108: {  	v30 =	vor.u32 v16, v30;
	_ =	sdelay $0x4  }
0x109: {  	v30 =	vld.idx.msk [tilespmem:v30+s25+$0x0], $0xffff;
	_ =	sdelay $0x4  }
0x10a: {  	[tilespmem:$0x31F0] =	vst v30  }
0x10b: {  	v30 =	vld.idx.msk [tilespmem:v17+s3+$0x0], $0xffff;
	_ =	sdelay $0x4  }
0x10c: {  	v30 =	vshll.u32 v30, $0x2  }
0x10d: {  	v30 =	vand.u32 $0x7C, v30  }
0x10e: {  	v30 =	vor.u32 v18, v30;
	_ =	sdelay $0x4  }
0x10f: {  	v30 =	vld.idx.msk [tilespmem:v30+s25+$0x0], $0xffff;
	_ =	sdelay $0x4  }
0x110: {  	[tilespmem:$0x3200] =	vst v30  }
0x111: {  	v30 =	vld.idx.msk [tilespmem:v19+s3+$0x0], $0xffff;
	_ =	sdelay $0x4  }
0x112: {  	v30 =	vshll.u32 v30, $0x2  }
0x113: {  	v30 =	vand.u32 $0x7C, v30  }
0x114: {  	v30 =	vor.u32 v20, v30;
	_ =	sdelay $0x4  }
0x115: {  	v30 =	vld.idx.msk [tilespmem:v30+s25+$0x0], $0xffff;
	_ =	sdelay $0x4  }
0x116: {  	[tilespmem:$0x3210] =	vst v30  }
0x117: {  	v30 =	vld.idx.msk [tilespmem:v21+s3+$0x0], $0xffff;
	_ =	sdelay $0x4  }
0x118: {  	v30 =	vshll.u32 v30, $0x2  }
0x119: {  	v30 =	vand.u32 $0x7C, v30  }
0x11a: {  	v30 =	vor.u32 v22, v30;
	_ =	sdelay $0x4  }
0x11b: {  	v30 =	vld.idx.msk [tilespmem:v30+s25+$0x0], $0xffff;
	_ =	sdelay $0x4  }
0x11c: {  	[tilespmem:$0x3220] =	vst v30  }
0x11d: {  	v30 =	vld.idx.msk [tilespmem:v24+s3+$0x0], $0xffff;
	_ =	sdelay $0x4  }
0x11e: {  	v30 =	vshll.u32 v30, $0x2  }
0x11f: {  	v30 =	vand.u32 $0x7C, v30  }
0x120: {  	v30 =	vor.u32 v25, v30;
	_ =	sdelay $0x4  }
0x121: {  	v30 =	vld.idx.msk [tilespmem:v30+s25+$0x0], $0xffff;
	_ =	sdelay $0x4  }
0x122: {  	[tilespmem:$0x3230] =	vst v30  }
0x123: {  	v30 =	vld.idx.msk [tilespmem:v0+s3+$0x0], $0xffff;
	_ =	sdelay $0x4  }
0x124: {  	v30 =	vand.u32 $0x7F, v30  }
0x125: {  	v30 =	vor.u32 v23, v30;
	_ =	sdelay $0x4  }
0x126: {  	v30 =	vld.idx.msk [tilespmem:v30+s28+$0x0], $0xffff;
	_ =	sdelay $0x4  }
0x127: {  	[tilespmem:$0x3280] =	vst v30  }
0x128: {  	v30 =	vld.idx.msk [tilespmem:v26+s3+$0x0], $0xffff;
	_ =	sdelay $0x4  }
0x129: {  	v30 =	vand.u32 $0x7F, v30  }
0x12a: {  	v30 =	vor.u32 v27, v30;
	_ =	sdelay $0x4  }
0x12b: {  	v30 =	vld.idx.msk [tilespmem:v30+s28+$0x0], $0xffff;
	_ =	sdelay $0x4  }
0x12c: {  	[tilespmem:$0x3290] =	vst v30  }
0x12d: {  	v30 =	vld.idx.msk [tilespmem:v28+s3+$0x0], $0xffff;
	_ =	sdelay $0x4  }
0x12e: {  	v30 =	vand.u32 $0x7F, v30  }
0x12f: {  	v30 =	vor.u32 v29, v30;
	_ =	sdelay $0x4  }
0x130: {  	v30 =	vld.idx.msk [tilespmem:v30+s28+$0x0], $0xffff;
	_ =	sdelay $0x4  }
0x131: {  	s2 =	rddreg [dreg:$0x7];
	[tilespmem:$0x32A0] =	vst v30  }
0x132: {  	[hbm4b:s2+s3] =	stream.linear.scatter [tilespmem:s31], [sflag:$0x3], $0xC0, $0x38;
	[tilespmem:$0x3300] =	vst v63  }
0x133: {  	_ =	swait.ge [sflag:s22], $0xC0  }
0x134: {  	[sflag:s22] =	ssyncset.done $0x0  }
0x135: {  	s2 =	rddreg [dreg:$0x8];
	[sflag:s22] =	ssyncadd.s32 $0xFFFFFF40  }
0x136: {  	[hbm4b:s2+s3] =	stream.linear.scatter [tilespmem:s1], [sflag:$0x3], $0x30, $0x38;
	[tilespmem:$0x3300] =	vst v63  }
0x137: {  	_ =	swait.ge [sflag:s22], $0x30  }
0x138: {  	[sflag:s22] =	ssyncset.done $0x0  }
0x139: {  	s2 =	rddreg [dreg:$0x9];
	[sflag:s22] =	ssyncadd.s32 $0xFFFFFFD0  }
0x13a: {  	[tilespmem:s3], [sflag:$0x3] =	stream.linear.gather [hbm4b:s2+s3], $0x30, $0x38;
	[tilespmem:$0x3300] =	vst v63  }
0x13b: {  	_ =	swait.ge [sflag:s22], $0x30  }
0x13c: {  	[sflag:s22] =	ssyncset.done $0x0  }
0x13d: {  	[sflag:s22] =	ssyncadd.s32 $0xFFFFFFD0  }
0x13e: {  	v30 =	vld [tilespmem:$0x0];
	_ =	sdelay $0x1  }
0x13f: {  	v31 =	vld [tilespmem:$0x10];
	_ =	sdelay $0x1  }
0x140: {  	v46 =	vld [tilespmem:$0x20]  }
0x141: {  	v47 =	vshrl.u32 v30, $0x5  }
0x142: {  	v30 =	vshrl.u32 v30, $0x7;
	[tilespmem:$0x80] =	vst v47  }
0x143: {  	[tilespmem:$0x100] =	vst v30;
	v30 =	vshrl.u32 v31, $0x5  }
0x144: {  	[tilespmem:$0x90] =	vst v30;
	v30 =	vshrl.u32 v31, $0x7  }
0x145: {  	[tilespmem:$0x110] =	vst v30;
	v30 =	vshrl.u32 v46, $0x5  }
0x146: {  	[tilespmem:$0xA0] =	vst v30;
	v30 =	vshrl.u32 v46, $0x7  }
0x147: {  	[tilespmem:$0x120] =	vst v30  }
0x148: {  	[tilespmem:s25], [sflag:$0x1] =	stream.indirect.gather [hbm4b:s0+s23], $0x80, s24, s23, $0xb8;
	[tilespmem:$0x3300] =	vst v63  }
0x149: {  	_ = 	snop  }
0x14a: {  	[tilespmem:s28], [sflag:$0x2] =	stream.indirect.gather [hbm4b:s4+s23], $0x80, s26, s23, $0xb8;
	[tilespmem:$0x3300] =	vst v63  }
0x14b: {  	_ =	swait.ge [sflag:s29], $0x1800  }
0x14c: {  	[sflag:s29] =	ssyncset.done $0x0  }
0x14d: {  	[sflag:s29] =	ssyncadd.s32 $0xFFFFE800  }
0x14e: {  	_ =	swait.ge [sflag:s30], $0x1800  }
0x14f: {  	[sflag:s30] =	ssyncset.done $0x0  }
0x150: {  	[sflag:s30] =	ssyncadd.s32 $0xFFFFE800  }
0x151: {  	v30 =	vld.idx.msk [tilespmem:v1+s3+$0x0], $0xffff;
	_ =	sdelay $0x4  }
0x152: {  	v30 =	vshll.u32 v30, $0x2  }
0x153: {  	v30 =	vand.u32 $0x7C, v30  }
0x154: {  	v30 =	vor.u32 v2, v30;
	_ =	sdelay $0x4  }
0x155: {  	v30 =	vld.idx.msk [tilespmem:v30+s25+$0x0], $0xffff;
	_ =	sdelay $0x4  }
0x156: {  	[tilespmem:$0x3180] =	vst v30  }
0x157: {  	v30 =	vld.idx.msk [tilespmem:v3+s3+$0x0], $0xffff;
	_ =	sdelay $0x4  }
0x158: {  	v30 =	vshll.u32 v30, $0x2  }
0x159: {  	v30 =	vand.u32 $0x7C, v30  }
0x15a: {  	v30 =	vor.u32 v4, v30;
	_ =	sdelay $0x4  }
0x15b: {  	v30 =	vld.idx.msk [tilespmem:v30+s25+$0x0], $0xffff;
	_ =	sdelay $0x4  }
0x15c: {  	[tilespmem:$0x3190] =	vst v30  }
0x15d: {  	v30 =	vld.idx.msk [tilespmem:v5+s3+$0x0], $0xffff;
	_ =	sdelay $0x4  }
0x15e: {  	v30 =	vshll.u32 v30, $0x2  }
0x15f: {  	v30 =	vand.u32 $0x7C, v30  }
0x160: {  	v30 =	vor.u32 v6, v30;
	_ =	sdelay $0x4  }
0x161: {  	v30 =	vld.idx.msk [tilespmem:v30+s25+$0x0], $0xffff;
	_ =	sdelay $0x4  }
0x162: {  	[tilespmem:$0x31A0] =	vst v30  }
0x163: {  	v30 =	vld.idx.msk [tilespmem:v7+s3+$0x0], $0xffff;
	_ =	sdelay $0x4  }
0x164: {  	v30 =	vshll.u32 v30, $0x2  }
0x165: {  	v30 =	vand.u32 $0x7C, v30  }
0x166: {  	v30 =	vor.u32 v8, v30;
	_ =	sdelay $0x4  }
0x167: {  	v30 =	vld.idx.msk [tilespmem:v30+s25+$0x0], $0xffff;
	_ =	sdelay $0x4  }
0x168: {  	[tilespmem:$0x31B0] =	vst v30  }
0x169: {  	v30 =	vld.idx.msk [tilespmem:v9+s3+$0x0], $0xffff;
	_ =	sdelay $0x4  }
0x16a: {  	v30 =	vshll.u32 v30, $0x2  }
0x16b: {  	v30 =	vand.u32 $0x7C, v30  }
0x16c: {  	v30 =	vor.u32 v10, v30;
	_ =	sdelay $0x4  }
0x16d: {  	v30 =	vld.idx.msk [tilespmem:v30+s25+$0x0], $0xffff;
	_ =	sdelay $0x4  }
0x16e: {  	[tilespmem:$0x31C0] =	vst v30  }
0x16f: {  	v30 =	vld.idx.msk [tilespmem:v11+s3+$0x0], $0xffff;
	_ =	sdelay $0x4  }
0x170: {  	v30 =	vshll.u32 v30, $0x2  }
0x171: {  	v30 =	vand.u32 $0x7C, v30  }
0x172: {  	v30 =	vor.u32 v12, v30;
	_ =	sdelay $0x4  }
0x173: {  	v30 =	vld.idx.msk [tilespmem:v30+s25+$0x0], $0xffff;
	_ =	sdelay $0x4  }
0x174: {  	[tilespmem:$0x31D0] =	vst v30  }
0x175: {  	v30 =	vld.idx.msk [tilespmem:v13+s3+$0x0], $0xffff;
	_ =	sdelay $0x4  }
0x176: {  	v30 =	vshll.u32 v30, $0x2  }
0x177: {  	v30 =	vand.u32 $0x7C, v30  }
0x178: {  	v30 =	vor.u32 v14, v30;
	_ =	sdelay $0x4  }
0x179: {  	v30 =	vld.idx.msk [tilespmem:v30+s25+$0x0], $0xffff;
	_ =	sdelay $0x4  }
0x17a: {  	[tilespmem:$0x31E0] =	vst v30  }
0x17b: {  	v30 =	vld.idx.msk [tilespmem:v15+s3+$0x0], $0xffff;
	_ =	sdelay $0x4  }
0x17c: {  	v30 =	vshll.u32 v30, $0x2  }
0x17d: {  	v30 =	vand.u32 $0x7C, v30  }
0x17e: {  	v30 =	vor.u32 v16, v30;
	_ =	sdelay $0x4  }
0x17f: {  	v30 =	vld.idx.msk [tilespmem:v30+s25+$0x0], $0xffff;
	_ =	sdelay $0x4  }
0x180: {  	[tilespmem:$0x31F0] =	vst v30  }
0x181: {  	v30 =	vld.idx.msk [tilespmem:v17+s3+$0x0], $0xffff;
	_ =	sdelay $0x4  }
0x182: {  	v30 =	vshll.u32 v30, $0x2  }
0x183: {  	v30 =	vand.u32 $0x7C, v30  }
0x184: {  	v30 =	vor.u32 v18, v30;
	_ =	sdelay $0x4  }
0x185: {  	v30 =	vld.idx.msk [tilespmem:v30+s25+$0x0], $0xffff;
	_ =	sdelay $0x4  }
0x186: {  	[tilespmem:$0x3200] =	vst v30  }
0x187: {  	v30 =	vld.idx.msk [tilespmem:v19+s3+$0x0], $0xffff;
	_ =	sdelay $0x4  }
0x188: {  	v30 =	vshll.u32 v30, $0x2  }
0x189: {  	v30 =	vand.u32 $0x7C, v30  }
0x18a: {  	v30 =	vor.u32 v20, v30;
	_ =	sdelay $0x4  }
0x18b: {  	v30 =	vld.idx.msk [tilespmem:v30+s25+$0x0], $0xffff;
	_ =	sdelay $0x4  }
0x18c: {  	[tilespmem:$0x3210] =	vst v30  }
0x18d: {  	v30 =	vld.idx.msk [tilespmem:v21+s3+$0x0], $0xffff;
	_ =	sdelay $0x4  }
0x18e: {  	v30 =	vshll.u32 v30, $0x2  }
0x18f: {  	v30 =	vand.u32 $0x7C, v30  }
0x190: {  	v30 =	vor.u32 v22, v30;
	_ =	sdelay $0x4  }
0x191: {  	v30 =	vld.idx.msk [tilespmem:v30+s25+$0x0], $0xffff;
	_ =	sdelay $0x4  }
0x192: {  	[tilespmem:$0x3220] =	vst v30  }
0x193: {  	v30 =	vld.idx.msk [tilespmem:v24+s3+$0x0], $0xffff;
	_ =	sdelay $0x4  }
0x194: {  	v30 =	vshll.u32 v30, $0x2  }
0x195: {  	v30 =	vand.u32 $0x7C, v30  }
0x196: {  	v30 =	vor.u32 v25, v30;
	_ =	sdelay $0x4  }
0x197: {  	v30 =	vld.idx.msk [tilespmem:v30+s25+$0x0], $0xffff;
	_ =	sdelay $0x4  }
0x198: {  	[tilespmem:$0x3230] =	vst v30  }
0x199: {  	v30 =	vld.idx.msk [tilespmem:v0+s3+$0x0], $0xffff;
	_ =	sdelay $0x4  }
0x19a: {  	v30 =	vand.u32 $0x7F, v30  }
0x19b: {  	v30 =	vor.u32 v23, v30;
	_ =	sdelay $0x4  }
0x19c: {  	v30 =	vld.idx.msk [tilespmem:v30+s28+$0x0], $0xffff;
	_ =	sdelay $0x4  }
0x19d: {  	[tilespmem:$0x3280] =	vst v30  }
0x19e: {  	v30 =	vld.idx.msk [tilespmem:v26+s3+$0x0], $0xffff;
	_ =	sdelay $0x4  }
0x19f: {  	v30 =	vand.u32 $0x7F, v30  }
0x1a0: {  	v30 =	vor.u32 v27, v30;
	_ =	sdelay $0x4  }
0x1a1: {  	v30 =	vld.idx.msk [tilespmem:v30+s28+$0x0], $0xffff;
	_ =	sdelay $0x4  }
0x1a2: {  	[tilespmem:$0x3290] =	vst v30  }
0x1a3: {  	v30 =	vld.idx.msk [tilespmem:v28+s3+$0x0], $0xffff;
	_ =	sdelay $0x4  }
0x1a4: {  	v30 =	vand.u32 $0x7F, v30  }
0x1a5: {  	v30 =	vor.u32 v29, v30;
	_ =	sdelay $0x4  }
0x1a6: {  	v30 =	vld.idx.msk [tilespmem:v30+s28+$0x0], $0xffff;
	_ =	sdelay $0x4  }
0x1a7: {  	s2 =	rddreg [dreg:$0xa];
	[tilespmem:$0x32A0] =	vst v30  }
0x1a8: {  	[hbm4b:s2+s3] =	stream.linear.scatter [tilespmem:s31], [sflag:$0x3], $0xC0, $0x38;
	[tilespmem:$0x3300] =	vst v63  }
0x1a9: {  	_ =	swait.ge [sflag:s22], $0xC0  }
0x1aa: {  	[sflag:s22] =	ssyncset.done $0x0  }
0x1ab: {  	s2 =	rddreg [dreg:$0xb];
	[sflag:s22] =	ssyncadd.s32 $0xFFFFFF40  }
0x1ac: {  	[hbm4b:s2+s3] =	stream.linear.scatter [tilespmem:s1], [sflag:$0x3], $0x30, $0x38;
	[tilespmem:$0x3300] =	vst v63  }
0x1ad: {  	_ =	swait.ge [sflag:s22], $0x30  }
0x1ae: {  	[sflag:s22] =	ssyncset.done $0x0  }
0x1af: {  	s2 =	rddreg [dreg:$0xc];
	[sflag:s22] =	ssyncadd.s32 $0xFFFFFFD0  }
0x1b0: {  	[tilespmem:s3], [sflag:$0x3] =	stream.linear.gather [hbm4b:s2+s3], $0x30, $0x38;
	[tilespmem:$0x3300] =	vst v63  }
0x1b1: {  	_ =	swait.ge [sflag:s22], $0x30  }
0x1b2: {  	[sflag:s22] =	ssyncset.done $0x0  }
0x1b3: {  	[sflag:s22] =	ssyncadd.s32 $0xFFFFFFD0  }
0x1b4: {  	v30 =	vld [tilespmem:$0x0];
	_ =	sdelay $0x1  }
0x1b5: {  	v31 =	vld [tilespmem:$0x10];
	_ =	sdelay $0x1  }
0x1b6: {  	v48 =	vld [tilespmem:$0x20]  }
0x1b7: {  	v49 =	vshrl.u32 v30, $0x5  }
0x1b8: {  	v30 =	vshrl.u32 v30, $0x7;
	[tilespmem:$0x80] =	vst v49  }
0x1b9: {  	[tilespmem:$0x100] =	vst v30;
	v30 =	vshrl.u32 v31, $0x5  }
0x1ba: {  	[tilespmem:$0x90] =	vst v30;
	v30 =	vshrl.u32 v31, $0x7  }
0x1bb: {  	[tilespmem:$0x110] =	vst v30;
	v30 =	vshrl.u32 v48, $0x5  }
0x1bc: {  	[tilespmem:$0xA0] =	vst v30;
	v30 =	vshrl.u32 v48, $0x7  }
0x1bd: {  	[tilespmem:$0x120] =	vst v30  }
0x1be: {  	[tilespmem:s25], [sflag:$0x1] =	stream.indirect.gather [hbm4b:s0+s23], $0x80, s24, s23, $0xb8;
	[tilespmem:$0x3300] =	vst v63  }
0x1bf: {  	_ = 	snop  }
0x1c0: {  	[tilespmem:s28], [sflag:$0x2] =	stream.indirect.gather [hbm4b:s4+s23], $0x80, s26, s23, $0xb8;
	[tilespmem:$0x3300] =	vst v63  }
0x1c1: {  	_ =	swait.ge [sflag:s29], $0x1800  }
0x1c2: {  	[sflag:s29] =	ssyncset.done $0x0  }
0x1c3: {  	[sflag:s29] =	ssyncadd.s32 $0xFFFFE800  }
0x1c4: {  	_ =	swait.ge [sflag:s30], $0x1800  }
0x1c5: {  	[sflag:s30] =	ssyncset.done $0x0  }
0x1c6: {  	[sflag:s30] =	ssyncadd.s32 $0xFFFFE800  }
0x1c7: {  	v30 =	vld.idx.msk [tilespmem:v1+s3+$0x0], $0xffff;
	_ =	sdelay $0x4  }
0x1c8: {  	v30 =	vshll.u32 v30, $0x2  }
0x1c9: {  	v30 =	vand.u32 $0x7C, v30  }
0x1ca: {  	v30 =	vor.u32 v2, v30;
	_ =	sdelay $0x4  }
0x1cb: {  	v30 =	vld.idx.msk [tilespmem:v30+s25+$0x0], $0xffff;
	_ =	sdelay $0x4  }
0x1cc: {  	[tilespmem:$0x3180] =	vst v30  }
0x1cd: {  	v30 =	vld.idx.msk [tilespmem:v3+s3+$0x0], $0xffff;
	_ =	sdelay $0x4  }
0x1ce: {  	v30 =	vshll.u32 v30, $0x2  }
0x1cf: {  	v30 =	vand.u32 $0x7C, v30  }
0x1d0: {  	v30 =	vor.u32 v4, v30;
	_ =	sdelay $0x4  }
0x1d1: {  	v30 =	vld.idx.msk [tilespmem:v30+s25+$0x0], $0xffff;
	_ =	sdelay $0x4  }
0x1d2: {  	[tilespmem:$0x3190] =	vst v30  }
0x1d3: {  	v30 =	vld.idx.msk [tilespmem:v5+s3+$0x0], $0xffff;
	_ =	sdelay $0x4  }
0x1d4: {  	v30 =	vshll.u32 v30, $0x2  }
0x1d5: {  	v30 =	vand.u32 $0x7C, v30  }
0x1d6: {  	v30 =	vor.u32 v6, v30;
	_ =	sdelay $0x4  }
0x1d7: {  	v30 =	vld.idx.msk [tilespmem:v30+s25+$0x0], $0xffff;
	_ =	sdelay $0x4  }
0x1d8: {  	[tilespmem:$0x31A0] =	vst v30  }
0x1d9: {  	v30 =	vld.idx.msk [tilespmem:v7+s3+$0x0], $0xffff;
	_ =	sdelay $0x4  }
0x1da: {  	v30 =	vshll.u32 v30, $0x2  }
0x1db: {  	v30 =	vand.u32 $0x7C, v30  }
0x1dc: {  	v30 =	vor.u32 v8, v30;
	_ =	sdelay $0x4  }
0x1dd: {  	v30 =	vld.idx.msk [tilespmem:v30+s25+$0x0], $0xffff;
	_ =	sdelay $0x4  }
0x1de: {  	[tilespmem:$0x31B0] =	vst v30  }
0x1df: {  	v30 =	vld.idx.msk [tilespmem:v9+s3+$0x0], $0xffff;
	_ =	sdelay $0x4  }
0x1e0: {  	v30 =	vshll.u32 v30, $0x2  }
0x1e1: {  	v30 =	vand.u32 $0x7C, v30  }
0x1e2: {  	v30 =	vor.u32 v10, v30;
	_ =	sdelay $0x4  }
0x1e3: {  	v30 =	vld.idx.msk [tilespmem:v30+s25+$0x0], $0xffff;
	_ =	sdelay $0x4  }
0x1e4: {  	[tilespmem:$0x31C0] =	vst v30  }
0x1e5: {  	v30 =	vld.idx.msk [tilespmem:v11+s3+$0x0], $0xffff;
	_ =	sdelay $0x4  }
0x1e6: {  	v30 =	vshll.u32 v30, $0x2  }
0x1e7: {  	v30 =	vand.u32 $0x7C, v30  }
0x1e8: {  	v30 =	vor.u32 v12, v30;
	_ =	sdelay $0x4  }
0x1e9: {  	v30 =	vld.idx.msk [tilespmem:v30+s25+$0x0], $0xffff;
	_ =	sdelay $0x4  }
0x1ea: {  	[tilespmem:$0x31D0] =	vst v30  }
0x1eb: {  	v30 =	vld.idx.msk [tilespmem:v13+s3+$0x0], $0xffff;
	_ =	sdelay $0x4  }
0x1ec: {  	v30 =	vshll.u32 v30, $0x2  }
0x1ed: {  	v30 =	vand.u32 $0x7C, v30  }
0x1ee: {  	v30 =	vor.u32 v14, v30;
	_ =	sdelay $0x4  }
0x1ef: {  	v30 =	vld.idx.msk [tilespmem:v30+s25+$0x0], $0xffff;
	_ =	sdelay $0x4  }
0x1f0: {  	[tilespmem:$0x31E0] =	vst v30  }
0x1f1: {  	v30 =	vld.idx.msk [tilespmem:v15+s3+$0x0], $0xffff;
	_ =	sdelay $0x4  }
0x1f2: {  	v30 =	vshll.u32 v30, $0x2  }
0x1f3: {  	v30 =	vand.u32 $0x7C, v30  }
0x1f4: {  	v30 =	vor.u32 v16, v30;
	_ =	sdelay $0x4  }
0x1f5: {  	v30 =	vld.idx.msk [tilespmem:v30+s25+$0x0], $0xffff;
	_ =	sdelay $0x4  }
0x1f6: {  	[tilespmem:$0x31F0] =	vst v30  }
0x1f7: {  	v30 =	vld.idx.msk [tilespmem:v17+s3+$0x0], $0xffff;
	_ =	sdelay $0x4  }
0x1f8: {  	v30 =	vshll.u32 v30, $0x2  }
0x1f9: {  	v30 =	vand.u32 $0x7C, v30  }
0x1fa: {  	v30 =	vor.u32 v18, v30;
	_ =	sdelay $0x4  }
0x1fb: {  	v30 =	vld.idx.msk [tilespmem:v30+s25+$0x0], $0xffff;
	_ =	sdelay $0x4  }
0x1fc: {  	[tilespmem:$0x3200] =	vst v30  }
0x1fd: {  	v30 =	vld.idx.msk [tilespmem:v19+s3+$0x0], $0xffff;
	_ =	sdelay $0x4  }
0x1fe: {  	v30 =	vshll.u32 v30, $0x2  }
0x1ff: {  	v30 =	vand.u32 $0x7C, v30  }
0x200: {  	v30 =	vor.u32 v20, v30;
	_ =	sdelay $0x4  }
0x201: {  	v30 =	vld.idx.msk [tilespmem:v30+s25+$0x0], $0xffff;
	_ =	sdelay $0x4  }
0x202: {  	[tilespmem:$0x3210] =	vst v30  }
0x203: {  	v30 =	vld.idx.msk [tilespmem:v21+s3+$0x0], $0xffff;
	_ =	sdelay $0x4  }
0x204: {  	v30 =	vshll.u32 v30, $0x2  }
0x205: {  	v30 =	vand.u32 $0x7C, v30  }
0x206: {  	v30 =	vor.u32 v22, v30;
	_ =	sdelay $0x4  }
0x207: {  	v30 =	vld.idx.msk [tilespmem:v30+s25+$0x0], $0xffff;
	_ =	sdelay $0x4  }
0x208: {  	[tilespmem:$0x3220] =	vst v30  }
0x209: {  	v30 =	vld.idx.msk [tilespmem:v24+s3+$0x0], $0xffff;
	_ =	sdelay $0x4  }
0x20a: {  	v30 =	vshll.u32 v30, $0x2  }
0x20b: {  	v30 =	vand.u32 $0x7C, v30  }
0x20c: {  	v30 =	vor.u32 v25, v30;
	_ =	sdelay $0x4  }
0x20d: {  	v30 =	vld.idx.msk [tilespmem:v30+s25+$0x0], $0xffff;
	_ =	sdelay $0x4  }
0x20e: {  	[tilespmem:$0x3230] =	vst v30  }
0x20f: {  	v30 =	vld.idx.msk [tilespmem:v0+s3+$0x0], $0xffff;
	_ =	sdelay $0x4  }
0x210: {  	v30 =	vand.u32 $0x7F, v30  }
0x211: {  	v30 =	vor.u32 v23, v30;
	_ =	sdelay $0x4  }
0x212: {  	v30 =	vld.idx.msk [tilespmem:v30+s28+$0x0], $0xffff;
	_ =	sdelay $0x4  }
0x213: {  	[tilespmem:$0x3280] =	vst v30  }
0x214: {  	v30 =	vld.idx.msk [tilespmem:v26+s3+$0x0], $0xffff;
	_ =	sdelay $0x4  }
0x215: {  	v30 =	vand.u32 $0x7F, v30  }
0x216: {  	v30 =	vor.u32 v27, v30;
	_ =	sdelay $0x4  }
0x217: {  	v30 =	vld.idx.msk [tilespmem:v30+s28+$0x0], $0xffff;
	_ =	sdelay $0x4  }
0x218: {  	[tilespmem:$0x3290] =	vst v30  }
0x219: {  	v30 =	vld.idx.msk [tilespmem:v28+s3+$0x0], $0xffff;
	_ =	sdelay $0x4  }
0x21a: {  	v30 =	vand.u32 $0x7F, v30  }
0x21b: {  	v30 =	vor.u32 v29, v30;
	_ =	sdelay $0x4  }
0x21c: {  	v30 =	vld.idx.msk [tilespmem:v30+s28+$0x0], $0xffff;
	_ =	sdelay $0x4  }
0x21d: {  	s2 =	rddreg [dreg:$0xd];
	[tilespmem:$0x32A0] =	vst v30  }
0x21e: {  	[hbm4b:s2+s3] =	stream.linear.scatter [tilespmem:s31], [sflag:$0x3], $0xC0, $0x38;
	[tilespmem:$0x3300] =	vst v63  }
0x21f: {  	_ =	swait.ge [sflag:s22], $0xC0  }
0x220: {  	[sflag:s22] =	ssyncset.done $0x0  }
0x221: {  	s2 =	rddreg [dreg:$0xe];
	[sflag:s22] =	ssyncadd.s32 $0xFFFFFF40  }
0x222: {  	[hbm4b:s2+s3] =	stream.linear.scatter [tilespmem:s1], [sflag:$0x3], $0x30, $0x38;
	[tilespmem:$0x3300] =	vst v63  }
0x223: {  	_ =	swait.ge [sflag:s22], $0x30  }
0x224: {  	[sflag:s22] =	ssyncset.done $0x0  }
0x225: {  	s2 =	rddreg [dreg:$0xf];
	[sflag:s22] =	ssyncadd.s32 $0xFFFFFFD0  }
0x226: {  	[tilespmem:s3], [sflag:$0x3] =	stream.linear.gather [hbm4b:s2+s3], $0x30, $0x38;
	[tilespmem:$0x3300] =	vst v63  }
0x227: {  	_ =	swait.ge [sflag:s22], $0x30  }
0x228: {  	[sflag:s22] =	ssyncset.done $0x0  }
0x229: {  	[sflag:s22] =	ssyncadd.s32 $0xFFFFFFD0  }
0x22a: {  	v30 =	vld [tilespmem:$0x0];
	_ =	sdelay $0x1  }
0x22b: {  	v31 =	vld [tilespmem:$0x10];
	_ =	sdelay $0x1  }
0x22c: {  	v50 =	vld [tilespmem:$0x20]  }
0x22d: {  	v51 =	vshrl.u32 v30, $0x5  }
0x22e: {  	v30 =	vshrl.u32 v30, $0x7;
	[tilespmem:$0x80] =	vst v51  }
0x22f: {  	[tilespmem:$0x100] =	vst v30;
	v30 =	vshrl.u32 v31, $0x5  }
0x230: {  	[tilespmem:$0x90] =	vst v30;
	v30 =	vshrl.u32 v31, $0x7  }
0x231: {  	[tilespmem:$0x110] =	vst v30;
	v30 =	vshrl.u32 v50, $0x5  }
0x232: {  	[tilespmem:$0xA0] =	vst v30;
	v30 =	vshrl.u32 v50, $0x7  }
0x233: {  	[tilespmem:$0x120] =	vst v30  }
0x234: {  	[tilespmem:s25], [sflag:$0x1] =	stream.indirect.gather [hbm4b:s0+s23], $0x80, s24, s23, $0xb8;
	[tilespmem:$0x3300] =	vst v63  }
0x235: {  	_ = 	snop  }
0x236: {  	[tilespmem:s28], [sflag:$0x2] =	stream.indirect.gather [hbm4b:s4+s23], $0x80, s26, s23, $0xb8;
	[tilespmem:$0x3300] =	vst v63  }
0x237: {  	_ =	swait.ge [sflag:s29], $0x1800  }
0x238: {  	[sflag:s29] =	ssyncset.done $0x0  }
0x239: {  	[sflag:s29] =	ssyncadd.s32 $0xFFFFE800  }
0x23a: {  	_ =	swait.ge [sflag:s30], $0x1800  }
0x23b: {  	[sflag:s30] =	ssyncset.done $0x0  }
0x23c: {  	[sflag:s30] =	ssyncadd.s32 $0xFFFFE800  }
0x23d: {  	v30 =	vld.idx.msk [tilespmem:v1+s3+$0x0], $0xffff;
	_ =	sdelay $0x4  }
0x23e: {  	v30 =	vshll.u32 v30, $0x2  }
0x23f: {  	v30 =	vand.u32 $0x7C, v30  }
0x240: {  	v30 =	vor.u32 v2, v30;
	_ =	sdelay $0x4  }
0x241: {  	v30 =	vld.idx.msk [tilespmem:v30+s25+$0x0], $0xffff;
	_ =	sdelay $0x4  }
0x242: {  	[tilespmem:$0x3180] =	vst v30  }
0x243: {  	v30 =	vld.idx.msk [tilespmem:v3+s3+$0x0], $0xffff;
	_ =	sdelay $0x4  }
0x244: {  	v30 =	vshll.u32 v30, $0x2  }
0x245: {  	v30 =	vand.u32 $0x7C, v30  }
0x246: {  	v30 =	vor.u32 v4, v30;
	_ =	sdelay $0x4  }
0x247: {  	v30 =	vld.idx.msk [tilespmem:v30+s25+$0x0], $0xffff;
	_ =	sdelay $0x4  }
0x248: {  	[tilespmem:$0x3190] =	vst v30  }
0x249: {  	v30 =	vld.idx.msk [tilespmem:v5+s3+$0x0], $0xffff;
	_ =	sdelay $0x4  }
0x24a: {  	v30 =	vshll.u32 v30, $0x2  }
0x24b: {  	v30 =	vand.u32 $0x7C, v30  }
0x24c: {  	v30 =	vor.u32 v6, v30;
	_ =	sdelay $0x4  }
0x24d: {  	v30 =	vld.idx.msk [tilespmem:v30+s25+$0x0], $0xffff;
	_ =	sdelay $0x4  }
0x24e: {  	[tilespmem:$0x31A0] =	vst v30  }
0x24f: {  	v30 =	vld.idx.msk [tilespmem:v7+s3+$0x0], $0xffff;
	_ =	sdelay $0x4  }
0x250: {  	v30 =	vshll.u32 v30, $0x2  }
0x251: {  	v30 =	vand.u32 $0x7C, v30  }
0x252: {  	v30 =	vor.u32 v8, v30;
	_ =	sdelay $0x4  }
0x253: {  	v30 =	vld.idx.msk [tilespmem:v30+s25+$0x0], $0xffff;
	_ =	sdelay $0x4  }
0x254: {  	[tilespmem:$0x31B0] =	vst v30  }
0x255: {  	v30 =	vld.idx.msk [tilespmem:v9+s3+$0x0], $0xffff;
	_ =	sdelay $0x4  }
0x256: {  	v30 =	vshll.u32 v30, $0x2  }
0x257: {  	v30 =	vand.u32 $0x7C, v30  }
0x258: {  	v30 =	vor.u32 v10, v30;
	_ =	sdelay $0x4  }
0x259: {  	v30 =	vld.idx.msk [tilespmem:v30+s25+$0x0], $0xffff;
	_ =	sdelay $0x4  }
0x25a: {  	[tilespmem:$0x31C0] =	vst v30  }
0x25b: {  	v30 =	vld.idx.msk [tilespmem:v11+s3+$0x0], $0xffff;
	_ =	sdelay $0x4  }
0x25c: {  	v30 =	vshll.u32 v30, $0x2  }
0x25d: {  	v30 =	vand.u32 $0x7C, v30  }
0x25e: {  	v30 =	vor.u32 v12, v30;
	_ =	sdelay $0x4  }
0x25f: {  	v30 =	vld.idx.msk [tilespmem:v30+s25+$0x0], $0xffff;
	_ =	sdelay $0x4  }
0x260: {  	[tilespmem:$0x31D0] =	vst v30  }
0x261: {  	v30 =	vld.idx.msk [tilespmem:v13+s3+$0x0], $0xffff;
	_ =	sdelay $0x4  }
0x262: {  	v30 =	vshll.u32 v30, $0x2  }
0x263: {  	v30 =	vand.u32 $0x7C, v30  }
0x264: {  	v30 =	vor.u32 v14, v30;
	_ =	sdelay $0x4  }
0x265: {  	v30 =	vld.idx.msk [tilespmem:v30+s25+$0x0], $0xffff;
	_ =	sdelay $0x4  }
0x266: {  	[tilespmem:$0x31E0] =	vst v30  }
0x267: {  	v30 =	vld.idx.msk [tilespmem:v15+s3+$0x0], $0xffff;
	_ =	sdelay $0x4  }
0x268: {  	v30 =	vshll.u32 v30, $0x2  }
0x269: {  	v30 =	vand.u32 $0x7C, v30  }
0x26a: {  	v30 =	vor.u32 v16, v30;
	_ =	sdelay $0x4  }
0x26b: {  	v30 =	vld.idx.msk [tilespmem:v30+s25+$0x0], $0xffff;
	_ =	sdelay $0x4  }
0x26c: {  	[tilespmem:$0x31F0] =	vst v30  }
0x26d: {  	v30 =	vld.idx.msk [tilespmem:v17+s3+$0x0], $0xffff;
	_ =	sdelay $0x4  }
0x26e: {  	v30 =	vshll.u32 v30, $0x2  }
0x26f: {  	v30 =	vand.u32 $0x7C, v30  }
0x270: {  	v30 =	vor.u32 v18, v30;
	_ =	sdelay $0x4  }
0x271: {  	v30 =	vld.idx.msk [tilespmem:v30+s25+$0x0], $0xffff;
	_ =	sdelay $0x4  }
0x272: {  	[tilespmem:$0x3200] =	vst v30  }
0x273: {  	v30 =	vld.idx.msk [tilespmem:v19+s3+$0x0], $0xffff;
	_ =	sdelay $0x4  }
0x274: {  	v30 =	vshll.u32 v30, $0x2  }
0x275: {  	v30 =	vand.u32 $0x7C, v30  }
0x276: {  	v30 =	vor.u32 v20, v30;
	_ =	sdelay $0x4  }
0x277: {  	v30 =	vld.idx.msk [tilespmem:v30+s25+$0x0], $0xffff;
	_ =	sdelay $0x4  }
0x278: {  	[tilespmem:$0x3210] =	vst v30  }
0x279: {  	v30 =	vld.idx.msk [tilespmem:v21+s3+$0x0], $0xffff;
	_ =	sdelay $0x4  }
0x27a: {  	v30 =	vshll.u32 v30, $0x2  }
0x27b: {  	v30 =	vand.u32 $0x7C, v30  }
0x27c: {  	v30 =	vor.u32 v22, v30;
	_ =	sdelay $0x4  }
0x27d: {  	v30 =	vld.idx.msk [tilespmem:v30+s25+$0x0], $0xffff;
	_ =	sdelay $0x4  }
0x27e: {  	[tilespmem:$0x3220] =	vst v30  }
0x27f: {  	v30 =	vld.idx.msk [tilespmem:v24+s3+$0x0], $0xffff;
	_ =	sdelay $0x4  }
0x280: {  	v30 =	vshll.u32 v30, $0x2  }
0x281: {  	v30 =	vand.u32 $0x7C, v30  }
0x282: {  	v30 =	vor.u32 v25, v30;
	_ =	sdelay $0x4  }
0x283: {  	v30 =	vld.idx.msk [tilespmem:v30+s25+$0x0], $0xffff;
	_ =	sdelay $0x4  }
0x284: {  	[tilespmem:$0x3230] =	vst v30  }
0x285: {  	v30 =	vld.idx.msk [tilespmem:v0+s3+$0x0], $0xffff;
	_ =	sdelay $0x4  }
0x286: {  	v30 =	vand.u32 $0x7F, v30  }
0x287: {  	v30 =	vor.u32 v23, v30;
	_ =	sdelay $0x4  }
0x288: {  	v30 =	vld.idx.msk [tilespmem:v30+s28+$0x0], $0xffff;
	_ =	sdelay $0x4  }
0x289: {  	[tilespmem:$0x3280] =	vst v30  }
0x28a: {  	v30 =	vld.idx.msk [tilespmem:v26+s3+$0x0], $0xffff;
	_ =	sdelay $0x4  }
0x28b: {  	v30 =	vand.u32 $0x7F, v30  }
0x28c: {  	v30 =	vor.u32 v27, v30;
	_ =	sdelay $0x4  }
0x28d: {  	v30 =	vld.idx.msk [tilespmem:v30+s28+$0x0], $0xffff;
	_ =	sdelay $0x4  }
0x28e: {  	[tilespmem:$0x3290] =	vst v30  }
0x28f: {  	v30 =	vld.idx.msk [tilespmem:v28+s3+$0x0], $0xffff;
	_ =	sdelay $0x4  }
0x290: {  	v30 =	vand.u32 $0x7F, v30  }
0x291: {  	v30 =	vor.u32 v29, v30;
	_ =	sdelay $0x4  }
0x292: {  	v30 =	vld.idx.msk [tilespmem:v30+s28+$0x0], $0xffff;
	_ =	sdelay $0x4  }
0x293: {  	s2 =	rddreg [dreg:$0x10];
	[tilespmem:$0x32A0] =	vst v30  }
0x294: {  	[hbm4b:s2+s3] =	stream.linear.scatter [tilespmem:s31], [sflag:$0x3], $0xC0, $0x38;
	[tilespmem:$0x3300] =	vst v63  }
0x295: {  	_ =	swait.ge [sflag:s22], $0xC0  }
0x296: {  	[sflag:s22] =	ssyncset.done $0x0  }
0x297: {  	s2 =	rddreg [dreg:$0x11];
	[sflag:s22] =	ssyncadd.s32 $0xFFFFFF40  }
0x298: {  	[hbm4b:s2+s3] =	stream.linear.scatter [tilespmem:s1], [sflag:$0x3], $0x30, $0x38;
	[tilespmem:$0x3300] =	vst v63  }
0x299: {  	_ =	swait.ge [sflag:s22], $0x30  }
0x29a: {  	[sflag:s22] =	ssyncset.done $0x0  }
0x29b: {  	s2 =	rddreg [dreg:$0x12];
	[sflag:s22] =	ssyncadd.s32 $0xFFFFFFD0  }
0x29c: {  	[tilespmem:s3], [sflag:$0x3] =	stream.linear.gather [hbm4b:s2+s3], $0x30, $0x38;
	[tilespmem:$0x3300] =	vst v63  }
0x29d: {  	_ =	swait.ge [sflag:s22], $0x30  }
0x29e: {  	[sflag:s22] =	ssyncset.done $0x0  }
0x29f: {  	[sflag:s22] =	ssyncadd.s32 $0xFFFFFFD0  }
0x2a0: {  	v30 =	vld [tilespmem:$0x0];
	_ =	sdelay $0x1  }
0x2a1: {  	v31 =	vld [tilespmem:$0x10];
	_ =	sdelay $0x1  }
0x2a2: {  	v52 =	vld [tilespmem:$0x20]  }
0x2a3: {  	v53 =	vshrl.u32 v30, $0x5  }
0x2a4: {  	v30 =	vshrl.u32 v30, $0x7;
	[tilespmem:$0x80] =	vst v53  }
0x2a5: {  	[tilespmem:$0x100] =	vst v30;
	v30 =	vshrl.u32 v31, $0x5  }
0x2a6: {  	[tilespmem:$0x90] =	vst v30;
	v30 =	vshrl.u32 v31, $0x7  }
0x2a7: {  	[tilespmem:$0x110] =	vst v30;
	v30 =	vshrl.u32 v52, $0x5  }
0x2a8: {  	[tilespmem:$0xA0] =	vst v30;
	v30 =	vshrl.u32 v52, $0x7  }
0x2a9: {  	[tilespmem:$0x120] =	vst v30  }
0x2aa: {  	[tilespmem:s25], [sflag:$0x1] =	stream.indirect.gather [hbm4b:s0+s23], $0x80, s24, s23, $0xb8;
	[tilespmem:$0x3300] =	vst v63  }
0x2ab: {  	_ = 	snop  }
0x2ac: {  	[tilespmem:s28], [sflag:$0x2] =	stream.indirect.gather [hbm4b:s4+s23], $0x80, s26, s23, $0xb8;
	[tilespmem:$0x3300] =	vst v63  }
0x2ad: {  	_ =	swait.ge [sflag:s29], $0x1800  }
0x2ae: {  	[sflag:s29] =	ssyncset.done $0x0  }
0x2af: {  	[sflag:s29] =	ssyncadd.s32 $0xFFFFE800  }
0x2b0: {  	_ =	swait.ge [sflag:s30], $0x1800  }
0x2b1: {  	[sflag:s30] =	ssyncset.done $0x0  }
0x2b2: {  	[sflag:s30] =	ssyncadd.s32 $0xFFFFE800  }
0x2b3: {  	v30 =	vld.idx.msk [tilespmem:v1+s3+$0x0], $0xffff;
	_ =	sdelay $0x4  }
0x2b4: {  	v30 =	vshll.u32 v30, $0x2  }
0x2b5: {  	v30 =	vand.u32 $0x7C, v30  }
0x2b6: {  	v30 =	vor.u32 v2, v30;
	_ =	sdelay $0x4  }
0x2b7: {  	v30 =	vld.idx.msk [tilespmem:v30+s25+$0x0], $0xffff;
	_ =	sdelay $0x4  }
0x2b8: {  	[tilespmem:$0x3180] =	vst v30  }
0x2b9: {  	v30 =	vld.idx.msk [tilespmem:v3+s3+$0x0], $0xffff;
	_ =	sdelay $0x4  }
0x2ba: {  	v30 =	vshll.u32 v30, $0x2  }
0x2bb: {  	v30 =	vand.u32 $0x7C, v30  }
0x2bc: {  	v30 =	vor.u32 v4, v30;
	_ =	sdelay $0x4  }
0x2bd: {  	v30 =	vld.idx.msk [tilespmem:v30+s25+$0x0], $0xffff;
	_ =	sdelay $0x4  }
0x2be: {  	[tilespmem:$0x3190] =	vst v30  }
0x2bf: {  	v30 =	vld.idx.msk [tilespmem:v5+s3+$0x0], $0xffff;
	_ =	sdelay $0x4  }
0x2c0: {  	v30 =	vshll.u32 v30, $0x2  }
0x2c1: {  	v30 =	vand.u32 $0x7C, v30  }
0x2c2: {  	v30 =	vor.u32 v6, v30;
	_ =	sdelay $0x4  }
0x2c3: {  	v30 =	vld.idx.msk [tilespmem:v30+s25+$0x0], $0xffff;
	_ =	sdelay $0x4  }
0x2c4: {  	[tilespmem:$0x31A0] =	vst v30  }
0x2c5: {  	v30 =	vld.idx.msk [tilespmem:v7+s3+$0x0], $0xffff;
	_ =	sdelay $0x4  }
0x2c6: {  	v30 =	vshll.u32 v30, $0x2  }
0x2c7: {  	v30 =	vand.u32 $0x7C, v30  }
0x2c8: {  	v30 =	vor.u32 v8, v30;
	_ =	sdelay $0x4  }
0x2c9: {  	v30 =	vld.idx.msk [tilespmem:v30+s25+$0x0], $0xffff;
	_ =	sdelay $0x4  }
0x2ca: {  	[tilespmem:$0x31B0] =	vst v30  }
0x2cb: {  	v30 =	vld.idx.msk [tilespmem:v9+s3+$0x0], $0xffff;
	_ =	sdelay $0x4  }
0x2cc: {  	v30 =	vshll.u32 v30, $0x2  }
0x2cd: {  	v30 =	vand.u32 $0x7C, v30  }
0x2ce: {  	v30 =	vor.u32 v10, v30;
	_ =	sdelay $0x4  }
0x2cf: {  	v30 =	vld.idx.msk [tilespmem:v30+s25+$0x0], $0xffff;
	_ =	sdelay $0x4  }
0x2d0: {  	[tilespmem:$0x31C0] =	vst v30  }
0x2d1: {  	v30 =	vld.idx.msk [tilespmem:v11+s3+$0x0], $0xffff;
	_ =	sdelay $0x4  }
0x2d2: {  	v30 =	vshll.u32 v30, $0x2  }
0x2d3: {  	v30 =	vand.u32 $0x7C, v30  }
0x2d4: {  	v30 =	vor.u32 v12, v30;
	_ =	sdelay $0x4  }
0x2d5: {  	v30 =	vld.idx.msk [tilespmem:v30+s25+$0x0], $0xffff;
	_ =	sdelay $0x4  }
0x2d6: {  	[tilespmem:$0x31D0] =	vst v30  }
0x2d7: {  	v30 =	vld.idx.msk [tilespmem:v13+s3+$0x0], $0xffff;
	_ =	sdelay $0x4  }
0x2d8: {  	v30 =	vshll.u32 v30, $0x2  }
0x2d9: {  	v30 =	vand.u32 $0x7C, v30  }
0x2da: {  	v30 =	vor.u32 v14, v30;
	_ =	sdelay $0x4  }
0x2db: {  	v30 =	vld.idx.msk [tilespmem:v30+s25+$0x0], $0xffff;
	_ =	sdelay $0x4  }
0x2dc: {  	[tilespmem:$0x31E0] =	vst v30  }
0x2dd: {  	v30 =	vld.idx.msk [tilespmem:v15+s3+$0x0], $0xffff;
	_ =	sdelay $0x4  }
0x2de: {  	v30 =	vshll.u32 v30, $0x2  }
0x2df: {  	v30 =	vand.u32 $0x7C, v30  }
0x2e0: {  	v30 =	vor.u32 v16, v30;
	_ =	sdelay $0x4  }
0x2e1: {  	v30 =	vld.idx.msk [tilespmem:v30+s25+$0x0], $0xffff;
	_ =	sdelay $0x4  }
0x2e2: {  	[tilespmem:$0x31F0] =	vst v30  }
0x2e3: {  	v30 =	vld.idx.msk [tilespmem:v17+s3+$0x0], $0xffff;
	_ =	sdelay $0x4  }
0x2e4: {  	v30 =	vshll.u32 v30, $0x2  }
0x2e5: {  	v30 =	vand.u32 $0x7C, v30  }
0x2e6: {  	v30 =	vor.u32 v18, v30;
	_ =	sdelay $0x4  }
0x2e7: {  	v30 =	vld.idx.msk [tilespmem:v30+s25+$0x0], $0xffff;
	_ =	sdelay $0x4  }
0x2e8: {  	[tilespmem:$0x3200] =	vst v30  }
0x2e9: {  	v30 =	vld.idx.msk [tilespmem:v19+s3+$0x0], $0xffff;
	_ =	sdelay $0x4  }
0x2ea: {  	v30 =	vshll.u32 v30, $0x2  }
0x2eb: {  	v30 =	vand.u32 $0x7C, v30  }
0x2ec: {  	v30 =	vor.u32 v20, v30;
	_ =	sdelay $0x4  }
0x2ed: {  	v30 =	vld.idx.msk [tilespmem:v30+s25+$0x0], $0xffff;
	_ =	sdelay $0x4  }
0x2ee: {  	[tilespmem:$0x3210] =	vst v30  }
0x2ef: {  	v30 =	vld.idx.msk [tilespmem:v21+s3+$0x0], $0xffff;
	_ =	sdelay $0x4  }
0x2f0: {  	v30 =	vshll.u32 v30, $0x2  }
0x2f1: {  	v30 =	vand.u32 $0x7C, v30  }
0x2f2: {  	v30 =	vor.u32 v22, v30;
	_ =	sdelay $0x4  }
0x2f3: {  	v30 =	vld.idx.msk [tilespmem:v30+s25+$0x0], $0xffff;
	_ =	sdelay $0x4  }
0x2f4: {  	[tilespmem:$0x3220] =	vst v30  }
0x2f5: {  	v30 =	vld.idx.msk [tilespmem:v24+s3+$0x0], $0xffff;
	_ =	sdelay $0x4  }
0x2f6: {  	v30 =	vshll.u32 v30, $0x2  }
0x2f7: {  	v30 =	vand.u32 $0x7C, v30  }
0x2f8: {  	v30 =	vor.u32 v25, v30;
	_ =	sdelay $0x4  }
0x2f9: {  	v30 =	vld.idx.msk [tilespmem:v30+s25+$0x0], $0xffff;
	_ =	sdelay $0x4  }
0x2fa: {  	[tilespmem:$0x3230] =	vst v30  }
0x2fb: {  	v30 =	vld.idx.msk [tilespmem:v0+s3+$0x0], $0xffff;
	_ =	sdelay $0x4  }
0x2fc: {  	v30 =	vand.u32 $0x7F, v30  }
0x2fd: {  	v30 =	vor.u32 v23, v30;
	_ =	sdelay $0x4  }
0x2fe: {  	v30 =	vld.idx.msk [tilespmem:v30+s28+$0x0], $0xffff;
	_ =	sdelay $0x4  }
0x2ff: {  	[tilespmem:$0x3280] =	vst v30  }
0x300: {  	v30 =	vld.idx.msk [tilespmem:v26+s3+$0x0], $0xffff;
	_ =	sdelay $0x4  }
0x301: {  	v30 =	vand.u32 $0x7F, v30  }
0x302: {  	v30 =	vor.u32 v27, v30;
	_ =	sdelay $0x4  }
0x303: {  	v30 =	vld.idx.msk [tilespmem:v30+s28+$0x0], $0xffff;
	_ =	sdelay $0x4  }
0x304: {  	[tilespmem:$0x3290] =	vst v30  }
0x305: {  	v30 =	vld.idx.msk [tilespmem:v28+s3+$0x0], $0xffff;
	_ =	sdelay $0x4  }
0x306: {  	v30 =	vand.u32 $0x7F, v30  }
0x307: {  	v30 =	vor.u32 v29, v30;
	_ =	sdelay $0x4  }
0x308: {  	v30 =	vld.idx.msk [tilespmem:v30+s28+$0x0], $0xffff;
	_ =	sdelay $0x4  }
0x309: {  	s2 =	rddreg [dreg:$0x13];
	[tilespmem:$0x32A0] =	vst v30  }
0x30a: {  	[hbm4b:s2+s3] =	stream.linear.scatter [tilespmem:s31], [sflag:$0x3], $0xC0, $0x38;
	[tilespmem:$0x3300] =	vst v63  }
0x30b: {  	_ =	swait.ge [sflag:s22], $0xC0  }
0x30c: {  	[sflag:s22] =	ssyncset.done $0x0  }
0x30d: {  	[sflag:s22] =	ssyncadd.s32 $0xFFFFFF40  }
0x30e: {  	[hbm4b:s5+s3] =	stream.linear.scatter [tilespmem:s1], [sflag:$0x3], $0x30, $0x38;
	[tilespmem:$0x3300] =	vst v63  }
0x30f: {  	_ =	swait.ge [sflag:s22], $0x30  }
0x310: {  	[sflag:s22] =	ssyncset.done $0x0  }
0x311: {  	[sflag:s22] =	ssyncadd.s32 $0xFFFFFFD0  }
0x312: {  	[tilespmem:s3], [sflag:$0x3] =	stream.linear.gather [hbm4b:s6+s3], $0x30, $0x38;
	[tilespmem:$0x3300] =	vst v63  }
0x313: {  	_ =	swait.ge [sflag:s22], $0x30  }
0x314: {  	[sflag:s22] =	ssyncset.done $0x0  }
0x315: {  	[sflag:s22] =	ssyncadd.s32 $0xFFFFFFD0  }
0x316: {  	v30 =	vld [tilespmem:$0x0];
	_ =	sdelay $0x1  }
0x317: {  	v31 =	vld [tilespmem:$0x10];
	_ =	sdelay $0x1  }
0x318: {  	v54 =	vld [tilespmem:$0x20]  }
0x319: {  	v55 =	vshrl.u32 v30, $0x5  }
0x31a: {  	v30 =	vshrl.u32 v30, $0x7;
	[tilespmem:$0x80] =	vst v55  }
0x31b: {  	[tilespmem:$0x100] =	vst v30;
	v30 =	vshrl.u32 v31, $0x5  }
0x31c: {  	[tilespmem:$0x90] =	vst v30;
	v30 =	vshrl.u32 v31, $0x7  }
0x31d: {  	[tilespmem:$0x110] =	vst v30;
	v30 =	vshrl.u32 v54, $0x5  }
0x31e: {  	[tilespmem:$0xA0] =	vst v30;
	v30 =	vshrl.u32 v54, $0x7  }
0x31f: {  	[tilespmem:$0x120] =	vst v30  }
0x320: {  	[tilespmem:s25], [sflag:$0x1] =	stream.indirect.gather [hbm4b:s0+s23], $0x80, s24, s23, $0xb8;
	[tilespmem:$0x3300] =	vst v63  }
0x321: {  	_ = 	snop  }
0x322: {  	[tilespmem:s28], [sflag:$0x2] =	stream.indirect.gather [hbm4b:s4+s23], $0x80, s26, s23, $0xb8;
	[tilespmem:$0x3300] =	vst v63  }
0x323: {  	_ =	swait.ge [sflag:s29], $0x1800  }
0x324: {  	[sflag:s29] =	ssyncset.done $0x0  }
0x325: {  	[sflag:s29] =	ssyncadd.s32 $0xFFFFE800  }
0x326: {  	_ =	swait.ge [sflag:s30], $0x1800  }
0x327: {  	[sflag:s30] =	ssyncset.done $0x0  }
0x328: {  	[sflag:s30] =	ssyncadd.s32 $0xFFFFE800  }
0x329: {  	v30 =	vld.idx.msk [tilespmem:v1+s3+$0x0], $0xffff;
	_ =	sdelay $0x4  }
0x32a: {  	v30 =	vshll.u32 v30, $0x2  }
0x32b: {  	v30 =	vand.u32 $0x7C, v30  }
0x32c: {  	v30 =	vor.u32 v2, v30;
	_ =	sdelay $0x4  }
0x32d: {  	v30 =	vld.idx.msk [tilespmem:v30+s25+$0x0], $0xffff;
	_ =	sdelay $0x4  }
0x32e: {  	[tilespmem:$0x3180] =	vst v30  }
0x32f: {  	v30 =	vld.idx.msk [tilespmem:v3+s3+$0x0], $0xffff;
	_ =	sdelay $0x4  }
0x330: {  	v30 =	vshll.u32 v30, $0x2  }
0x331: {  	v30 =	vand.u32 $0x7C, v30  }
0x332: {  	v30 =	vor.u32 v4, v30;
	_ =	sdelay $0x4  }
0x333: {  	v30 =	vld.idx.msk [tilespmem:v30+s25+$0x0], $0xffff;
	_ =	sdelay $0x4  }
0x334: {  	[tilespmem:$0x3190] =	vst v30  }
0x335: {  	v30 =	vld.idx.msk [tilespmem:v5+s3+$0x0], $0xffff;
	_ =	sdelay $0x4  }
0x336: {  	v30 =	vshll.u32 v30, $0x2  }
0x337: {  	v30 =	vand.u32 $0x7C, v30  }
0x338: {  	v30 =	vor.u32 v6, v30;
	_ =	sdelay $0x4  }
0x339: {  	v30 =	vld.idx.msk [tilespmem:v30+s25+$0x0], $0xffff;
	_ =	sdelay $0x4  }
0x33a: {  	[tilespmem:$0x31A0] =	vst v30  }
0x33b: {  	v30 =	vld.idx.msk [tilespmem:v7+s3+$0x0], $0xffff;
	_ =	sdelay $0x4  }
0x33c: {  	v30 =	vshll.u32 v30, $0x2  }
0x33d: {  	v30 =	vand.u32 $0x7C, v30  }
0x33e: {  	v30 =	vor.u32 v8, v30;
	_ =	sdelay $0x4  }
0x33f: {  	v30 =	vld.idx.msk [tilespmem:v30+s25+$0x0], $0xffff;
	_ =	sdelay $0x4  }
0x340: {  	[tilespmem:$0x31B0] =	vst v30  }
0x341: {  	v30 =	vld.idx.msk [tilespmem:v9+s3+$0x0], $0xffff;
	_ =	sdelay $0x4  }
0x342: {  	v30 =	vshll.u32 v30, $0x2  }
0x343: {  	v30 =	vand.u32 $0x7C, v30  }
0x344: {  	v30 =	vor.u32 v10, v30;
	_ =	sdelay $0x4  }
0x345: {  	v30 =	vld.idx.msk [tilespmem:v30+s25+$0x0], $0xffff;
	_ =	sdelay $0x4  }
0x346: {  	[tilespmem:$0x31C0] =	vst v30  }
0x347: {  	v30 =	vld.idx.msk [tilespmem:v11+s3+$0x0], $0xffff;
	_ =	sdelay $0x4  }
0x348: {  	v30 =	vshll.u32 v30, $0x2  }
0x349: {  	v30 =	vand.u32 $0x7C, v30  }
0x34a: {  	v30 =	vor.u32 v12, v30;
	_ =	sdelay $0x4  }
0x34b: {  	v30 =	vld.idx.msk [tilespmem:v30+s25+$0x0], $0xffff;
	_ =	sdelay $0x4  }
0x34c: {  	[tilespmem:$0x31D0] =	vst v30  }
0x34d: {  	v30 =	vld.idx.msk [tilespmem:v13+s3+$0x0], $0xffff;
	_ =	sdelay $0x4  }
0x34e: {  	v30 =	vshll.u32 v30, $0x2  }
0x34f: {  	v30 =	vand.u32 $0x7C, v30  }
0x350: {  	v30 =	vor.u32 v14, v30;
	_ =	sdelay $0x4  }
0x351: {  	v30 =	vld.idx.msk [tilespmem:v30+s25+$0x0], $0xffff;
	_ =	sdelay $0x4  }
0x352: {  	[tilespmem:$0x31E0] =	vst v30  }
0x353: {  	v30 =	vld.idx.msk [tilespmem:v15+s3+$0x0], $0xffff;
	_ =	sdelay $0x4  }
0x354: {  	v30 =	vshll.u32 v30, $0x2  }
0x355: {  	v30 =	vand.u32 $0x7C, v30  }
0x356: {  	v30 =	vor.u32 v16, v30;
	_ =	sdelay $0x4  }
0x357: {  	v30 =	vld.idx.msk [tilespmem:v30+s25+$0x0], $0xffff;
	_ =	sdelay $0x4  }
0x358: {  	[tilespmem:$0x31F0] =	vst v30  }
0x359: {  	v30 =	vld.idx.msk [tilespmem:v17+s3+$0x0], $0xffff;
	_ =	sdelay $0x4  }
0x35a: {  	v30 =	vshll.u32 v30, $0x2  }
0x35b: {  	v30 =	vand.u32 $0x7C, v30  }
0x35c: {  	v30 =	vor.u32 v18, v30;
	_ =	sdelay $0x4  }
0x35d: {  	v30 =	vld.idx.msk [tilespmem:v30+s25+$0x0], $0xffff;
	_ =	sdelay $0x4  }
0x35e: {  	[tilespmem:$0x3200] =	vst v30  }
0x35f: {  	v30 =	vld.idx.msk [tilespmem:v19+s3+$0x0], $0xffff;
	_ =	sdelay $0x4  }
0x360: {  	v30 =	vshll.u32 v30, $0x2  }
0x361: {  	v30 =	vand.u32 $0x7C, v30  }
0x362: {  	v30 =	vor.u32 v20, v30;
	_ =	sdelay $0x4  }
0x363: {  	v30 =	vld.idx.msk [tilespmem:v30+s25+$0x0], $0xffff;
	_ =	sdelay $0x4  }
0x364: {  	[tilespmem:$0x3210] =	vst v30  }
0x365: {  	v30 =	vld.idx.msk [tilespmem:v21+s3+$0x0], $0xffff;
	_ =	sdelay $0x4  }
0x366: {  	v30 =	vshll.u32 v30, $0x2  }
0x367: {  	v30 =	vand.u32 $0x7C, v30  }
0x368: {  	v30 =	vor.u32 v22, v30;
	_ =	sdelay $0x4  }
0x369: {  	v30 =	vld.idx.msk [tilespmem:v30+s25+$0x0], $0xffff;
	_ =	sdelay $0x4  }
0x36a: {  	[tilespmem:$0x3220] =	vst v30  }
0x36b: {  	v30 =	vld.idx.msk [tilespmem:v24+s3+$0x0], $0xffff;
	_ =	sdelay $0x4  }
0x36c: {  	v30 =	vshll.u32 v30, $0x2  }
0x36d: {  	v30 =	vand.u32 $0x7C, v30  }
0x36e: {  	v30 =	vor.u32 v25, v30;
	_ =	sdelay $0x4  }
0x36f: {  	v30 =	vld.idx.msk [tilespmem:v30+s25+$0x0], $0xffff;
	_ =	sdelay $0x4  }
0x370: {  	[tilespmem:$0x3230] =	vst v30  }
0x371: {  	v30 =	vld.idx.msk [tilespmem:v0+s3+$0x0], $0xffff;
	_ =	sdelay $0x4  }
0x372: {  	v30 =	vand.u32 $0x7F, v30  }
0x373: {  	v30 =	vor.u32 v23, v30;
	_ =	sdelay $0x4  }
0x374: {  	v30 =	vld.idx.msk [tilespmem:v30+s28+$0x0], $0xffff;
	_ =	sdelay $0x4  }
0x375: {  	[tilespmem:$0x3280] =	vst v30  }
0x376: {  	v30 =	vld.idx.msk [tilespmem:v26+s3+$0x0], $0xffff;
	_ =	sdelay $0x4  }
0x377: {  	v30 =	vand.u32 $0x7F, v30  }
0x378: {  	v30 =	vor.u32 v27, v30;
	_ =	sdelay $0x4  }
0x379: {  	v30 =	vld.idx.msk [tilespmem:v30+s28+$0x0], $0xffff;
	_ =	sdelay $0x4  }
0x37a: {  	[tilespmem:$0x3290] =	vst v30  }
0x37b: {  	v30 =	vld.idx.msk [tilespmem:v28+s3+$0x0], $0xffff;
	_ =	sdelay $0x4  }
0x37c: {  	v30 =	vand.u32 $0x7F, v30  }
0x37d: {  	v30 =	vor.u32 v29, v30;
	_ =	sdelay $0x4  }
0x37e: {  	v30 =	vld.idx.msk [tilespmem:v30+s28+$0x0], $0xffff;
	_ =	sdelay $0x4  }
0x37f: {  	[tilespmem:$0x32A0] =	vst v30  }
0x380: {  	[hbm4b:s7+s3] =	stream.linear.scatter [tilespmem:s31], [sflag:$0x3], $0xC0, $0x38;
	[tilespmem:$0x3300] =	vst v63  }
0x381: {  	_ =	swait.ge [sflag:s22], $0xC0  }
0x382: {  	[sflag:s22] =	ssyncset.done $0x0  }
0x383: {  	[sflag:s22] =	ssyncadd.s32 $0xFFFFFF40  }
0x384: {  	[hbm4b:s8+s3] =	stream.linear.scatter [tilespmem:s1], [sflag:$0x3], $0x30, $0x38;
	[tilespmem:$0x3300] =	vst v63  }
0x385: {  	_ =	swait.ge [sflag:s22], $0x30  }
0x386: {  	[sflag:s22] =	ssyncset.done $0x0  }
0x387: {  	[sflag:s22] =	ssyncadd.s32 $0xFFFFFFD0  }
0x388: {  	[tilespmem:s3], [sflag:$0x3] =	stream.linear.gather [hbm4b:s9+s3], $0x30, $0x38;
	[tilespmem:$0x3300] =	vst v63  }
0x389: {  	_ =	swait.ge [sflag:s22], $0x30  }
0x38a: {  	[sflag:s22] =	ssyncset.done $0x0  }
0x38b: {  	[sflag:s22] =	ssyncadd.s32 $0xFFFFFFD0  }
0x38c: {  	v30 =	vld [tilespmem:$0x0];
	_ =	sdelay $0x1  }
0x38d: {  	v31 =	vld [tilespmem:$0x10];
	_ =	sdelay $0x1  }
0x38e: {  	v56 =	vld [tilespmem:$0x20]  }
0x38f: {  	v57 =	vshrl.u32 v30, $0x5  }
0x390: {  	v30 =	vshrl.u32 v30, $0x7;
	[tilespmem:$0x80] =	vst v57  }
0x391: {  	[tilespmem:$0x100] =	vst v30;
	v30 =	vshrl.u32 v31, $0x5  }
0x392: {  	[tilespmem:$0x90] =	vst v30;
	v30 =	vshrl.u32 v31, $0x7  }
0x393: {  	[tilespmem:$0x110] =	vst v30;
	v30 =	vshrl.u32 v56, $0x5  }
0x394: {  	[tilespmem:$0xA0] =	vst v30;
	v30 =	vshrl.u32 v56, $0x7  }
0x395: {  	[tilespmem:$0x120] =	vst v30  }
0x396: {  	[tilespmem:s25], [sflag:$0x1] =	stream.indirect.gather [hbm4b:s0+s23], $0x80, s24, s23, $0xb8;
	[tilespmem:$0x3300] =	vst v63  }
0x397: {  	_ = 	snop  }
0x398: {  	[tilespmem:s28], [sflag:$0x2] =	stream.indirect.gather [hbm4b:s4+s23], $0x80, s26, s23, $0xb8;
	[tilespmem:$0x3300] =	vst v63  }
0x399: {  	_ =	swait.ge [sflag:s29], $0x1800  }
0x39a: {  	[sflag:s29] =	ssyncset.done $0x0  }
0x39b: {  	[sflag:s29] =	ssyncadd.s32 $0xFFFFE800  }
0x39c: {  	_ =	swait.ge [sflag:s30], $0x1800  }
0x39d: {  	[sflag:s30] =	ssyncset.done $0x0  }
0x39e: {  	[sflag:s30] =	ssyncadd.s32 $0xFFFFE800  }
0x39f: {  	v30 =	vld.idx.msk [tilespmem:v1+s3+$0x0], $0xffff;
	_ =	sdelay $0x4  }
0x3a0: {  	v30 =	vshll.u32 v30, $0x2  }
0x3a1: {  	v30 =	vand.u32 $0x7C, v30  }
0x3a2: {  	v30 =	vor.u32 v2, v30;
	_ =	sdelay $0x4  }
0x3a3: {  	v30 =	vld.idx.msk [tilespmem:v30+s25+$0x0], $0xffff;
	_ =	sdelay $0x4  }
0x3a4: {  	[tilespmem:$0x3180] =	vst v30  }
0x3a5: {  	v30 =	vld.idx.msk [tilespmem:v3+s3+$0x0], $0xffff;
	_ =	sdelay $0x4  }
0x3a6: {  	v30 =	vshll.u32 v30, $0x2  }
0x3a7: {  	v30 =	vand.u32 $0x7C, v30  }
0x3a8: {  	v30 =	vor.u32 v4, v30;
	_ =	sdelay $0x4  }
0x3a9: {  	v30 =	vld.idx.msk [tilespmem:v30+s25+$0x0], $0xffff;
	_ =	sdelay $0x4  }
0x3aa: {  	[tilespmem:$0x3190] =	vst v30  }
0x3ab: {  	v30 =	vld.idx.msk [tilespmem:v5+s3+$0x0], $0xffff;
	_ =	sdelay $0x4  }
0x3ac: {  	v30 =	vshll.u32 v30, $0x2  }
0x3ad: {  	v30 =	vand.u32 $0x7C, v30  }
0x3ae: {  	v30 =	vor.u32 v6, v30;
	_ =	sdelay $0x4  }
0x3af: {  	v30 =	vld.idx.msk [tilespmem:v30+s25+$0x0], $0xffff;
	_ =	sdelay $0x4  }
0x3b0: {  	[tilespmem:$0x31A0] =	vst v30  }
0x3b1: {  	v30 =	vld.idx.msk [tilespmem:v7+s3+$0x0], $0xffff;
	_ =	sdelay $0x4  }
0x3b2: {  	v30 =	vshll.u32 v30, $0x2  }
0x3b3: {  	v30 =	vand.u32 $0x7C, v30  }
0x3b4: {  	v30 =	vor.u32 v8, v30;
	_ =	sdelay $0x4  }
0x3b5: {  	v30 =	vld.idx.msk [tilespmem:v30+s25+$0x0], $0xffff;
	_ =	sdelay $0x4  }
0x3b6: {  	[tilespmem:$0x31B0] =	vst v30  }
0x3b7: {  	v30 =	vld.idx.msk [tilespmem:v9+s3+$0x0], $0xffff;
	_ =	sdelay $0x4  }
0x3b8: {  	v30 =	vshll.u32 v30, $0x2  }
0x3b9: {  	v30 =	vand.u32 $0x7C, v30  }
0x3ba: {  	v30 =	vor.u32 v10, v30;
	_ =	sdelay $0x4  }
0x3bb: {  	v30 =	vld.idx.msk [tilespmem:v30+s25+$0x0], $0xffff;
	_ =	sdelay $0x4  }
0x3bc: {  	[tilespmem:$0x31C0] =	vst v30  }
0x3bd: {  	v30 =	vld.idx.msk [tilespmem:v11+s3+$0x0], $0xffff;
	_ =	sdelay $0x4  }
0x3be: {  	v30 =	vshll.u32 v30, $0x2  }
0x3bf: {  	v30 =	vand.u32 $0x7C, v30  }
0x3c0: {  	v30 =	vor.u32 v12, v30;
	_ =	sdelay $0x4  }
0x3c1: {  	v30 =	vld.idx.msk [tilespmem:v30+s25+$0x0], $0xffff;
	_ =	sdelay $0x4  }
0x3c2: {  	[tilespmem:$0x31D0] =	vst v30  }
0x3c3: {  	v30 =	vld.idx.msk [tilespmem:v13+s3+$0x0], $0xffff;
	_ =	sdelay $0x4  }
0x3c4: {  	v30 =	vshll.u32 v30, $0x2  }
0x3c5: {  	v30 =	vand.u32 $0x7C, v30  }
0x3c6: {  	v30 =	vor.u32 v14, v30;
	_ =	sdelay $0x4  }
0x3c7: {  	v30 =	vld.idx.msk [tilespmem:v30+s25+$0x0], $0xffff;
	_ =	sdelay $0x4  }
0x3c8: {  	[tilespmem:$0x31E0] =	vst v30  }
0x3c9: {  	v30 =	vld.idx.msk [tilespmem:v15+s3+$0x0], $0xffff;
	_ =	sdelay $0x4  }
0x3ca: {  	v30 =	vshll.u32 v30, $0x2  }
0x3cb: {  	v30 =	vand.u32 $0x7C, v30  }
0x3cc: {  	v30 =	vor.u32 v16, v30;
	_ =	sdelay $0x4  }
0x3cd: {  	v30 =	vld.idx.msk [tilespmem:v30+s25+$0x0], $0xffff;
	_ =	sdelay $0x4  }
0x3ce: {  	[tilespmem:$0x31F0] =	vst v30  }
0x3cf: {  	v30 =	vld.idx.msk [tilespmem:v17+s3+$0x0], $0xffff;
	_ =	sdelay $0x4  }
0x3d0: {  	v30 =	vshll.u32 v30, $0x2  }
0x3d1: {  	v30 =	vand.u32 $0x7C, v30  }
0x3d2: {  	v30 =	vor.u32 v18, v30;
	_ =	sdelay $0x4  }
0x3d3: {  	v30 =	vld.idx.msk [tilespmem:v30+s25+$0x0], $0xffff;
	_ =	sdelay $0x4  }
0x3d4: {  	[tilespmem:$0x3200] =	vst v30  }
0x3d5: {  	v30 =	vld.idx.msk [tilespmem:v19+s3+$0x0], $0xffff;
	_ =	sdelay $0x4  }
0x3d6: {  	v30 =	vshll.u32 v30, $0x2  }
0x3d7: {  	v30 =	vand.u32 $0x7C, v30  }
0x3d8: {  	v30 =	vor.u32 v20, v30;
	_ =	sdelay $0x4  }
0x3d9: {  	v30 =	vld.idx.msk [tilespmem:v30+s25+$0x0], $0xffff;
	_ =	sdelay $0x4  }
0x3da: {  	[tilespmem:$0x3210] =	vst v30  }
0x3db: {  	v30 =	vld.idx.msk [tilespmem:v21+s3+$0x0], $0xffff;
	_ =	sdelay $0x4  }
0x3dc: {  	v30 =	vshll.u32 v30, $0x2  }
0x3dd: {  	v30 =	vand.u32 $0x7C, v30  }
0x3de: {  	v30 =	vor.u32 v22, v30;
	_ =	sdelay $0x4  }
0x3df: {  	v30 =	vld.idx.msk [tilespmem:v30+s25+$0x0], $0xffff;
	_ =	sdelay $0x4  }
0x3e0: {  	[tilespmem:$0x3220] =	vst v30  }
0x3e1: {  	v30 =	vld.idx.msk [tilespmem:v24+s3+$0x0], $0xffff;
	_ =	sdelay $0x4  }
0x3e2: {  	v30 =	vshll.u32 v30, $0x2  }
0x3e3: {  	v30 =	vand.u32 $0x7C, v30  }
0x3e4: {  	v30 =	vor.u32 v25, v30;
	_ =	sdelay $0x4  }
0x3e5: {  	v30 =	vld.idx.msk [tilespmem:v30+s25+$0x0], $0xffff;
	_ =	sdelay $0x4  }
0x3e6: {  	[tilespmem:$0x3230] =	vst v30  }
0x3e7: {  	v30 =	vld.idx.msk [tilespmem:v0+s3+$0x0], $0xffff;
	_ =	sdelay $0x4  }
0x3e8: {  	v30 =	vand.u32 $0x7F, v30  }
0x3e9: {  	v30 =	vor.u32 v23, v30;
	_ =	sdelay $0x4  }
0x3ea: {  	v30 =	vld.idx.msk [tilespmem:v30+s28+$0x0], $0xffff;
	_ =	sdelay $0x4  }
0x3eb: {  	[tilespmem:$0x3280] =	vst v30  }
0x3ec: {  	v30 =	vld.idx.msk [tilespmem:v26+s3+$0x0], $0xffff;
	_ =	sdelay $0x4  }
0x3ed: {  	v30 =	vand.u32 $0x7F, v30  }
0x3ee: {  	v30 =	vor.u32 v27, v30;
	_ =	sdelay $0x4  }
0x3ef: {  	v30 =	vld.idx.msk [tilespmem:v30+s28+$0x0], $0xffff;
	_ =	sdelay $0x4  }
0x3f0: {  	[tilespmem:$0x3290] =	vst v30  }
0x3f1: {  	v30 =	vld.idx.msk [tilespmem:v28+s3+$0x0], $0xffff;
	_ =	sdelay $0x4  }
0x3f2: {  	v30 =	vand.u32 $0x7F, v30  }
0x3f3: {  	v30 =	vor.u32 v29, v30;
	_ =	sdelay $0x4  }
0x3f4: {  	v30 =	vld.idx.msk [tilespmem:v30+s28+$0x0], $0xffff;
	_ =	sdelay $0x4  }
0x3f5: {  	[tilespmem:$0x32A0] =	vst v30  }
0x3f6: {  	[hbm4b:s10+s3] =	stream.linear.scatter [tilespmem:s31], [sflag:$0x3], $0xC0, $0x38;
	[tilespmem:$0x3300] =	vst v63  }
0x3f7: {  	_ =	swait.ge [sflag:s22], $0xC0  }
0x3f8: {  	[sflag:s22] =	ssyncset.done $0x0  }
0x3f9: {  	[sflag:s22] =	ssyncadd.s32 $0xFFFFFF40  }
0x3fa: {  	[hbm4b:s11+s3] =	stream.linear.scatter [tilespmem:s1], [sflag:$0x3], $0x30, $0x38;
	[tilespmem:$0x3300] =	vst v63  }
0x3fb: {  	_ =	swait.ge [sflag:s22], $0x30  }
0x3fc: {  	[sflag:s22] =	ssyncset.done $0x0  }
0x3fd: {  	[sflag:s22] =	ssyncadd.s32 $0xFFFFFFD0  }
0x3fe: {  	[tilespmem:s3], [sflag:$0x3] =	stream.linear.gather [hbm4b:s12+s3], $0x30, $0x38;
	[tilespmem:$0x3300] =	vst v63  }
0x3ff: {  	_ =	swait.ge [sflag:s22], $0x30  }
0x400: {  	[sflag:s22] =	ssyncset.done $0x0  }
0x401: {  	[sflag:s22] =	ssyncadd.s32 $0xFFFFFFD0  }
0x402: {  	v30 =	vld [tilespmem:$0x0];
	_ =	sdelay $0x1  }
0x403: {  	v31 =	vld [tilespmem:$0x10];
	_ =	sdelay $0x1  }
0x404: {  	v58 =	vld [tilespmem:$0x20]  }
0x405: {  	v59 =	vshrl.u32 v30, $0x5  }
0x406: {  	v30 =	vshrl.u32 v30, $0x7;
	[tilespmem:$0x80] =	vst v59  }
0x407: {  	[tilespmem:$0x100] =	vst v30;
	v30 =	vshrl.u32 v31, $0x5  }
0x408: {  	[tilespmem:$0x90] =	vst v30;
	v30 =	vshrl.u32 v31, $0x7  }
0x409: {  	[tilespmem:$0x110] =	vst v30;
	v30 =	vshrl.u32 v58, $0x5  }
0x40a: {  	[tilespmem:$0xA0] =	vst v30;
	v30 =	vshrl.u32 v58, $0x7  }
0x40b: {  	[tilespmem:$0x120] =	vst v30  }
0x40c: {  	[tilespmem:s25], [sflag:$0x1] =	stream.indirect.gather [hbm4b:s0+s23], $0x80, s24, s23, $0xb8;
	[tilespmem:$0x3300] =	vst v63  }
0x40d: {  	_ = 	snop  }
0x40e: {  	[tilespmem:s28], [sflag:$0x2] =	stream.indirect.gather [hbm4b:s4+s23], $0x80, s26, s23, $0xb8;
	[tilespmem:$0x3300] =	vst v63  }
0x40f: {  	_ =	swait.ge [sflag:s29], $0x1800  }
0x410: {  	[sflag:s29] =	ssyncset.done $0x0  }
0x411: {  	[sflag:s29] =	ssyncadd.s32 $0xFFFFE800  }
0x412: {  	_ =	swait.ge [sflag:s30], $0x1800  }
0x413: {  	[sflag:s30] =	ssyncset.done $0x0  }
0x414: {  	[sflag:s30] =	ssyncadd.s32 $0xFFFFE800  }
0x415: {  	v30 =	vld.idx.msk [tilespmem:v1+s3+$0x0], $0xffff;
	_ =	sdelay $0x4  }
0x416: {  	v30 =	vshll.u32 v30, $0x2  }
0x417: {  	v30 =	vand.u32 $0x7C, v30  }
0x418: {  	v30 =	vor.u32 v2, v30;
	_ =	sdelay $0x4  }
0x419: {  	v30 =	vld.idx.msk [tilespmem:v30+s25+$0x0], $0xffff;
	_ =	sdelay $0x4  }
0x41a: {  	[tilespmem:$0x3180] =	vst v30  }
0x41b: {  	v30 =	vld.idx.msk [tilespmem:v3+s3+$0x0], $0xffff;
	_ =	sdelay $0x4  }
0x41c: {  	v30 =	vshll.u32 v30, $0x2  }
0x41d: {  	v30 =	vand.u32 $0x7C, v30  }
0x41e: {  	v30 =	vor.u32 v4, v30;
	_ =	sdelay $0x4  }
0x41f: {  	v30 =	vld.idx.msk [tilespmem:v30+s25+$0x0], $0xffff;
	_ =	sdelay $0x4  }
0x420: {  	[tilespmem:$0x3190] =	vst v30  }
0x421: {  	v30 =	vld.idx.msk [tilespmem:v5+s3+$0x0], $0xffff;
	_ =	sdelay $0x4  }
0x422: {  	v30 =	vshll.u32 v30, $0x2  }
0x423: {  	v30 =	vand.u32 $0x7C, v30  }
0x424: {  	v30 =	vor.u32 v6, v30;
	_ =	sdelay $0x4  }
0x425: {  	v30 =	vld.idx.msk [tilespmem:v30+s25+$0x0], $0xffff;
	_ =	sdelay $0x4  }
0x426: {  	[tilespmem:$0x31A0] =	vst v30  }
0x427: {  	v30 =	vld.idx.msk [tilespmem:v7+s3+$0x0], $0xffff;
	_ =	sdelay $0x4  }
0x428: {  	v30 =	vshll.u32 v30, $0x2  }
0x429: {  	v30 =	vand.u32 $0x7C, v30  }
0x42a: {  	v30 =	vor.u32 v8, v30;
	_ =	sdelay $0x4  }
0x42b: {  	v30 =	vld.idx.msk [tilespmem:v30+s25+$0x0], $0xffff;
	_ =	sdelay $0x4  }
0x42c: {  	[tilespmem:$0x31B0] =	vst v30  }
0x42d: {  	v30 =	vld.idx.msk [tilespmem:v9+s3+$0x0], $0xffff;
	_ =	sdelay $0x4  }
0x42e: {  	v30 =	vshll.u32 v30, $0x2  }
0x42f: {  	v30 =	vand.u32 $0x7C, v30  }
0x430: {  	v30 =	vor.u32 v10, v30;
	_ =	sdelay $0x4  }
0x431: {  	v30 =	vld.idx.msk [tilespmem:v30+s25+$0x0], $0xffff;
	_ =	sdelay $0x4  }
0x432: {  	[tilespmem:$0x31C0] =	vst v30  }
0x433: {  	v30 =	vld.idx.msk [tilespmem:v11+s3+$0x0], $0xffff;
	_ =	sdelay $0x4  }
0x434: {  	v30 =	vshll.u32 v30, $0x2  }
0x435: {  	v30 =	vand.u32 $0x7C, v30  }
0x436: {  	v30 =	vor.u32 v12, v30;
	_ =	sdelay $0x4  }
0x437: {  	v30 =	vld.idx.msk [tilespmem:v30+s25+$0x0], $0xffff;
	_ =	sdelay $0x4  }
0x438: {  	[tilespmem:$0x31D0] =	vst v30  }
0x439: {  	v30 =	vld.idx.msk [tilespmem:v13+s3+$0x0], $0xffff;
	_ =	sdelay $0x4  }
0x43a: {  	v30 =	vshll.u32 v30, $0x2  }
0x43b: {  	v30 =	vand.u32 $0x7C, v30  }
0x43c: {  	v30 =	vor.u32 v14, v30;
	_ =	sdelay $0x4  }
0x43d: {  	v30 =	vld.idx.msk [tilespmem:v30+s25+$0x0], $0xffff;
	_ =	sdelay $0x4  }
0x43e: {  	[tilespmem:$0x31E0] =	vst v30  }
0x43f: {  	v30 =	vld.idx.msk [tilespmem:v15+s3+$0x0], $0xffff;
	_ =	sdelay $0x4  }
0x440: {  	v30 =	vshll.u32 v30, $0x2  }
0x441: {  	v30 =	vand.u32 $0x7C, v30  }
0x442: {  	v30 =	vor.u32 v16, v30;
	_ =	sdelay $0x4  }
0x443: {  	v30 =	vld.idx.msk [tilespmem:v30+s25+$0x0], $0xffff;
	_ =	sdelay $0x4  }
0x444: {  	[tilespmem:$0x31F0] =	vst v30  }
0x445: {  	v30 =	vld.idx.msk [tilespmem:v17+s3+$0x0], $0xffff;
	_ =	sdelay $0x4  }
0x446: {  	v30 =	vshll.u32 v30, $0x2  }
0x447: {  	v30 =	vand.u32 $0x7C, v30  }
0x448: {  	v30 =	vor.u32 v18, v30;
	_ =	sdelay $0x4  }
0x449: {  	v30 =	vld.idx.msk [tilespmem:v30+s25+$0x0], $0xffff;
	_ =	sdelay $0x4  }
0x44a: {  	[tilespmem:$0x3200] =	vst v30  }
0x44b: {  	v30 =	vld.idx.msk [tilespmem:v19+s3+$0x0], $0xffff;
	_ =	sdelay $0x4  }
0x44c: {  	v30 =	vshll.u32 v30, $0x2  }
0x44d: {  	v30 =	vand.u32 $0x7C, v30  }
0x44e: {  	v30 =	vor.u32 v20, v30;
	_ =	sdelay $0x4  }
0x44f: {  	v30 =	vld.idx.msk [tilespmem:v30+s25+$0x0], $0xffff;
	_ =	sdelay $0x4  }
0x450: {  	[tilespmem:$0x3210] =	vst v30  }
0x451: {  	v30 =	vld.idx.msk [tilespmem:v21+s3+$0x0], $0xffff;
	_ =	sdelay $0x4  }
0x452: {  	v30 =	vshll.u32 v30, $0x2  }
0x453: {  	v30 =	vand.u32 $0x7C, v30  }
0x454: {  	v30 =	vor.u32 v22, v30;
	_ =	sdelay $0x4  }
0x455: {  	v30 =	vld.idx.msk [tilespmem:v30+s25+$0x0], $0xffff;
	_ =	sdelay $0x4  }
0x456: {  	[tilespmem:$0x3220] =	vst v30  }
0x457: {  	v30 =	vld.idx.msk [tilespmem:v24+s3+$0x0], $0xffff;
	_ =	sdelay $0x4  }
0x458: {  	v30 =	vshll.u32 v30, $0x2  }
0x459: {  	v30 =	vand.u32 $0x7C, v30  }
0x45a: {  	v30 =	vor.u32 v25, v30;
	_ =	sdelay $0x4  }
0x45b: {  	v30 =	vld.idx.msk [tilespmem:v30+s25+$0x0], $0xffff;
	_ =	sdelay $0x4  }
0x45c: {  	[tilespmem:$0x3230] =	vst v30  }
0x45d: {  	v30 =	vld.idx.msk [tilespmem:v0+s3+$0x0], $0xffff;
	_ =	sdelay $0x4  }
0x45e: {  	v30 =	vand.u32 $0x7F, v30  }
0x45f: {  	v30 =	vor.u32 v23, v30;
	_ =	sdelay $0x4  }
0x460: {  	v30 =	vld.idx.msk [tilespmem:v30+s28+$0x0], $0xffff;
	_ =	sdelay $0x4  }
0x461: {  	[tilespmem:$0x3280] =	vst v30  }
0x462: {  	v30 =	vld.idx.msk [tilespmem:v26+s3+$0x0], $0xffff;
	_ =	sdelay $0x4  }
0x463: {  	v30 =	vand.u32 $0x7F, v30  }
0x464: {  	v30 =	vor.u32 v27, v30;
	_ =	sdelay $0x4  }
0x465: {  	v30 =	vld.idx.msk [tilespmem:v30+s28+$0x0], $0xffff;
	_ =	sdelay $0x4  }
0x466: {  	[tilespmem:$0x3290] =	vst v30  }
0x467: {  	v30 =	vld.idx.msk [tilespmem:v28+s3+$0x0], $0xffff;
	_ =	sdelay $0x4  }
0x468: {  	v30 =	vand.u32 $0x7F, v30  }
0x469: {  	v30 =	vor.u32 v29, v30;
	_ =	sdelay $0x4  }
0x46a: {  	v30 =	vld.idx.msk [tilespmem:v30+s28+$0x0], $0xffff;
	_ =	sdelay $0x4  }
0x46b: {  	[tilespmem:$0x32A0] =	vst v30  }
0x46c: {  	[hbm4b:s13+s3] =	stream.linear.scatter [tilespmem:s31], [sflag:$0x3], $0xC0, $0x38;
	[tilespmem:$0x3300] =	vst v63  }
0x46d: {  	_ =	swait.ge [sflag:s22], $0xC0  }
0x46e: {  	[sflag:s22] =	ssyncset.done $0x0  }
0x46f: {  	[sflag:s22] =	ssyncadd.s32 $0xFFFFFF40  }
0x470: {  	[hbm4b:s14+s3] =	stream.linear.scatter [tilespmem:s1], [sflag:$0x3], $0x30, $0x38;
	[tilespmem:$0x3300] =	vst v63  }
0x471: {  	_ =	swait.ge [sflag:s22], $0x30  }
0x472: {  	[sflag:s22] =	ssyncset.done $0x0  }
0x473: {  	[sflag:s22] =	ssyncadd.s32 $0xFFFFFFD0  }
0x474: {  	[tilespmem:s3], [sflag:$0x3] =	stream.linear.gather [hbm4b:s15+s3], $0x30, $0x38;
	[tilespmem:$0x3300] =	vst v63  }
0x475: {  	_ =	swait.ge [sflag:s22], $0x30  }
0x476: {  	[sflag:s22] =	ssyncset.done $0x0  }
0x477: {  	[sflag:s22] =	ssyncadd.s32 $0xFFFFFFD0  }
0x478: {  	v30 =	vld [tilespmem:$0x0];
	_ =	sdelay $0x1  }
0x479: {  	v31 =	vld [tilespmem:$0x10];
	_ =	sdelay $0x1  }
0x47a: {  	v60 =	vld [tilespmem:$0x20]  }
0x47b: {  	v61 =	vshrl.u32 v30, $0x5  }
0x47c: {  	v30 =	vshrl.u32 v30, $0x7;
	[tilespmem:$0x80] =	vst v61  }
0x47d: {  	[tilespmem:$0x100] =	vst v30;
	v30 =	vshrl.u32 v31, $0x5  }
0x47e: {  	[tilespmem:$0x90] =	vst v30;
	v30 =	vshrl.u32 v31, $0x7  }
0x47f: {  	[tilespmem:$0x110] =	vst v30;
	v30 =	vshrl.u32 v60, $0x5  }
0x480: {  	[tilespmem:$0xA0] =	vst v30;
	v30 =	vshrl.u32 v60, $0x7  }
0x481: {  	[tilespmem:$0x120] =	vst v30  }
0x482: {  	[tilespmem:s25], [sflag:$0x1] =	stream.indirect.gather [hbm4b:s0+s23], $0x80, s24, s23, $0xb8;
	[tilespmem:$0x3300] =	vst v63  }
0x483: {  	_ = 	snop  }
0x484: {  	[tilespmem:s28], [sflag:$0x2] =	stream.indirect.gather [hbm4b:s4+s23], $0x80, s26, s23, $0xb8;
	[tilespmem:$0x3300] =	vst v63  }
0x485: {  	_ =	swait.ge [sflag:s29], $0x1800  }
0x486: {  	[sflag:s29] =	ssyncset.done $0x0  }
0x487: {  	[sflag:s29] =	ssyncadd.s32 $0xFFFFE800  }
0x488: {  	_ =	swait.ge [sflag:s30], $0x1800  }
0x489: {  	[sflag:s30] =	ssyncset.done $0x0  }
0x48a: {  	[sflag:s30] =	ssyncadd.s32 $0xFFFFE800  }
0x48b: {  	v30 =	vld.idx.msk [tilespmem:v1+s3+$0x0], $0xffff;
	_ =	sdelay $0x4  }
0x48c: {  	v30 =	vshll.u32 v30, $0x2  }
0x48d: {  	v30 =	vand.u32 $0x7C, v30  }
0x48e: {  	v30 =	vor.u32 v2, v30;
	_ =	sdelay $0x4  }
0x48f: {  	v30 =	vld.idx.msk [tilespmem:v30+s25+$0x0], $0xffff;
	_ =	sdelay $0x4  }
0x490: {  	[tilespmem:$0x3180] =	vst v30  }
0x491: {  	v30 =	vld.idx.msk [tilespmem:v3+s3+$0x0], $0xffff;
	_ =	sdelay $0x4  }
0x492: {  	v30 =	vshll.u32 v30, $0x2  }
0x493: {  	v30 =	vand.u32 $0x7C, v30  }
0x494: {  	v30 =	vor.u32 v4, v30;
	_ =	sdelay $0x4  }
0x495: {  	v30 =	vld.idx.msk [tilespmem:v30+s25+$0x0], $0xffff;
	_ =	sdelay $0x4  }
0x496: {  	[tilespmem:$0x3190] =	vst v30  }
0x497: {  	v30 =	vld.idx.msk [tilespmem:v5+s3+$0x0], $0xffff;
	_ =	sdelay $0x4  }
0x498: {  	v30 =	vshll.u32 v30, $0x2  }
0x499: {  	v30 =	vand.u32 $0x7C, v30  }
0x49a: {  	v30 =	vor.u32 v6, v30;
	_ =	sdelay $0x4  }
0x49b: {  	v30 =	vld.idx.msk [tilespmem:v30+s25+$0x0], $0xffff;
	_ =	sdelay $0x4  }
0x49c: {  	[tilespmem:$0x31A0] =	vst v30  }
0x49d: {  	v30 =	vld.idx.msk [tilespmem:v7+s3+$0x0], $0xffff;
	_ =	sdelay $0x4  }
0x49e: {  	v30 =	vshll.u32 v30, $0x2  }
0x49f: {  	v30 =	vand.u32 $0x7C, v30  }
0x4a0: {  	v30 =	vor.u32 v8, v30;
	_ =	sdelay $0x4  }
0x4a1: {  	v30 =	vld.idx.msk [tilespmem:v30+s25+$0x0], $0xffff;
	_ =	sdelay $0x4  }
0x4a2: {  	[tilespmem:$0x31B0] =	vst v30  }
0x4a3: {  	v30 =	vld.idx.msk [tilespmem:v9+s3+$0x0], $0xffff;
	_ =	sdelay $0x4  }
0x4a4: {  	v30 =	vshll.u32 v30, $0x2  }
0x4a5: {  	v30 =	vand.u32 $0x7C, v30  }
0x4a6: {  	v30 =	vor.u32 v10, v30;
	_ =	sdelay $0x4  }
0x4a7: {  	v30 =	vld.idx.msk [tilespmem:v30+s25+$0x0], $0xffff;
	_ =	sdelay $0x4  }
0x4a8: {  	[tilespmem:$0x31C0] =	vst v30  }
0x4a9: {  	v30 =	vld.idx.msk [tilespmem:v11+s3+$0x0], $0xffff;
	_ =	sdelay $0x4  }
0x4aa: {  	v30 =	vshll.u32 v30, $0x2  }
0x4ab: {  	v30 =	vand.u32 $0x7C, v30  }
0x4ac: {  	v30 =	vor.u32 v12, v30;
	_ =	sdelay $0x4  }
0x4ad: {  	v30 =	vld.idx.msk [tilespmem:v30+s25+$0x0], $0xffff;
	_ =	sdelay $0x4  }
0x4ae: {  	[tilespmem:$0x31D0] =	vst v30  }
0x4af: {  	v30 =	vld.idx.msk [tilespmem:v13+s3+$0x0], $0xffff;
	_ =	sdelay $0x4  }
0x4b0: {  	v30 =	vshll.u32 v30, $0x2  }
0x4b1: {  	v30 =	vand.u32 $0x7C, v30  }
0x4b2: {  	v30 =	vor.u32 v14, v30;
	_ =	sdelay $0x4  }
0x4b3: {  	v30 =	vld.idx.msk [tilespmem:v30+s25+$0x0], $0xffff;
	_ =	sdelay $0x4  }
0x4b4: {  	[tilespmem:$0x31E0] =	vst v30  }
0x4b5: {  	v30 =	vld.idx.msk [tilespmem:v15+s3+$0x0], $0xffff;
	_ =	sdelay $0x4  }
0x4b6: {  	v30 =	vshll.u32 v30, $0x2  }
0x4b7: {  	v30 =	vand.u32 $0x7C, v30  }
0x4b8: {  	v30 =	vor.u32 v16, v30;
	_ =	sdelay $0x4  }
0x4b9: {  	v30 =	vld.idx.msk [tilespmem:v30+s25+$0x0], $0xffff;
	_ =	sdelay $0x4  }
0x4ba: {  	[tilespmem:$0x31F0] =	vst v30  }
0x4bb: {  	v30 =	vld.idx.msk [tilespmem:v17+s3+$0x0], $0xffff;
	_ =	sdelay $0x4  }
0x4bc: {  	v30 =	vshll.u32 v30, $0x2  }
0x4bd: {  	v30 =	vand.u32 $0x7C, v30  }
0x4be: {  	v30 =	vor.u32 v18, v30;
	_ =	sdelay $0x4  }
0x4bf: {  	v30 =	vld.idx.msk [tilespmem:v30+s25+$0x0], $0xffff;
	_ =	sdelay $0x4  }
0x4c0: {  	[tilespmem:$0x3200] =	vst v30  }
0x4c1: {  	v30 =	vld.idx.msk [tilespmem:v19+s3+$0x0], $0xffff;
	_ =	sdelay $0x4  }
0x4c2: {  	v30 =	vshll.u32 v30, $0x2  }
0x4c3: {  	v30 =	vand.u32 $0x7C, v30  }
0x4c4: {  	v30 =	vor.u32 v20, v30;
	_ =	sdelay $0x4  }
0x4c5: {  	v30 =	vld.idx.msk [tilespmem:v30+s25+$0x0], $0xffff;
	_ =	sdelay $0x4  }
0x4c6: {  	[tilespmem:$0x3210] =	vst v30  }
0x4c7: {  	v30 =	vld.idx.msk [tilespmem:v21+s3+$0x0], $0xffff;
	_ =	sdelay $0x4  }
0x4c8: {  	v30 =	vshll.u32 v30, $0x2  }
0x4c9: {  	v30 =	vand.u32 $0x7C, v30  }
0x4ca: {  	v30 =	vor.u32 v22, v30;
	_ =	sdelay $0x4  }
0x4cb: {  	v30 =	vld.idx.msk [tilespmem:v30+s25+$0x0], $0xffff;
	_ =	sdelay $0x4  }
0x4cc: {  	[tilespmem:$0x3220] =	vst v30  }
0x4cd: {  	v30 =	vld.idx.msk [tilespmem:v24+s3+$0x0], $0xffff;
	_ =	sdelay $0x4  }
0x4ce: {  	v30 =	vshll.u32 v30, $0x2  }
0x4cf: {  	v30 =	vand.u32 $0x7C, v30  }
0x4d0: {  	v30 =	vor.u32 v25, v30;
	_ =	sdelay $0x4  }
0x4d1: {  	v30 =	vld.idx.msk [tilespmem:v30+s25+$0x0], $0xffff;
	_ =	sdelay $0x4  }
0x4d2: {  	[tilespmem:$0x3230] =	vst v30  }
0x4d3: {  	v30 =	vld.idx.msk [tilespmem:v0+s3+$0x0], $0xffff;
	_ =	sdelay $0x4  }
0x4d4: {  	v30 =	vand.u32 $0x7F, v30  }
0x4d5: {  	v30 =	vor.u32 v23, v30;
	_ =	sdelay $0x4  }
0x4d6: {  	v30 =	vld.idx.msk [tilespmem:v30+s28+$0x0], $0xffff;
	_ =	sdelay $0x4  }
0x4d7: {  	[tilespmem:$0x3280] =	vst v30  }
0x4d8: {  	v30 =	vld.idx.msk [tilespmem:v26+s3+$0x0], $0xffff;
	_ =	sdelay $0x4  }
0x4d9: {  	v30 =	vand.u32 $0x7F, v30  }
0x4da: {  	v30 =	vor.u32 v27, v30;
	_ =	sdelay $0x4  }
0x4db: {  	v30 =	vld.idx.msk [tilespmem:v30+s28+$0x0], $0xffff;
	_ =	sdelay $0x4  }
0x4dc: {  	[tilespmem:$0x3290] =	vst v30  }
0x4dd: {  	v30 =	vld.idx.msk [tilespmem:v28+s3+$0x0], $0xffff;
	_ =	sdelay $0x4  }
0x4de: {  	v30 =	vand.u32 $0x7F, v30  }
0x4df: {  	v30 =	vor.u32 v29, v30;
	_ =	sdelay $0x4  }
0x4e0: {  	v30 =	vld.idx.msk [tilespmem:v30+s28+$0x0], $0xffff;
	_ =	sdelay $0x4  }
0x4e1: {  	[tilespmem:$0x32A0] =	vst v30  }
0x4e2: {  	[hbm4b:s16+s3] =	stream.linear.scatter [tilespmem:s31], [sflag:$0x3], $0xC0, $0x38;
	[tilespmem:$0x3300] =	vst v63  }
0x4e3: {  	_ =	swait.ge [sflag:s22], $0xC0  }
0x4e4: {  	[sflag:s22] =	ssyncset.done $0x0  }
0x4e5: {  	[sflag:s22] =	ssyncadd.s32 $0xFFFFFF40  }
0x4e6: {  	[hbm4b:s17+s3] =	stream.linear.scatter [tilespmem:s1], [sflag:$0x3], $0x30, $0x38;
	[tilespmem:$0x3300] =	vst v63  }
0x4e7: {  	_ =	swait.ge [sflag:s22], $0x30  }
0x4e8: {  	[sflag:s22] =	ssyncset.done $0x0  }
0x4e9: {  	[sflag:s22] =	ssyncadd.s32 $0xFFFFFFD0  }
0x4ea: {  	[tilespmem:s3], [sflag:$0x3] =	stream.linear.gather [hbm4b:s18+s3], $0x30, $0x38;
	[tilespmem:$0x3300] =	vst v63  }
0x4eb: {  	_ =	swait.ge [sflag:s22], $0x30  }
0x4ec: {  	[sflag:s22] =	ssyncset.done $0x0  }
0x4ed: {  	[sflag:s22] =	ssyncadd.s32 $0xFFFFFFD0  }
0x4ee: {  	v30 =	vld [tilespmem:$0x0];
	_ =	sdelay $0x1  }
0x4ef: {  	v31 =	vld [tilespmem:$0x10];
	_ =	sdelay $0x1  }
0x4f0: {  	v62 =	vld [tilespmem:$0x20]  }
0x4f1: {  	v63 =	vshrl.u32 v30, $0x5  }
0x4f2: {  	v30 =	vshrl.u32 v30, $0x7;
	[tilespmem:$0x80] =	vst v63  }
0x4f3: {  	[tilespmem:$0x100] =	vst v30;
	v30 =	vshrl.u32 v31, $0x5  }
0x4f4: {  	[tilespmem:$0x90] =	vst v30;
	v30 =	vshrl.u32 v31, $0x7  }
0x4f5: {  	[tilespmem:$0x110] =	vst v30;
	v30 =	vshrl.u32 v62, $0x5  }
0x4f6: {  	[tilespmem:$0xA0] =	vst v30;
	v30 =	vshrl.u32 v62, $0x7  }
0x4f7: {  	[tilespmem:$0x120] =	vst v30  }
0x4f8: {  	[tilespmem:s25], [sflag:$0x1] =	stream.indirect.gather [hbm4b:s0+s23], $0x80, s24, s23, $0xb8;
	[tilespmem:$0x3300] =	vst v63  }
0x4f9: {  	_ = 	snop  }
0x4fa: {  	[tilespmem:s28], [sflag:$0x2] =	stream.indirect.gather [hbm4b:s4+s23], $0x80, s26, s23, $0xb8;
	[tilespmem:$0x3300] =	vst v63  }
0x4fb: {  	_ =	swait.ge [sflag:s29], $0x1800  }
0x4fc: {  	[sflag:s29] =	ssyncset.done $0x0  }
0x4fd: {  	[sflag:s29] =	ssyncadd.s32 $0xFFFFE800  }
0x4fe: {  	_ =	swait.ge [sflag:s30], $0x1800  }
0x4ff: {  	[sflag:s30] =	ssyncset.done $0x0  }
0x500: {  	[sflag:s30] =	ssyncadd.s32 $0xFFFFE800  }
0x501: {  	v30 =	vld.idx.msk [tilespmem:v1+s3+$0x0], $0xffff;
	_ =	sdelay $0x4  }
0x502: {  	v30 =	vshll.u32 v30, $0x2  }
0x503: {  	v30 =	vand.u32 $0x7C, v30  }
0x504: {  	v30 =	vor.u32 v2, v30;
	_ =	sdelay $0x4  }
0x505: {  	v30 =	vld.idx.msk [tilespmem:v30+s25+$0x0], $0xffff;
	_ =	sdelay $0x4  }
0x506: {  	[tilespmem:$0x3180] =	vst v30  }
0x507: {  	v30 =	vld.idx.msk [tilespmem:v3+s3+$0x0], $0xffff;
	_ =	sdelay $0x4  }
0x508: {  	v30 =	vshll.u32 v30, $0x2  }
0x509: {  	v30 =	vand.u32 $0x7C, v30  }
0x50a: {  	v30 =	vor.u32 v4, v30;
	_ =	sdelay $0x4  }
0x50b: {  	v30 =	vld.idx.msk [tilespmem:v30+s25+$0x0], $0xffff;
	_ =	sdelay $0x4  }
0x50c: {  	[tilespmem:$0x3190] =	vst v30  }
0x50d: {  	v30 =	vld.idx.msk [tilespmem:v5+s3+$0x0], $0xffff;
	_ =	sdelay $0x4  }
0x50e: {  	v30 =	vshll.u32 v30, $0x2  }
0x50f: {  	v30 =	vand.u32 $0x7C, v30  }
0x510: {  	v30 =	vor.u32 v6, v30;
	_ =	sdelay $0x4  }
0x511: {  	v30 =	vld.idx.msk [tilespmem:v30+s25+$0x0], $0xffff;
	_ =	sdelay $0x4  }
0x512: {  	[tilespmem:$0x31A0] =	vst v30  }
0x513: {  	v30 =	vld.idx.msk [tilespmem:v7+s3+$0x0], $0xffff;
	_ =	sdelay $0x4  }
0x514: {  	v30 =	vshll.u32 v30, $0x2  }
0x515: {  	v30 =	vand.u32 $0x7C, v30  }
0x516: {  	v30 =	vor.u32 v8, v30;
	_ =	sdelay $0x4  }
0x517: {  	v30 =	vld.idx.msk [tilespmem:v30+s25+$0x0], $0xffff;
	_ =	sdelay $0x4  }
0x518: {  	[tilespmem:$0x31B0] =	vst v30  }
0x519: {  	v30 =	vld.idx.msk [tilespmem:v9+s3+$0x0], $0xffff;
	_ =	sdelay $0x4  }
0x51a: {  	v30 =	vshll.u32 v30, $0x2  }
0x51b: {  	v30 =	vand.u32 $0x7C, v30  }
0x51c: {  	v30 =	vor.u32 v10, v30;
	_ =	sdelay $0x4  }
0x51d: {  	v30 =	vld.idx.msk [tilespmem:v30+s25+$0x0], $0xffff;
	_ =	sdelay $0x4  }
0x51e: {  	[tilespmem:$0x31C0] =	vst v30  }
0x51f: {  	v30 =	vld.idx.msk [tilespmem:v11+s3+$0x0], $0xffff;
	_ =	sdelay $0x4  }
0x520: {  	v30 =	vshll.u32 v30, $0x2  }
0x521: {  	v30 =	vand.u32 $0x7C, v30  }
0x522: {  	v30 =	vor.u32 v12, v30;
	_ =	sdelay $0x4  }
0x523: {  	v30 =	vld.idx.msk [tilespmem:v30+s25+$0x0], $0xffff;
	_ =	sdelay $0x4  }
0x524: {  	[tilespmem:$0x31D0] =	vst v30  }
0x525: {  	v30 =	vld.idx.msk [tilespmem:v13+s3+$0x0], $0xffff;
	_ =	sdelay $0x4  }
0x526: {  	v30 =	vshll.u32 v30, $0x2  }
0x527: {  	v30 =	vand.u32 $0x7C, v30  }
0x528: {  	v30 =	vor.u32 v14, v30;
	_ =	sdelay $0x4  }
0x529: {  	v30 =	vld.idx.msk [tilespmem:v30+s25+$0x0], $0xffff;
	_ =	sdelay $0x4  }
0x52a: {  	[tilespmem:$0x31E0] =	vst v30  }
0x52b: {  	v30 =	vld.idx.msk [tilespmem:v15+s3+$0x0], $0xffff;
	_ =	sdelay $0x4  }
0x52c: {  	v30 =	vshll.u32 v30, $0x2  }
0x52d: {  	v30 =	vand.u32 $0x7C, v30  }
0x52e: {  	v30 =	vor.u32 v16, v30;
	_ =	sdelay $0x4  }
0x52f: {  	v30 =	vld.idx.msk [tilespmem:v30+s25+$0x0], $0xffff;
	_ =	sdelay $0x4  }
0x530: {  	[tilespmem:$0x31F0] =	vst v30  }
0x531: {  	v30 =	vld.idx.msk [tilespmem:v17+s3+$0x0], $0xffff;
	_ =	sdelay $0x4  }
0x532: {  	v30 =	vshll.u32 v30, $0x2  }
0x533: {  	v30 =	vand.u32 $0x7C, v30  }
0x534: {  	v30 =	vor.u32 v18, v30;
	_ =	sdelay $0x4  }
0x535: {  	v30 =	vld.idx.msk [tilespmem:v30+s25+$0x0], $0xffff;
	_ =	sdelay $0x4  }
0x536: {  	[tilespmem:$0x3200] =	vst v30  }
0x537: {  	v30 =	vld.idx.msk [tilespmem:v19+s3+$0x0], $0xffff;
	_ =	sdelay $0x4  }
0x538: {  	v30 =	vshll.u32 v30, $0x2  }
0x539: {  	v30 =	vand.u32 $0x7C, v30  }
0x53a: {  	v30 =	vor.u32 v20, v30;
	_ =	sdelay $0x4  }
0x53b: {  	v30 =	vld.idx.msk [tilespmem:v30+s25+$0x0], $0xffff;
	_ =	sdelay $0x4  }
0x53c: {  	[tilespmem:$0x3210] =	vst v30  }
0x53d: {  	v30 =	vld.idx.msk [tilespmem:v21+s3+$0x0], $0xffff;
	_ =	sdelay $0x4  }
0x53e: {  	v30 =	vshll.u32 v30, $0x2  }
0x53f: {  	v30 =	vand.u32 $0x7C, v30  }
0x540: {  	v30 =	vor.u32 v22, v30;
	_ =	sdelay $0x4  }
0x541: {  	v30 =	vld.idx.msk [tilespmem:v30+s25+$0x0], $0xffff;
	_ =	sdelay $0x4  }
0x542: {  	[tilespmem:$0x3220] =	vst v30  }
0x543: {  	v30 =	vld.idx.msk [tilespmem:v24+s3+$0x0], $0xffff;
	_ =	sdelay $0x4  }
0x544: {  	v30 =	vshll.u32 v30, $0x2  }
0x545: {  	v30 =	vand.u32 $0x7C, v30  }
0x546: {  	v30 =	vor.u32 v25, v30;
	_ =	sdelay $0x4  }
0x547: {  	v30 =	vld.idx.msk [tilespmem:v30+s25+$0x0], $0xffff;
	_ =	sdelay $0x4  }
0x548: {  	[tilespmem:$0x3230] =	vst v30  }
0x549: {  	v30 =	vld.idx.msk [tilespmem:v0+s3+$0x0], $0xffff;
	_ =	sdelay $0x4  }
0x54a: {  	v30 =	vand.u32 $0x7F, v30  }
0x54b: {  	v30 =	vor.u32 v23, v30;
	_ =	sdelay $0x4  }
0x54c: {  	v30 =	vld.idx.msk [tilespmem:v30+s28+$0x0], $0xffff;
	_ =	sdelay $0x4  }
0x54d: {  	[tilespmem:$0x3280] =	vst v30  }
0x54e: {  	v30 =	vld.idx.msk [tilespmem:v26+s3+$0x0], $0xffff;
	_ =	sdelay $0x4  }
0x54f: {  	v30 =	vand.u32 $0x7F, v30  }
0x550: {  	v30 =	vor.u32 v27, v30;
	_ =	sdelay $0x4  }
0x551: {  	v30 =	vld.idx.msk [tilespmem:v30+s28+$0x0], $0xffff;
	_ =	sdelay $0x4  }
0x552: {  	[tilespmem:$0x3290] =	vst v30  }
0x553: {  	v30 =	vld.idx.msk [tilespmem:v28+s3+$0x0], $0xffff;
	_ =	sdelay $0x4  }
0x554: {  	v30 =	vand.u32 $0x7F, v30  }
0x555: {  	v30 =	vor.u32 v29, v30;
	_ =	sdelay $0x4  }
0x556: {  	v30 =	vld.idx.msk [tilespmem:v30+s28+$0x0], $0xffff;
	_ =	sdelay $0x4  }
0x557: {  	[tilespmem:$0x32A0] =	vst v30  }
0x558: {  	[hbm4b:s19+s3] =	stream.linear.scatter [tilespmem:s31], [sflag:$0x3], $0xC0, $0x38;
	[tilespmem:$0x3300] =	vst v63  }
0x559: {  	_ =	swait.ge [sflag:s22], $0xC0  }
0x55a: {  	p0 =	sne.s32 s21, $0x1;
	[sflag:s22] =	ssyncset.done $0x0  }
.Ltmp0:
0x55b: {  	[sflag:s22] =	ssyncadd.s32 $0xFFFFFF40;
	(pc) =	sbr.rel @p0 .LBB2_1-.Ltmp0, $4  }
0x55c: {  	[hbm4b:s20+s3] =	stream.linear.scatter [tilespmem:s1], [sflag:$0x3], $0x30, $0x38;
	[tilespmem:$0x3300] =	vst v63  }
0x55d: {  	_ =	swait.ge [sflag:s22], $0x30  }
0x55e: {  	[sflag:s22] =	ssyncset.done $0x0  }
0x55f: {  	s21 =	sadd.s32 $0xFFFFFFFF, s21;
	[sflag:s22] =	ssyncadd.s32 $0xFFFFFFD0  }
0x560: {  	_ =	sfence.sel $0x180000  }
0x561: {  	[bflag:$0x0] =	sbarrier.arrive $0xFFFF  }
0x562: {  	_ =	strace $0x90000047  }
0x563: {  	s0 =	stileid.u32;
	[bflag:$0x2] =	sbarrier.arrive $0xFFFF  }
0x564: {  	p0 =	sne.s32 s0, $0x0;
	s0 =	rddreg [dreg:$0x2]  }
0x565: {  	s0 =	sadd.s32 @!p0 $0x100000, s0  }
0x566: {  	[sflag:s0] =	ssyncadd.tile.s32 @!p0 $0x1;
	_ =	shalt  }
.Lfunc_end2:
_tile_overlayer_lowered:
.L_overlay_start_2:
0x567: {  	(tag) =	ssettag $0x2  }
0x568: {  	s0 =	rddreg [dreg:$0x0];
	s2 =	stileid.u32  }
0x569: {  	s1 =	rddreg [dreg:$0x1];
	p0 =	sne.s32 s2, $0x0  }
0x56a: {  	s3 =	rddreg [dreg:$0x2];
	[bflag:$0x3] =	sbarrier.arrive $0xFFFF;
	s2 =	simm.s32 @!p0 $0x1C03  }
0x56b: {  	[timem:s3], [sflag:s2] =	dma.local @!p0 [hbm:s0], s1  }
0x56c: {  	s0 =	simm.s32 @!p0 $0x3  }
0x56d: {  	_ =	swait.ge @!p0 [sflag:s0], s1  }
0x56e: {  	s1 =	ssub.s32 @!p0 $0x0, s1;
	[sflag:s0] =	ssyncset.done @!p0 $0x0  }
0x56f: {  	[sflag:s0] =	ssyncadd.s32 @!p0 s1  }
0x570: {  	[bflag:$0x3] =	sbarrier.arrive $0xFFFF  }
0x571: {  	_ =	shalt  }

</sc_bundles>
